<compile_context>
chip_gen: v7x
topology: tpu7x:2x2x1
jax: 0.10.2.dev20260603
libtpu: 0.0.44.dev20260713+nightly
codegen_flags: <defaults>
</compile_context>

<pallas_src>
import functools

import jax
import jax.numpy as jnp
from jax import lax
from jax.experimental import pallas as pl
from jax.experimental.pallas import tpu as pltpu
from jax.experimental.pallas import tpu_sc as plsc

V = 1000000
TAIL0 = (V // 128) * 128
D = 64
B = 16384
NC = 2
NS = 16
NW = NC * NS
B_PER_W = B // NW
N_CHUNKS = B_PER_W // 16
DEPTH = 8
OUT_W = 16 * D

_mesh = plsc.VectorSubcoreMesh(core_axis_name="c", subcore_axis_name="s")


@functools.partial(
    pl.kernel,
    mesh=_mesh,
    out_type=jax.ShapeDtypeStruct((B * D,), jnp.float32),
    scratch_types=[
        pltpu.VMEM((B_PER_W,), jnp.int32),
        pltpu.VMEM((2 * OUT_W,), jnp.float32),
        pltpu.VMEM((D, 128), jnp.float32),
        *[pltpu.VMEM((D, 128), jnp.float32) for _ in range(DEPTH)],
        *[pltpu.SemaphoreType.DMA for _ in range(DEPTH)],
        pltpu.SemaphoreType.DMA,
        pltpu.SemaphoreType.DMA,
    ],
    compiler_params=pltpu.CompilerParams(needs_layout_passes=False),
)
def _gather_kernel(
    table_hbm, idx_hbm, tail_hbm, out_hbm, idx_v, outbuf, tail_buf, *rest
):
    slabs = rest[:DEPTH]
    sems = rest[DEPTH:2 * DEPTH]
    osems = rest[2 * DEPTH:2 * DEPTH + 2]
    wid = lax.axis_index("s") * NC + lax.axis_index("c")
    base = wid * B_PER_W
    pltpu.sync_copy(idx_hbm.at[pl.ds(base, B_PER_W)], idx_v)
    pltpu.sync_copy(tail_hbm, tail_buf)
    c_iota = lax.iota(jnp.int32, 16)

    def fire(slot, r):
        t128 = pl.multiple_of(
            jnp.where(r < TAIL0, (r >> 7) << 7, 0).astype(jnp.int32), 128
        )
        pltpu.async_copy(table_hbm.at[:, pl.ds(t128, 128)], slabs[slot], sems[slot])

    def wait_slab(slot):
        pltpu.make_async_copy(
            table_hbm.at[:, pl.ds(0, 128)], slabs[slot], sems[slot]
        ).wait()

    def wait_flush(half):
        pltpu.make_async_copy(
            outbuf.at[pl.ds(0, OUT_W)], out_hbm.at[pl.ds(0, OUT_W)], osems[half]
        ).wait()

    def chunk_body(c, half):
        vec = idx_v[pl.ds(c * 16, 16)]
        cnext = jnp.minimum(c + 1, N_CHUNKS - 1)
        vec_next = idx_v[pl.ds(cnext * 16, 16)]
        par = pl.multiple_of(half * OUT_W, 64)
        @pl.when(c >= 2)
        def _():
            wait_flush(half)

        for j in range(16):
            slot = j % DEPTH
            wait_slab(slot)
            r = vec[j]
            l_vec = jnp.full((16,), r & 127, dtype=jnp.int32)

            @pl.when(r < TAIL0)
            def _(slot=slot, l_vec=l_vec, j=j):
                for k in range(4):
                    vals = plsc.load_gather(
                        slabs[slot], [c_iota + (16 * k), l_vec]
                    )
                    off = pl.multiple_of(par + j * D + k * 16, 16)
                    outbuf[pl.ds(off, 16)] = vals

            @pl.when(r >= TAIL0)
            def _(l_vec=l_vec, j=j):
                for k in range(4):
                    vals = plsc.load_gather(tail_buf, [c_iota + (16 * k), l_vec])
                    off = pl.multiple_of(par + j * D + k * 16, 16)
                    outbuf[pl.ds(off, 16)] = vals

            if j < 16 - DEPTH:
                fire(slot, vec[j + DEPTH])
            else:
                @pl.when(c < N_CHUNKS - 1)
                def _(slot=slot, j=j):
                    fire(slot, vec_next[j % DEPTH])
        dst = pl.multiple_of((base + c * 16) * D, 64)
        pltpu.async_copy(
            outbuf.at[pl.ds(par, OUT_W)],
            out_hbm.at[pl.ds(dst, OUT_W)],
            osems[half],
        )

    def chunk(c, carry):
        @pl.when((c & 1) == 0)
        def _():
            chunk_body(c, 0)

        @pl.when((c & 1) == 1)
        def _():
            chunk_body(c, 1)

        return carry

    vec0 = idx_v[pl.ds(0, 16)]
    for j in range(DEPTH):
        fire(j, vec0[j])
    lax.fori_loop(0, N_CHUNKS, chunk, 0)
    wait_flush(0)
    wait_flush(1)


def kernel(param, mesh_indices):
    tail = jnp.pad(param[TAIL0:], ((0, 128 - (V - TAIL0)), (0, 0))).T
    flat = _gather_kernel(param.T, mesh_indices.astype(jnp.int32), tail)
    return flat.reshape(B, D)

# --- scband reference (transcript-rebuilt; emitter-appended) ---
"""Pipeline reference for scband-fixed-grid-representation-24627342475316 (READ-ONLY COPY).

The authoritative reference and input builder live on the scoring server;
editing this copy changes nothing except your own understanding.
"""

import jax, jax.numpy as jnp
import numpy as np

IN_SHAPE = (1000000,)
OUT_FEATURES = 64
BATCH = 16384


def setup_inputs(seed: int = 0) -> dict:
    key = jax.random.key(seed)
    k1, k2 = jax.random.split(key)
    # nn.Parameter(torch.randn((*in_shape, out_features))) since out_features != 1
    param = jax.random.normal(k1, (*IN_SHAPE, OUT_FEATURES), dtype=jnp.float32)
    # SliceableMesh modeled as a set of row indices selecting a sub-grid of the
    # fixed parameter grid (mesh.apply_slicing_to_tensor == advanced-index gather
    # along the grid axes).
    mesh_indices = jax.random.randint(k2, (BATCH,), 0, IN_SHAPE[0], dtype=jnp.int64)
    return {"param": param, "mesh_indices": mesh_indices}


def reference(param, mesh_indices):
    # FixedGridRepresentation.forward(mesh):
    #   if mesh is None: return self.param
    #   else: return mesh.apply_slicing_to_tensor(self.param)
    # Slicing a fixed grid by mesh coordinates == gather of grid rows.
    return jnp.take(param, mesh_indices, axis=0)

if __name__ == "__main__":
    import jax
    _d = setup_inputs()
    print(jax.jit(kernel)(*tuple(_d.values())))

</pallas_src>

<mosaic_0001>
#map = affine_map<(d0, d1) -> (0, 0)>
#map1 = affine_map<(d0, d1) -> (0)>
module attributes {stable_mosaic.version = 14 : i64} {
  func.func @_gather_kernel(%arg0: i32, %arg1: i32, %arg2: memref<64x1000000xf32, #tpu.memory_space<hbm>>, %arg3: memref<16384xi32, #tpu.memory_space<hbm>>, %arg4: memref<64x128xf32, #tpu.memory_space<hbm>>, %arg5: memref<1048576xf32, #tpu.memory_space<hbm>>, %arg6: memref<512xi32, #tpu.memory_space<vmem>>, %arg7: memref<2048xf32, #tpu.memory_space<vmem>>, %arg8: memref<64x128xf32, #tpu.memory_space<vmem>>, %arg9: memref<64x128xf32, #tpu.memory_space<vmem>>, %arg10: memref<64x128xf32, #tpu.memory_space<vmem>>, %arg11: memref<64x128xf32, #tpu.memory_space<vmem>>, %arg12: memref<64x128xf32, #tpu.memory_space<vmem>>, %arg13: memref<64x128xf32, #tpu.memory_space<vmem>>, %arg14: memref<64x128xf32, #tpu.memory_space<vmem>>, %arg15: memref<64x128xf32, #tpu.memory_space<vmem>>, %arg16: memref<64x128xf32, #tpu.memory_space<vmem>>, %arg17: memref<!tpu.dma_semaphore, #tpu.memory_space<semaphore_mem>>, %arg18: memref<!tpu.dma_semaphore, #tpu.memory_space<semaphore_mem>>, %arg19: memref<!tpu.dma_semaphore, #tpu.memory_space<semaphore_mem>>, %arg20: memref<!tpu.dma_semaphore, #tpu.memory_space<semaphore_mem>>, %arg21: memref<!tpu.dma_semaphore, #tpu.memory_space<semaphore_mem>>, %arg22: memref<!tpu.dma_semaphore, #tpu.memory_space<semaphore_mem>>, %arg23: memref<!tpu.dma_semaphore, #tpu.memory_space<semaphore_mem>>, %arg24: memref<!tpu.dma_semaphore, #tpu.memory_space<semaphore_mem>>, %arg25: memref<!tpu.dma_semaphore, #tpu.memory_space<semaphore_mem>>, %arg26: memref<!tpu.dma_semaphore, #tpu.memory_space<semaphore_mem>>) attributes {dimension_semantics = [#tpu.dimension_semantics<core_parallel>, #tpu.dimension_semantics<subcore_parallel>], iteration_bounds = array<i64: 2, 16>, scalar_prefetch = 0 : i64, scratch_operands = 21 : i64, tpu.core_type = #tpu.core_type<sc_vector_subcore>, window_params = [{transform_indices = #map}, {transform_indices = #map1}, {transform_indices = #map}, {transform_indices = #map1}]} {
    %mul3A = arith.constant 2 : i32
    %mul3A_0 = arith.muli %arg1, %mul3A : i32
    %add3A = arith.addi %mul3A_0, %arg0 : i32
    %mul3A_1 = arith.constant 512 : i32
    %mul3A_2 = arith.muli %add3A, %mul3A_1 : i32
    "tpu.region"() ({
      %run_scoped3A = tpu.sem_alloc : memref<!tpu.dma_semaphore, #tpu.memory_space<semaphore_mem>>
      %dma_start3A_135 = tpu.memref_slice %arg3[%mul3A_2] : memref<16384xi32, #tpu.memory_space<hbm>> -> memref<512xi32, #tpu.memory_space<hbm>>
      %dma_start3A_136 = tpu.memref_slice %arg3[%mul3A_2] : memref<16384xi32, #tpu.memory_space<hbm>> -> memref<512xi32, #tpu.memory_space<hbm>>
      tpu.enqueue_dma source(%dma_start3A_136 : memref<512xi32, #tpu.memory_space<hbm>>) target(%arg6 : memref<512xi32, #tpu.memory_space<vmem>>) target_semaphore(%run_scoped3A : memref<!tpu.dma_semaphore, #tpu.memory_space<semaphore_mem>>)
      %dma_wait3A_137 = tpu.memref_slice %arg3[%mul3A_2] : memref<16384xi32, #tpu.memory_space<hbm>> -> memref<512xi32, #tpu.memory_space<hbm>>
      %dma_wait3A_138 = tpu.memref_slice %arg3[%mul3A_2] : memref<16384xi32, #tpu.memory_space<hbm>> -> memref<512xi32, #tpu.memory_space<hbm>>
      tpu.wait_dma2 semaphore(%run_scoped3A : memref<!tpu.dma_semaphore, #tpu.memory_space<semaphore_mem>>) src(%dma_wait3A_138 : memref<512xi32, #tpu.memory_space<hbm>>) dst(%arg6 : memref<512xi32, #tpu.memory_space<vmem>>)
      tpu.yield
    }) : () -> ()
    "tpu.region"() ({
      %run_scoped3A = tpu.sem_alloc : memref<!tpu.dma_semaphore, #tpu.memory_space<semaphore_mem>>
      tpu.enqueue_dma source(%arg4 : memref<64x128xf32, #tpu.memory_space<hbm>>) target(%arg8 : memref<64x128xf32, #tpu.memory_space<vmem>>) target_semaphore(%run_scoped3A : memref<!tpu.dma_semaphore, #tpu.memory_space<semaphore_mem>>)
      tpu.wait_dma2 semaphore(%run_scoped3A : memref<!tpu.dma_semaphore, #tpu.memory_space<semaphore_mem>>) src(%arg4 : memref<64x128xf32, #tpu.memory_space<hbm>>) dst(%arg8 : memref<64x128xf32, #tpu.memory_space<vmem>>)
      tpu.yield
    }) : () -> ()
    %iota3A = tpu.iota {dimensions = array<i32: 0>} : vector<16xi32>
    %get3A = arith.constant 0 : index
    %get3A_3 = tpu.vector_load %arg6[%get3A] {strides = array<i32>} : memref<512xi32, #tpu.memory_space<vmem>>, vector<16xi32>,
    %slice3A = vector.extract_strided_slice %get3A_3 {offsets = [0], sizes = [1], strides = [1]} : vector<16xi32> to vector<1xi32>
    %squeeze3A = vector.extract %slice3A[0] : i32 from vector<1xi32>
    %lt3A = arith.constant 999936 : i32
    %lt3A_4 = arith.cmpi slt, %squeeze3A, %lt3A : i32
    %shift_right_arithmetic3A = arith.constant 7 : i32
    %shift_right_arithmetic3A_5 = arith.shrsi %squeeze3A, %shift_right_arithmetic3A : i32
    %shift_left3A = arith.constant 7 : i32
    %shift_left3A_6 = arith.shli %shift_right_arithmetic3A_5, %shift_left3A : i32
    %jit3A = arith.constant 0 : i32
    %select_n3A = arith.select %lt3A_4, %shift_left3A_6, %jit3A : i32
    %multiple_of3A = tpu.assume_multiple %select_n3A, 128 : i32
    %dma_start3A = arith.constant 0 : i32
    %dma_start3A_7 = tpu.memref_slice %arg2[%dma_start3A, %multiple_of3A] : memref<64x1000000xf32, #tpu.memory_space<hbm>> -> memref<64x128xf32, #tpu.memory_space<hbm>>
    %dma_start3A_8 = arith.constant 0 : i32
    %dma_start3A_9 = tpu.memref_slice %arg2[%dma_start3A_8, %multiple_of3A] : memref<64x1000000xf32, #tpu.memory_space<hbm>> -> memref<64x128xf32, #tpu.memory_space<hbm>>
    tpu.enqueue_dma source(%dma_start3A_9 : memref<64x128xf32, #tpu.memory_space<hbm>>) target(%arg9 : memref<64x128xf32, #tpu.memory_space<vmem>>) target_semaphore(%arg17 : memref<!tpu.dma_semaphore, #tpu.memory_space<semaphore_mem>>)
    %slice3A_10 = vector.extract_strided_slice %get3A_3 {offsets = [1], sizes = [1], strides = [1]} : vector<16xi32> to vector<1xi32>
    %squeeze3A_11 = vector.extract %slice3A_10[0] : i32 from vector<1xi32>
    %lt3A_12 = arith.constant 999936 : i32
    %lt3A_13 = arith.cmpi slt, %squeeze3A_11, %lt3A_12 : i32
    %shift_right_arithmetic3A_14 = arith.constant 7 : i32
    %shift_right_arithmetic3A_15 = arith.shrsi %squeeze3A_11, %shift_right_arithmetic3A_14 : i32
    %shift_left3A_16 = arith.constant 7 : i32
    %shift_left3A_17 = arith.shli %shift_right_arithmetic3A_15, %shift_left3A_16 : i32
    %jit3A_18 = arith.constant 0 : i32
    %select_n3A_19 = arith.select %lt3A_13, %shift_left3A_17, %jit3A_18 : i32
    %multiple_of3A_20 = tpu.assume_multiple %select_n3A_19, 128 : i32
    %dma_start3A_21 = arith.constant 0 : i32
    %dma_start3A_22 = tpu.memref_slice %arg2[%dma_start3A_21, %multiple_of3A_20] : memref<64x1000000xf32, #tpu.memory_space<hbm>> -> memref<64x128xf32, #tpu.memory_space<hbm>>
    %dma_start3A_23 = arith.constant 0 : i32
    %dma_start3A_24 = tpu.memref_slice %arg2[%dma_start3A_23, %multiple_of3A_20] : memref<64x1000000xf32, #tpu.memory_space<hbm>> -> memref<64x128xf32, #tpu.memory_space<hbm>>
    tpu.enqueue_dma source(%dma_start3A_24 : memref<64x128xf32, #tpu.memory_space<hbm>>) target(%arg10 : memref<64x128xf32, #tpu.memory_space<vmem>>) target_semaphore(%arg18 : memref<!tpu.dma_semaphore, #tpu.memory_space<semaphore_mem>>)
    %slice3A_25 = vector.extract_strided_slice %get3A_3 {offsets = [2], sizes = [1], strides = [1]} : vector<16xi32> to vector<1xi32>
    %squeeze3A_26 = vector.extract %slice3A_25[0] : i32 from vector<1xi32>
    %lt3A_27 = arith.constant 999936 : i32
    %lt3A_28 = arith.cmpi slt, %squeeze3A_26, %lt3A_27 : i32
    %shift_right_arithmetic3A_29 = arith.constant 7 : i32
    %shift_right_arithmetic3A_30 = arith.shrsi %squeeze3A_26, %shift_right_arithmetic3A_29 : i32
    %shift_left3A_31 = arith.constant 7 : i32
    %shift_left3A_32 = arith.shli %shift_right_arithmetic3A_30, %shift_left3A_31 : i32
    %jit3A_33 = arith.constant 0 : i32
    %select_n3A_34 = arith.select %lt3A_28, %shift_left3A_32, %jit3A_33 : i32
    %multiple_of3A_35 = tpu.assume_multiple %select_n3A_34, 128 : i32
    %dma_start3A_36 = arith.constant 0 : i32
    %dma_start3A_37 = tpu.memref_slice %arg2[%dma_start3A_36, %multiple_of3A_35] : memref<64x1000000xf32, #tpu.memory_space<hbm>> -> memref<64x128xf32, #tpu.memory_space<hbm>>
    %dma_start3A_38 = arith.constant 0 : i32
    %dma_start3A_39 = tpu.memref_slice %arg2[%dma_start3A_38, %multiple_of3A_35] : memref<64x1000000xf32, #tpu.memory_space<hbm>> -> memref<64x128xf32, #tpu.memory_space<hbm>>
    tpu.enqueue_dma source(%dma_start3A_39 : memref<64x128xf32, #tpu.memory_space<hbm>>) target(%arg11 : memref<64x128xf32, #tpu.memory_space<vmem>>) target_semaphore(%arg19 : memref<!tpu.dma_semaphore, #tpu.memory_space<semaphore_mem>>)
    %slice3A_40 = vector.extract_strided_slice %get3A_3 {offsets = [3], sizes = [1], strides = [1]} : vector<16xi32> to vector<1xi32>
    %squeeze3A_41 = vector.extract %slice3A_40[0] : i32 from vector<1xi32>
    %lt3A_42 = arith.constant 999936 : i32
    %lt3A_43 = arith.cmpi slt, %squeeze3A_41, %lt3A_42 : i32
    %shift_right_arithmetic3A_44 = arith.constant 7 : i32
    %shift_right_arithmetic3A_45 = arith.shrsi %squeeze3A_41, %shift_right_arithmetic3A_44 : i32
    %shift_left3A_46 = arith.constant 7 : i32
    %shift_left3A_47 = arith.shli %shift_right_arithmetic3A_45, %shift_left3A_46 : i32
    %jit3A_48 = arith.constant 0 : i32
    %select_n3A_49 = arith.select %lt3A_43, %shift_left3A_47, %jit3A_48 : i32
    %multiple_of3A_50 = tpu.assume_multiple %select_n3A_49, 128 : i32
    %dma_start3A_51 = arith.constant 0 : i32
    %dma_start3A_52 = tpu.memref_slice %arg2[%dma_start3A_51, %multiple_of3A_50] : memref<64x1000000xf32, #tpu.memory_space<hbm>> -> memref<64x128xf32, #tpu.memory_space<hbm>>
    %dma_start3A_53 = arith.constant 0 : i32
    %dma_start3A_54 = tpu.memref_slice %arg2[%dma_start3A_53, %multiple_of3A_50] : memref<64x1000000xf32, #tpu.memory_space<hbm>> -> memref<64x128xf32, #tpu.memory_space<hbm>>
    tpu.enqueue_dma source(%dma_start3A_54 : memref<64x128xf32, #tpu.memory_space<hbm>>) target(%arg12 : memref<64x128xf32, #tpu.memory_space<vmem>>) target_semaphore(%arg20 : memref<!tpu.dma_semaphore, #tpu.memory_space<semaphore_mem>>)
    %slice3A_55 = vector.extract_strided_slice %get3A_3 {offsets = [4], sizes = [1], strides = [1]} : vector<16xi32> to vector<1xi32>
    %squeeze3A_56 = vector.extract %slice3A_55[0] : i32 from vector<1xi32>
    %lt3A_57 = arith.constant 999936 : i32
    %lt3A_58 = arith.cmpi slt, %squeeze3A_56, %lt3A_57 : i32
    %shift_right_arithmetic3A_59 = arith.constant 7 : i32
    %shift_right_arithmetic3A_60 = arith.shrsi %squeeze3A_56, %shift_right_arithmetic3A_59 : i32
    %shift_left3A_61 = arith.constant 7 : i32
    %shift_left3A_62 = arith.shli %shift_right_arithmetic3A_60, %shift_left3A_61 : i32
    %jit3A_63 = arith.constant 0 : i32
    %select_n3A_64 = arith.select %lt3A_58, %shift_left3A_62, %jit3A_63 : i32
    %multiple_of3A_65 = tpu.assume_multiple %select_n3A_64, 128 : i32
    %dma_start3A_66 = arith.constant 0 : i32
    %dma_start3A_67 = tpu.memref_slice %arg2[%dma_start3A_66, %multiple_of3A_65] : memref<64x1000000xf32, #tpu.memory_space<hbm>> -> memref<64x128xf32, #tpu.memory_space<hbm>>
    %dma_start3A_68 = arith.constant 0 : i32
    %dma_start3A_69 = tpu.memref_slice %arg2[%dma_start3A_68, %multiple_of3A_65] : memref<64x1000000xf32, #tpu.memory_space<hbm>> -> memref<64x128xf32, #tpu.memory_space<hbm>>
    tpu.enqueue_dma source(%dma_start3A_69 : memref<64x128xf32, #tpu.memory_space<hbm>>) target(%arg13 : memref<64x128xf32, #tpu.memory_space<vmem>>) target_semaphore(%arg21 : memref<!tpu.dma_semaphore, #tpu.memory_space<semaphore_mem>>)
    %slice3A_70 = vector.extract_strided_slice %get3A_3 {offsets = [5], sizes = [1], strides = [1]} : vector<16xi32> to vector<1xi32>
    %squeeze3A_71 = vector.extract %slice3A_70[0] : i32 from vector<1xi32>
    %lt3A_72 = arith.constant 999936 : i32
    %lt3A_73 = arith.cmpi slt, %squeeze3A_71, %lt3A_72 : i32
    %shift_right_arithmetic3A_74 = arith.constant 7 : i32
    %shift_right_arithmetic3A_75 = arith.shrsi %squeeze3A_71, %shift_right_arithmetic3A_74 : i32
    %shift_left3A_76 = arith.constant 7 : i32
    %shift_left3A_77 = arith.shli %shift_right_arithmetic3A_75, %shift_left3A_76 : i32
    %jit3A_78 = arith.constant 0 : i32
    %select_n3A_79 = arith.select %lt3A_73, %shift_left3A_77, %jit3A_78 : i32
    %multiple_of3A_80 = tpu.assume_multiple %select_n3A_79, 128 : i32
    %dma_start3A_81 = arith.constant 0 : i32
    %dma_start3A_82 = tpu.memref_slice %arg2[%dma_start3A_81, %multiple_of3A_80] : memref<64x1000000xf32, #tpu.memory_space<hbm>> -> memref<64x128xf32, #tpu.memory_space<hbm>>
    %dma_start3A_83 = arith.constant 0 : i32
    %dma_start3A_84 = tpu.memref_slice %arg2[%dma_start3A_83, %multiple_of3A_80] : memref<64x1000000xf32, #tpu.memory_space<hbm>> -> memref<64x128xf32, #tpu.memory_space<hbm>>
    tpu.enqueue_dma source(%dma_start3A_84 : memref<64x128xf32, #tpu.memory_space<hbm>>) target(%arg14 : memref<64x128xf32, #tpu.memory_space<vmem>>) target_semaphore(%arg22 : memref<!tpu.dma_semaphore, #tpu.memory_space<semaphore_mem>>)
    %slice3A_85 = vector.extract_strided_slice %get3A_3 {offsets = [6], sizes = [1], strides = [1]} : vector<16xi32> to vector<1xi32>
    %squeeze3A_86 = vector.extract %slice3A_85[0] : i32 from vector<1xi32>
    %lt3A_87 = arith.constant 999936 : i32
    %lt3A_88 = arith.cmpi slt, %squeeze3A_86, %lt3A_87 : i32
    %shift_right_arithmetic3A_89 = arith.constant 7 : i32
    %shift_right_arithmetic3A_90 = arith.shrsi %squeeze3A_86, %shift_right_arithmetic3A_89 : i32
    %shift_left3A_91 = arith.constant 7 : i32
    %shift_left3A_92 = arith.shli %shift_right_arithmetic3A_90, %shift_left3A_91 : i32
    %jit3A_93 = arith.constant 0 : i32
    %select_n3A_94 = arith.select %lt3A_88, %shift_left3A_92, %jit3A_93 : i32
    %multiple_of3A_95 = tpu.assume_multiple %select_n3A_94, 128 : i32
    %dma_start3A_96 = arith.constant 0 : i32
    %dma_start3A_97 = tpu.memref_slice %arg2[%dma_start3A_96, %multiple_of3A_95] : memref<64x1000000xf32, #tpu.memory_space<hbm>> -> memref<64x128xf32, #tpu.memory_space<hbm>>
    %dma_start3A_98 = arith.constant 0 : i32
    %dma_start3A_99 = tpu.memref_slice %arg2[%dma_start3A_98, %multiple_of3A_95] : memref<64x1000000xf32, #tpu.memory_space<hbm>> -> memref<64x128xf32, #tpu.memory_space<hbm>>
    tpu.enqueue_dma source(%dma_start3A_99 : memref<64x128xf32, #tpu.memory_space<hbm>>) target(%arg15 : memref<64x128xf32, #tpu.memory_space<vmem>>) target_semaphore(%arg23 : memref<!tpu.dma_semaphore, #tpu.memory_space<semaphore_mem>>)
    %slice3A_100 = vector.extract_strided_slice %get3A_3 {offsets = [7], sizes = [1], strides = [1]} : vector<16xi32> to vector<1xi32>
    %squeeze3A_101 = vector.extract %slice3A_100[0] : i32 from vector<1xi32>
    %lt3A_102 = arith.constant 999936 : i32
    %lt3A_103 = arith.cmpi slt, %squeeze3A_101, %lt3A_102 : i32
    %shift_right_arithmetic3A_104 = arith.constant 7 : i32
    %shift_right_arithmetic3A_105 = arith.shrsi %squeeze3A_101, %shift_right_arithmetic3A_104 : i32
    %shift_left3A_106 = arith.constant 7 : i32
    %shift_left3A_107 = arith.shli %shift_right_arithmetic3A_105, %shift_left3A_106 : i32
    %jit3A_108 = arith.constant 0 : i32
    %select_n3A_109 = arith.select %lt3A_103, %shift_left3A_107, %jit3A_108 : i32
    %multiple_of3A_110 = tpu.assume_multiple %select_n3A_109, 128 : i32
    %dma_start3A_111 = arith.constant 0 : i32
    %dma_start3A_112 = tpu.memref_slice %arg2[%dma_start3A_111, %multiple_of3A_110] : memref<64x1000000xf32, #tpu.memory_space<hbm>> -> memref<64x128xf32, #tpu.memory_space<hbm>>
    %dma_start3A_113 = arith.constant 0 : i32
    %dma_start3A_114 = tpu.memref_slice %arg2[%dma_start3A_113, %multiple_of3A_110] : memref<64x1000000xf32, #tpu.memory_space<hbm>> -> memref<64x128xf32, #tpu.memory_space<hbm>>
    tpu.enqueue_dma source(%dma_start3A_114 : memref<64x128xf32, #tpu.memory_space<hbm>>) target(%arg16 : memref<64x128xf32, #tpu.memory_space<vmem>>) target_semaphore(%arg24 : memref<!tpu.dma_semaphore, #tpu.memory_space<semaphore_mem>>)
    %scan3A = arith.constant 0 : i32
    %scan3A_115 = arith.constant 0 : i32
    %scan3A_116 = arith.constant 32 : i32
    %scan3A_117 = arith.addi %scan3A_115, %scan3A_116 : i32
    %scan3A_118 = arith.constant 1 : i32
    scf.for %scan3A_135 = %scan3A_115 to %scan3A_117 step %scan3A_118  : i32 {
      %and3A = arith.constant 1 : i32
      %and3A_136 = arith.andi %scan3A_135, %and3A : i32
      %eq3A = arith.constant 0 : i32
      %eq3A_137 = arith.cmpi eq, %and3A_136, %eq3A : i32
      %convert_element_type3A = arith.extui %eq3A_137 : i1 to i32
      %cond3A = arith.constant 0 : i32
      %cond3A_138 = arith.cmpi ne, %convert_element_type3A, %cond3A : i32
      scf.if %cond3A_138 {
        %mul3A_146 = arith.constant 16 : i32
        %mul3A_147 = arith.muli %scan3A_135, %mul3A_146 : i32
        %get3A_148 = arith.index_cast %mul3A_147 : i32 to index
        %get3A_149 = tpu.vector_load %arg6[%get3A_148] {strides = array<i32>} : memref<512xi32, #tpu.memory_space<vmem>>, vector<16xi32>,
        %add3A_150 = arith.constant 1 : i32
        %add3A_151 = arith.addi %scan3A_135, %add3A_150 : i32
        %min3A = arith.constant 31 : i32
        %min3A_152 = arith.minsi %add3A_151, %min3A : i32
        %mul3A_153 = arith.constant 16 : i32
        %mul3A_154 = arith.muli %min3A_152, %mul3A_153 : i32
        %get3A_155 = arith.index_cast %mul3A_154 : i32 to index
        %get3A_156 = tpu.vector_load %arg6[%get3A_155] {strides = array<i32>} : memref<512xi32, #tpu.memory_space<vmem>>, vector<16xi32>,
        %multiple_of3A_157 = arith.constant 0 : i32
        %multiple_of3A_158 = tpu.assume_multiple %multiple_of3A_157, 64 : i32
        %ge3A = arith.constant 2 : i32
        %ge3A_159 = arith.cmpi sge, %scan3A_135, %ge3A : i32
        %convert_element_type3A_160 = arith.extui %ge3A_159 : i1 to i32
        %cond3A_161 = arith.constant 0 : i32
        %cond3A_162 = arith.cmpi ne, %convert_element_type3A_160, %cond3A_161 : i32
        scf.if %cond3A_162 {
          %dma_wait3A_668 = arith.constant 0 : i32
          %dma_wait3A_669 = tpu.memref_slice %arg7[%dma_wait3A_668] : memref<2048xf32, #tpu.memory_space<vmem>> -> memref<1024xf32, #tpu.memory_space<vmem>>
          %dma_wait3A_670 = arith.constant 0 : i32
          %dma_wait3A_671 = tpu.memref_slice %arg5[%dma_wait3A_670] : memref<1048576xf32, #tpu.memory_space<hbm>> -> memref<1024xf32, #tpu.memory_space<hbm>>
          %dma_wait3A_672 = arith.constant 0 : i32
          %dma_wait3A_673 = tpu.memref_slice %arg5[%dma_wait3A_672] : memref<1048576xf32, #tpu.memory_space<hbm>> -> memref<1024xf32, #tpu.memory_space<hbm>>
          %dma_wait3A_674 = arith.constant 0 : i32
          %dma_wait3A_675 = tpu.memref_slice %arg7[%dma_wait3A_674] : memref<2048xf32, #tpu.memory_space<vmem>> -> memref<1024xf32, #tpu.memory_space<vmem>>
          tpu.wait_dma2 semaphore(%arg25 : memref<!tpu.dma_semaphore, #tpu.memory_space<semaphore_mem>>) src(%dma_wait3A_675 : memref<1024xf32, #tpu.memory_space<vmem>>) dst(%dma_wait3A_673 : memref<1024xf32, #tpu.memory_space<hbm>>)
        } else {
        }
        %dma_wait3A_163 = arith.constant 0 : i32
        %dma_wait3A_164 = arith.constant 0 : i32
        %dma_wait3A_165 = tpu.memref_slice %arg2[%dma_wait3A_163, %dma_wait3A_164] : memref<64x1000000xf32, #tpu.memory_space<hbm>> -> memref<64x128xf32, #tpu.memory_space<hbm>>
        %dma_wait3A_166 = arith.constant 0 : i32
        %dma_wait3A_167 = arith.constant 0 : i32
        %dma_wait3A_168 = tpu.memref_slice %arg2[%dma_wait3A_166, %dma_wait3A_167] : memref<64x1000000xf32, #tpu.memory_space<hbm>> -> memref<64x128xf32, #tpu.memory_space<hbm>>
        tpu.wait_dma2 semaphore(%arg17 : memref<!tpu.dma_semaphore, #tpu.memory_space<semaphore_mem>>) src(%dma_wait3A_168 : memref<64x128xf32, #tpu.memory_space<hbm>>) dst(%arg9 : memref<64x128xf32, #tpu.memory_space<vmem>>)
        %slice3A_169 = vector.extract_strided_slice %get3A_149 {offsets = [0], sizes = [1], strides = [1]} : vector<16xi32> to vector<1xi32>
        %squeeze3A_170 = vector.extract %slice3A_169[0] : i32 from vector<1xi32>
        %and3A_171 = arith.constant 127 : i32
        %and3A_172 = arith.andi %squeeze3A_170, %and3A_171 : i32
        %broadcast_in_dim3A = vector.broadcast %and3A_172 : i32 to vector<16xi32>
        %lt3A_173 = arith.constant 999936 : i32
        %lt3A_174 = arith.cmpi slt, %squeeze3A_170, %lt3A_173 : i32
        %convert_element_type3A_175 = arith.extui %lt3A_174 : i1 to i32
        %cond3A_176 = arith.constant 0 : i32
        %cond3A_177 = arith.cmpi ne, %convert_element_type3A_175, %cond3A_176 : i32
        scf.if %cond3A_177 {
          %add3A_668 = arith.constant 0 : i32
          %add3A_669 = vector.broadcast %add3A_668 : i32 to vector<16xi32>
          %add3A_670 = arith.addi %iota3A, %add3A_669 : vector<16xi32>
          %gather3A = tpu.vector_load_idx %arg9[%add3A_670, %broadcast_in_dim3A] : memref<64x128xf32, #tpu.memory_space<vmem>>[vector<16xi32>, vector<16xi32>], vector<16xf32>,
          %add3A_671 = arith.constant 0 : i32
          %add3A_672 = arith.addi %multiple_of3A_158, %add3A_671 : i32
          %add3A_673 = arith.constant 0 : i32
          %add3A_674 = arith.addi %add3A_672, %add3A_673 : i32
          %multiple_of3A_675 = tpu.assume_multiple %add3A_674, 16 : i32
          %swap3A = arith.index_cast %multiple_of3A_675 : i32 to index
          %swap3A_676 = tpu.vector_load %arg7[%swap3A] {strides = array<i32>} : memref<2048xf32, #tpu.memory_space<vmem>>, vector<16xf32>,
          tpu.vector_store %arg7[%swap3A], %gather3A {strides = array<i32>} : memref<2048xf32, #tpu.memory_space<vmem>>, vector<16xf32>,
          %add3A_677 = arith.constant 16 : i32
          %add3A_678 = vector.broadcast %add3A_677 : i32 to vector<16xi32>
          %add3A_679 = arith.addi %iota3A, %add3A_678 : vector<16xi32>
          %gather3A_680 = tpu.vector_load_idx %arg9[%add3A_679, %broadcast_in_dim3A] : memref<64x128xf32, #tpu.memory_space<vmem>>[vector<16xi32>, vector<16xi32>], vector<16xf32>,
          %add3A_681 = arith.constant 0 : i32
          %add3A_682 = arith.addi %multiple_of3A_158, %add3A_681 : i32
          %add3A_683 = arith.constant 16 : i32
          %add3A_684 = arith.addi %add3A_682, %add3A_683 : i32
          %multiple_of3A_685 = tpu.assume_multiple %add3A_684, 16 : i32
          %swap3A_686 = arith.index_cast %multiple_of3A_685 : i32 to index
          %swap3A_687 = tpu.vector_load %arg7[%swap3A_686] {strides = array<i32>} : memref<2048xf32, #tpu.memory_space<vmem>>, vector<16xf32>,
          tpu.vector_store %arg7[%swap3A_686], %gather3A_680 {strides = array<i32>} : memref<2048xf32, #tpu.memory_space<vmem>>, vector<16xf32>,
          %add3A_688 = arith.constant 32 : i32
          %add3A_689 = vector.broadcast %add3A_688 : i32 to vector<16xi32>
          %add3A_690 = arith.addi %iota3A, %add3A_689 : vector<16xi32>
          %gather3A_691 = tpu.vector_load_idx %arg9[%add3A_690, %broadcast_in_dim3A] : memref<64x128xf32, #tpu.memory_space<vmem>>[vector<16xi32>, vector<16xi32>], vector<16xf32>,
          %add3A_692 = arith.constant 0 : i32
          %add3A_693 = arith.addi %multiple_of3A_158, %add3A_692 : i32
          %add3A_694 = arith.constant 32 : i32
          %add3A_695 = arith.addi %add3A_693, %add3A_694 : i32
          %multiple_of3A_696 = tpu.assume_multiple %add3A_695, 16 : i32
          %swap3A_697 = arith.index_cast %multiple_of3A_696 : i32 to index
          %swap3A_698 = tpu.vector_load %arg7[%swap3A_697] {strides = array<i32>} : memref<2048xf32, #tpu.memory_space<vmem>>, vector<16xf32>,
          tpu.vector_store %arg7[%swap3A_697], %gather3A_691 {strides = array<i32>} : memref<2048xf32, #tpu.memory_space<vmem>>, vector<16xf32>,
          %add3A_699 = arith.constant 48 : i32
          %add3A_700 = vector.broadcast %add3A_699 : i32 to vector<16xi32>
          %add3A_701 = arith.addi %iota3A, %add3A_700 : vector<16xi32>
          %gather3A_702 = tpu.vector_load_idx %arg9[%add3A_701, %broadcast_in_dim3A] : memref<64x128xf32, #tpu.memory_space<vmem>>[vector<16xi32>, vector<16xi32>], vector<16xf32>,
          %add3A_703 = arith.constant 0 : i32
          %add3A_704 = arith.addi %multiple_of3A_158, %add3A_703 : i32
          %add3A_705 = arith.constant 48 : i32
          %add3A_706 = arith.addi %add3A_704, %add3A_705 : i32
          %multiple_of3A_707 = tpu.assume_multiple %add3A_706, 16 : i32
          %swap3A_708 = arith.index_cast %multiple_of3A_707 : i32 to index
          %swap3A_709 = tpu.vector_load %arg7[%swap3A_708] {strides = array<i32>} : memref<2048xf32, #tpu.memory_space<vmem>>, vector<16xf32>,
          tpu.vector_store %arg7[%swap3A_708], %gather3A_702 {strides = array<i32>} : memref<2048xf32, #tpu.memory_space<vmem>>, vector<16xf32>,
        } else {
        }
        %ge3A_178 = arith.constant 999936 : i32
        %ge3A_179 = arith.cmpi sge, %squeeze3A_170, %ge3A_178 : i32
        %convert_element_type3A_180 = arith.extui %ge3A_179 : i1 to i32
        %cond3A_181 = arith.constant 0 : i32
        %cond3A_182 = arith.cmpi ne, %convert_element_type3A_180, %cond3A_181 : i32
        scf.if %cond3A_182 {
          %add3A_668 = arith.constant 0 : i32
          %add3A_669 = vector.broadcast %add3A_668 : i32 to vector<16xi32>
          %add3A_670 = arith.addi %iota3A, %add3A_669 : vector<16xi32>
          %gather3A = tpu.vector_load_idx %arg8[%add3A_670, %broadcast_in_dim3A] : memref<64x128xf32, #tpu.memory_space<vmem>>[vector<16xi32>, vector<16xi32>], vector<16xf32>,
          %add3A_671 = arith.constant 0 : i32
          %add3A_672 = arith.addi %multiple_of3A_158, %add3A_671 : i32
          %add3A_673 = arith.constant 0 : i32
          %add3A_674 = arith.addi %add3A_672, %add3A_673 : i32
          %multiple_of3A_675 = tpu.assume_multiple %add3A_674, 16 : i32
          %swap3A = arith.index_cast %multiple_of3A_675 : i32 to index
          %swap3A_676 = tpu.vector_load %arg7[%swap3A] {strides = array<i32>} : memref<2048xf32, #tpu.memory_space<vmem>>, vector<16xf32>,
          tpu.vector_store %arg7[%swap3A], %gather3A {strides = array<i32>} : memref<2048xf32, #tpu.memory_space<vmem>>, vector<16xf32>,
          %add3A_677 = arith.constant 16 : i32
          %add3A_678 = vector.broadcast %add3A_677 : i32 to vector<16xi32>
          %add3A_679 = arith.addi %iota3A, %add3A_678 : vector<16xi32>
          %gather3A_680 = tpu.vector_load_idx %arg8[%add3A_679, %broadcast_in_dim3A] : memref<64x128xf32, #tpu.memory_space<vmem>>[vector<16xi32>, vector<16xi32>], vector<16xf32>,
          %add3A_681 = arith.constant 0 : i32
          %add3A_682 = arith.addi %multiple_of3A_158, %add3A_681 : i32
          %add3A_683 = arith.constant 16 : i32
          %add3A_684 = arith.addi %add3A_682, %add3A_683 : i32
          %multiple_of3A_685 = tpu.assume_multiple %add3A_684, 16 : i32
          %swap3A_686 = arith.index_cast %multiple_of3A_685 : i32 to index
          %swap3A_687 = tpu.vector_load %arg7[%swap3A_686] {strides = array<i32>} : memref<2048xf32, #tpu.memory_space<vmem>>, vector<16xf32>,
          tpu.vector_store %arg7[%swap3A_686], %gather3A_680 {strides = array<i32>} : memref<2048xf32, #tpu.memory_space<vmem>>, vector<16xf32>,
          %add3A_688 = arith.constant 32 : i32
          %add3A_689 = vector.broadcast %add3A_688 : i32 to vector<16xi32>
          %add3A_690 = arith.addi %iota3A, %add3A_689 : vector<16xi32>
          %gather3A_691 = tpu.vector_load_idx %arg8[%add3A_690, %broadcast_in_dim3A] : memref<64x128xf32, #tpu.memory_space<vmem>>[vector<16xi32>, vector<16xi32>], vector<16xf32>,
          %add3A_692 = arith.constant 0 : i32
          %add3A_693 = arith.addi %multiple_of3A_158, %add3A_692 : i32
          %add3A_694 = arith.constant 32 : i32
          %add3A_695 = arith.addi %add3A_693, %add3A_694 : i32
          %multiple_of3A_696 = tpu.assume_multiple %add3A_695, 16 : i32
          %swap3A_697 = arith.index_cast %multiple_of3A_696 : i32 to index
          %swap3A_698 = tpu.vector_load %arg7[%swap3A_697] {strides = array<i32>} : memref<2048xf32, #tpu.memory_space<vmem>>, vector<16xf32>,
          tpu.vector_store %arg7[%swap3A_697], %gather3A_691 {strides = array<i32>} : memref<2048xf32, #tpu.memory_space<vmem>>, vector<16xf32>,
          %add3A_699 = arith.constant 48 : i32
          %add3A_700 = vector.broadcast %add3A_699 : i32 to vector<16xi32>
          %add3A_701 = arith.addi %iota3A, %add3A_700 : vector<16xi32>
          %gather3A_702 = tpu.vector_load_idx %arg8[%add3A_701, %broadcast_in_dim3A] : memref<64x128xf32, #tpu.memory_space<vmem>>[vector<16xi32>, vector<16xi32>], vector<16xf32>,
          %add3A_703 = arith.constant 0 : i32
          %add3A_704 = arith.addi %multiple_of3A_158, %add3A_703 : i32
          %add3A_705 = arith.constant 48 : i32
          %add3A_706 = arith.addi %add3A_704, %add3A_705 : i32
          %multiple_of3A_707 = tpu.assume_multiple %add3A_706, 16 : i32
          %swap3A_708 = arith.index_cast %multiple_of3A_707 : i32 to index
          %swap3A_709 = tpu.vector_load %arg7[%swap3A_708] {strides = array<i32>} : memref<2048xf32, #tpu.memory_space<vmem>>, vector<16xf32>,
          tpu.vector_store %arg7[%swap3A_708], %gather3A_702 {strides = array<i32>} : memref<2048xf32, #tpu.memory_space<vmem>>, vector<16xf32>,
        } else {
        }
        %slice3A_183 = vector.extract_strided_slice %get3A_149 {offsets = [8], sizes = [1], strides = [1]} : vector<16xi32> to vector<1xi32>
        %squeeze3A_184 = vector.extract %slice3A_183[0] : i32 from vector<1xi32>
        %lt3A_185 = arith.constant 999936 : i32
        %lt3A_186 = arith.cmpi slt, %squeeze3A_184, %lt3A_185 : i32
        %shift_right_arithmetic3A_187 = arith.constant 7 : i32
        %shift_right_arithmetic3A_188 = arith.shrsi %squeeze3A_184, %shift_right_arithmetic3A_187 : i32
        %shift_left3A_189 = arith.constant 7 : i32
        %shift_left3A_190 = arith.shli %shift_right_arithmetic3A_188, %shift_left3A_189 : i32
        %jit3A_191 = arith.constant 0 : i32
        %select_n3A_192 = arith.select %lt3A_186, %shift_left3A_190, %jit3A_191 : i32
        %multiple_of3A_193 = tpu.assume_multiple %select_n3A_192, 128 : i32
        %dma_start3A_194 = arith.constant 0 : i32
        %dma_start3A_195 = tpu.memref_slice %arg2[%dma_start3A_194, %multiple_of3A_193] : memref<64x1000000xf32, #tpu.memory_space<hbm>> -> memref<64x128xf32, #tpu.memory_space<hbm>>
        %dma_start3A_196 = arith.constant 0 : i32
        %dma_start3A_197 = tpu.memref_slice %arg2[%dma_start3A_196, %multiple_of3A_193] : memref<64x1000000xf32, #tpu.memory_space<hbm>> -> memref<64x128xf32, #tpu.memory_space<hbm>>
        tpu.enqueue_dma source(%dma_start3A_197 : memref<64x128xf32, #tpu.memory_space<hbm>>) target(%arg9 : memref<64x128xf32, #tpu.memory_space<vmem>>) target_semaphore(%arg17 : memref<!tpu.dma_semaphore, #tpu.memory_space<semaphore_mem>>)
        %dma_wait3A_198 = arith.constant 0 : i32
        %dma_wait3A_199 = arith.constant 0 : i32
        %dma_wait3A_200 = tpu.memref_slice %arg2[%dma_wait3A_198, %dma_wait3A_199] : memref<64x1000000xf32, #tpu.memory_space<hbm>> -> memref<64x128xf32, #tpu.memory_space<hbm>>
        %dma_wait3A_201 = arith.constant 0 : i32
        %dma_wait3A_202 = arith.constant 0 : i32
        %dma_wait3A_203 = tpu.memref_slice %arg2[%dma_wait3A_201, %dma_wait3A_202] : memref<64x1000000xf32, #tpu.memory_space<hbm>> -> memref<64x128xf32, #tpu.memory_space<hbm>>
        tpu.wait_dma2 semaphore(%arg18 : memref<!tpu.dma_semaphore, #tpu.memory_space<semaphore_mem>>) src(%dma_wait3A_203 : memref<64x128xf32, #tpu.memory_space<hbm>>) dst(%arg10 : memref<64x128xf32, #tpu.memory_space<vmem>>)
        %slice3A_204 = vector.extract_strided_slice %get3A_149 {offsets = [1], sizes = [1], strides = [1]} : vector<16xi32> to vector<1xi32>
        %squeeze3A_205 = vector.extract %slice3A_204[0] : i32 from vector<1xi32>
        %and3A_206 = arith.constant 127 : i32
        %and3A_207 = arith.andi %squeeze3A_205, %and3A_206 : i32
        %broadcast_in_dim3A_208 = vector.broadcast %and3A_207 : i32 to vector<16xi32>
        %lt3A_209 = arith.constant 999936 : i32
        %lt3A_210 = arith.cmpi slt, %squeeze3A_205, %lt3A_209 : i32
        %convert_element_type3A_211 = arith.extui %lt3A_210 : i1 to i32
        %cond3A_212 = arith.constant 0 : i32
        %cond3A_213 = arith.cmpi ne, %convert_element_type3A_211, %cond3A_212 : i32
        scf.if %cond3A_213 {
          %add3A_668 = arith.constant 0 : i32
          %add3A_669 = vector.broadcast %add3A_668 : i32 to vector<16xi32>
          %add3A_670 = arith.addi %iota3A, %add3A_669 : vector<16xi32>
          %gather3A = tpu.vector_load_idx %arg10[%add3A_670, %broadcast_in_dim3A_208] : memref<64x128xf32, #tpu.memory_space<vmem>>[vector<16xi32>, vector<16xi32>], vector<16xf32>,
          %add3A_671 = arith.constant 64 : i32
          %add3A_672 = arith.addi %multiple_of3A_158, %add3A_671 : i32
          %add3A_673 = arith.constant 0 : i32
          %add3A_674 = arith.addi %add3A_672, %add3A_673 : i32
          %multiple_of3A_675 = tpu.assume_multiple %add3A_674, 16 : i32
          %swap3A = arith.index_cast %multiple_of3A_675 : i32 to index
          %swap3A_676 = tpu.vector_load %arg7[%swap3A] {strides = array<i32>} : memref<2048xf32, #tpu.memory_space<vmem>>, vector<16xf32>,
          tpu.vector_store %arg7[%swap3A], %gather3A {strides = array<i32>} : memref<2048xf32, #tpu.memory_space<vmem>>, vector<16xf32>,
          %add3A_677 = arith.constant 16 : i32
          %add3A_678 = vector.broadcast %add3A_677 : i32 to vector<16xi32>
          %add3A_679 = arith.addi %iota3A, %add3A_678 : vector<16xi32>
          %gather3A_680 = tpu.vector_load_idx %arg10[%add3A_679, %broadcast_in_dim3A_208] : memref<64x128xf32, #tpu.memory_space<vmem>>[vector<16xi32>, vector<16xi32>], vector<16xf32>,
          %add3A_681 = arith.constant 64 : i32
          %add3A_682 = arith.addi %multiple_of3A_158, %add3A_681 : i32
          %add3A_683 = arith.constant 16 : i32
          %add3A_684 = arith.addi %add3A_682, %add3A_683 : i32
          %multiple_of3A_685 = tpu.assume_multiple %add3A_684, 16 : i32
          %swap3A_686 = arith.index_cast %multiple_of3A_685 : i32 to index
          %swap3A_687 = tpu.vector_load %arg7[%swap3A_686] {strides = array<i32>} : memref<2048xf32, #tpu.memory_space<vmem>>, vector<16xf32>,
          tpu.vector_store %arg7[%swap3A_686], %gather3A_680 {strides = array<i32>} : memref<2048xf32, #tpu.memory_space<vmem>>, vector<16xf32>,
          %add3A_688 = arith.constant 32 : i32
          %add3A_689 = vector.broadcast %add3A_688 : i32 to vector<16xi32>
          %add3A_690 = arith.addi %iota3A, %add3A_689 : vector<16xi32>
          %gather3A_691 = tpu.vector_load_idx %arg10[%add3A_690, %broadcast_in_dim3A_208] : memref<64x128xf32, #tpu.memory_space<vmem>>[vector<16xi32>, vector<16xi32>], vector<16xf32>,
          %add3A_692 = arith.constant 64 : i32
          %add3A_693 = arith.addi %multiple_of3A_158, %add3A_692 : i32
          %add3A_694 = arith.constant 32 : i32
          %add3A_695 = arith.addi %add3A_693, %add3A_694 : i32
          %multiple_of3A_696 = tpu.assume_multiple %add3A_695, 16 : i32
          %swap3A_697 = arith.index_cast %multiple_of3A_696 : i32 to index
          %swap3A_698 = tpu.vector_load %arg7[%swap3A_697] {strides = array<i32>} : memref<2048xf32, #tpu.memory_space<vmem>>, vector<16xf32>,
          tpu.vector_store %arg7[%swap3A_697], %gather3A_691 {strides = array<i32>} : memref<2048xf32, #tpu.memory_space<vmem>>, vector<16xf32>,
          %add3A_699 = arith.constant 48 : i32
          %add3A_700 = vector.broadcast %add3A_699 : i32 to vector<16xi32>
          %add3A_701 = arith.addi %iota3A, %add3A_700 : vector<16xi32>
          %gather3A_702 = tpu.vector_load_idx %arg10[%add3A_701, %broadcast_in_dim3A_208] : memref<64x128xf32, #tpu.memory_space<vmem>>[vector<16xi32>, vector<16xi32>], vector<16xf32>,
          %add3A_703 = arith.constant 64 : i32
          %add3A_704 = arith.addi %multiple_of3A_158, %add3A_703 : i32
          %add3A_705 = arith.constant 48 : i32
          %add3A_706 = arith.addi %add3A_704, %add3A_705 : i32
          %multiple_of3A_707 = tpu.assume_multiple %add3A_706, 16 : i32
          %swap3A_708 = arith.index_cast %multiple_of3A_707 : i32 to index
          %swap3A_709 = tpu.vector_load %arg7[%swap3A_708] {strides = array<i32>} : memref<2048xf32, #tpu.memory_space<vmem>>, vector<16xf32>,
          tpu.vector_store %arg7[%swap3A_708], %gather3A_702 {strides = array<i32>} : memref<2048xf32, #tpu.memory_space<vmem>>, vector<16xf32>,
        } else {
        }
        %ge3A_214 = arith.constant 999936 : i32
        %ge3A_215 = arith.cmpi sge, %squeeze3A_205, %ge3A_214 : i32
        %convert_element_type3A_216 = arith.extui %ge3A_215 : i1 to i32
        %cond3A_217 = arith.constant 0 : i32
        %cond3A_218 = arith.cmpi ne, %convert_element_type3A_216, %cond3A_217 : i32
        scf.if %cond3A_218 {
          %add3A_668 = arith.constant 0 : i32
          %add3A_669 = vector.broadcast %add3A_668 : i32 to vector<16xi32>
          %add3A_670 = arith.addi %iota3A, %add3A_669 : vector<16xi32>
          %gather3A = tpu.vector_load_idx %arg8[%add3A_670, %broadcast_in_dim3A_208] : memref<64x128xf32, #tpu.memory_space<vmem>>[vector<16xi32>, vector<16xi32>], vector<16xf32>,
          %add3A_671 = arith.constant 64 : i32
          %add3A_672 = arith.addi %multiple_of3A_158, %add3A_671 : i32
          %add3A_673 = arith.constant 0 : i32
          %add3A_674 = arith.addi %add3A_672, %add3A_673 : i32
          %multiple_of3A_675 = tpu.assume_multiple %add3A_674, 16 : i32
          %swap3A = arith.index_cast %multiple_of3A_675 : i32 to index
          %swap3A_676 = tpu.vector_load %arg7[%swap3A] {strides = array<i32>} : memref<2048xf32, #tpu.memory_space<vmem>>, vector<16xf32>,
          tpu.vector_store %arg7[%swap3A], %gather3A {strides = array<i32>} : memref<2048xf32, #tpu.memory_space<vmem>>, vector<16xf32>,
          %add3A_677 = arith.constant 16 : i32
          %add3A_678 = vector.broadcast %add3A_677 : i32 to vector<16xi32>
          %add3A_679 = arith.addi %iota3A, %add3A_678 : vector<16xi32>
          %gather3A_680 = tpu.vector_load_idx %arg8[%add3A_679, %broadcast_in_dim3A_208] : memref<64x128xf32, #tpu.memory_space<vmem>>[vector<16xi32>, vector<16xi32>], vector<16xf32>,
          %add3A_681 = arith.constant 64 : i32
          %add3A_682 = arith.addi %multiple_of3A_158, %add3A_681 : i32
          %add3A_683 = arith.constant 16 : i32
          %add3A_684 = arith.addi %add3A_682, %add3A_683 : i32
          %multiple_of3A_685 = tpu.assume_multiple %add3A_684, 16 : i32
          %swap3A_686 = arith.index_cast %multiple_of3A_685 : i32 to index
          %swap3A_687 = tpu.vector_load %arg7[%swap3A_686] {strides = array<i32>} : memref<2048xf32, #tpu.memory_space<vmem>>, vector<16xf32>,
          tpu.vector_store %arg7[%swap3A_686], %gather3A_680 {strides = array<i32>} : memref<2048xf32, #tpu.memory_space<vmem>>, vector<16xf32>,
          %add3A_688 = arith.constant 32 : i32
          %add3A_689 = vector.broadcast %add3A_688 : i32 to vector<16xi32>
          %add3A_690 = arith.addi %iota3A, %add3A_689 : vector<16xi32>
          %gather3A_691 = tpu.vector_load_idx %arg8[%add3A_690, %broadcast_in_dim3A_208] : memref<64x128xf32, #tpu.memory_space<vmem>>[vector<16xi32>, vector<16xi32>], vector<16xf32>,
          %add3A_692 = arith.constant 64 : i32
          %add3A_693 = arith.addi %multiple_of3A_158, %add3A_692 : i32
          %add3A_694 = arith.constant 32 : i32
          %add3A_695 = arith.addi %add3A_693, %add3A_694 : i32
          %multiple_of3A_696 = tpu.assume_multiple %add3A_695, 16 : i32
          %swap3A_697 = arith.index_cast %multiple_of3A_696 : i32 to index
          %swap3A_698 = tpu.vector_load %arg7[%swap3A_697] {strides = array<i32>} : memref<2048xf32, #tpu.memory_space<vmem>>, vector<16xf32>,
          tpu.vector_store %arg7[%swap3A_697], %gather3A_691 {strides = array<i32>} : memref<2048xf32, #tpu.memory_space<vmem>>, vector<16xf32>,
          %add3A_699 = arith.constant 48 : i32
          %add3A_700 = vector.broadcast %add3A_699 : i32 to vector<16xi32>
          %add3A_701 = arith.addi %iota3A, %add3A_700 : vector<16xi32>
          %gather3A_702 = tpu.vector_load_idx %arg8[%add3A_701, %broadcast_in_dim3A_208] : memref<64x128xf32, #tpu.memory_space<vmem>>[vector<16xi32>, vector<16xi32>], vector<16xf32>,
          %add3A_703 = arith.constant 64 : i32
          %add3A_704 = arith.addi %multiple_of3A_158, %add3A_703 : i32
          %add3A_705 = arith.constant 48 : i32
          %add3A_706 = arith.addi %add3A_704, %add3A_705 : i32
          %multiple_of3A_707 = tpu.assume_multiple %add3A_706, 16 : i32
          %swap3A_708 = arith.index_cast %multiple_of3A_707 : i32 to index
          %swap3A_709 = tpu.vector_load %arg7[%swap3A_708] {strides = array<i32>} : memref<2048xf32, #tpu.memory_space<vmem>>, vector<16xf32>,
          tpu.vector_store %arg7[%swap3A_708], %gather3A_702 {strides = array<i32>} : memref<2048xf32, #tpu.memory_space<vmem>>, vector<16xf32>,
        } else {
        }
        %slice3A_219 = vector.extract_strided_slice %get3A_149 {offsets = [9], sizes = [1], strides = [1]} : vector<16xi32> to vector<1xi32>
        %squeeze3A_220 = vector.extract %slice3A_219[0] : i32 from vector<1xi32>
        %lt3A_221 = arith.constant 999936 : i32
        %lt3A_222 = arith.cmpi slt, %squeeze3A_220, %lt3A_221 : i32
        %shift_right_arithmetic3A_223 = arith.constant 7 : i32
        %shift_right_arithmetic3A_224 = arith.shrsi %squeeze3A_220, %shift_right_arithmetic3A_223 : i32
        %shift_left3A_225 = arith.constant 7 : i32
        %shift_left3A_226 = arith.shli %shift_right_arithmetic3A_224, %shift_left3A_225 : i32
        %jit3A_227 = arith.constant 0 : i32
        %select_n3A_228 = arith.select %lt3A_222, %shift_left3A_226, %jit3A_227 : i32
        %multiple_of3A_229 = tpu.assume_multiple %select_n3A_228, 128 : i32
        %dma_start3A_230 = arith.constant 0 : i32
        %dma_start3A_231 = tpu.memref_slice %arg2[%dma_start3A_230, %multiple_of3A_229] : memref<64x1000000xf32, #tpu.memory_space<hbm>> -> memref<64x128xf32, #tpu.memory_space<hbm>>
        %dma_start3A_232 = arith.constant 0 : i32
        %dma_start3A_233 = tpu.memref_slice %arg2[%dma_start3A_232, %multiple_of3A_229] : memref<64x1000000xf32, #tpu.memory_space<hbm>> -> memref<64x128xf32, #tpu.memory_space<hbm>>
        tpu.enqueue_dma source(%dma_start3A_233 : memref<64x128xf32, #tpu.memory_space<hbm>>) target(%arg10 : memref<64x128xf32, #tpu.memory_space<vmem>>) target_semaphore(%arg18 : memref<!tpu.dma_semaphore, #tpu.memory_space<semaphore_mem>>)
        %dma_wait3A_234 = arith.constant 0 : i32
        %dma_wait3A_235 = arith.constant 0 : i32
        %dma_wait3A_236 = tpu.memref_slice %arg2[%dma_wait3A_234, %dma_wait3A_235] : memref<64x1000000xf32, #tpu.memory_space<hbm>> -> memref<64x128xf32, #tpu.memory_space<hbm>>
        %dma_wait3A_237 = arith.constant 0 : i32
        %dma_wait3A_238 = arith.constant 0 : i32
        %dma_wait3A_239 = tpu.memref_slice %arg2[%dma_wait3A_237, %dma_wait3A_238] : memref<64x1000000xf32, #tpu.memory_space<hbm>> -> memref<64x128xf32, #tpu.memory_space<hbm>>
        tpu.wait_dma2 semaphore(%arg19 : memref<!tpu.dma_semaphore, #tpu.memory_space<semaphore_mem>>) src(%dma_wait3A_239 : memref<64x128xf32, #tpu.memory_space<hbm>>) dst(%arg11 : memref<64x128xf32, #tpu.memory_space<vmem>>)
        %slice3A_240 = vector.extract_strided_slice %get3A_149 {offsets = [2], sizes = [1], strides = [1]} : vector<16xi32> to vector<1xi32>
        %squeeze3A_241 = vector.extract %slice3A_240[0] : i32 from vector<1xi32>
        %and3A_242 = arith.constant 127 : i32
        %and3A_243 = arith.andi %squeeze3A_241, %and3A_242 : i32
        %broadcast_in_dim3A_244 = vector.broadcast %and3A_243 : i32 to vector<16xi32>
        %lt3A_245 = arith.constant 999936 : i32
        %lt3A_246 = arith.cmpi slt, %squeeze3A_241, %lt3A_245 : i32
        %convert_element_type3A_247 = arith.extui %lt3A_246 : i1 to i32
        %cond3A_248 = arith.constant 0 : i32
        %cond3A_249 = arith.cmpi ne, %convert_element_type3A_247, %cond3A_248 : i32
        scf.if %cond3A_249 {
          %add3A_668 = arith.constant 0 : i32
          %add3A_669 = vector.broadcast %add3A_668 : i32 to vector<16xi32>
          %add3A_670 = arith.addi %iota3A, %add3A_669 : vector<16xi32>
          %gather3A = tpu.vector_load_idx %arg11[%add3A_670, %broadcast_in_dim3A_244] : memref<64x128xf32, #tpu.memory_space<vmem>>[vector<16xi32>, vector<16xi32>], vector<16xf32>,
          %add3A_671 = arith.constant 128 : i32
          %add3A_672 = arith.addi %multiple_of3A_158, %add3A_671 : i32
          %add3A_673 = arith.constant 0 : i32
          %add3A_674 = arith.addi %add3A_672, %add3A_673 : i32
          %multiple_of3A_675 = tpu.assume_multiple %add3A_674, 16 : i32
          %swap3A = arith.index_cast %multiple_of3A_675 : i32 to index
          %swap3A_676 = tpu.vector_load %arg7[%swap3A] {strides = array<i32>} : memref<2048xf32, #tpu.memory_space<vmem>>, vector<16xf32>,
          tpu.vector_store %arg7[%swap3A], %gather3A {strides = array<i32>} : memref<2048xf32, #tpu.memory_space<vmem>>, vector<16xf32>,
          %add3A_677 = arith.constant 16 : i32
          %add3A_678 = vector.broadcast %add3A_677 : i32 to vector<16xi32>
          %add3A_679 = arith.addi %iota3A, %add3A_678 : vector<16xi32>
          %gather3A_680 = tpu.vector_load_idx %arg11[%add3A_679, %broadcast_in_dim3A_244] : memref<64x128xf32, #tpu.memory_space<vmem>>[vector<16xi32>, vector<16xi32>], vector<16xf32>,
          %add3A_681 = arith.constant 128 : i32
          %add3A_682 = arith.addi %multiple_of3A_158, %add3A_681 : i32
          %add3A_683 = arith.constant 16 : i32
          %add3A_684 = arith.addi %add3A_682, %add3A_683 : i32
          %multiple_of3A_685 = tpu.assume_multiple %add3A_684, 16 : i32
          %swap3A_686 = arith.index_cast %multiple_of3A_685 : i32 to index
          %swap3A_687 = tpu.vector_load %arg7[%swap3A_686] {strides = array<i32>} : memref<2048xf32, #tpu.memory_space<vmem>>, vector<16xf32>,
          tpu.vector_store %arg7[%swap3A_686], %gather3A_680 {strides = array<i32>} : memref<2048xf32, #tpu.memory_space<vmem>>, vector<16xf32>,
          %add3A_688 = arith.constant 32 : i32
          %add3A_689 = vector.broadcast %add3A_688 : i32 to vector<16xi32>
          %add3A_690 = arith.addi %iota3A, %add3A_689 : vector<16xi32>
          %gather3A_691 = tpu.vector_load_idx %arg11[%add3A_690, %broadcast_in_dim3A_244] : memref<64x128xf32, #tpu.memory_space<vmem>>[vector<16xi32>, vector<16xi32>], vector<16xf32>,
          %add3A_692 = arith.constant 128 : i32
          %add3A_693 = arith.addi %multiple_of3A_158, %add3A_692 : i32
          %add3A_694 = arith.constant 32 : i32
          %add3A_695 = arith.addi %add3A_693, %add3A_694 : i32
          %multiple_of3A_696 = tpu.assume_multiple %add3A_695, 16 : i32
          %swap3A_697 = arith.index_cast %multiple_of3A_696 : i32 to index
          %swap3A_698 = tpu.vector_load %arg7[%swap3A_697] {strides = array<i32>} : memref<2048xf32, #tpu.memory_space<vmem>>, vector<16xf32>,
          tpu.vector_store %arg7[%swap3A_697], %gather3A_691 {strides = array<i32>} : memref<2048xf32, #tpu.memory_space<vmem>>, vector<16xf32>,
          %add3A_699 = arith.constant 48 : i32
          %add3A_700 = vector.broadcast %add3A_699 : i32 to vector<16xi32>
          %add3A_701 = arith.addi %iota3A, %add3A_700 : vector<16xi32>
          %gather3A_702 = tpu.vector_load_idx %arg11[%add3A_701, %broadcast_in_dim3A_244] : memref<64x128xf32, #tpu.memory_space<vmem>>[vector<16xi32>, vector<16xi32>], vector<16xf32>,
          %add3A_703 = arith.constant 128 : i32
          %add3A_704 = arith.addi %multiple_of3A_158, %add3A_703 : i32
          %add3A_705 = arith.constant 48 : i32
          %add3A_706 = arith.addi %add3A_704, %add3A_705 : i32
          %multiple_of3A_707 = tpu.assume_multiple %add3A_706, 16 : i32
          %swap3A_708 = arith.index_cast %multiple_of3A_707 : i32 to index
          %swap3A_709 = tpu.vector_load %arg7[%swap3A_708] {strides = array<i32>} : memref<2048xf32, #tpu.memory_space<vmem>>, vector<16xf32>,
          tpu.vector_store %arg7[%swap3A_708], %gather3A_702 {strides = array<i32>} : memref<2048xf32, #tpu.memory_space<vmem>>, vector<16xf32>,
        } else {
        }
        %ge3A_250 = arith.constant 999936 : i32
        %ge3A_251 = arith.cmpi sge, %squeeze3A_241, %ge3A_250 : i32
        %convert_element_type3A_252 = arith.extui %ge3A_251 : i1 to i32
        %cond3A_253 = arith.constant 0 : i32
        %cond3A_254 = arith.cmpi ne, %convert_element_type3A_252, %cond3A_253 : i32
        scf.if %cond3A_254 {
          %add3A_668 = arith.constant 0 : i32
          %add3A_669 = vector.broadcast %add3A_668 : i32 to vector<16xi32>
          %add3A_670 = arith.addi %iota3A, %add3A_669 : vector<16xi32>
          %gather3A = tpu.vector_load_idx %arg8[%add3A_670, %broadcast_in_dim3A_244] : memref<64x128xf32, #tpu.memory_space<vmem>>[vector<16xi32>, vector<16xi32>], vector<16xf32>,
          %add3A_671 = arith.constant 128 : i32
          %add3A_672 = arith.addi %multiple_of3A_158, %add3A_671 : i32
          %add3A_673 = arith.constant 0 : i32
          %add3A_674 = arith.addi %add3A_672, %add3A_673 : i32
          %multiple_of3A_675 = tpu.assume_multiple %add3A_674, 16 : i32
          %swap3A = arith.index_cast %multiple_of3A_675 : i32 to index
          %swap3A_676 = tpu.vector_load %arg7[%swap3A] {strides = array<i32>} : memref<2048xf32, #tpu.memory_space<vmem>>, vector<16xf32>,
          tpu.vector_store %arg7[%swap3A], %gather3A {strides = array<i32>} : memref<2048xf32, #tpu.memory_space<vmem>>, vector<16xf32>,
          %add3A_677 = arith.constant 16 : i32
          %add3A_678 = vector.broadcast %add3A_677 : i32 to vector<16xi32>
          %add3A_679 = arith.addi %iota3A, %add3A_678 : vector<16xi32>
          %gather3A_680 = tpu.vector_load_idx %arg8[%add3A_679, %broadcast_in_dim3A_244] : memref<64x128xf32, #tpu.memory_space<vmem>>[vector<16xi32>, vector<16xi32>], vector<16xf32>,
          %add3A_681 = arith.constant 128 : i32
          %add3A_682 = arith.addi %multiple_of3A_158, %add3A_681 : i32
          %add3A_683 = arith.constant 16 : i32
          %add3A_684 = arith.addi %add3A_682, %add3A_683 : i32
          %multiple_of3A_685 = tpu.assume_multiple %add3A_684, 16 : i32
          %swap3A_686 = arith.index_cast %multiple_of3A_685 : i32 to index
          %swap3A_687 = tpu.vector_load %arg7[%swap3A_686] {strides = array<i32>} : memref<2048xf32, #tpu.memory_space<vmem>>, vector<16xf32>,
          tpu.vector_store %arg7[%swap3A_686], %gather3A_680 {strides = array<i32>} : memref<2048xf32, #tpu.memory_space<vmem>>, vector<16xf32>,
          %add3A_688 = arith.constant 32 : i32
          %add3A_689 = vector.broadcast %add3A_688 : i32 to vector<16xi32>
          %add3A_690 = arith.addi %iota3A, %add3A_689 : vector<16xi32>
          %gather3A_691 = tpu.vector_load_idx %arg8[%add3A_690, %broadcast_in_dim3A_244] : memref<64x128xf32, #tpu.memory_space<vmem>>[vector<16xi32>, vector<16xi32>], vector<16xf32>,
          %add3A_692 = arith.constant 128 : i32
          %add3A_693 = arith.addi %multiple_of3A_158, %add3A_692 : i32
          %add3A_694 = arith.constant 32 : i32
          %add3A_695 = arith.addi %add3A_693, %add3A_694 : i32
          %multiple_of3A_696 = tpu.assume_multiple %add3A_695, 16 : i32
          %swap3A_697 = arith.index_cast %multiple_of3A_696 : i32 to index
          %swap3A_698 = tpu.vector_load %arg7[%swap3A_697] {strides = array<i32>} : memref<2048xf32, #tpu.memory_space<vmem>>, vector<16xf32>,
          tpu.vector_store %arg7[%swap3A_697], %gather3A_691 {strides = array<i32>} : memref<2048xf32, #tpu.memory_space<vmem>>, vector<16xf32>,
          %add3A_699 = arith.constant 48 : i32
          %add3A_700 = vector.broadcast %add3A_699 : i32 to vector<16xi32>
          %add3A_701 = arith.addi %iota3A, %add3A_700 : vector<16xi32>
          %gather3A_702 = tpu.vector_load_idx %arg8[%add3A_701, %broadcast_in_dim3A_244] : memref<64x128xf32, #tpu.memory_space<vmem>>[vector<16xi32>, vector<16xi32>], vector<16xf32>,
          %add3A_703 = arith.constant 128 : i32
          %add3A_704 = arith.addi %multiple_of3A_158, %add3A_703 : i32
          %add3A_705 = arith.constant 48 : i32
          %add3A_706 = arith.addi %add3A_704, %add3A_705 : i32
          %multiple_of3A_707 = tpu.assume_multiple %add3A_706, 16 : i32
          %swap3A_708 = arith.index_cast %multiple_of3A_707 : i32 to index
          %swap3A_709 = tpu.vector_load %arg7[%swap3A_708] {strides = array<i32>} : memref<2048xf32, #tpu.memory_space<vmem>>, vector<16xf32>,
          tpu.vector_store %arg7[%swap3A_708], %gather3A_702 {strides = array<i32>} : memref<2048xf32, #tpu.memory_space<vmem>>, vector<16xf32>,
        } else {
        }
        %slice3A_255 = vector.extract_strided_slice %get3A_149 {offsets = [10], sizes = [1], strides = [1]} : vector<16xi32> to vector<1xi32>
        %squeeze3A_256 = vector.extract %slice3A_255[0] : i32 from vector<1xi32>
        %lt3A_257 = arith.constant 999936 : i32
        %lt3A_258 = arith.cmpi slt, %squeeze3A_256, %lt3A_257 : i32
        %shift_right_arithmetic3A_259 = arith.constant 7 : i32
        %shift_right_arithmetic3A_260 = arith.shrsi %squeeze3A_256, %shift_right_arithmetic3A_259 : i32
        %shift_left3A_261 = arith.constant 7 : i32
        %shift_left3A_262 = arith.shli %shift_right_arithmetic3A_260, %shift_left3A_261 : i32
        %jit3A_263 = arith.constant 0 : i32
        %select_n3A_264 = arith.select %lt3A_258, %shift_left3A_262, %jit3A_263 : i32
        %multiple_of3A_265 = tpu.assume_multiple %select_n3A_264, 128 : i32
        %dma_start3A_266 = arith.constant 0 : i32
        %dma_start3A_267 = tpu.memref_slice %arg2[%dma_start3A_266, %multiple_of3A_265] : memref<64x1000000xf32, #tpu.memory_space<hbm>> -> memref<64x128xf32, #tpu.memory_space<hbm>>
        %dma_start3A_268 = arith.constant 0 : i32
        %dma_start3A_269 = tpu.memref_slice %arg2[%dma_start3A_268, %multiple_of3A_265] : memref<64x1000000xf32, #tpu.memory_space<hbm>> -> memref<64x128xf32, #tpu.memory_space<hbm>>
        tpu.enqueue_dma source(%dma_start3A_269 : memref<64x128xf32, #tpu.memory_space<hbm>>) target(%arg11 : memref<64x128xf32, #tpu.memory_space<vmem>>) target_semaphore(%arg19 : memref<!tpu.dma_semaphore, #tpu.memory_space<semaphore_mem>>)
        %dma_wait3A_270 = arith.constant 0 : i32
        %dma_wait3A_271 = arith.constant 0 : i32
        %dma_wait3A_272 = tpu.memref_slice %arg2[%dma_wait3A_270, %dma_wait3A_271] : memref<64x1000000xf32, #tpu.memory_space<hbm>> -> memref<64x128xf32, #tpu.memory_space<hbm>>
        %dma_wait3A_273 = arith.constant 0 : i32
        %dma_wait3A_274 = arith.constant 0 : i32
        %dma_wait3A_275 = tpu.memref_slice %arg2[%dma_wait3A_273, %dma_wait3A_274] : memref<64x1000000xf32, #tpu.memory_space<hbm>> -> memref<64x128xf32, #tpu.memory_space<hbm>>
        tpu.wait_dma2 semaphore(%arg20 : memref<!tpu.dma_semaphore, #tpu.memory_space<semaphore_mem>>) src(%dma_wait3A_275 : memref<64x128xf32, #tpu.memory_space<hbm>>) dst(%arg12 : memref<64x128xf32, #tpu.memory_space<vmem>>)
        %slice3A_276 = vector.extract_strided_slice %get3A_149 {offsets = [3], sizes = [1], strides = [1]} : vector<16xi32> to vector<1xi32>
        %squeeze3A_277 = vector.extract %slice3A_276[0] : i32 from vector<1xi32>
        %and3A_278 = arith.constant 127 : i32
        %and3A_279 = arith.andi %squeeze3A_277, %and3A_278 : i32
        %broadcast_in_dim3A_280 = vector.broadcast %and3A_279 : i32 to vector<16xi32>
        %lt3A_281 = arith.constant 999936 : i32
        %lt3A_282 = arith.cmpi slt, %squeeze3A_277, %lt3A_281 : i32
        %convert_element_type3A_283 = arith.extui %lt3A_282 : i1 to i32
        %cond3A_284 = arith.constant 0 : i32
        %cond3A_285 = arith.cmpi ne, %convert_element_type3A_283, %cond3A_284 : i32
        scf.if %cond3A_285 {
          %add3A_668 = arith.constant 0 : i32
          %add3A_669 = vector.broadcast %add3A_668 : i32 to vector<16xi32>
          %add3A_670 = arith.addi %iota3A, %add3A_669 : vector<16xi32>
          %gather3A = tpu.vector_load_idx %arg12[%add3A_670, %broadcast_in_dim3A_280] : memref<64x128xf32, #tpu.memory_space<vmem>>[vector<16xi32>, vector<16xi32>], vector<16xf32>,
          %add3A_671 = arith.constant 192 : i32
          %add3A_672 = arith.addi %multiple_of3A_158, %add3A_671 : i32
          %add3A_673 = arith.constant 0 : i32
          %add3A_674 = arith.addi %add3A_672, %add3A_673 : i32
          %multiple_of3A_675 = tpu.assume_multiple %add3A_674, 16 : i32
          %swap3A = arith.index_cast %multiple_of3A_675 : i32 to index
          %swap3A_676 = tpu.vector_load %arg7[%swap3A] {strides = array<i32>} : memref<2048xf32, #tpu.memory_space<vmem>>, vector<16xf32>,
          tpu.vector_store %arg7[%swap3A], %gather3A {strides = array<i32>} : memref<2048xf32, #tpu.memory_space<vmem>>, vector<16xf32>,
          %add3A_677 = arith.constant 16 : i32
          %add3A_678 = vector.broadcast %add3A_677 : i32 to vector<16xi32>
          %add3A_679 = arith.addi %iota3A, %add3A_678 : vector<16xi32>
          %gather3A_680 = tpu.vector_load_idx %arg12[%add3A_679, %broadcast_in_dim3A_280] : memref<64x128xf32, #tpu.memory_space<vmem>>[vector<16xi32>, vector<16xi32>], vector<16xf32>,
          %add3A_681 = arith.constant 192 : i32
          %add3A_682 = arith.addi %multiple_of3A_158, %add3A_681 : i32
          %add3A_683 = arith.constant 16 : i32
          %add3A_684 = arith.addi %add3A_682, %add3A_683 : i32
          %multiple_of3A_685 = tpu.assume_multiple %add3A_684, 16 : i32
          %swap3A_686 = arith.index_cast %multiple_of3A_685 : i32 to index
          %swap3A_687 = tpu.vector_load %arg7[%swap3A_686] {strides = array<i32>} : memref<2048xf32, #tpu.memory_space<vmem>>, vector<16xf32>,
          tpu.vector_store %arg7[%swap3A_686], %gather3A_680 {strides = array<i32>} : memref<2048xf32, #tpu.memory_space<vmem>>, vector<16xf32>,
          %add3A_688 = arith.constant 32 : i32
          %add3A_689 = vector.broadcast %add3A_688 : i32 to vector<16xi32>
          %add3A_690 = arith.addi %iota3A, %add3A_689 : vector<16xi32>
          %gather3A_691 = tpu.vector_load_idx %arg12[%add3A_690, %broadcast_in_dim3A_280] : memref<64x128xf32, #tpu.memory_space<vmem>>[vector<16xi32>, vector<16xi32>], vector<16xf32>,
          %add3A_692 = arith.constant 192 : i32
          %add3A_693 = arith.addi %multiple_of3A_158, %add3A_692 : i32
          %add3A_694 = arith.constant 32 : i32
          %add3A_695 = arith.addi %add3A_693, %add3A_694 : i32
          %multiple_of3A_696 = tpu.assume_multiple %add3A_695, 16 : i32
          %swap3A_697 = arith.index_cast %multiple_of3A_696 : i32 to index
          %swap3A_698 = tpu.vector_load %arg7[%swap3A_697] {strides = array<i32>} : memref<2048xf32, #tpu.memory_space<vmem>>, vector<16xf32>,
          tpu.vector_store %arg7[%swap3A_697], %gather3A_691 {strides = array<i32>} : memref<2048xf32, #tpu.memory_space<vmem>>, vector<16xf32>,
          %add3A_699 = arith.constant 48 : i32
          %add3A_700 = vector.broadcast %add3A_699 : i32 to vector<16xi32>
          %add3A_701 = arith.addi %iota3A, %add3A_700 : vector<16xi32>
          %gather3A_702 = tpu.vector_load_idx %arg12[%add3A_701, %broadcast_in_dim3A_280] : memref<64x128xf32, #tpu.memory_space<vmem>>[vector<16xi32>, vector<16xi32>], vector<16xf32>,
          %add3A_703 = arith.constant 192 : i32
          %add3A_704 = arith.addi %multiple_of3A_158, %add3A_703 : i32
          %add3A_705 = arith.constant 48 : i32
          %add3A_706 = arith.addi %add3A_704, %add3A_705 : i32
          %multiple_of3A_707 = tpu.assume_multiple %add3A_706, 16 : i32
          %swap3A_708 = arith.index_cast %multiple_of3A_707 : i32 to index
          %swap3A_709 = tpu.vector_load %arg7[%swap3A_708] {strides = array<i32>} : memref<2048xf32, #tpu.memory_space<vmem>>, vector<16xf32>,
          tpu.vector_store %arg7[%swap3A_708], %gather3A_702 {strides = array<i32>} : memref<2048xf32, #tpu.memory_space<vmem>>, vector<16xf32>,
        } else {
        }
        %ge3A_286 = arith.constant 999936 : i32
        %ge3A_287 = arith.cmpi sge, %squeeze3A_277, %ge3A_286 : i32
        %convert_element_type3A_288 = arith.extui %ge3A_287 : i1 to i32
        %cond3A_289 = arith.constant 0 : i32
        %cond3A_290 = arith.cmpi ne, %convert_element_type3A_288, %cond3A_289 : i32
        scf.if %cond3A_290 {
          %add3A_668 = arith.constant 0 : i32
          %add3A_669 = vector.broadcast %add3A_668 : i32 to vector<16xi32>
          %add3A_670 = arith.addi %iota3A, %add3A_669 : vector<16xi32>
          %gather3A = tpu.vector_load_idx %arg8[%add3A_670, %broadcast_in_dim3A_280] : memref<64x128xf32, #tpu.memory_space<vmem>>[vector<16xi32>, vector<16xi32>], vector<16xf32>,
          %add3A_671 = arith.constant 192 : i32
          %add3A_672 = arith.addi %multiple_of3A_158, %add3A_671 : i32
          %add3A_673 = arith.constant 0 : i32
          %add3A_674 = arith.addi %add3A_672, %add3A_673 : i32
          %multiple_of3A_675 = tpu.assume_multiple %add3A_674, 16 : i32
          %swap3A = arith.index_cast %multiple_of3A_675 : i32 to index
          %swap3A_676 = tpu.vector_load %arg7[%swap3A] {strides = array<i32>} : memref<2048xf32, #tpu.memory_space<vmem>>, vector<16xf32>,
          tpu.vector_store %arg7[%swap3A], %gather3A {strides = array<i32>} : memref<2048xf32, #tpu.memory_space<vmem>>, vector<16xf32>,
          %add3A_677 = arith.constant 16 : i32
          %add3A_678 = vector.broadcast %add3A_677 : i32 to vector<16xi32>
          %add3A_679 = arith.addi %iota3A, %add3A_678 : vector<16xi32>
          %gather3A_680 = tpu.vector_load_idx %arg8[%add3A_679, %broadcast_in_dim3A_280] : memref<64x128xf32, #tpu.memory_space<vmem>>[vector<16xi32>, vector<16xi32>], vector<16xf32>,
          %add3A_681 = arith.constant 192 : i32
          %add3A_682 = arith.addi %multiple_of3A_158, %add3A_681 : i32
          %add3A_683 = arith.constant 16 : i32
          %add3A_684 = arith.addi %add3A_682, %add3A_683 : i32
          %multiple_of3A_685 = tpu.assume_multiple %add3A_684, 16 : i32
          %swap3A_686 = arith.index_cast %multiple_of3A_685 : i32 to index
          %swap3A_687 = tpu.vector_load %arg7[%swap3A_686] {strides = array<i32>} : memref<2048xf32, #tpu.memory_space<vmem>>, vector<16xf32>,
          tpu.vector_store %arg7[%swap3A_686], %gather3A_680 {strides = array<i32>} : memref<2048xf32, #tpu.memory_space<vmem>>, vector<16xf32>,
          %add3A_688 = arith.constant 32 : i32
          %add3A_689 = vector.broadcast %add3A_688 : i32 to vector<16xi32>
          %add3A_690 = arith.addi %iota3A, %add3A_689 : vector<16xi32>
          %gather3A_691 = tpu.vector_load_idx %arg8[%add3A_690, %broadcast_in_dim3A_280] : memref<64x128xf32, #tpu.memory_space<vmem>>[vector<16xi32>, vector<16xi32>], vector<16xf32>,
          %add3A_692 = arith.constant 192 : i32
          %add3A_693 = arith.addi %multiple_of3A_158, %add3A_692 : i32
          %add3A_694 = arith.constant 32 : i32
          %add3A_695 = arith.addi %add3A_693, %add3A_694 : i32
          %multiple_of3A_696 = tpu.assume_multiple %add3A_695, 16 : i32
          %swap3A_697 = arith.index_cast %multiple_of3A_696 : i32 to index
          %swap3A_698 = tpu.vector_load %arg7[%swap3A_697] {strides = array<i32>} : memref<2048xf32, #tpu.memory_space<vmem>>, vector<16xf32>,
          tpu.vector_store %arg7[%swap3A_697], %gather3A_691 {strides = array<i32>} : memref<2048xf32, #tpu.memory_space<vmem>>, vector<16xf32>,
          %add3A_699 = arith.constant 48 : i32
          %add3A_700 = vector.broadcast %add3A_699 : i32 to vector<16xi32>
          %add3A_701 = arith.addi %iota3A, %add3A_700 : vector<16xi32>
          %gather3A_702 = tpu.vector_load_idx %arg8[%add3A_701, %broadcast_in_dim3A_280] : memref<64x128xf32, #tpu.memory_space<vmem>>[vector<16xi32>, vector<16xi32>], vector<16xf32>,
          %add3A_703 = arith.constant 192 : i32
          %add3A_704 = arith.addi %multiple_of3A_158, %add3A_703 : i32
          %add3A_705 = arith.constant 48 : i32
          %add3A_706 = arith.addi %add3A_704, %add3A_705 : i32
          %multiple_of3A_707 = tpu.assume_multiple %add3A_706, 16 : i32
          %swap3A_708 = arith.index_cast %multiple_of3A_707 : i32 to index
          %swap3A_709 = tpu.vector_load %arg7[%swap3A_708] {strides = array<i32>} : memref<2048xf32, #tpu.memory_space<vmem>>, vector<16xf32>,
          tpu.vector_store %arg7[%swap3A_708], %gather3A_702 {strides = array<i32>} : memref<2048xf32, #tpu.memory_space<vmem>>, vector<16xf32>,
        } else {
        }
        %slice3A_291 = vector.extract_strided_slice %get3A_149 {offsets = [11], sizes = [1], strides = [1]} : vector<16xi32> to vector<1xi32>
        %squeeze3A_292 = vector.extract %slice3A_291[0] : i32 from vector<1xi32>
        %lt3A_293 = arith.constant 999936 : i32
        %lt3A_294 = arith.cmpi slt, %squeeze3A_292, %lt3A_293 : i32
        %shift_right_arithmetic3A_295 = arith.constant 7 : i32
        %shift_right_arithmetic3A_296 = arith.shrsi %squeeze3A_292, %shift_right_arithmetic3A_295 : i32
        %shift_left3A_297 = arith.constant 7 : i32
        %shift_left3A_298 = arith.shli %shift_right_arithmetic3A_296, %shift_left3A_297 : i32
        %jit3A_299 = arith.constant 0 : i32
        %select_n3A_300 = arith.select %lt3A_294, %shift_left3A_298, %jit3A_299 : i32
        %multiple_of3A_301 = tpu.assume_multiple %select_n3A_300, 128 : i32
        %dma_start3A_302 = arith.constant 0 : i32
        %dma_start3A_303 = tpu.memref_slice %arg2[%dma_start3A_302, %multiple_of3A_301] : memref<64x1000000xf32, #tpu.memory_space<hbm>> -> memref<64x128xf32, #tpu.memory_space<hbm>>
        %dma_start3A_304 = arith.constant 0 : i32
        %dma_start3A_305 = tpu.memref_slice %arg2[%dma_start3A_304, %multiple_of3A_301] : memref<64x1000000xf32, #tpu.memory_space<hbm>> -> memref<64x128xf32, #tpu.memory_space<hbm>>
        tpu.enqueue_dma source(%dma_start3A_305 : memref<64x128xf32, #tpu.memory_space<hbm>>) target(%arg12 : memref<64x128xf32, #tpu.memory_space<vmem>>) target_semaphore(%arg20 : memref<!tpu.dma_semaphore, #tpu.memory_space<semaphore_mem>>)
        %dma_wait3A_306 = arith.constant 0 : i32
        %dma_wait3A_307 = arith.constant 0 : i32
        %dma_wait3A_308 = tpu.memref_slice %arg2[%dma_wait3A_306, %dma_wait3A_307] : memref<64x1000000xf32, #tpu.memory_space<hbm>> -> memref<64x128xf32, #tpu.memory_space<hbm>>
        %dma_wait3A_309 = arith.constant 0 : i32
        %dma_wait3A_310 = arith.constant 0 : i32
        %dma_wait3A_311 = tpu.memref_slice %arg2[%dma_wait3A_309, %dma_wait3A_310] : memref<64x1000000xf32, #tpu.memory_space<hbm>> -> memref<64x128xf32, #tpu.memory_space<hbm>>
        tpu.wait_dma2 semaphore(%arg21 : memref<!tpu.dma_semaphore, #tpu.memory_space<semaphore_mem>>) src(%dma_wait3A_311 : memref<64x128xf32, #tpu.memory_space<hbm>>) dst(%arg13 : memref<64x128xf32, #tpu.memory_space<vmem>>)
        %slice3A_312 = vector.extract_strided_slice %get3A_149 {offsets = [4], sizes = [1], strides = [1]} : vector<16xi32> to vector<1xi32>
        %squeeze3A_313 = vector.extract %slice3A_312[0] : i32 from vector<1xi32>
        %and3A_314 = arith.constant 127 : i32
        %and3A_315 = arith.andi %squeeze3A_313, %and3A_314 : i32
        %broadcast_in_dim3A_316 = vector.broadcast %and3A_315 : i32 to vector<16xi32>
        %lt3A_317 = arith.constant 999936 : i32
        %lt3A_318 = arith.cmpi slt, %squeeze3A_313, %lt3A_317 : i32
        %convert_element_type3A_319 = arith.extui %lt3A_318 : i1 to i32
        %cond3A_320 = arith.constant 0 : i32
        %cond3A_321 = arith.cmpi ne, %convert_element_type3A_319, %cond3A_320 : i32
        scf.if %cond3A_321 {
          %add3A_668 = arith.constant 0 : i32
          %add3A_669 = vector.broadcast %add3A_668 : i32 to vector<16xi32>
          %add3A_670 = arith.addi %iota3A, %add3A_669 : vector<16xi32>
          %gather3A = tpu.vector_load_idx %arg13[%add3A_670, %broadcast_in_dim3A_316] : memref<64x128xf32, #tpu.memory_space<vmem>>[vector<16xi32>, vector<16xi32>], vector<16xf32>,
          %add3A_671 = arith.constant 256 : i32
          %add3A_672 = arith.addi %multiple_of3A_158, %add3A_671 : i32
          %add3A_673 = arith.constant 0 : i32
          %add3A_674 = arith.addi %add3A_672, %add3A_673 : i32
          %multiple_of3A_675 = tpu.assume_multiple %add3A_674, 16 : i32
          %swap3A = arith.index_cast %multiple_of3A_675 : i32 to index
          %swap3A_676 = tpu.vector_load %arg7[%swap3A] {strides = array<i32>} : memref<2048xf32, #tpu.memory_space<vmem>>, vector<16xf32>,
          tpu.vector_store %arg7[%swap3A], %gather3A {strides = array<i32>} : memref<2048xf32, #tpu.memory_space<vmem>>, vector<16xf32>,
          %add3A_677 = arith.constant 16 : i32
          %add3A_678 = vector.broadcast %add3A_677 : i32 to vector<16xi32>
          %add3A_679 = arith.addi %iota3A, %add3A_678 : vector<16xi32>
          %gather3A_680 = tpu.vector_load_idx %arg13[%add3A_679, %broadcast_in_dim3A_316] : memref<64x128xf32, #tpu.memory_space<vmem>>[vector<16xi32>, vector<16xi32>], vector<16xf32>,
          %add3A_681 = arith.constant 256 : i32
          %add3A_682 = arith.addi %multiple_of3A_158, %add3A_681 : i32
          %add3A_683 = arith.constant 16 : i32
          %add3A_684 = arith.addi %add3A_682, %add3A_683 : i32
          %multiple_of3A_685 = tpu.assume_multiple %add3A_684, 16 : i32
          %swap3A_686 = arith.index_cast %multiple_of3A_685 : i32 to index
          %swap3A_687 = tpu.vector_load %arg7[%swap3A_686] {strides = array<i32>} : memref<2048xf32, #tpu.memory_space<vmem>>, vector<16xf32>,
          tpu.vector_store %arg7[%swap3A_686], %gather3A_680 {strides = array<i32>} : memref<2048xf32, #tpu.memory_space<vmem>>, vector<16xf32>,
          %add3A_688 = arith.constant 32 : i32
          %add3A_689 = vector.broadcast %add3A_688 : i32 to vector<16xi32>
          %add3A_690 = arith.addi %iota3A, %add3A_689 : vector<16xi32>
          %gather3A_691 = tpu.vector_load_idx %arg13[%add3A_690, %broadcast_in_dim3A_316] : memref<64x128xf32, #tpu.memory_space<vmem>>[vector<16xi32>, vector<16xi32>], vector<16xf32>,
          %add3A_692 = arith.constant 256 : i32
          %add3A_693 = arith.addi %multiple_of3A_158, %add3A_692 : i32
          %add3A_694 = arith.constant 32 : i32
          %add3A_695 = arith.addi %add3A_693, %add3A_694 : i32
          %multiple_of3A_696 = tpu.assume_multiple %add3A_695, 16 : i32
          %swap3A_697 = arith.index_cast %multiple_of3A_696 : i32 to index
          %swap3A_698 = tpu.vector_load %arg7[%swap3A_697] {strides = array<i32>} : memref<2048xf32, #tpu.memory_space<vmem>>, vector<16xf32>,
          tpu.vector_store %arg7[%swap3A_697], %gather3A_691 {strides = array<i32>} : memref<2048xf32, #tpu.memory_space<vmem>>, vector<16xf32>,
          %add3A_699 = arith.constant 48 : i32
          %add3A_700 = vector.broadcast %add3A_699 : i32 to vector<16xi32>
          %add3A_701 = arith.addi %iota3A, %add3A_700 : vector<16xi32>
          %gather3A_702 = tpu.vector_load_idx %arg13[%add3A_701, %broadcast_in_dim3A_316] : memref<64x128xf32, #tpu.memory_space<vmem>>[vector<16xi32>, vector<16xi32>], vector<16xf32>,
          %add3A_703 = arith.constant 256 : i32
          %add3A_704 = arith.addi %multiple_of3A_158, %add3A_703 : i32
          %add3A_705 = arith.constant 48 : i32
          %add3A_706 = arith.addi %add3A_704, %add3A_705 : i32
          %multiple_of3A_707 = tpu.assume_multiple %add3A_706, 16 : i32
          %swap3A_708 = arith.index_cast %multiple_of3A_707 : i32 to index
          %swap3A_709 = tpu.vector_load %arg7[%swap3A_708] {strides = array<i32>} : memref<2048xf32, #tpu.memory_space<vmem>>, vector<16xf32>,
          tpu.vector_store %arg7[%swap3A_708], %gather3A_702 {strides = array<i32>} : memref<2048xf32, #tpu.memory_space<vmem>>, vector<16xf32>,
        } else {
        }
        %ge3A_322 = arith.constant 999936 : i32
        %ge3A_323 = arith.cmpi sge, %squeeze3A_313, %ge3A_322 : i32
        %convert_element_type3A_324 = arith.extui %ge3A_323 : i1 to i32
        %cond3A_325 = arith.constant 0 : i32
        %cond3A_326 = arith.cmpi ne, %convert_element_type3A_324, %cond3A_325 : i32
        scf.if %cond3A_326 {
          %add3A_668 = arith.constant 0 : i32
          %add3A_669 = vector.broadcast %add3A_668 : i32 to vector<16xi32>
          %add3A_670 = arith.addi %iota3A, %add3A_669 : vector<16xi32>
          %gather3A = tpu.vector_load_idx %arg8[%add3A_670, %broadcast_in_dim3A_316] : memref<64x128xf32, #tpu.memory_space<vmem>>[vector<16xi32>, vector<16xi32>], vector<16xf32>,
          %add3A_671 = arith.constant 256 : i32
          %add3A_672 = arith.addi %multiple_of3A_158, %add3A_671 : i32
          %add3A_673 = arith.constant 0 : i32
          %add3A_674 = arith.addi %add3A_672, %add3A_673 : i32
          %multiple_of3A_675 = tpu.assume_multiple %add3A_674, 16 : i32
          %swap3A = arith.index_cast %multiple_of3A_675 : i32 to index
          %swap3A_676 = tpu.vector_load %arg7[%swap3A] {strides = array<i32>} : memref<2048xf32, #tpu.memory_space<vmem>>, vector<16xf32>,
          tpu.vector_store %arg7[%swap3A], %gather3A {strides = array<i32>} : memref<2048xf32, #tpu.memory_space<vmem>>, vector<16xf32>,
          %add3A_677 = arith.constant 16 : i32
          %add3A_678 = vector.broadcast %add3A_677 : i32 to vector<16xi32>
          %add3A_679 = arith.addi %iota3A, %add3A_678 : vector<16xi32>
          %gather3A_680 = tpu.vector_load_idx %arg8[%add3A_679, %broadcast_in_dim3A_316] : memref<64x128xf32, #tpu.memory_space<vmem>>[vector<16xi32>, vector<16xi32>], vector<16xf32>,
          %add3A_681 = arith.constant 256 : i32
          %add3A_682 = arith.addi %multiple_of3A_158, %add3A_681 : i32
          %add3A_683 = arith.constant 16 : i32
          %add3A_684 = arith.addi %add3A_682, %add3A_683 : i32
          %multiple_of3A_685 = tpu.assume_multiple %add3A_684, 16 : i32
          %swap3A_686 = arith.index_cast %multiple_of3A_685 : i32 to index
          %swap3A_687 = tpu.vector_load %arg7[%swap3A_686] {strides = array<i32>} : memref<2048xf32, #tpu.memory_space<vmem>>, vector<16xf32>,
          tpu.vector_store %arg7[%swap3A_686], %gather3A_680 {strides = array<i32>} : memref<2048xf32, #tpu.memory_space<vmem>>, vector<16xf32>,
          %add3A_688 = arith.constant 32 : i32
          %add3A_689 = vector.broadcast %add3A_688 : i32 to vector<16xi32>
          %add3A_690 = arith.addi %iota3A, %add3A_689 : vector<16xi32>
          %gather3A_691 = tpu.vector_load_idx %arg8[%add3A_690, %broadcast_in_dim3A_316] : memref<64x128xf32, #tpu.memory_space<vmem>>[vector<16xi32>, vector<16xi32>], vector<16xf32>,
          %add3A_692 = arith.constant 256 : i32
          %add3A_693 = arith.addi %multiple_of3A_158, %add3A_692 : i32
          %add3A_694 = arith.constant 32 : i32
          %add3A_695 = arith.addi %add3A_693, %add3A_694 : i32
          %multiple_of3A_696 = tpu.assume_multiple %add3A_695, 16 : i32
          %swap3A_697 = arith.index_cast %multiple_of3A_696 : i32 to index
          %swap3A_698 = tpu.vector_load %arg7[%swap3A_697] {strides = array<i32>} : memref<2048xf32, #tpu.memory_space<vmem>>, vector<16xf32>,
          tpu.vector_store %arg7[%swap3A_697], %gather3A_691 {strides = array<i32>} : memref<2048xf32, #tpu.memory_space<vmem>>, vector<16xf32>,
          %add3A_699 = arith.constant 48 : i32
          %add3A_700 = vector.broadcast %add3A_699 : i32 to vector<16xi32>
          %add3A_701 = arith.addi %iota3A, %add3A_700 : vector<16xi32>
          %gather3A_702 = tpu.vector_load_idx %arg8[%add3A_701, %broadcast_in_dim3A_316] : memref<64x128xf32, #tpu.memory_space<vmem>>[vector<16xi32>, vector<16xi32>], vector<16xf32>,
          %add3A_703 = arith.constant 256 : i32
          %add3A_704 = arith.addi %multiple_of3A_158, %add3A_703 : i32
          %add3A_705 = arith.constant 48 : i32
          %add3A_706 = arith.addi %add3A_704, %add3A_705 : i32
          %multiple_of3A_707 = tpu.assume_multiple %add3A_706, 16 : i32
          %swap3A_708 = arith.index_cast %multiple_of3A_707 : i32 to index
          %swap3A_709 = tpu.vector_load %arg7[%swap3A_708] {strides = array<i32>} : memref<2048xf32, #tpu.memory_space<vmem>>, vector<16xf32>,
          tpu.vector_store %arg7[%swap3A_708], %gather3A_702 {strides = array<i32>} : memref<2048xf32, #tpu.memory_space<vmem>>, vector<16xf32>,
        } else {
        }
        %slice3A_327 = vector.extract_strided_slice %get3A_149 {offsets = [12], sizes = [1], strides = [1]} : vector<16xi32> to vector<1xi32>
        %squeeze3A_328 = vector.extract %slice3A_327[0] : i32 from vector<1xi32>
        %lt3A_329 = arith.constant 999936 : i32
        %lt3A_330 = arith.cmpi slt, %squeeze3A_328, %lt3A_329 : i32
        %shift_right_arithmetic3A_331 = arith.constant 7 : i32
        %shift_right_arithmetic3A_332 = arith.shrsi %squeeze3A_328, %shift_right_arithmetic3A_331 : i32
        %shift_left3A_333 = arith.constant 7 : i32
        %shift_left3A_334 = arith.shli %shift_right_arithmetic3A_332, %shift_left3A_333 : i32
        %jit3A_335 = arith.constant 0 : i32
        %select_n3A_336 = arith.select %lt3A_330, %shift_left3A_334, %jit3A_335 : i32
        %multiple_of3A_337 = tpu.assume_multiple %select_n3A_336, 128 : i32
        %dma_start3A_338 = arith.constant 0 : i32
        %dma_start3A_339 = tpu.memref_slice %arg2[%dma_start3A_338, %multiple_of3A_337] : memref<64x1000000xf32, #tpu.memory_space<hbm>> -> memref<64x128xf32, #tpu.memory_space<hbm>>
        %dma_start3A_340 = arith.constant 0 : i32
        %dma_start3A_341 = tpu.memref_slice %arg2[%dma_start3A_340, %multiple_of3A_337] : memref<64x1000000xf32, #tpu.memory_space<hbm>> -> memref<64x128xf32, #tpu.memory_space<hbm>>
        tpu.enqueue_dma source(%dma_start3A_341 : memref<64x128xf32, #tpu.memory_space<hbm>>) target(%arg13 : memref<64x128xf32, #tpu.memory_space<vmem>>) target_semaphore(%arg21 : memref<!tpu.dma_semaphore, #tpu.memory_space<semaphore_mem>>)
        %dma_wait3A_342 = arith.constant 0 : i32
        %dma_wait3A_343 = arith.constant 0 : i32
        %dma_wait3A_344 = tpu.memref_slice %arg2[%dma_wait3A_342, %dma_wait3A_343] : memref<64x1000000xf32, #tpu.memory_space<hbm>> -> memref<64x128xf32, #tpu.memory_space<hbm>>
        %dma_wait3A_345 = arith.constant 0 : i32
        %dma_wait3A_346 = arith.constant 0 : i32
        %dma_wait3A_347 = tpu.memref_slice %arg2[%dma_wait3A_345, %dma_wait3A_346] : memref<64x1000000xf32, #tpu.memory_space<hbm>> -> memref<64x128xf32, #tpu.memory_space<hbm>>
        tpu.wait_dma2 semaphore(%arg22 : memref<!tpu.dma_semaphore, #tpu.memory_space<semaphore_mem>>) src(%dma_wait3A_347 : memref<64x128xf32, #tpu.memory_space<hbm>>) dst(%arg14 : memref<64x128xf32, #tpu.memory_space<vmem>>)
        %slice3A_348 = vector.extract_strided_slice %get3A_149 {offsets = [5], sizes = [1], strides = [1]} : vector<16xi32> to vector<1xi32>
        %squeeze3A_349 = vector.extract %slice3A_348[0] : i32 from vector<1xi32>
        %and3A_350 = arith.constant 127 : i32
        %and3A_351 = arith.andi %squeeze3A_349, %and3A_350 : i32
        %broadcast_in_dim3A_352 = vector.broadcast %and3A_351 : i32 to vector<16xi32>
        %lt3A_353 = arith.constant 999936 : i32
        %lt3A_354 = arith.cmpi slt, %squeeze3A_349, %lt3A_353 : i32
        %convert_element_type3A_355 = arith.extui %lt3A_354 : i1 to i32
        %cond3A_356 = arith.constant 0 : i32
        %cond3A_357 = arith.cmpi ne, %convert_element_type3A_355, %cond3A_356 : i32
        scf.if %cond3A_357 {
          %add3A_668 = arith.constant 0 : i32
          %add3A_669 = vector.broadcast %add3A_668 : i32 to vector<16xi32>
          %add3A_670 = arith.addi %iota3A, %add3A_669 : vector<16xi32>
          %gather3A = tpu.vector_load_idx %arg14[%add3A_670, %broadcast_in_dim3A_352] : memref<64x128xf32, #tpu.memory_space<vmem>>[vector<16xi32>, vector<16xi32>], vector<16xf32>,
          %add3A_671 = arith.constant 320 : i32
          %add3A_672 = arith.addi %multiple_of3A_158, %add3A_671 : i32
          %add3A_673 = arith.constant 0 : i32
          %add3A_674 = arith.addi %add3A_672, %add3A_673 : i32
          %multiple_of3A_675 = tpu.assume_multiple %add3A_674, 16 : i32
          %swap3A = arith.index_cast %multiple_of3A_675 : i32 to index
          %swap3A_676 = tpu.vector_load %arg7[%swap3A] {strides = array<i32>} : memref<2048xf32, #tpu.memory_space<vmem>>, vector<16xf32>,
          tpu.vector_store %arg7[%swap3A], %gather3A {strides = array<i32>} : memref<2048xf32, #tpu.memory_space<vmem>>, vector<16xf32>,
          %add3A_677 = arith.constant 16 : i32
          %add3A_678 = vector.broadcast %add3A_677 : i32 to vector<16xi32>
          %add3A_679 = arith.addi %iota3A, %add3A_678 : vector<16xi32>
          %gather3A_680 = tpu.vector_load_idx %arg14[%add3A_679, %broadcast_in_dim3A_352] : memref<64x128xf32, #tpu.memory_space<vmem>>[vector<16xi32>, vector<16xi32>], vector<16xf32>,
          %add3A_681 = arith.constant 320 : i32
          %add3A_682 = arith.addi %multiple_of3A_158, %add3A_681 : i32
          %add3A_683 = arith.constant 16 : i32
          %add3A_684 = arith.addi %add3A_682, %add3A_683 : i32
          %multiple_of3A_685 = tpu.assume_multiple %add3A_684, 16 : i32
          %swap3A_686 = arith.index_cast %multiple_of3A_685 : i32 to index
          %swap3A_687 = tpu.vector_load %arg7[%swap3A_686] {strides = array<i32>} : memref<2048xf32, #tpu.memory_space<vmem>>, vector<16xf32>,
          tpu.vector_store %arg7[%swap3A_686], %gather3A_680 {strides = array<i32>} : memref<2048xf32, #tpu.memory_space<vmem>>, vector<16xf32>,
          %add3A_688 = arith.constant 32 : i32
          %add3A_689 = vector.broadcast %add3A_688 : i32 to vector<16xi32>
          %add3A_690 = arith.addi %iota3A, %add3A_689 : vector<16xi32>
          %gather3A_691 = tpu.vector_load_idx %arg14[%add3A_690, %broadcast_in_dim3A_352] : memref<64x128xf32, #tpu.memory_space<vmem>>[vector<16xi32>, vector<16xi32>], vector<16xf32>,
          %add3A_692 = arith.constant 320 : i32
          %add3A_693 = arith.addi %multiple_of3A_158, %add3A_692 : i32
          %add3A_694 = arith.constant 32 : i32
          %add3A_695 = arith.addi %add3A_693, %add3A_694 : i32
          %multiple_of3A_696 = tpu.assume_multiple %add3A_695, 16 : i32
          %swap3A_697 = arith.index_cast %multiple_of3A_696 : i32 to index
          %swap3A_698 = tpu.vector_load %arg7[%swap3A_697] {strides = array<i32>} : memref<2048xf32, #tpu.memory_space<vmem>>, vector<16xf32>,
          tpu.vector_store %arg7[%swap3A_697], %gather3A_691 {strides = array<i32>} : memref<2048xf32, #tpu.memory_space<vmem>>, vector<16xf32>,
          %add3A_699 = arith.constant 48 : i32
          %add3A_700 = vector.broadcast %add3A_699 : i32 to vector<16xi32>
          %add3A_701 = arith.addi %iota3A, %add3A_700 : vector<16xi32>
          %gather3A_702 = tpu.vector_load_idx %arg14[%add3A_701, %broadcast_in_dim3A_352] : memref<64x128xf32, #tpu.memory_space<vmem>>[vector<16xi32>, vector<16xi32>], vector<16xf32>,
          %add3A_703 = arith.constant 320 : i32
          %add3A_704 = arith.addi %multiple_of3A_158, %add3A_703 : i32
          %add3A_705 = arith.constant 48 : i32
          %add3A_706 = arith.addi %add3A_704, %add3A_705 : i32
          %multiple_of3A_707 = tpu.assume_multiple %add3A_706, 16 : i32
          %swap3A_708 = arith.index_cast %multiple_of3A_707 : i32 to index
          %swap3A_709 = tpu.vector_load %arg7[%swap3A_708] {strides = array<i32>} : memref<2048xf32, #tpu.memory_space<vmem>>, vector<16xf32>,
          tpu.vector_store %arg7[%swap3A_708], %gather3A_702 {strides = array<i32>} : memref<2048xf32, #tpu.memory_space<vmem>>, vector<16xf32>,
        } else {
        }
        %ge3A_358 = arith.constant 999936 : i32
        %ge3A_359 = arith.cmpi sge, %squeeze3A_349, %ge3A_358 : i32
        %convert_element_type3A_360 = arith.extui %ge3A_359 : i1 to i32
        %cond3A_361 = arith.constant 0 : i32
        %cond3A_362 = arith.cmpi ne, %convert_element_type3A_360, %cond3A_361 : i32
        scf.if %cond3A_362 {
          %add3A_668 = arith.constant 0 : i32
          %add3A_669 = vector.broadcast %add3A_668 : i32 to vector<16xi32>
          %add3A_670 = arith.addi %iota3A, %add3A_669 : vector<16xi32>
          %gather3A = tpu.vector_load_idx %arg8[%add3A_670, %broadcast_in_dim3A_352] : memref<64x128xf32, #tpu.memory_space<vmem>>[vector<16xi32>, vector<16xi32>], vector<16xf32>,
          %add3A_671 = arith.constant 320 : i32
          %add3A_672 = arith.addi %multiple_of3A_158, %add3A_671 : i32
          %add3A_673 = arith.constant 0 : i32
          %add3A_674 = arith.addi %add3A_672, %add3A_673 : i32
          %multiple_of3A_675 = tpu.assume_multiple %add3A_674, 16 : i32
          %swap3A = arith.index_cast %multiple_of3A_675 : i32 to index
          %swap3A_676 = tpu.vector_load %arg7[%swap3A] {strides = array<i32>} : memref<2048xf32, #tpu.memory_space<vmem>>, vector<16xf32>,
          tpu.vector_store %arg7[%swap3A], %gather3A {strides = array<i32>} : memref<2048xf32, #tpu.memory_space<vmem>>, vector<16xf32>,
          %add3A_677 = arith.constant 16 : i32
          %add3A_678 = vector.broadcast %add3A_677 : i32 to vector<16xi32>
          %add3A_679 = arith.addi %iota3A, %add3A_678 : vector<16xi32>
          %gather3A_680 = tpu.vector_load_idx %arg8[%add3A_679, %broadcast_in_dim3A_352] : memref<64x128xf32, #tpu.memory_space<vmem>>[vector<16xi32>, vector<16xi32>], vector<16xf32>,
          %add3A_681 = arith.constant 320 : i32
          %add3A_682 = arith.addi %multiple_of3A_158, %add3A_681 : i32
          %add3A_683 = arith.constant 16 : i32
          %add3A_684 = arith.addi %add3A_682, %add3A_683 : i32
          %multiple_of3A_685 = tpu.assume_multiple %add3A_684, 16 : i32
          %swap3A_686 = arith.index_cast %multiple_of3A_685 : i32 to index
          %swap3A_687 = tpu.vector_load %arg7[%swap3A_686] {strides = array<i32>} : memref<2048xf32, #tpu.memory_space<vmem>>, vector<16xf32>,
          tpu.vector_store %arg7[%swap3A_686], %gather3A_680 {strides = array<i32>} : memref<2048xf32, #tpu.memory_space<vmem>>, vector<16xf32>,
          %add3A_688 = arith.constant 32 : i32
          %add3A_689 = vector.broadcast %add3A_688 : i32 to vector<16xi32>
          %add3A_690 = arith.addi %iota3A, %add3A_689 : vector<16xi32>
          %gather3A_691 = tpu.vector_load_idx %arg8[%add3A_690, %broadcast_in_dim3A_352] : memref<64x128xf32, #tpu.memory_space<vmem>>[vector<16xi32>, vector<16xi32>], vector<16xf32>,
          %add3A_692 = arith.constant 320 : i32
          %add3A_693 = arith.addi %multiple_of3A_158, %add3A_692 : i32
          %add3A_694 = arith.constant 32 : i32
          %add3A_695 = arith.addi %add3A_693, %add3A_694 : i32
          %multiple_of3A_696 = tpu.assume_multiple %add3A_695, 16 : i32
          %swap3A_697 = arith.index_cast %multiple_of3A_696 : i32 to index
          %swap3A_698 = tpu.vector_load %arg7[%swap3A_697] {strides = array<i32>} : memref<2048xf32, #tpu.memory_space<vmem>>, vector<16xf32>,
          tpu.vector_store %arg7[%swap3A_697], %gather3A_691 {strides = array<i32>} : memref<2048xf32, #tpu.memory_space<vmem>>, vector<16xf32>,
          %add3A_699 = arith.constant 48 : i32
          %add3A_700 = vector.broadcast %add3A_699 : i32 to vector<16xi32>
          %add3A_701 = arith.addi %iota3A, %add3A_700 : vector<16xi32>
          %gather3A_702 = tpu.vector_load_idx %arg8[%add3A_701, %broadcast_in_dim3A_352] : memref<64x128xf32, #tpu.memory_space<vmem>>[vector<16xi32>, vector<16xi32>], vector<16xf32>,
          %add3A_703 = arith.constant 320 : i32
          %add3A_704 = arith.addi %multiple_of3A_158, %add3A_703 : i32
          %add3A_705 = arith.constant 48 : i32
          %add3A_706 = arith.addi %add3A_704, %add3A_705 : i32
          %multiple_of3A_707 = tpu.assume_multiple %add3A_706, 16 : i32
          %swap3A_708 = arith.index_cast %multiple_of3A_707 : i32 to index
          %swap3A_709 = tpu.vector_load %arg7[%swap3A_708] {strides = array<i32>} : memref<2048xf32, #tpu.memory_space<vmem>>, vector<16xf32>,
          tpu.vector_store %arg7[%swap3A_708], %gather3A_702 {strides = array<i32>} : memref<2048xf32, #tpu.memory_space<vmem>>, vector<16xf32>,
        } else {
        }
        %slice3A_363 = vector.extract_strided_slice %get3A_149 {offsets = [13], sizes = [1], strides = [1]} : vector<16xi32> to vector<1xi32>
        %squeeze3A_364 = vector.extract %slice3A_363[0] : i32 from vector<1xi32>
        %lt3A_365 = arith.constant 999936 : i32
        %lt3A_366 = arith.cmpi slt, %squeeze3A_364, %lt3A_365 : i32
        %shift_right_arithmetic3A_367 = arith.constant 7 : i32
        %shift_right_arithmetic3A_368 = arith.shrsi %squeeze3A_364, %shift_right_arithmetic3A_367 : i32
        %shift_left3A_369 = arith.constant 7 : i32
        %shift_left3A_370 = arith.shli %shift_right_arithmetic3A_368, %shift_left3A_369 : i32
        %jit3A_371 = arith.constant 0 : i32
        %select_n3A_372 = arith.select %lt3A_366, %shift_left3A_370, %jit3A_371 : i32
        %multiple_of3A_373 = tpu.assume_multiple %select_n3A_372, 128 : i32
        %dma_start3A_374 = arith.constant 0 : i32
        %dma_start3A_375 = tpu.memref_slice %arg2[%dma_start3A_374, %multiple_of3A_373] : memref<64x1000000xf32, #tpu.memory_space<hbm>> -> memref<64x128xf32, #tpu.memory_space<hbm>>
        %dma_start3A_376 = arith.constant 0 : i32
        %dma_start3A_377 = tpu.memref_slice %arg2[%dma_start3A_376, %multiple_of3A_373] : memref<64x1000000xf32, #tpu.memory_space<hbm>> -> memref<64x128xf32, #tpu.memory_space<hbm>>
        tpu.enqueue_dma source(%dma_start3A_377 : memref<64x128xf32, #tpu.memory_space<hbm>>) target(%arg14 : memref<64x128xf32, #tpu.memory_space<vmem>>) target_semaphore(%arg22 : memref<!tpu.dma_semaphore, #tpu.memory_space<semaphore_mem>>)
        %dma_wait3A_378 = arith.constant 0 : i32
        %dma_wait3A_379 = arith.constant 0 : i32
        %dma_wait3A_380 = tpu.memref_slice %arg2[%dma_wait3A_378, %dma_wait3A_379] : memref<64x1000000xf32, #tpu.memory_space<hbm>> -> memref<64x128xf32, #tpu.memory_space<hbm>>
        %dma_wait3A_381 = arith.constant 0 : i32
        %dma_wait3A_382 = arith.constant 0 : i32
        %dma_wait3A_383 = tpu.memref_slice %arg2[%dma_wait3A_381, %dma_wait3A_382] : memref<64x1000000xf32, #tpu.memory_space<hbm>> -> memref<64x128xf32, #tpu.memory_space<hbm>>
        tpu.wait_dma2 semaphore(%arg23 : memref<!tpu.dma_semaphore, #tpu.memory_space<semaphore_mem>>) src(%dma_wait3A_383 : memref<64x128xf32, #tpu.memory_space<hbm>>) dst(%arg15 : memref<64x128xf32, #tpu.memory_space<vmem>>)
        %slice3A_384 = vector.extract_strided_slice %get3A_149 {offsets = [6], sizes = [1], strides = [1]} : vector<16xi32> to vector<1xi32>
        %squeeze3A_385 = vector.extract %slice3A_384[0] : i32 from vector<1xi32>
        %and3A_386 = arith.constant 127 : i32
        %and3A_387 = arith.andi %squeeze3A_385, %and3A_386 : i32
        %broadcast_in_dim3A_388 = vector.broadcast %and3A_387 : i32 to vector<16xi32>
        %lt3A_389 = arith.constant 999936 : i32
        %lt3A_390 = arith.cmpi slt, %squeeze3A_385, %lt3A_389 : i32
        %convert_element_type3A_391 = arith.extui %lt3A_390 : i1 to i32
        %cond3A_392 = arith.constant 0 : i32
        %cond3A_393 = arith.cmpi ne, %convert_element_type3A_391, %cond3A_392 : i32
        scf.if %cond3A_393 {
          %add3A_668 = arith.constant 0 : i32
          %add3A_669 = vector.broadcast %add3A_668 : i32 to vector<16xi32>
          %add3A_670 = arith.addi %iota3A, %add3A_669 : vector<16xi32>
          %gather3A = tpu.vector_load_idx %arg15[%add3A_670, %broadcast_in_dim3A_388] : memref<64x128xf32, #tpu.memory_space<vmem>>[vector<16xi32>, vector<16xi32>], vector<16xf32>,
          %add3A_671 = arith.constant 384 : i32
          %add3A_672 = arith.addi %multiple_of3A_158, %add3A_671 : i32
          %add3A_673 = arith.constant 0 : i32
          %add3A_674 = arith.addi %add3A_672, %add3A_673 : i32
          %multiple_of3A_675 = tpu.assume_multiple %add3A_674, 16 : i32
          %swap3A = arith.index_cast %multiple_of3A_675 : i32 to index
          %swap3A_676 = tpu.vector_load %arg7[%swap3A] {strides = array<i32>} : memref<2048xf32, #tpu.memory_space<vmem>>, vector<16xf32>,
          tpu.vector_store %arg7[%swap3A], %gather3A {strides = array<i32>} : memref<2048xf32, #tpu.memory_space<vmem>>, vector<16xf32>,
          %add3A_677 = arith.constant 16 : i32
          %add3A_678 = vector.broadcast %add3A_677 : i32 to vector<16xi32>
          %add3A_679 = arith.addi %iota3A, %add3A_678 : vector<16xi32>
          %gather3A_680 = tpu.vector_load_idx %arg15[%add3A_679, %broadcast_in_dim3A_388] : memref<64x128xf32, #tpu.memory_space<vmem>>[vector<16xi32>, vector<16xi32>], vector<16xf32>,
          %add3A_681 = arith.constant 384 : i32
          %add3A_682 = arith.addi %multiple_of3A_158, %add3A_681 : i32
          %add3A_683 = arith.constant 16 : i32
          %add3A_684 = arith.addi %add3A_682, %add3A_683 : i32
          %multiple_of3A_685 = tpu.assume_multiple %add3A_684, 16 : i32
          %swap3A_686 = arith.index_cast %multiple_of3A_685 : i32 to index
          %swap3A_687 = tpu.vector_load %arg7[%swap3A_686] {strides = array<i32>} : memref<2048xf32, #tpu.memory_space<vmem>>, vector<16xf32>,
          tpu.vector_store %arg7[%swap3A_686], %gather3A_680 {strides = array<i32>} : memref<2048xf32, #tpu.memory_space<vmem>>, vector<16xf32>,
          %add3A_688 = arith.constant 32 : i32
          %add3A_689 = vector.broadcast %add3A_688 : i32 to vector<16xi32>
          %add3A_690 = arith.addi %iota3A, %add3A_689 : vector<16xi32>
          %gather3A_691 = tpu.vector_load_idx %arg15[%add3A_690, %broadcast_in_dim3A_388] : memref<64x128xf32, #tpu.memory_space<vmem>>[vector<16xi32>, vector<16xi32>], vector<16xf32>,
          %add3A_692 = arith.constant 384 : i32
          %add3A_693 = arith.addi %multiple_of3A_158, %add3A_692 : i32
          %add3A_694 = arith.constant 32 : i32
          %add3A_695 = arith.addi %add3A_693, %add3A_694 : i32
          %multiple_of3A_696 = tpu.assume_multiple %add3A_695, 16 : i32
          %swap3A_697 = arith.index_cast %multiple_of3A_696 : i32 to index
          %swap3A_698 = tpu.vector_load %arg7[%swap3A_697] {strides = array<i32>} : memref<2048xf32, #tpu.memory_space<vmem>>, vector<16xf32>,
          tpu.vector_store %arg7[%swap3A_697], %gather3A_691 {strides = array<i32>} : memref<2048xf32, #tpu.memory_space<vmem>>, vector<16xf32>,
          %add3A_699 = arith.constant 48 : i32
          %add3A_700 = vector.broadcast %add3A_699 : i32 to vector<16xi32>
          %add3A_701 = arith.addi %iota3A, %add3A_700 : vector<16xi32>
          %gather3A_702 = tpu.vector_load_idx %arg15[%add3A_701, %broadcast_in_dim3A_388] : memref<64x128xf32, #tpu.memory_space<vmem>>[vector<16xi32>, vector<16xi32>], vector<16xf32>,
          %add3A_703 = arith.constant 384 : i32
          %add3A_704 = arith.addi %multiple_of3A_158, %add3A_703 : i32
          %add3A_705 = arith.constant 48 : i32
          %add3A_706 = arith.addi %add3A_704, %add3A_705 : i32
          %multiple_of3A_707 = tpu.assume_multiple %add3A_706, 16 : i32
          %swap3A_708 = arith.index_cast %multiple_of3A_707 : i32 to index
          %swap3A_709 = tpu.vector_load %arg7[%swap3A_708] {strides = array<i32>} : memref<2048xf32, #tpu.memory_space<vmem>>, vector<16xf32>,
          tpu.vector_store %arg7[%swap3A_708], %gather3A_702 {strides = array<i32>} : memref<2048xf32, #tpu.memory_space<vmem>>, vector<16xf32>,
        } else {
        }
        %ge3A_394 = arith.constant 999936 : i32
        %ge3A_395 = arith.cmpi sge, %squeeze3A_385, %ge3A_394 : i32
        %convert_element_type3A_396 = arith.extui %ge3A_395 : i1 to i32
        %cond3A_397 = arith.constant 0 : i32
        %cond3A_398 = arith.cmpi ne, %convert_element_type3A_396, %cond3A_397 : i32
        scf.if %cond3A_398 {
          %add3A_668 = arith.constant 0 : i32
          %add3A_669 = vector.broadcast %add3A_668 : i32 to vector<16xi32>
          %add3A_670 = arith.addi %iota3A, %add3A_669 : vector<16xi32>
          %gather3A = tpu.vector_load_idx %arg8[%add3A_670, %broadcast_in_dim3A_388] : memref<64x128xf32, #tpu.memory_space<vmem>>[vector<16xi32>, vector<16xi32>], vector<16xf32>,
          %add3A_671 = arith.constant 384 : i32
          %add3A_672 = arith.addi %multiple_of3A_158, %add3A_671 : i32
          %add3A_673 = arith.constant 0 : i32
          %add3A_674 = arith.addi %add3A_672, %add3A_673 : i32
          %multiple_of3A_675 = tpu.assume_multiple %add3A_674, 16 : i32
          %swap3A = arith.index_cast %multiple_of3A_675 : i32 to index
          %swap3A_676 = tpu.vector_load %arg7[%swap3A] {strides = array<i32>} : memref<2048xf32, #tpu.memory_space<vmem>>, vector<16xf32>,
          tpu.vector_store %arg7[%swap3A], %gather3A {strides = array<i32>} : memref<2048xf32, #tpu.memory_space<vmem>>, vector<16xf32>,
          %add3A_677 = arith.constant 16 : i32
          %add3A_678 = vector.broadcast %add3A_677 : i32 to vector<16xi32>
          %add3A_679 = arith.addi %iota3A, %add3A_678 : vector<16xi32>
          %gather3A_680 = tpu.vector_load_idx %arg8[%add3A_679, %broadcast_in_dim3A_388] : memref<64x128xf32, #tpu.memory_space<vmem>>[vector<16xi32>, vector<16xi32>], vector<16xf32>,
          %add3A_681 = arith.constant 384 : i32
          %add3A_682 = arith.addi %multiple_of3A_158, %add3A_681 : i32
          %add3A_683 = arith.constant 16 : i32
          %add3A_684 = arith.addi %add3A_682, %add3A_683 : i32
          %multiple_of3A_685 = tpu.assume_multiple %add3A_684, 16 : i32
          %swap3A_686 = arith.index_cast %multiple_of3A_685 : i32 to index
          %swap3A_687 = tpu.vector_load %arg7[%swap3A_686] {strides = array<i32>} : memref<2048xf32, #tpu.memory_space<vmem>>, vector<16xf32>,
          tpu.vector_store %arg7[%swap3A_686], %gather3A_680 {strides = array<i32>} : memref<2048xf32, #tpu.memory_space<vmem>>, vector<16xf32>,
          %add3A_688 = arith.constant 32 : i32
          %add3A_689 = vector.broadcast %add3A_688 : i32 to vector<16xi32>
          %add3A_690 = arith.addi %iota3A, %add3A_689 : vector<16xi32>
          %gather3A_691 = tpu.vector_load_idx %arg8[%add3A_690, %broadcast_in_dim3A_388] : memref<64x128xf32, #tpu.memory_space<vmem>>[vector<16xi32>, vector<16xi32>], vector<16xf32>,
          %add3A_692 = arith.constant 384 : i32
          %add3A_693 = arith.addi %multiple_of3A_158, %add3A_692 : i32
          %add3A_694 = arith.constant 32 : i32
          %add3A_695 = arith.addi %add3A_693, %add3A_694 : i32
          %multiple_of3A_696 = tpu.assume_multiple %add3A_695, 16 : i32
          %swap3A_697 = arith.index_cast %multiple_of3A_696 : i32 to index
          %swap3A_698 = tpu.vector_load %arg7[%swap3A_697] {strides = array<i32>} : memref<2048xf32, #tpu.memory_space<vmem>>, vector<16xf32>,
          tpu.vector_store %arg7[%swap3A_697], %gather3A_691 {strides = array<i32>} : memref<2048xf32, #tpu.memory_space<vmem>>, vector<16xf32>,
          %add3A_699 = arith.constant 48 : i32
          %add3A_700 = vector.broadcast %add3A_699 : i32 to vector<16xi32>
          %add3A_701 = arith.addi %iota3A, %add3A_700 : vector<16xi32>
          %gather3A_702 = tpu.vector_load_idx %arg8[%add3A_701, %broadcast_in_dim3A_388] : memref<64x128xf32, #tpu.memory_space<vmem>>[vector<16xi32>, vector<16xi32>], vector<16xf32>,
          %add3A_703 = arith.constant 384 : i32
          %add3A_704 = arith.addi %multiple_of3A_158, %add3A_703 : i32
          %add3A_705 = arith.constant 48 : i32
          %add3A_706 = arith.addi %add3A_704, %add3A_705 : i32
          %multiple_of3A_707 = tpu.assume_multiple %add3A_706, 16 : i32
          %swap3A_708 = arith.index_cast %multiple_of3A_707 : i32 to index
          %swap3A_709 = tpu.vector_load %arg7[%swap3A_708] {strides = array<i32>} : memref<2048xf32, #tpu.memory_space<vmem>>, vector<16xf32>,
          tpu.vector_store %arg7[%swap3A_708], %gather3A_702 {strides = array<i32>} : memref<2048xf32, #tpu.memory_space<vmem>>, vector<16xf32>,
        } else {
        }
        %slice3A_399 = vector.extract_strided_slice %get3A_149 {offsets = [14], sizes = [1], strides = [1]} : vector<16xi32> to vector<1xi32>
        %squeeze3A_400 = vector.extract %slice3A_399[0] : i32 from vector<1xi32>
        %lt3A_401 = arith.constant 999936 : i32
        %lt3A_402 = arith.cmpi slt, %squeeze3A_400, %lt3A_401 : i32
        %shift_right_arithmetic3A_403 = arith.constant 7 : i32
        %shift_right_arithmetic3A_404 = arith.shrsi %squeeze3A_400, %shift_right_arithmetic3A_403 : i32
        %shift_left3A_405 = arith.constant 7 : i32
        %shift_left3A_406 = arith.shli %shift_right_arithmetic3A_404, %shift_left3A_405 : i32
        %jit3A_407 = arith.constant 0 : i32
        %select_n3A_408 = arith.select %lt3A_402, %shift_left3A_406, %jit3A_407 : i32
        %multiple_of3A_409 = tpu.assume_multiple %select_n3A_408, 128 : i32
        %dma_start3A_410 = arith.constant 0 : i32
        %dma_start3A_411 = tpu.memref_slice %arg2[%dma_start3A_410, %multiple_of3A_409] : memref<64x1000000xf32, #tpu.memory_space<hbm>> -> memref<64x128xf32, #tpu.memory_space<hbm>>
        %dma_start3A_412 = arith.constant 0 : i32
        %dma_start3A_413 = tpu.memref_slice %arg2[%dma_start3A_412, %multiple_of3A_409] : memref<64x1000000xf32, #tpu.memory_space<hbm>> -> memref<64x128xf32, #tpu.memory_space<hbm>>
        tpu.enqueue_dma source(%dma_start3A_413 : memref<64x128xf32, #tpu.memory_space<hbm>>) target(%arg15 : memref<64x128xf32, #tpu.memory_space<vmem>>) target_semaphore(%arg23 : memref<!tpu.dma_semaphore, #tpu.memory_space<semaphore_mem>>)
        %dma_wait3A_414 = arith.constant 0 : i32
        %dma_wait3A_415 = arith.constant 0 : i32
        %dma_wait3A_416 = tpu.memref_slice %arg2[%dma_wait3A_414, %dma_wait3A_415] : memref<64x1000000xf32, #tpu.memory_space<hbm>> -> memref<64x128xf32, #tpu.memory_space<hbm>>
        %dma_wait3A_417 = arith.constant 0 : i32
        %dma_wait3A_418 = arith.constant 0 : i32
        %dma_wait3A_419 = tpu.memref_slice %arg2[%dma_wait3A_417, %dma_wait3A_418] : memref<64x1000000xf32, #tpu.memory_space<hbm>> -> memref<64x128xf32, #tpu.memory_space<hbm>>
        tpu.wait_dma2 semaphore(%arg24 : memref<!tpu.dma_semaphore, #tpu.memory_space<semaphore_mem>>) src(%dma_wait3A_419 : memref<64x128xf32, #tpu.memory_space<hbm>>) dst(%arg16 : memref<64x128xf32, #tpu.memory_space<vmem>>)
        %slice3A_420 = vector.extract_strided_slice %get3A_149 {offsets = [7], sizes = [1], strides = [1]} : vector<16xi32> to vector<1xi32>
        %squeeze3A_421 = vector.extract %slice3A_420[0] : i32 from vector<1xi32>
        %and3A_422 = arith.constant 127 : i32
        %and3A_423 = arith.andi %squeeze3A_421, %and3A_422 : i32
        %broadcast_in_dim3A_424 = vector.broadcast %and3A_423 : i32 to vector<16xi32>
        %lt3A_425 = arith.constant 999936 : i32
        %lt3A_426 = arith.cmpi slt, %squeeze3A_421, %lt3A_425 : i32
        %convert_element_type3A_427 = arith.extui %lt3A_426 : i1 to i32
        %cond3A_428 = arith.constant 0 : i32
        %cond3A_429 = arith.cmpi ne, %convert_element_type3A_427, %cond3A_428 : i32
        scf.if %cond3A_429 {
          %add3A_668 = arith.constant 0 : i32
          %add3A_669 = vector.broadcast %add3A_668 : i32 to vector<16xi32>
          %add3A_670 = arith.addi %iota3A, %add3A_669 : vector<16xi32>
          %gather3A = tpu.vector_load_idx %arg16[%add3A_670, %broadcast_in_dim3A_424] : memref<64x128xf32, #tpu.memory_space<vmem>>[vector<16xi32>, vector<16xi32>], vector<16xf32>,
          %add3A_671 = arith.constant 448 : i32
          %add3A_672 = arith.addi %multiple_of3A_158, %add3A_671 : i32
          %add3A_673 = arith.constant 0 : i32
          %add3A_674 = arith.addi %add3A_672, %add3A_673 : i32
          %multiple_of3A_675 = tpu.assume_multiple %add3A_674, 16 : i32
          %swap3A = arith.index_cast %multiple_of3A_675 : i32 to index
          %swap3A_676 = tpu.vector_load %arg7[%swap3A] {strides = array<i32>} : memref<2048xf32, #tpu.memory_space<vmem>>, vector<16xf32>,
          tpu.vector_store %arg7[%swap3A], %gather3A {strides = array<i32>} : memref<2048xf32, #tpu.memory_space<vmem>>, vector<16xf32>,
          %add3A_677 = arith.constant 16 : i32
          %add3A_678 = vector.broadcast %add3A_677 : i32 to vector<16xi32>
          %add3A_679 = arith.addi %iota3A, %add3A_678 : vector<16xi32>
          %gather3A_680 = tpu.vector_load_idx %arg16[%add3A_679, %broadcast_in_dim3A_424] : memref<64x128xf32, #tpu.memory_space<vmem>>[vector<16xi32>, vector<16xi32>], vector<16xf32>,
          %add3A_681 = arith.constant 448 : i32
          %add3A_682 = arith.addi %multiple_of3A_158, %add3A_681 : i32
          %add3A_683 = arith.constant 16 : i32
          %add3A_684 = arith.addi %add3A_682, %add3A_683 : i32
          %multiple_of3A_685 = tpu.assume_multiple %add3A_684, 16 : i32
          %swap3A_686 = arith.index_cast %multiple_of3A_685 : i32 to index
          %swap3A_687 = tpu.vector_load %arg7[%swap3A_686] {strides = array<i32>} : memref<2048xf32, #tpu.memory_space<vmem>>, vector<16xf32>,
          tpu.vector_store %arg7[%swap3A_686], %gather3A_680 {strides = array<i32>} : memref<2048xf32, #tpu.memory_space<vmem>>, vector<16xf32>,
          %add3A_688 = arith.constant 32 : i32
          %add3A_689 = vector.broadcast %add3A_688 : i32 to vector<16xi32>
          %add3A_690 = arith.addi %iota3A, %add3A_689 : vector<16xi32>
          %gather3A_691 = tpu.vector_load_idx %arg16[%add3A_690, %broadcast_in_dim3A_424] : memref<64x128xf32, #tpu.memory_space<vmem>>[vector<16xi32>, vector<16xi32>], vector<16xf32>,
          %add3A_692 = arith.constant 448 : i32
          %add3A_693 = arith.addi %multiple_of3A_158, %add3A_692 : i32
          %add3A_694 = arith.constant 32 : i32
          %add3A_695 = arith.addi %add3A_693, %add3A_694 : i32
          %multiple_of3A_696 = tpu.assume_multiple %add3A_695, 16 : i32
          %swap3A_697 = arith.index_cast %multiple_of3A_696 : i32 to index
          %swap3A_698 = tpu.vector_load %arg7[%swap3A_697] {strides = array<i32>} : memref<2048xf32, #tpu.memory_space<vmem>>, vector<16xf32>,
          tpu.vector_store %arg7[%swap3A_697], %gather3A_691 {strides = array<i32>} : memref<2048xf32, #tpu.memory_space<vmem>>, vector<16xf32>,
          %add3A_699 = arith.constant 48 : i32
          %add3A_700 = vector.broadcast %add3A_699 : i32 to vector<16xi32>
          %add3A_701 = arith.addi %iota3A, %add3A_700 : vector<16xi32>
          %gather3A_702 = tpu.vector_load_idx %arg16[%add3A_701, %broadcast_in_dim3A_424] : memref<64x128xf32, #tpu.memory_space<vmem>>[vector<16xi32>, vector<16xi32>], vector<16xf32>,
          %add3A_703 = arith.constant 448 : i32
          %add3A_704 = arith.addi %multiple_of3A_158, %add3A_703 : i32
          %add3A_705 = arith.constant 48 : i32
          %add3A_706 = arith.addi %add3A_704, %add3A_705 : i32
          %multiple_of3A_707 = tpu.assume_multiple %add3A_706, 16 : i32
          %swap3A_708 = arith.index_cast %multiple_of3A_707 : i32 to index
          %swap3A_709 = tpu.vector_load %arg7[%swap3A_708] {strides = array<i32>} : memref<2048xf32, #tpu.memory_space<vmem>>, vector<16xf32>,
          tpu.vector_store %arg7[%swap3A_708], %gather3A_702 {strides = array<i32>} : memref<2048xf32, #tpu.memory_space<vmem>>, vector<16xf32>,
        } else {
        }
        %ge3A_430 = arith.constant 999936 : i32
        %ge3A_431 = arith.cmpi sge, %squeeze3A_421, %ge3A_430 : i32
        %convert_element_type3A_432 = arith.extui %ge3A_431 : i1 to i32
        %cond3A_433 = arith.constant 0 : i32
        %cond3A_434 = arith.cmpi ne, %convert_element_type3A_432, %cond3A_433 : i32
        scf.if %cond3A_434 {
          %add3A_668 = arith.constant 0 : i32
          %add3A_669 = vector.broadcast %add3A_668 : i32 to vector<16xi32>
          %add3A_670 = arith.addi %iota3A, %add3A_669 : vector<16xi32>
          %gather3A = tpu.vector_load_idx %arg8[%add3A_670, %broadcast_in_dim3A_424] : memref<64x128xf32, #tpu.memory_space<vmem>>[vector<16xi32>, vector<16xi32>], vector<16xf32>,
          %add3A_671 = arith.constant 448 : i32
          %add3A_672 = arith.addi %multiple_of3A_158, %add3A_671 : i32
          %add3A_673 = arith.constant 0 : i32
          %add3A_674 = arith.addi %add3A_672, %add3A_673 : i32
          %multiple_of3A_675 = tpu.assume_multiple %add3A_674, 16 : i32
          %swap3A = arith.index_cast %multiple_of3A_675 : i32 to index
          %swap3A_676 = tpu.vector_load %arg7[%swap3A] {strides = array<i32>} : memref<2048xf32, #tpu.memory_space<vmem>>, vector<16xf32>,
          tpu.vector_store %arg7[%swap3A], %gather3A {strides = array<i32>} : memref<2048xf32, #tpu.memory_space<vmem>>, vector<16xf32>,
          %add3A_677 = arith.constant 16 : i32
          %add3A_678 = vector.broadcast %add3A_677 : i32 to vector<16xi32>
          %add3A_679 = arith.addi %iota3A, %add3A_678 : vector<16xi32>
          %gather3A_680 = tpu.vector_load_idx %arg8[%add3A_679, %broadcast_in_dim3A_424] : memref<64x128xf32, #tpu.memory_space<vmem>>[vector<16xi32>, vector<16xi32>], vector<16xf32>,
          %add3A_681 = arith.constant 448 : i32
          %add3A_682 = arith.addi %multiple_of3A_158, %add3A_681 : i32
          %add3A_683 = arith.constant 16 : i32
          %add3A_684 = arith.addi %add3A_682, %add3A_683 : i32
          %multiple_of3A_685 = tpu.assume_multiple %add3A_684, 16 : i32
          %swap3A_686 = arith.index_cast %multiple_of3A_685 : i32 to index
          %swap3A_687 = tpu.vector_load %arg7[%swap3A_686] {strides = array<i32>} : memref<2048xf32, #tpu.memory_space<vmem>>, vector<16xf32>,
          tpu.vector_store %arg7[%swap3A_686], %gather3A_680 {strides = array<i32>} : memref<2048xf32, #tpu.memory_space<vmem>>, vector<16xf32>,
          %add3A_688 = arith.constant 32 : i32
          %add3A_689 = vector.broadcast %add3A_688 : i32 to vector<16xi32>
          %add3A_690 = arith.addi %iota3A, %add3A_689 : vector<16xi32>
          %gather3A_691 = tpu.vector_load_idx %arg8[%add3A_690, %broadcast_in_dim3A_424] : memref<64x128xf32, #tpu.memory_space<vmem>>[vector<16xi32>, vector<16xi32>], vector<16xf32>,
          %add3A_692 = arith.constant 448 : i32
          %add3A_693 = arith.addi %multiple_of3A_158, %add3A_692 : i32
          %add3A_694 = arith.constant 32 : i32
          %add3A_695 = arith.addi %add3A_693, %add3A_694 : i32
          %multiple_of3A_696 = tpu.assume_multiple %add3A_695, 16 : i32
          %swap3A_697 = arith.index_cast %multiple_of3A_696 : i32 to index
          %swap3A_698 = tpu.vector_load %arg7[%swap3A_697] {strides = array<i32>} : memref<2048xf32, #tpu.memory_space<vmem>>, vector<16xf32>,
          tpu.vector_store %arg7[%swap3A_697], %gather3A_691 {strides = array<i32>} : memref<2048xf32, #tpu.memory_space<vmem>>, vector<16xf32>,
          %add3A_699 = arith.constant 48 : i32
          %add3A_700 = vector.broadcast %add3A_699 : i32 to vector<16xi32>
          %add3A_701 = arith.addi %iota3A, %add3A_700 : vector<16xi32>
          %gather3A_702 = tpu.vector_load_idx %arg8[%add3A_701, %broadcast_in_dim3A_424] : memref<64x128xf32, #tpu.memory_space<vmem>>[vector<16xi32>, vector<16xi32>], vector<16xf32>,
          %add3A_703 = arith.constant 448 : i32
          %add3A_704 = arith.addi %multiple_of3A_158, %add3A_703 : i32
          %add3A_705 = arith.constant 48 : i32
          %add3A_706 = arith.addi %add3A_704, %add3A_705 : i32
          %multiple_of3A_707 = tpu.assume_multiple %add3A_706, 16 : i32
          %swap3A_708 = arith.index_cast %multiple_of3A_707 : i32 to index
          %swap3A_709 = tpu.vector_load %arg7[%swap3A_708] {strides = array<i32>} : memref<2048xf32, #tpu.memory_space<vmem>>, vector<16xf32>,
          tpu.vector_store %arg7[%swap3A_708], %gather3A_702 {strides = array<i32>} : memref<2048xf32, #tpu.memory_space<vmem>>, vector<16xf32>,
        } else {
        }
        %slice3A_435 = vector.extract_strided_slice %get3A_149 {offsets = [15], sizes = [1], strides = [1]} : vector<16xi32> to vector<1xi32>
        %squeeze3A_436 = vector.extract %slice3A_435[0] : i32 from vector<1xi32>
        %lt3A_437 = arith.constant 999936 : i32
        %lt3A_438 = arith.cmpi slt, %squeeze3A_436, %lt3A_437 : i32
        %shift_right_arithmetic3A_439 = arith.constant 7 : i32
        %shift_right_arithmetic3A_440 = arith.shrsi %squeeze3A_436, %shift_right_arithmetic3A_439 : i32
        %shift_left3A_441 = arith.constant 7 : i32
        %shift_left3A_442 = arith.shli %shift_right_arithmetic3A_440, %shift_left3A_441 : i32
        %jit3A_443 = arith.constant 0 : i32
        %select_n3A_444 = arith.select %lt3A_438, %shift_left3A_442, %jit3A_443 : i32
        %multiple_of3A_445 = tpu.assume_multiple %select_n3A_444, 128 : i32
        %dma_start3A_446 = arith.constant 0 : i32
        %dma_start3A_447 = tpu.memref_slice %arg2[%dma_start3A_446, %multiple_of3A_445] : memref<64x1000000xf32, #tpu.memory_space<hbm>> -> memref<64x128xf32, #tpu.memory_space<hbm>>
        %dma_start3A_448 = arith.constant 0 : i32
        %dma_start3A_449 = tpu.memref_slice %arg2[%dma_start3A_448, %multiple_of3A_445] : memref<64x1000000xf32, #tpu.memory_space<hbm>> -> memref<64x128xf32, #tpu.memory_space<hbm>>
        tpu.enqueue_dma source(%dma_start3A_449 : memref<64x128xf32, #tpu.memory_space<hbm>>) target(%arg16 : memref<64x128xf32, #tpu.memory_space<vmem>>) target_semaphore(%arg24 : memref<!tpu.dma_semaphore, #tpu.memory_space<semaphore_mem>>)
        %dma_wait3A_450 = arith.constant 0 : i32
        %dma_wait3A_451 = arith.constant 0 : i32
        %dma_wait3A_452 = tpu.memref_slice %arg2[%dma_wait3A_450, %dma_wait3A_451] : memref<64x1000000xf32, #tpu.memory_space<hbm>> -> memref<64x128xf32, #tpu.memory_space<hbm>>
        %dma_wait3A_453 = arith.constant 0 : i32
        %dma_wait3A_454 = arith.constant 0 : i32
        %dma_wait3A_455 = tpu.memref_slice %arg2[%dma_wait3A_453, %dma_wait3A_454] : memref<64x1000000xf32, #tpu.memory_space<hbm>> -> memref<64x128xf32, #tpu.memory_space<hbm>>
        tpu.wait_dma2 semaphore(%arg17 : memref<!tpu.dma_semaphore, #tpu.memory_space<semaphore_mem>>) src(%dma_wait3A_455 : memref<64x128xf32, #tpu.memory_space<hbm>>) dst(%arg9 : memref<64x128xf32, #tpu.memory_space<vmem>>)
        %slice3A_456 = vector.extract_strided_slice %get3A_149 {offsets = [8], sizes = [1], strides = [1]} : vector<16xi32> to vector<1xi32>
        %squeeze3A_457 = vector.extract %slice3A_456[0] : i32 from vector<1xi32>
        %and3A_458 = arith.constant 127 : i32
        %and3A_459 = arith.andi %squeeze3A_457, %and3A_458 : i32
        %broadcast_in_dim3A_460 = vector.broadcast %and3A_459 : i32 to vector<16xi32>
        %lt3A_461 = arith.constant 999936 : i32
        %lt3A_462 = arith.cmpi slt, %squeeze3A_457, %lt3A_461 : i32
        %convert_element_type3A_463 = arith.extui %lt3A_462 : i1 to i32
        %cond3A_464 = arith.constant 0 : i32
        %cond3A_465 = arith.cmpi ne, %convert_element_type3A_463, %cond3A_464 : i32
        scf.if %cond3A_465 {
          %add3A_668 = arith.constant 0 : i32
          %add3A_669 = vector.broadcast %add3A_668 : i32 to vector<16xi32>
          %add3A_670 = arith.addi %iota3A, %add3A_669 : vector<16xi32>
          %gather3A = tpu.vector_load_idx %arg9[%add3A_670, %broadcast_in_dim3A_460] : memref<64x128xf32, #tpu.memory_space<vmem>>[vector<16xi32>, vector<16xi32>], vector<16xf32>,
          %add3A_671 = arith.constant 512 : i32
          %add3A_672 = arith.addi %multiple_of3A_158, %add3A_671 : i32
          %add3A_673 = arith.constant 0 : i32
          %add3A_674 = arith.addi %add3A_672, %add3A_673 : i32
          %multiple_of3A_675 = tpu.assume_multiple %add3A_674, 16 : i32
          %swap3A = arith.index_cast %multiple_of3A_675 : i32 to index
          %swap3A_676 = tpu.vector_load %arg7[%swap3A] {strides = array<i32>} : memref<2048xf32, #tpu.memory_space<vmem>>, vector<16xf32>,
          tpu.vector_store %arg7[%swap3A], %gather3A {strides = array<i32>} : memref<2048xf32, #tpu.memory_space<vmem>>, vector<16xf32>,
          %add3A_677 = arith.constant 16 : i32
          %add3A_678 = vector.broadcast %add3A_677 : i32 to vector<16xi32>
          %add3A_679 = arith.addi %iota3A, %add3A_678 : vector<16xi32>
          %gather3A_680 = tpu.vector_load_idx %arg9[%add3A_679, %broadcast_in_dim3A_460] : memref<64x128xf32, #tpu.memory_space<vmem>>[vector<16xi32>, vector<16xi32>], vector<16xf32>,
          %add3A_681 = arith.constant 512 : i32
          %add3A_682 = arith.addi %multiple_of3A_158, %add3A_681 : i32
          %add3A_683 = arith.constant 16 : i32
          %add3A_684 = arith.addi %add3A_682, %add3A_683 : i32
          %multiple_of3A_685 = tpu.assume_multiple %add3A_684, 16 : i32
          %swap3A_686 = arith.index_cast %multiple_of3A_685 : i32 to index
          %swap3A_687 = tpu.vector_load %arg7[%swap3A_686] {strides = array<i32>} : memref<2048xf32, #tpu.memory_space<vmem>>, vector<16xf32>,
          tpu.vector_store %arg7[%swap3A_686], %gather3A_680 {strides = array<i32>} : memref<2048xf32, #tpu.memory_space<vmem>>, vector<16xf32>,
          %add3A_688 = arith.constant 32 : i32
          %add3A_689 = vector.broadcast %add3A_688 : i32 to vector<16xi32>
          %add3A_690 = arith.addi %iota3A, %add3A_689 : vector<16xi32>
          %gather3A_691 = tpu.vector_load_idx %arg9[%add3A_690, %broadcast_in_dim3A_460] : memref<64x128xf32, #tpu.memory_space<vmem>>[vector<16xi32>, vector<16xi32>], vector<16xf32>,
          %add3A_692 = arith.constant 512 : i32
          %add3A_693 = arith.addi %multiple_of3A_158, %add3A_692 : i32
          %add3A_694 = arith.constant 32 : i32
          %add3A_695 = arith.addi %add3A_693, %add3A_694 : i32
          %multiple_of3A_696 = tpu.assume_multiple %add3A_695, 16 : i32
          %swap3A_697 = arith.index_cast %multiple_of3A_696 : i32 to index
          %swap3A_698 = tpu.vector_load %arg7[%swap3A_697] {strides = array<i32>} : memref<2048xf32, #tpu.memory_space<vmem>>, vector<16xf32>,
          tpu.vector_store %arg7[%swap3A_697], %gather3A_691 {strides = array<i32>} : memref<2048xf32, #tpu.memory_space<vmem>>, vector<16xf32>,
          %add3A_699 = arith.constant 48 : i32
          %add3A_700 = vector.broadcast %add3A_699 : i32 to vector<16xi32>
          %add3A_701 = arith.addi %iota3A, %add3A_700 : vector<16xi32>
          %gather3A_702 = tpu.vector_load_idx %arg9[%add3A_701, %broadcast_in_dim3A_460] : memref<64x128xf32, #tpu.memory_space<vmem>>[vector<16xi32>, vector<16xi32>], vector<16xf32>,
          %add3A_703 = arith.constant 512 : i32
          %add3A_704 = arith.addi %multiple_of3A_158, %add3A_703 : i32
          %add3A_705 = arith.constant 48 : i32
          %add3A_706 = arith.addi %add3A_704, %add3A_705 : i32
          %multiple_of3A_707 = tpu.assume_multiple %add3A_706, 16 : i32
          %swap3A_708 = arith.index_cast %multiple_of3A_707 : i32 to index
          %swap3A_709 = tpu.vector_load %arg7[%swap3A_708] {strides = array<i32>} : memref<2048xf32, #tpu.memory_space<vmem>>, vector<16xf32>,
          tpu.vector_store %arg7[%swap3A_708], %gather3A_702 {strides = array<i32>} : memref<2048xf32, #tpu.memory_space<vmem>>, vector<16xf32>,
        } else {
        }
        %ge3A_466 = arith.constant 999936 : i32
        %ge3A_467 = arith.cmpi sge, %squeeze3A_457, %ge3A_466 : i32
        %convert_element_type3A_468 = arith.extui %ge3A_467 : i1 to i32
        %cond3A_469 = arith.constant 0 : i32
        %cond3A_470 = arith.cmpi ne, %convert_element_type3A_468, %cond3A_469 : i32
        scf.if %cond3A_470 {
          %add3A_668 = arith.constant 0 : i32
          %add3A_669 = vector.broadcast %add3A_668 : i32 to vector<16xi32>
          %add3A_670 = arith.addi %iota3A, %add3A_669 : vector<16xi32>
          %gather3A = tpu.vector_load_idx %arg8[%add3A_670, %broadcast_in_dim3A_460] : memref<64x128xf32, #tpu.memory_space<vmem>>[vector<16xi32>, vector<16xi32>], vector<16xf32>,
          %add3A_671 = arith.constant 512 : i32
          %add3A_672 = arith.addi %multiple_of3A_158, %add3A_671 : i32
          %add3A_673 = arith.constant 0 : i32
          %add3A_674 = arith.addi %add3A_672, %add3A_673 : i32
          %multiple_of3A_675 = tpu.assume_multiple %add3A_674, 16 : i32
          %swap3A = arith.index_cast %multiple_of3A_675 : i32 to index
          %swap3A_676 = tpu.vector_load %arg7[%swap3A] {strides = array<i32>} : memref<2048xf32, #tpu.memory_space<vmem>>, vector<16xf32>,
          tpu.vector_store %arg7[%swap3A], %gather3A {strides = array<i32>} : memref<2048xf32, #tpu.memory_space<vmem>>, vector<16xf32>,
          %add3A_677 = arith.constant 16 : i32
          %add3A_678 = vector.broadcast %add3A_677 : i32 to vector<16xi32>
          %add3A_679 = arith.addi %iota3A, %add3A_678 : vector<16xi32>
          %gather3A_680 = tpu.vector_load_idx %arg8[%add3A_679, %broadcast_in_dim3A_460] : memref<64x128xf32, #tpu.memory_space<vmem>>[vector<16xi32>, vector<16xi32>], vector<16xf32>,
          %add3A_681 = arith.constant 512 : i32
          %add3A_682 = arith.addi %multiple_of3A_158, %add3A_681 : i32
          %add3A_683 = arith.constant 16 : i32
          %add3A_684 = arith.addi %add3A_682, %add3A_683 : i32
          %multiple_of3A_685 = tpu.assume_multiple %add3A_684, 16 : i32
          %swap3A_686 = arith.index_cast %multiple_of3A_685 : i32 to index
          %swap3A_687 = tpu.vector_load %arg7[%swap3A_686] {strides = array<i32>} : memref<2048xf32, #tpu.memory_space<vmem>>, vector<16xf32>,
          tpu.vector_store %arg7[%swap3A_686], %gather3A_680 {strides = array<i32>} : memref<2048xf32, #tpu.memory_space<vmem>>, vector<16xf32>,
          %add3A_688 = arith.constant 32 : i32
          %add3A_689 = vector.broadcast %add3A_688 : i32 to vector<16xi32>
          %add3A_690 = arith.addi %iota3A, %add3A_689 : vector<16xi32>
          %gather3A_691 = tpu.vector_load_idx %arg8[%add3A_690, %broadcast_in_dim3A_460] : memref<64x128xf32, #tpu.memory_space<vmem>>[vector<16xi32>, vector<16xi32>], vector<16xf32>,
          %add3A_692 = arith.constant 512 : i32
          %add3A_693 = arith.addi %multiple_of3A_158, %add3A_692 : i32
          %add3A_694 = arith.constant 32 : i32
          %add3A_695 = arith.addi %add3A_693, %add3A_694 : i32
          %multiple_of3A_696 = tpu.assume_multiple %add3A_695, 16 : i32
          %swap3A_697 = arith.index_cast %multiple_of3A_696 : i32 to index
          %swap3A_698 = tpu.vector_load %arg7[%swap3A_697] {strides = array<i32>} : memref<2048xf32, #tpu.memory_space<vmem>>, vector<16xf32>,
          tpu.vector_store %arg7[%swap3A_697], %gather3A_691 {strides = array<i32>} : memref<2048xf32, #tpu.memory_space<vmem>>, vector<16xf32>,
          %add3A_699 = arith.constant 48 : i32
          %add3A_700 = vector.broadcast %add3A_699 : i32 to vector<16xi32>
          %add3A_701 = arith.addi %iota3A, %add3A_700 : vector<16xi32>
          %gather3A_702 = tpu.vector_load_idx %arg8[%add3A_701, %broadcast_in_dim3A_460] : memref<64x128xf32, #tpu.memory_space<vmem>>[vector<16xi32>, vector<16xi32>], vector<16xf32>,
          %add3A_703 = arith.constant 512 : i32
          %add3A_704 = arith.addi %multiple_of3A_158, %add3A_703 : i32
          %add3A_705 = arith.constant 48 : i32
          %add3A_706 = arith.addi %add3A_704, %add3A_705 : i32
          %multiple_of3A_707 = tpu.assume_multiple %add3A_706, 16 : i32
          %swap3A_708 = arith.index_cast %multiple_of3A_707 : i32 to index
          %swap3A_709 = tpu.vector_load %arg7[%swap3A_708] {strides = array<i32>} : memref<2048xf32, #tpu.memory_space<vmem>>, vector<16xf32>,
          tpu.vector_store %arg7[%swap3A_708], %gather3A_702 {strides = array<i32>} : memref<2048xf32, #tpu.memory_space<vmem>>, vector<16xf32>,
        } else {
        }
        %lt3A_471 = arith.constant 31 : i32
        %lt3A_472 = arith.cmpi slt, %scan3A_135, %lt3A_471 : i32
        %convert_element_type3A_473 = arith.extui %lt3A_472 : i1 to i32
        %cond3A_474 = arith.constant 0 : i32
        %cond3A_475 = arith.cmpi ne, %convert_element_type3A_473, %cond3A_474 : i32
        scf.if %cond3A_475 {
          %slice3A_668 = vector.extract_strided_slice %get3A_156 {offsets = [0], sizes = [1], strides = [1]} : vector<16xi32> to vector<1xi32>
          %squeeze3A_669 = vector.extract %slice3A_668[0] : i32 from vector<1xi32>
          %lt3A_670 = arith.constant 999936 : i32
          %lt3A_671 = arith.cmpi slt, %squeeze3A_669, %lt3A_670 : i32
          %shift_right_arithmetic3A_672 = arith.constant 7 : i32
          %shift_right_arithmetic3A_673 = arith.shrsi %squeeze3A_669, %shift_right_arithmetic3A_672 : i32
          %shift_left3A_674 = arith.constant 7 : i32
          %shift_left3A_675 = arith.shli %shift_right_arithmetic3A_673, %shift_left3A_674 : i32
          %jit3A_676 = arith.constant 0 : i32
          %select_n3A_677 = arith.select %lt3A_671, %shift_left3A_675, %jit3A_676 : i32
          %multiple_of3A_678 = tpu.assume_multiple %select_n3A_677, 128 : i32
          %dma_start3A_679 = arith.constant 0 : i32
          %dma_start3A_680 = tpu.memref_slice %arg2[%dma_start3A_679, %multiple_of3A_678] : memref<64x1000000xf32, #tpu.memory_space<hbm>> -> memref<64x128xf32, #tpu.memory_space<hbm>>
          %dma_start3A_681 = arith.constant 0 : i32
          %dma_start3A_682 = tpu.memref_slice %arg2[%dma_start3A_681, %multiple_of3A_678] : memref<64x1000000xf32, #tpu.memory_space<hbm>> -> memref<64x128xf32, #tpu.memory_space<hbm>>
          tpu.enqueue_dma source(%dma_start3A_682 : memref<64x128xf32, #tpu.memory_space<hbm>>) target(%arg9 : memref<64x128xf32, #tpu.memory_space<vmem>>) target_semaphore(%arg17 : memref<!tpu.dma_semaphore, #tpu.memory_space<semaphore_mem>>)
        } else {
        }
        %dma_wait3A_476 = arith.constant 0 : i32
        %dma_wait3A_477 = arith.constant 0 : i32
        %dma_wait3A_478 = tpu.memref_slice %arg2[%dma_wait3A_476, %dma_wait3A_477] : memref<64x1000000xf32, #tpu.memory_space<hbm>> -> memref<64x128xf32, #tpu.memory_space<hbm>>
        %dma_wait3A_479 = arith.constant 0 : i32
        %dma_wait3A_480 = arith.constant 0 : i32
        %dma_wait3A_481 = tpu.memref_slice %arg2[%dma_wait3A_479, %dma_wait3A_480] : memref<64x1000000xf32, #tpu.memory_space<hbm>> -> memref<64x128xf32, #tpu.memory_space<hbm>>
        tpu.wait_dma2 semaphore(%arg18 : memref<!tpu.dma_semaphore, #tpu.memory_space<semaphore_mem>>) src(%dma_wait3A_481 : memref<64x128xf32, #tpu.memory_space<hbm>>) dst(%arg10 : memref<64x128xf32, #tpu.memory_space<vmem>>)
        %slice3A_482 = vector.extract_strided_slice %get3A_149 {offsets = [9], sizes = [1], strides = [1]} : vector<16xi32> to vector<1xi32>
        %squeeze3A_483 = vector.extract %slice3A_482[0] : i32 from vector<1xi32>
        %and3A_484 = arith.constant 127 : i32
        %and3A_485 = arith.andi %squeeze3A_483, %and3A_484 : i32
        %broadcast_in_dim3A_486 = vector.broadcast %and3A_485 : i32 to vector<16xi32>
        %lt3A_487 = arith.constant 999936 : i32
        %lt3A_488 = arith.cmpi slt, %squeeze3A_483, %lt3A_487 : i32
        %convert_element_type3A_489 = arith.extui %lt3A_488 : i1 to i32
        %cond3A_490 = arith.constant 0 : i32
        %cond3A_491 = arith.cmpi ne, %convert_element_type3A_489, %cond3A_490 : i32
        scf.if %cond3A_491 {
          %add3A_668 = arith.constant 0 : i32
          %add3A_669 = vector.broadcast %add3A_668 : i32 to vector<16xi32>
          %add3A_670 = arith.addi %iota3A, %add3A_669 : vector<16xi32>
          %gather3A = tpu.vector_load_idx %arg10[%add3A_670, %broadcast_in_dim3A_486] : memref<64x128xf32, #tpu.memory_space<vmem>>[vector<16xi32>, vector<16xi32>], vector<16xf32>,
          %add3A_671 = arith.constant 576 : i32
          %add3A_672 = arith.addi %multiple_of3A_158, %add3A_671 : i32
          %add3A_673 = arith.constant 0 : i32
          %add3A_674 = arith.addi %add3A_672, %add3A_673 : i32
          %multiple_of3A_675 = tpu.assume_multiple %add3A_674, 16 : i32
          %swap3A = arith.index_cast %multiple_of3A_675 : i32 to index
          %swap3A_676 = tpu.vector_load %arg7[%swap3A] {strides = array<i32>} : memref<2048xf32, #tpu.memory_space<vmem>>, vector<16xf32>,
          tpu.vector_store %arg7[%swap3A], %gather3A {strides = array<i32>} : memref<2048xf32, #tpu.memory_space<vmem>>, vector<16xf32>,
          %add3A_677 = arith.constant 16 : i32
          %add3A_678 = vector.broadcast %add3A_677 : i32 to vector<16xi32>
          %add3A_679 = arith.addi %iota3A, %add3A_678 : vector<16xi32>
          %gather3A_680 = tpu.vector_load_idx %arg10[%add3A_679, %broadcast_in_dim3A_486] : memref<64x128xf32, #tpu.memory_space<vmem>>[vector<16xi32>, vector<16xi32>], vector<16xf32>,
          %add3A_681 = arith.constant 576 : i32
          %add3A_682 = arith.addi %multiple_of3A_158, %add3A_681 : i32
          %add3A_683 = arith.constant 16 : i32
          %add3A_684 = arith.addi %add3A_682, %add3A_683 : i32
          %multiple_of3A_685 = tpu.assume_multiple %add3A_684, 16 : i32
          %swap3A_686 = arith.index_cast %multiple_of3A_685 : i32 to index
          %swap3A_687 = tpu.vector_load %arg7[%swap3A_686] {strides = array<i32>} : memref<2048xf32, #tpu.memory_space<vmem>>, vector<16xf32>,
          tpu.vector_store %arg7[%swap3A_686], %gather3A_680 {strides = array<i32>} : memref<2048xf32, #tpu.memory_space<vmem>>, vector<16xf32>,
          %add3A_688 = arith.constant 32 : i32
          %add3A_689 = vector.broadcast %add3A_688 : i32 to vector<16xi32>
          %add3A_690 = arith.addi %iota3A, %add3A_689 : vector<16xi32>
          %gather3A_691 = tpu.vector_load_idx %arg10[%add3A_690, %broadcast_in_dim3A_486] : memref<64x128xf32, #tpu.memory_space<vmem>>[vector<16xi32>, vector<16xi32>], vector<16xf32>,
          %add3A_692 = arith.constant 576 : i32
          %add3A_693 = arith.addi %multiple_of3A_158, %add3A_692 : i32
          %add3A_694 = arith.constant 32 : i32
          %add3A_695 = arith.addi %add3A_693, %add3A_694 : i32
          %multiple_of3A_696 = tpu.assume_multiple %add3A_695, 16 : i32
          %swap3A_697 = arith.index_cast %multiple_of3A_696 : i32 to index
          %swap3A_698 = tpu.vector_load %arg7[%swap3A_697] {strides = array<i32>} : memref<2048xf32, #tpu.memory_space<vmem>>, vector<16xf32>,
          tpu.vector_store %arg7[%swap3A_697], %gather3A_691 {strides = array<i32>} : memref<2048xf32, #tpu.memory_space<vmem>>, vector<16xf32>,
          %add3A_699 = arith.constant 48 : i32
          %add3A_700 = vector.broadcast %add3A_699 : i32 to vector<16xi32>
          %add3A_701 = arith.addi %iota3A, %add3A_700 : vector<16xi32>
          %gather3A_702 = tpu.vector_load_idx %arg10[%add3A_701, %broadcast_in_dim3A_486] : memref<64x128xf32, #tpu.memory_space<vmem>>[vector<16xi32>, vector<16xi32>], vector<16xf32>,
          %add3A_703 = arith.constant 576 : i32
          %add3A_704 = arith.addi %multiple_of3A_158, %add3A_703 : i32
          %add3A_705 = arith.constant 48 : i32
          %add3A_706 = arith.addi %add3A_704, %add3A_705 : i32
          %multiple_of3A_707 = tpu.assume_multiple %add3A_706, 16 : i32
          %swap3A_708 = arith.index_cast %multiple_of3A_707 : i32 to index
          %swap3A_709 = tpu.vector_load %arg7[%swap3A_708] {strides = array<i32>} : memref<2048xf32, #tpu.memory_space<vmem>>, vector<16xf32>,
          tpu.vector_store %arg7[%swap3A_708], %gather3A_702 {strides = array<i32>} : memref<2048xf32, #tpu.memory_space<vmem>>, vector<16xf32>,
        } else {
        }
        %ge3A_492 = arith.constant 999936 : i32
        %ge3A_493 = arith.cmpi sge, %squeeze3A_483, %ge3A_492 : i32
        %convert_element_type3A_494 = arith.extui %ge3A_493 : i1 to i32
        %cond3A_495 = arith.constant 0 : i32
        %cond3A_496 = arith.cmpi ne, %convert_element_type3A_494, %cond3A_495 : i32
        scf.if %cond3A_496 {
          %add3A_668 = arith.constant 0 : i32
          %add3A_669 = vector.broadcast %add3A_668 : i32 to vector<16xi32>
          %add3A_670 = arith.addi %iota3A, %add3A_669 : vector<16xi32>
          %gather3A = tpu.vector_load_idx %arg8[%add3A_670, %broadcast_in_dim3A_486] : memref<64x128xf32, #tpu.memory_space<vmem>>[vector<16xi32>, vector<16xi32>], vector<16xf32>,
          %add3A_671 = arith.constant 576 : i32
          %add3A_672 = arith.addi %multiple_of3A_158, %add3A_671 : i32
          %add3A_673 = arith.constant 0 : i32
          %add3A_674 = arith.addi %add3A_672, %add3A_673 : i32
          %multiple_of3A_675 = tpu.assume_multiple %add3A_674, 16 : i32
          %swap3A = arith.index_cast %multiple_of3A_675 : i32 to index
          %swap3A_676 = tpu.vector_load %arg7[%swap3A] {strides = array<i32>} : memref<2048xf32, #tpu.memory_space<vmem>>, vector<16xf32>,
          tpu.vector_store %arg7[%swap3A], %gather3A {strides = array<i32>} : memref<2048xf32, #tpu.memory_space<vmem>>, vector<16xf32>,
          %add3A_677 = arith.constant 16 : i32
          %add3A_678 = vector.broadcast %add3A_677 : i32 to vector<16xi32>
          %add3A_679 = arith.addi %iota3A, %add3A_678 : vector<16xi32>
          %gather3A_680 = tpu.vector_load_idx %arg8[%add3A_679, %broadcast_in_dim3A_486] : memref<64x128xf32, #tpu.memory_space<vmem>>[vector<16xi32>, vector<16xi32>], vector<16xf32>,
          %add3A_681 = arith.constant 576 : i32
          %add3A_682 = arith.addi %multiple_of3A_158, %add3A_681 : i32
          %add3A_683 = arith.constant 16 : i32
          %add3A_684 = arith.addi %add3A_682, %add3A_683 : i32
          %multiple_of3A_685 = tpu.assume_multiple %add3A_684, 16 : i32
          %swap3A_686 = arith.index_cast %multiple_of3A_685 : i32 to index
          %swap3A_687 = tpu.vector_load %arg7[%swap3A_686] {strides = array<i32>} : memref<2048xf32, #tpu.memory_space<vmem>>, vector<16xf32>,
          tpu.vector_store %arg7[%swap3A_686], %gather3A_680 {strides = array<i32>} : memref<2048xf32, #tpu.memory_space<vmem>>, vector<16xf32>,
          %add3A_688 = arith.constant 32 : i32
          %add3A_689 = vector.broadcast %add3A_688 : i32 to vector<16xi32>
          %add3A_690 = arith.addi %iota3A, %add3A_689 : vector<16xi32>
          %gather3A_691 = tpu.vector_load_idx %arg8[%add3A_690, %broadcast_in_dim3A_486] : memref<64x128xf32, #tpu.memory_space<vmem>>[vector<16xi32>, vector<16xi32>], vector<16xf32>,
          %add3A_692 = arith.constant 576 : i32
          %add3A_693 = arith.addi %multiple_of3A_158, %add3A_692 : i32
          %add3A_694 = arith.constant 32 : i32
          %add3A_695 = arith.addi %add3A_693, %add3A_694 : i32
          %multiple_of3A_696 = tpu.assume_multiple %add3A_695, 16 : i32
          %swap3A_697 = arith.index_cast %multiple_of3A_696 : i32 to index
          %swap3A_698 = tpu.vector_load %arg7[%swap3A_697] {strides = array<i32>} : memref<2048xf32, #tpu.memory_space<vmem>>, vector<16xf32>,
          tpu.vector_store %arg7[%swap3A_697], %gather3A_691 {strides = array<i32>} : memref<2048xf32, #tpu.memory_space<vmem>>, vector<16xf32>,
          %add3A_699 = arith.constant 48 : i32
          %add3A_700 = vector.broadcast %add3A_699 : i32 to vector<16xi32>
          %add3A_701 = arith.addi %iota3A, %add3A_700 : vector<16xi32>
          %gather3A_702 = tpu.vector_load_idx %arg8[%add3A_701, %broadcast_in_dim3A_486] : memref<64x128xf32, #tpu.memory_space<vmem>>[vector<16xi32>, vector<16xi32>], vector<16xf32>,
          %add3A_703 = arith.constant 576 : i32
          %add3A_704 = arith.addi %multiple_of3A_158, %add3A_703 : i32
          %add3A_705 = arith.constant 48 : i32
          %add3A_706 = arith.addi %add3A_704, %add3A_705 : i32
          %multiple_of3A_707 = tpu.assume_multiple %add3A_706, 16 : i32
          %swap3A_708 = arith.index_cast %multiple_of3A_707 : i32 to index
          %swap3A_709 = tpu.vector_load %arg7[%swap3A_708] {strides = array<i32>} : memref<2048xf32, #tpu.memory_space<vmem>>, vector<16xf32>,
          tpu.vector_store %arg7[%swap3A_708], %gather3A_702 {strides = array<i32>} : memref<2048xf32, #tpu.memory_space<vmem>>, vector<16xf32>,
        } else {
        }
        %lt3A_497 = arith.constant 31 : i32
        %lt3A_498 = arith.cmpi slt, %scan3A_135, %lt3A_497 : i32
        %convert_element_type3A_499 = arith.extui %lt3A_498 : i1 to i32
        %cond3A_500 = arith.constant 0 : i32
        %cond3A_501 = arith.cmpi ne, %convert_element_type3A_499, %cond3A_500 : i32
        scf.if %cond3A_501 {
          %slice3A_668 = vector.extract_strided_slice %get3A_156 {offsets = [1], sizes = [1], strides = [1]} : vector<16xi32> to vector<1xi32>
          %squeeze3A_669 = vector.extract %slice3A_668[0] : i32 from vector<1xi32>
          %lt3A_670 = arith.constant 999936 : i32
          %lt3A_671 = arith.cmpi slt, %squeeze3A_669, %lt3A_670 : i32
          %shift_right_arithmetic3A_672 = arith.constant 7 : i32
          %shift_right_arithmetic3A_673 = arith.shrsi %squeeze3A_669, %shift_right_arithmetic3A_672 : i32
          %shift_left3A_674 = arith.constant 7 : i32
          %shift_left3A_675 = arith.shli %shift_right_arithmetic3A_673, %shift_left3A_674 : i32
          %jit3A_676 = arith.constant 0 : i32
          %select_n3A_677 = arith.select %lt3A_671, %shift_left3A_675, %jit3A_676 : i32
          %multiple_of3A_678 = tpu.assume_multiple %select_n3A_677, 128 : i32
          %dma_start3A_679 = arith.constant 0 : i32
          %dma_start3A_680 = tpu.memref_slice %arg2[%dma_start3A_679, %multiple_of3A_678] : memref<64x1000000xf32, #tpu.memory_space<hbm>> -> memref<64x128xf32, #tpu.memory_space<hbm>>
          %dma_start3A_681 = arith.constant 0 : i32
          %dma_start3A_682 = tpu.memref_slice %arg2[%dma_start3A_681, %multiple_of3A_678] : memref<64x1000000xf32, #tpu.memory_space<hbm>> -> memref<64x128xf32, #tpu.memory_space<hbm>>
          tpu.enqueue_dma source(%dma_start3A_682 : memref<64x128xf32, #tpu.memory_space<hbm>>) target(%arg10 : memref<64x128xf32, #tpu.memory_space<vmem>>) target_semaphore(%arg18 : memref<!tpu.dma_semaphore, #tpu.memory_space<semaphore_mem>>)
        } else {
        }
        %dma_wait3A_502 = arith.constant 0 : i32
        %dma_wait3A_503 = arith.constant 0 : i32
        %dma_wait3A_504 = tpu.memref_slice %arg2[%dma_wait3A_502, %dma_wait3A_503] : memref<64x1000000xf32, #tpu.memory_space<hbm>> -> memref<64x128xf32, #tpu.memory_space<hbm>>
        %dma_wait3A_505 = arith.constant 0 : i32
        %dma_wait3A_506 = arith.constant 0 : i32
        %dma_wait3A_507 = tpu.memref_slice %arg2[%dma_wait3A_505, %dma_wait3A_506] : memref<64x1000000xf32, #tpu.memory_space<hbm>> -> memref<64x128xf32, #tpu.memory_space<hbm>>
        tpu.wait_dma2 semaphore(%arg19 : memref<!tpu.dma_semaphore, #tpu.memory_space<semaphore_mem>>) src(%dma_wait3A_507 : memref<64x128xf32, #tpu.memory_space<hbm>>) dst(%arg11 : memref<64x128xf32, #tpu.memory_space<vmem>>)
        %slice3A_508 = vector.extract_strided_slice %get3A_149 {offsets = [10], sizes = [1], strides = [1]} : vector<16xi32> to vector<1xi32>
        %squeeze3A_509 = vector.extract %slice3A_508[0] : i32 from vector<1xi32>
        %and3A_510 = arith.constant 127 : i32
        %and3A_511 = arith.andi %squeeze3A_509, %and3A_510 : i32
        %broadcast_in_dim3A_512 = vector.broadcast %and3A_511 : i32 to vector<16xi32>
        %lt3A_513 = arith.constant 999936 : i32
        %lt3A_514 = arith.cmpi slt, %squeeze3A_509, %lt3A_513 : i32
        %convert_element_type3A_515 = arith.extui %lt3A_514 : i1 to i32
        %cond3A_516 = arith.constant 0 : i32
        %cond3A_517 = arith.cmpi ne, %convert_element_type3A_515, %cond3A_516 : i32
        scf.if %cond3A_517 {
          %add3A_668 = arith.constant 0 : i32
          %add3A_669 = vector.broadcast %add3A_668 : i32 to vector<16xi32>
          %add3A_670 = arith.addi %iota3A, %add3A_669 : vector<16xi32>
          %gather3A = tpu.vector_load_idx %arg11[%add3A_670, %broadcast_in_dim3A_512] : memref<64x128xf32, #tpu.memory_space<vmem>>[vector<16xi32>, vector<16xi32>], vector<16xf32>,
          %add3A_671 = arith.constant 640 : i32
          %add3A_672 = arith.addi %multiple_of3A_158, %add3A_671 : i32
          %add3A_673 = arith.constant 0 : i32
          %add3A_674 = arith.addi %add3A_672, %add3A_673 : i32
          %multiple_of3A_675 = tpu.assume_multiple %add3A_674, 16 : i32
          %swap3A = arith.index_cast %multiple_of3A_675 : i32 to index
          %swap3A_676 = tpu.vector_load %arg7[%swap3A] {strides = array<i32>} : memref<2048xf32, #tpu.memory_space<vmem>>, vector<16xf32>,
          tpu.vector_store %arg7[%swap3A], %gather3A {strides = array<i32>} : memref<2048xf32, #tpu.memory_space<vmem>>, vector<16xf32>,
          %add3A_677 = arith.constant 16 : i32
          %add3A_678 = vector.broadcast %add3A_677 : i32 to vector<16xi32>
          %add3A_679 = arith.addi %iota3A, %add3A_678 : vector<16xi32>
          %gather3A_680 = tpu.vector_load_idx %arg11[%add3A_679, %broadcast_in_dim3A_512] : memref<64x128xf32, #tpu.memory_space<vmem>>[vector<16xi32>, vector<16xi32>], vector<16xf32>,
          %add3A_681 = arith.constant 640 : i32
          %add3A_682 = arith.addi %multiple_of3A_158, %add3A_681 : i32
          %add3A_683 = arith.constant 16 : i32
          %add3A_684 = arith.addi %add3A_682, %add3A_683 : i32
          %multiple_of3A_685 = tpu.assume_multiple %add3A_684, 16 : i32
          %swap3A_686 = arith.index_cast %multiple_of3A_685 : i32 to index
          %swap3A_687 = tpu.vector_load %arg7[%swap3A_686] {strides = array<i32>} : memref<2048xf32, #tpu.memory_space<vmem>>, vector<16xf32>,
          tpu.vector_store %arg7[%swap3A_686], %gather3A_680 {strides = array<i32>} : memref<2048xf32, #tpu.memory_space<vmem>>, vector<16xf32>,
          %add3A_688 = arith.constant 32 : i32
          %add3A_689 = vector.broadcast %add3A_688 : i32 to vector<16xi32>
          %add3A_690 = arith.addi %iota3A, %add3A_689 : vector<16xi32>
          %gather3A_691 = tpu.vector_load_idx %arg11[%add3A_690, %broadcast_in_dim3A_512] : memref<64x128xf32, #tpu.memory_space<vmem>>[vector<16xi32>, vector<16xi32>], vector<16xf32>,
          %add3A_692 = arith.constant 640 : i32
          %add3A_693 = arith.addi %multiple_of3A_158, %add3A_692 : i32
          %add3A_694 = arith.constant 32 : i32
          %add3A_695 = arith.addi %add3A_693, %add3A_694 : i32
          %multiple_of3A_696 = tpu.assume_multiple %add3A_695, 16 : i32
          %swap3A_697 = arith.index_cast %multiple_of3A_696 : i32 to index
          %swap3A_698 = tpu.vector_load %arg7[%swap3A_697] {strides = array<i32>} : memref<2048xf32, #tpu.memory_space<vmem>>, vector<16xf32>,
          tpu.vector_store %arg7[%swap3A_697], %gather3A_691 {strides = array<i32>} : memref<2048xf32, #tpu.memory_space<vmem>>, vector<16xf32>,
          %add3A_699 = arith.constant 48 : i32
          %add3A_700 = vector.broadcast %add3A_699 : i32 to vector<16xi32>
          %add3A_701 = arith.addi %iota3A, %add3A_700 : vector<16xi32>
          %gather3A_702 = tpu.vector_load_idx %arg11[%add3A_701, %broadcast_in_dim3A_512] : memref<64x128xf32, #tpu.memory_space<vmem>>[vector<16xi32>, vector<16xi32>], vector<16xf32>,
          %add3A_703 = arith.constant 640 : i32
          %add3A_704 = arith.addi %multiple_of3A_158, %add3A_703 : i32
          %add3A_705 = arith.constant 48 : i32
          %add3A_706 = arith.addi %add3A_704, %add3A_705 : i32
          %multiple_of3A_707 = tpu.assume_multiple %add3A_706, 16 : i32
          %swap3A_708 = arith.index_cast %multiple_of3A_707 : i32 to index
          %swap3A_709 = tpu.vector_load %arg7[%swap3A_708] {strides = array<i32>} : memref<2048xf32, #tpu.memory_space<vmem>>, vector<16xf32>,
          tpu.vector_store %arg7[%swap3A_708], %gather3A_702 {strides = array<i32>} : memref<2048xf32, #tpu.memory_space<vmem>>, vector<16xf32>,
        } else {
        }
        %ge3A_518 = arith.constant 999936 : i32
        %ge3A_519 = arith.cmpi sge, %squeeze3A_509, %ge3A_518 : i32
        %convert_element_type3A_520 = arith.extui %ge3A_519 : i1 to i32
        %cond3A_521 = arith.constant 0 : i32
        %cond3A_522 = arith.cmpi ne, %convert_element_type3A_520, %cond3A_521 : i32
        scf.if %cond3A_522 {
          %add3A_668 = arith.constant 0 : i32
          %add3A_669 = vector.broadcast %add3A_668 : i32 to vector<16xi32>
          %add3A_670 = arith.addi %iota3A, %add3A_669 : vector<16xi32>
          %gather3A = tpu.vector_load_idx %arg8[%add3A_670, %broadcast_in_dim3A_512] : memref<64x128xf32, #tpu.memory_space<vmem>>[vector<16xi32>, vector<16xi32>], vector<16xf32>,
          %add3A_671 = arith.constant 640 : i32
          %add3A_672 = arith.addi %multiple_of3A_158, %add3A_671 : i32
          %add3A_673 = arith.constant 0 : i32
          %add3A_674 = arith.addi %add3A_672, %add3A_673 : i32
          %multiple_of3A_675 = tpu.assume_multiple %add3A_674, 16 : i32
          %swap3A = arith.index_cast %multiple_of3A_675 : i32 to index
          %swap3A_676 = tpu.vector_load %arg7[%swap3A] {strides = array<i32>} : memref<2048xf32, #tpu.memory_space<vmem>>, vector<16xf32>,
          tpu.vector_store %arg7[%swap3A], %gather3A {strides = array<i32>} : memref<2048xf32, #tpu.memory_space<vmem>>, vector<16xf32>,
          %add3A_677 = arith.constant 16 : i32
          %add3A_678 = vector.broadcast %add3A_677 : i32 to vector<16xi32>
          %add3A_679 = arith.addi %iota3A, %add3A_678 : vector<16xi32>
          %gather3A_680 = tpu.vector_load_idx %arg8[%add3A_679, %broadcast_in_dim3A_512] : memref<64x128xf32, #tpu.memory_space<vmem>>[vector<16xi32>, vector<16xi32>], vector<16xf32>,
          %add3A_681 = arith.constant 640 : i32
          %add3A_682 = arith.addi %multiple_of3A_158, %add3A_681 : i32
          %add3A_683 = arith.constant 16 : i32
          %add3A_684 = arith.addi %add3A_682, %add3A_683 : i32
          %multiple_of3A_685 = tpu.assume_multiple %add3A_684, 16 : i32
          %swap3A_686 = arith.index_cast %multiple_of3A_685 : i32 to index
          %swap3A_687 = tpu.vector_load %arg7[%swap3A_686] {strides = array<i32>} : memref<2048xf32, #tpu.memory_space<vmem>>, vector<16xf32>,
          tpu.vector_store %arg7[%swap3A_686], %gather3A_680 {strides = array<i32>} : memref<2048xf32, #tpu.memory_space<vmem>>, vector<16xf32>,
          %add3A_688 = arith.constant 32 : i32
          %add3A_689 = vector.broadcast %add3A_688 : i32 to vector<16xi32>
          %add3A_690 = arith.addi %iota3A, %add3A_689 : vector<16xi32>
          %gather3A_691 = tpu.vector_load_idx %arg8[%add3A_690, %broadcast_in_dim3A_512] : memref<64x128xf32, #tpu.memory_space<vmem>>[vector<16xi32>, vector<16xi32>], vector<16xf32>,
          %add3A_692 = arith.constant 640 : i32
          %add3A_693 = arith.addi %multiple_of3A_158, %add3A_692 : i32
          %add3A_694 = arith.constant 32 : i32
          %add3A_695 = arith.addi %add3A_693, %add3A_694 : i32
          %multiple_of3A_696 = tpu.assume_multiple %add3A_695, 16 : i32
          %swap3A_697 = arith.index_cast %multiple_of3A_696 : i32 to index
          %swap3A_698 = tpu.vector_load %arg7[%swap3A_697] {strides = array<i32>} : memref<2048xf32, #tpu.memory_space<vmem>>, vector<16xf32>,
          tpu.vector_store %arg7[%swap3A_697], %gather3A_691 {strides = array<i32>} : memref<2048xf32, #tpu.memory_space<vmem>>, vector<16xf32>,
          %add3A_699 = arith.constant 48 : i32
          %add3A_700 = vector.broadcast %add3A_699 : i32 to vector<16xi32>
          %add3A_701 = arith.addi %iota3A, %add3A_700 : vector<16xi32>
          %gather3A_702 = tpu.vector_load_idx %arg8[%add3A_701, %broadcast_in_dim3A_512] : memref<64x128xf32, #tpu.memory_space<vmem>>[vector<16xi32>, vector<16xi32>], vector<16xf32>,
          %add3A_703 = arith.constant 640 : i32
          %add3A_704 = arith.addi %multiple_of3A_158, %add3A_703 : i32
          %add3A_705 = arith.constant 48 : i32
          %add3A_706 = arith.addi %add3A_704, %add3A_705 : i32
          %multiple_of3A_707 = tpu.assume_multiple %add3A_706, 16 : i32
          %swap3A_708 = arith.index_cast %multiple_of3A_707 : i32 to index
          %swap3A_709 = tpu.vector_load %arg7[%swap3A_708] {strides = array<i32>} : memref<2048xf32, #tpu.memory_space<vmem>>, vector<16xf32>,
          tpu.vector_store %arg7[%swap3A_708], %gather3A_702 {strides = array<i32>} : memref<2048xf32, #tpu.memory_space<vmem>>, vector<16xf32>,
        } else {
        }
        %lt3A_523 = arith.constant 31 : i32
        %lt3A_524 = arith.cmpi slt, %scan3A_135, %lt3A_523 : i32
        %convert_element_type3A_525 = arith.extui %lt3A_524 : i1 to i32
        %cond3A_526 = arith.constant 0 : i32
        %cond3A_527 = arith.cmpi ne, %convert_element_type3A_525, %cond3A_526 : i32
        scf.if %cond3A_527 {
          %slice3A_668 = vector.extract_strided_slice %get3A_156 {offsets = [2], sizes = [1], strides = [1]} : vector<16xi32> to vector<1xi32>
          %squeeze3A_669 = vector.extract %slice3A_668[0] : i32 from vector<1xi32>
          %lt3A_670 = arith.constant 999936 : i32
          %lt3A_671 = arith.cmpi slt, %squeeze3A_669, %lt3A_670 : i32
          %shift_right_arithmetic3A_672 = arith.constant 7 : i32
          %shift_right_arithmetic3A_673 = arith.shrsi %squeeze3A_669, %shift_right_arithmetic3A_672 : i32
          %shift_left3A_674 = arith.constant 7 : i32
          %shift_left3A_675 = arith.shli %shift_right_arithmetic3A_673, %shift_left3A_674 : i32
          %jit3A_676 = arith.constant 0 : i32
          %select_n3A_677 = arith.select %lt3A_671, %shift_left3A_675, %jit3A_676 : i32
          %multiple_of3A_678 = tpu.assume_multiple %select_n3A_677, 128 : i32
          %dma_start3A_679 = arith.constant 0 : i32
          %dma_start3A_680 = tpu.memref_slice %arg2[%dma_start3A_679, %multiple_of3A_678] : memref<64x1000000xf32, #tpu.memory_space<hbm>> -> memref<64x128xf32, #tpu.memory_space<hbm>>
          %dma_start3A_681 = arith.constant 0 : i32
          %dma_start3A_682 = tpu.memref_slice %arg2[%dma_start3A_681, %multiple_of3A_678] : memref<64x1000000xf32, #tpu.memory_space<hbm>> -> memref<64x128xf32, #tpu.memory_space<hbm>>
          tpu.enqueue_dma source(%dma_start3A_682 : memref<64x128xf32, #tpu.memory_space<hbm>>) target(%arg11 : memref<64x128xf32, #tpu.memory_space<vmem>>) target_semaphore(%arg19 : memref<!tpu.dma_semaphore, #tpu.memory_space<semaphore_mem>>)
        } else {
        }
        %dma_wait3A_528 = arith.constant 0 : i32
        %dma_wait3A_529 = arith.constant 0 : i32
        %dma_wait3A_530 = tpu.memref_slice %arg2[%dma_wait3A_528, %dma_wait3A_529] : memref<64x1000000xf32, #tpu.memory_space<hbm>> -> memref<64x128xf32, #tpu.memory_space<hbm>>
        %dma_wait3A_531 = arith.constant 0 : i32
        %dma_wait3A_532 = arith.constant 0 : i32
        %dma_wait3A_533 = tpu.memref_slice %arg2[%dma_wait3A_531, %dma_wait3A_532] : memref<64x1000000xf32, #tpu.memory_space<hbm>> -> memref<64x128xf32, #tpu.memory_space<hbm>>
        tpu.wait_dma2 semaphore(%arg20 : memref<!tpu.dma_semaphore, #tpu.memory_space<semaphore_mem>>) src(%dma_wait3A_533 : memref<64x128xf32, #tpu.memory_space<hbm>>) dst(%arg12 : memref<64x128xf32, #tpu.memory_space<vmem>>)
        %slice3A_534 = vector.extract_strided_slice %get3A_149 {offsets = [11], sizes = [1], strides = [1]} : vector<16xi32> to vector<1xi32>
        %squeeze3A_535 = vector.extract %slice3A_534[0] : i32 from vector<1xi32>
        %and3A_536 = arith.constant 127 : i32
        %and3A_537 = arith.andi %squeeze3A_535, %and3A_536 : i32
        %broadcast_in_dim3A_538 = vector.broadcast %and3A_537 : i32 to vector<16xi32>
        %lt3A_539 = arith.constant 999936 : i32
        %lt3A_540 = arith.cmpi slt, %squeeze3A_535, %lt3A_539 : i32
        %convert_element_type3A_541 = arith.extui %lt3A_540 : i1 to i32
        %cond3A_542 = arith.constant 0 : i32
        %cond3A_543 = arith.cmpi ne, %convert_element_type3A_541, %cond3A_542 : i32
        scf.if %cond3A_543 {
          %add3A_668 = arith.constant 0 : i32
          %add3A_669 = vector.broadcast %add3A_668 : i32 to vector<16xi32>
          %add3A_670 = arith.addi %iota3A, %add3A_669 : vector<16xi32>
          %gather3A = tpu.vector_load_idx %arg12[%add3A_670, %broadcast_in_dim3A_538] : memref<64x128xf32, #tpu.memory_space<vmem>>[vector<16xi32>, vector<16xi32>], vector<16xf32>,
          %add3A_671 = arith.constant 704 : i32
          %add3A_672 = arith.addi %multiple_of3A_158, %add3A_671 : i32
          %add3A_673 = arith.constant 0 : i32
          %add3A_674 = arith.addi %add3A_672, %add3A_673 : i32
          %multiple_of3A_675 = tpu.assume_multiple %add3A_674, 16 : i32
          %swap3A = arith.index_cast %multiple_of3A_675 : i32 to index
          %swap3A_676 = tpu.vector_load %arg7[%swap3A] {strides = array<i32>} : memref<2048xf32, #tpu.memory_space<vmem>>, vector<16xf32>,
          tpu.vector_store %arg7[%swap3A], %gather3A {strides = array<i32>} : memref<2048xf32, #tpu.memory_space<vmem>>, vector<16xf32>,
          %add3A_677 = arith.constant 16 : i32
          %add3A_678 = vector.broadcast %add3A_677 : i32 to vector<16xi32>
          %add3A_679 = arith.addi %iota3A, %add3A_678 : vector<16xi32>
          %gather3A_680 = tpu.vector_load_idx %arg12[%add3A_679, %broadcast_in_dim3A_538] : memref<64x128xf32, #tpu.memory_space<vmem>>[vector<16xi32>, vector<16xi32>], vector<16xf32>,
          %add3A_681 = arith.constant 704 : i32
          %add3A_682 = arith.addi %multiple_of3A_158, %add3A_681 : i32
          %add3A_683 = arith.constant 16 : i32
          %add3A_684 = arith.addi %add3A_682, %add3A_683 : i32
          %multiple_of3A_685 = tpu.assume_multiple %add3A_684, 16 : i32
          %swap3A_686 = arith.index_cast %multiple_of3A_685 : i32 to index
          %swap3A_687 = tpu.vector_load %arg7[%swap3A_686] {strides = array<i32>} : memref<2048xf32, #tpu.memory_space<vmem>>, vector<16xf32>,
          tpu.vector_store %arg7[%swap3A_686], %gather3A_680 {strides = array<i32>} : memref<2048xf32, #tpu.memory_space<vmem>>, vector<16xf32>,
          %add3A_688 = arith.constant 32 : i32
          %add3A_689 = vector.broadcast %add3A_688 : i32 to vector<16xi32>
          %add3A_690 = arith.addi %iota3A, %add3A_689 : vector<16xi32>
          %gather3A_691 = tpu.vector_load_idx %arg12[%add3A_690, %broadcast_in_dim3A_538] : memref<64x128xf32, #tpu.memory_space<vmem>>[vector<16xi32>, vector<16xi32>], vector<16xf32>,
          %add3A_692 = arith.constant 704 : i32
          %add3A_693 = arith.addi %multiple_of3A_158, %add3A_692 : i32
          %add3A_694 = arith.constant 32 : i32
          %add3A_695 = arith.addi %add3A_693, %add3A_694 : i32
          %multiple_of3A_696 = tpu.assume_multiple %add3A_695, 16 : i32
          %swap3A_697 = arith.index_cast %multiple_of3A_696 : i32 to index
          %swap3A_698 = tpu.vector_load %arg7[%swap3A_697] {strides = array<i32>} : memref<2048xf32, #tpu.memory_space<vmem>>, vector<16xf32>,
          tpu.vector_store %arg7[%swap3A_697], %gather3A_691 {strides = array<i32>} : memref<2048xf32, #tpu.memory_space<vmem>>, vector<16xf32>,
          %add3A_699 = arith.constant 48 : i32
          %add3A_700 = vector.broadcast %add3A_699 : i32 to vector<16xi32>
          %add3A_701 = arith.addi %iota3A, %add3A_700 : vector<16xi32>
          %gather3A_702 = tpu.vector_load_idx %arg12[%add3A_701, %broadcast_in_dim3A_538] : memref<64x128xf32, #tpu.memory_space<vmem>>[vector<16xi32>, vector<16xi32>], vector<16xf32>,
          %add3A_703 = arith.constant 704 : i32
          %add3A_704 = arith.addi %multiple_of3A_158, %add3A_703 : i32
          %add3A_705 = arith.constant 48 : i32
          %add3A_706 = arith.addi %add3A_704, %add3A_705 : i32
          %multiple_of3A_707 = tpu.assume_multiple %add3A_706, 16 : i32
          %swap3A_708 = arith.index_cast %multiple_of3A_707 : i32 to index
          %swap3A_709 = tpu.vector_load %arg7[%swap3A_708] {strides = array<i32>} : memref<2048xf32, #tpu.memory_space<vmem>>, vector<16xf32>,
          tpu.vector_store %arg7[%swap3A_708], %gather3A_702 {strides = array<i32>} : memref<2048xf32, #tpu.memory_space<vmem>>, vector<16xf32>,
        } else {
        }
        %ge3A_544 = arith.constant 999936 : i32
        %ge3A_545 = arith.cmpi sge, %squeeze3A_535, %ge3A_544 : i32
        %convert_element_type3A_546 = arith.extui %ge3A_545 : i1 to i32
        %cond3A_547 = arith.constant 0 : i32
        %cond3A_548 = arith.cmpi ne, %convert_element_type3A_546, %cond3A_547 : i32
        scf.if %cond3A_548 {
          %add3A_668 = arith.constant 0 : i32
          %add3A_669 = vector.broadcast %add3A_668 : i32 to vector<16xi32>
          %add3A_670 = arith.addi %iota3A, %add3A_669 : vector<16xi32>
          %gather3A = tpu.vector_load_idx %arg8[%add3A_670, %broadcast_in_dim3A_538] : memref<64x128xf32, #tpu.memory_space<vmem>>[vector<16xi32>, vector<16xi32>], vector<16xf32>,
          %add3A_671 = arith.constant 704 : i32
          %add3A_672 = arith.addi %multiple_of3A_158, %add3A_671 : i32
          %add3A_673 = arith.constant 0 : i32
          %add3A_674 = arith.addi %add3A_672, %add3A_673 : i32
          %multiple_of3A_675 = tpu.assume_multiple %add3A_674, 16 : i32
          %swap3A = arith.index_cast %multiple_of3A_675 : i32 to index
          %swap3A_676 = tpu.vector_load %arg7[%swap3A] {strides = array<i32>} : memref<2048xf32, #tpu.memory_space<vmem>>, vector<16xf32>,
          tpu.vector_store %arg7[%swap3A], %gather3A {strides = array<i32>} : memref<2048xf32, #tpu.memory_space<vmem>>, vector<16xf32>,
          %add3A_677 = arith.constant 16 : i32
          %add3A_678 = vector.broadcast %add3A_677 : i32 to vector<16xi32>
          %add3A_679 = arith.addi %iota3A, %add3A_678 : vector<16xi32>
          %gather3A_680 = tpu.vector_load_idx %arg8[%add3A_679, %broadcast_in_dim3A_538] : memref<64x128xf32, #tpu.memory_space<vmem>>[vector<16xi32>, vector<16xi32>], vector<16xf32>,
          %add3A_681 = arith.constant 704 : i32
          %add3A_682 = arith.addi %multiple_of3A_158, %add3A_681 : i32
          %add3A_683 = arith.constant 16 : i32
          %add3A_684 = arith.addi %add3A_682, %add3A_683 : i32
          %multiple_of3A_685 = tpu.assume_multiple %add3A_684, 16 : i32
          %swap3A_686 = arith.index_cast %multiple_of3A_685 : i32 to index
          %swap3A_687 = tpu.vector_load %arg7[%swap3A_686] {strides = array<i32>} : memref<2048xf32, #tpu.memory_space<vmem>>, vector<16xf32>,
          tpu.vector_store %arg7[%swap3A_686], %gather3A_680 {strides = array<i32>} : memref<2048xf32, #tpu.memory_space<vmem>>, vector<16xf32>,
          %add3A_688 = arith.constant 32 : i32
          %add3A_689 = vector.broadcast %add3A_688 : i32 to vector<16xi32>
          %add3A_690 = arith.addi %iota3A, %add3A_689 : vector<16xi32>
          %gather3A_691 = tpu.vector_load_idx %arg8[%add3A_690, %broadcast_in_dim3A_538] : memref<64x128xf32, #tpu.memory_space<vmem>>[vector<16xi32>, vector<16xi32>], vector<16xf32>,
          %add3A_692 = arith.constant 704 : i32
          %add3A_693 = arith.addi %multiple_of3A_158, %add3A_692 : i32
          %add3A_694 = arith.constant 32 : i32
          %add3A_695 = arith.addi %add3A_693, %add3A_694 : i32
          %multiple_of3A_696 = tpu.assume_multiple %add3A_695, 16 : i32
          %swap3A_697 = arith.index_cast %multiple_of3A_696 : i32 to index
          %swap3A_698 = tpu.vector_load %arg7[%swap3A_697] {strides = array<i32>} : memref<2048xf32, #tpu.memory_space<vmem>>, vector<16xf32>,
          tpu.vector_store %arg7[%swap3A_697], %gather3A_691 {strides = array<i32>} : memref<2048xf32, #tpu.memory_space<vmem>>, vector<16xf32>,
          %add3A_699 = arith.constant 48 : i32
          %add3A_700 = vector.broadcast %add3A_699 : i32 to vector<16xi32>
          %add3A_701 = arith.addi %iota3A, %add3A_700 : vector<16xi32>
          %gather3A_702 = tpu.vector_load_idx %arg8[%add3A_701, %broadcast_in_dim3A_538] : memref<64x128xf32, #tpu.memory_space<vmem>>[vector<16xi32>, vector<16xi32>], vector<16xf32>,
          %add3A_703 = arith.constant 704 : i32
          %add3A_704 = arith.addi %multiple_of3A_158, %add3A_703 : i32
          %add3A_705 = arith.constant 48 : i32
          %add3A_706 = arith.addi %add3A_704, %add3A_705 : i32
          %multiple_of3A_707 = tpu.assume_multiple %add3A_706, 16 : i32
          %swap3A_708 = arith.index_cast %multiple_of3A_707 : i32 to index
          %swap3A_709 = tpu.vector_load %arg7[%swap3A_708] {strides = array<i32>} : memref<2048xf32, #tpu.memory_space<vmem>>, vector<16xf32>,
          tpu.vector_store %arg7[%swap3A_708], %gather3A_702 {strides = array<i32>} : memref<2048xf32, #tpu.memory_space<vmem>>, vector<16xf32>,
        } else {
        }
        %lt3A_549 = arith.constant 31 : i32
        %lt3A_550 = arith.cmpi slt, %scan3A_135, %lt3A_549 : i32
        %convert_element_type3A_551 = arith.extui %lt3A_550 : i1 to i32
        %cond3A_552 = arith.constant 0 : i32
        %cond3A_553 = arith.cmpi ne, %convert_element_type3A_551, %cond3A_552 : i32
        scf.if %cond3A_553 {
          %slice3A_668 = vector.extract_strided_slice %get3A_156 {offsets = [3], sizes = [1], strides = [1]} : vector<16xi32> to vector<1xi32>
          %squeeze3A_669 = vector.extract %slice3A_668[0] : i32 from vector<1xi32>
          %lt3A_670 = arith.constant 999936 : i32
          %lt3A_671 = arith.cmpi slt, %squeeze3A_669, %lt3A_670 : i32
          %shift_right_arithmetic3A_672 = arith.constant 7 : i32
          %shift_right_arithmetic3A_673 = arith.shrsi %squeeze3A_669, %shift_right_arithmetic3A_672 : i32
          %shift_left3A_674 = arith.constant 7 : i32
          %shift_left3A_675 = arith.shli %shift_right_arithmetic3A_673, %shift_left3A_674 : i32
          %jit3A_676 = arith.constant 0 : i32
          %select_n3A_677 = arith.select %lt3A_671, %shift_left3A_675, %jit3A_676 : i32
          %multiple_of3A_678 = tpu.assume_multiple %select_n3A_677, 128 : i32
          %dma_start3A_679 = arith.constant 0 : i32
          %dma_start3A_680 = tpu.memref_slice %arg2[%dma_start3A_679, %multiple_of3A_678] : memref<64x1000000xf32, #tpu.memory_space<hbm>> -> memref<64x128xf32, #tpu.memory_space<hbm>>
          %dma_start3A_681 = arith.constant 0 : i32
          %dma_start3A_682 = tpu.memref_slice %arg2[%dma_start3A_681, %multiple_of3A_678] : memref<64x1000000xf32, #tpu.memory_space<hbm>> -> memref<64x128xf32, #tpu.memory_space<hbm>>
          tpu.enqueue_dma source(%dma_start3A_682 : memref<64x128xf32, #tpu.memory_space<hbm>>) target(%arg12 : memref<64x128xf32, #tpu.memory_space<vmem>>) target_semaphore(%arg20 : memref<!tpu.dma_semaphore, #tpu.memory_space<semaphore_mem>>)
        } else {
        }
        %dma_wait3A_554 = arith.constant 0 : i32
        %dma_wait3A_555 = arith.constant 0 : i32
        %dma_wait3A_556 = tpu.memref_slice %arg2[%dma_wait3A_554, %dma_wait3A_555] : memref<64x1000000xf32, #tpu.memory_space<hbm>> -> memref<64x128xf32, #tpu.memory_space<hbm>>
        %dma_wait3A_557 = arith.constant 0 : i32
        %dma_wait3A_558 = arith.constant 0 : i32
        %dma_wait3A_559 = tpu.memref_slice %arg2[%dma_wait3A_557, %dma_wait3A_558] : memref<64x1000000xf32, #tpu.memory_space<hbm>> -> memref<64x128xf32, #tpu.memory_space<hbm>>
        tpu.wait_dma2 semaphore(%arg21 : memref<!tpu.dma_semaphore, #tpu.memory_space<semaphore_mem>>) src(%dma_wait3A_559 : memref<64x128xf32, #tpu.memory_space<hbm>>) dst(%arg13 : memref<64x128xf32, #tpu.memory_space<vmem>>)
        %slice3A_560 = vector.extract_strided_slice %get3A_149 {offsets = [12], sizes = [1], strides = [1]} : vector<16xi32> to vector<1xi32>
        %squeeze3A_561 = vector.extract %slice3A_560[0] : i32 from vector<1xi32>
        %and3A_562 = arith.constant 127 : i32
        %and3A_563 = arith.andi %squeeze3A_561, %and3A_562 : i32
        %broadcast_in_dim3A_564 = vector.broadcast %and3A_563 : i32 to vector<16xi32>
        %lt3A_565 = arith.constant 999936 : i32
        %lt3A_566 = arith.cmpi slt, %squeeze3A_561, %lt3A_565 : i32
        %convert_element_type3A_567 = arith.extui %lt3A_566 : i1 to i32
        %cond3A_568 = arith.constant 0 : i32
        %cond3A_569 = arith.cmpi ne, %convert_element_type3A_567, %cond3A_568 : i32
        scf.if %cond3A_569 {
          %add3A_668 = arith.constant 0 : i32
          %add3A_669 = vector.broadcast %add3A_668 : i32 to vector<16xi32>
          %add3A_670 = arith.addi %iota3A, %add3A_669 : vector<16xi32>
          %gather3A = tpu.vector_load_idx %arg13[%add3A_670, %broadcast_in_dim3A_564] : memref<64x128xf32, #tpu.memory_space<vmem>>[vector<16xi32>, vector<16xi32>], vector<16xf32>,
          %add3A_671 = arith.constant 768 : i32
          %add3A_672 = arith.addi %multiple_of3A_158, %add3A_671 : i32
          %add3A_673 = arith.constant 0 : i32
          %add3A_674 = arith.addi %add3A_672, %add3A_673 : i32
          %multiple_of3A_675 = tpu.assume_multiple %add3A_674, 16 : i32
          %swap3A = arith.index_cast %multiple_of3A_675 : i32 to index
          %swap3A_676 = tpu.vector_load %arg7[%swap3A] {strides = array<i32>} : memref<2048xf32, #tpu.memory_space<vmem>>, vector<16xf32>,
          tpu.vector_store %arg7[%swap3A], %gather3A {strides = array<i32>} : memref<2048xf32, #tpu.memory_space<vmem>>, vector<16xf32>,
          %add3A_677 = arith.constant 16 : i32
          %add3A_678 = vector.broadcast %add3A_677 : i32 to vector<16xi32>
          %add3A_679 = arith.addi %iota3A, %add3A_678 : vector<16xi32>
          %gather3A_680 = tpu.vector_load_idx %arg13[%add3A_679, %broadcast_in_dim3A_564] : memref<64x128xf32, #tpu.memory_space<vmem>>[vector<16xi32>, vector<16xi32>], vector<16xf32>,
          %add3A_681 = arith.constant 768 : i32
          %add3A_682 = arith.addi %multiple_of3A_158, %add3A_681 : i32
          %add3A_683 = arith.constant 16 : i32
          %add3A_684 = arith.addi %add3A_682, %add3A_683 : i32
          %multiple_of3A_685 = tpu.assume_multiple %add3A_684, 16 : i32
          %swap3A_686 = arith.index_cast %multiple_of3A_685 : i32 to index
          %swap3A_687 = tpu.vector_load %arg7[%swap3A_686] {strides = array<i32>} : memref<2048xf32, #tpu.memory_space<vmem>>, vector<16xf32>,
          tpu.vector_store %arg7[%swap3A_686], %gather3A_680 {strides = array<i32>} : memref<2048xf32, #tpu.memory_space<vmem>>, vector<16xf32>,
          %add3A_688 = arith.constant 32 : i32
          %add3A_689 = vector.broadcast %add3A_688 : i32 to vector<16xi32>
          %add3A_690 = arith.addi %iota3A, %add3A_689 : vector<16xi32>
          %gather3A_691 = tpu.vector_load_idx %arg13[%add3A_690, %broadcast_in_dim3A_564] : memref<64x128xf32, #tpu.memory_space<vmem>>[vector<16xi32>, vector<16xi32>], vector<16xf32>,
          %add3A_692 = arith.constant 768 : i32
          %add3A_693 = arith.addi %multiple_of3A_158, %add3A_692 : i32
          %add3A_694 = arith.constant 32 : i32
          %add3A_695 = arith.addi %add3A_693, %add3A_694 : i32
          %multiple_of3A_696 = tpu.assume_multiple %add3A_695, 16 : i32
          %swap3A_697 = arith.index_cast %multiple_of3A_696 : i32 to index
          %swap3A_698 = tpu.vector_load %arg7[%swap3A_697] {strides = array<i32>} : memref<2048xf32, #tpu.memory_space<vmem>>, vector<16xf32>,
          tpu.vector_store %arg7[%swap3A_697], %gather3A_691 {strides = array<i32>} : memref<2048xf32, #tpu.memory_space<vmem>>, vector<16xf32>,
          %add3A_699 = arith.constant 48 : i32
          %add3A_700 = vector.broadcast %add3A_699 : i32 to vector<16xi32>
          %add3A_701 = arith.addi %iota3A, %add3A_700 : vector<16xi32>
          %gather3A_702 = tpu.vector_load_idx %arg13[%add3A_701, %broadcast_in_dim3A_564] : memref<64x128xf32, #tpu.memory_space<vmem>>[vector<16xi32>, vector<16xi32>], vector<16xf32>,
          %add3A_703 = arith.constant 768 : i32
          %add3A_704 = arith.addi %multiple_of3A_158, %add3A_703 : i32
          %add3A_705 = arith.constant 48 : i32
          %add3A_706 = arith.addi %add3A_704, %add3A_705 : i32
          %multiple_of3A_707 = tpu.assume_multiple %add3A_706, 16 : i32
          %swap3A_708 = arith.index_cast %multiple_of3A_707 : i32 to index
          %swap3A_709 = tpu.vector_load %arg7[%swap3A_708] {strides = array<i32>} : memref<2048xf32, #tpu.memory_space<vmem>>, vector<16xf32>,
          tpu.vector_store %arg7[%swap3A_708], %gather3A_702 {strides = array<i32>} : memref<2048xf32, #tpu.memory_space<vmem>>, vector<16xf32>,
        } else {
        }
        %ge3A_570 = arith.constant 999936 : i32
        %ge3A_571 = arith.cmpi sge, %squeeze3A_561, %ge3A_570 : i32
        %convert_element_type3A_572 = arith.extui %ge3A_571 : i1 to i32
        %cond3A_573 = arith.constant 0 : i32
        %cond3A_574 = arith.cmpi ne, %convert_element_type3A_572, %cond3A_573 : i32
        scf.if %cond3A_574 {
          %add3A_668 = arith.constant 0 : i32
          %add3A_669 = vector.broadcast %add3A_668 : i32 to vector<16xi32>
          %add3A_670 = arith.addi %iota3A, %add3A_669 : vector<16xi32>
          %gather3A = tpu.vector_load_idx %arg8[%add3A_670, %broadcast_in_dim3A_564] : memref<64x128xf32, #tpu.memory_space<vmem>>[vector<16xi32>, vector<16xi32>], vector<16xf32>,
          %add3A_671 = arith.constant 768 : i32
          %add3A_672 = arith.addi %multiple_of3A_158, %add3A_671 : i32
          %add3A_673 = arith.constant 0 : i32
          %add3A_674 = arith.addi %add3A_672, %add3A_673 : i32
          %multiple_of3A_675 = tpu.assume_multiple %add3A_674, 16 : i32
          %swap3A = arith.index_cast %multiple_of3A_675 : i32 to index
          %swap3A_676 = tpu.vector_load %arg7[%swap3A] {strides = array<i32>} : memref<2048xf32, #tpu.memory_space<vmem>>, vector<16xf32>,
          tpu.vector_store %arg7[%swap3A], %gather3A {strides = array<i32>} : memref<2048xf32, #tpu.memory_space<vmem>>, vector<16xf32>,
          %add3A_677 = arith.constant 16 : i32
          %add3A_678 = vector.broadcast %add3A_677 : i32 to vector<16xi32>
          %add3A_679 = arith.addi %iota3A, %add3A_678 : vector<16xi32>
          %gather3A_680 = tpu.vector_load_idx %arg8[%add3A_679, %broadcast_in_dim3A_564] : memref<64x128xf32, #tpu.memory_space<vmem>>[vector<16xi32>, vector<16xi32>], vector<16xf32>,
          %add3A_681 = arith.constant 768 : i32
          %add3A_682 = arith.addi %multiple_of3A_158, %add3A_681 : i32
          %add3A_683 = arith.constant 16 : i32
          %add3A_684 = arith.addi %add3A_682, %add3A_683 : i32
          %multiple_of3A_685 = tpu.assume_multiple %add3A_684, 16 : i32
          %swap3A_686 = arith.index_cast %multiple_of3A_685 : i32 to index
          %swap3A_687 = tpu.vector_load %arg7[%swap3A_686] {strides = array<i32>} : memref<2048xf32, #tpu.memory_space<vmem>>, vector<16xf32>,
          tpu.vector_store %arg7[%swap3A_686], %gather3A_680 {strides = array<i32>} : memref<2048xf32, #tpu.memory_space<vmem>>, vector<16xf32>,
          %add3A_688 = arith.constant 32 : i32
          %add3A_689 = vector.broadcast %add3A_688 : i32 to vector<16xi32>
          %add3A_690 = arith.addi %iota3A, %add3A_689 : vector<16xi32>
          %gather3A_691 = tpu.vector_load_idx %arg8[%add3A_690, %broadcast_in_dim3A_564] : memref<64x128xf32, #tpu.memory_space<vmem>>[vector<16xi32>, vector<16xi32>], vector<16xf32>,
          %add3A_692 = arith.constant 768 : i32
          %add3A_693 = arith.addi %multiple_of3A_158, %add3A_692 : i32
          %add3A_694 = arith.constant 32 : i32
          %add3A_695 = arith.addi %add3A_693, %add3A_694 : i32
          %multiple_of3A_696 = tpu.assume_multiple %add3A_695, 16 : i32
          %swap3A_697 = arith.index_cast %multiple_of3A_696 : i32 to index
          %swap3A_698 = tpu.vector_load %arg7[%swap3A_697] {strides = array<i32>} : memref<2048xf32, #tpu.memory_space<vmem>>, vector<16xf32>,
          tpu.vector_store %arg7[%swap3A_697], %gather3A_691 {strides = array<i32>} : memref<2048xf32, #tpu.memory_space<vmem>>, vector<16xf32>,
          %add3A_699 = arith.constant 48 : i32
          %add3A_700 = vector.broadcast %add3A_699 : i32 to vector<16xi32>
          %add3A_701 = arith.addi %iota3A, %add3A_700 : vector<16xi32>
          %gather3A_702 = tpu.vector_load_idx %arg8[%add3A_701, %broadcast_in_dim3A_564] : memref<64x128xf32, #tpu.memory_space<vmem>>[vector<16xi32>, vector<16xi32>], vector<16xf32>,
          %add3A_703 = arith.constant 768 : i32
          %add3A_704 = arith.addi %multiple_of3A_158, %add3A_703 : i32
          %add3A_705 = arith.constant 48 : i32
          %add3A_706 = arith.addi %add3A_704, %add3A_705 : i32
          %multiple_of3A_707 = tpu.assume_multiple %add3A_706, 16 : i32
          %swap3A_708 = arith.index_cast %multiple_of3A_707 : i32 to index
          %swap3A_709 = tpu.vector_load %arg7[%swap3A_708] {strides = array<i32>} : memref<2048xf32, #tpu.memory_space<vmem>>, vector<16xf32>,
          tpu.vector_store %arg7[%swap3A_708], %gather3A_702 {strides = array<i32>} : memref<2048xf32, #tpu.memory_space<vmem>>, vector<16xf32>,
        } else {
        }
        %lt3A_575 = arith.constant 31 : i32
        %lt3A_576 = arith.cmpi slt, %scan3A_135, %lt3A_575 : i32
        %convert_element_type3A_577 = arith.extui %lt3A_576 : i1 to i32
        %cond3A_578 = arith.constant 0 : i32
        %cond3A_579 = arith.cmpi ne, %convert_element_type3A_577, %cond3A_578 : i32
        scf.if %cond3A_579 {
          %slice3A_668 = vector.extract_strided_slice %get3A_156 {offsets = [4], sizes = [1], strides = [1]} : vector<16xi32> to vector<1xi32>
          %squeeze3A_669 = vector.extract %slice3A_668[0] : i32 from vector<1xi32>
          %lt3A_670 = arith.constant 999936 : i32
          %lt3A_671 = arith.cmpi slt, %squeeze3A_669, %lt3A_670 : i32
          %shift_right_arithmetic3A_672 = arith.constant 7 : i32
          %shift_right_arithmetic3A_673 = arith.shrsi %squeeze3A_669, %shift_right_arithmetic3A_672 : i32
          %shift_left3A_674 = arith.constant 7 : i32
          %shift_left3A_675 = arith.shli %shift_right_arithmetic3A_673, %shift_left3A_674 : i32
          %jit3A_676 = arith.constant 0 : i32
          %select_n3A_677 = arith.select %lt3A_671, %shift_left3A_675, %jit3A_676 : i32
          %multiple_of3A_678 = tpu.assume_multiple %select_n3A_677, 128 : i32
          %dma_start3A_679 = arith.constant 0 : i32
          %dma_start3A_680 = tpu.memref_slice %arg2[%dma_start3A_679, %multiple_of3A_678] : memref<64x1000000xf32, #tpu.memory_space<hbm>> -> memref<64x128xf32, #tpu.memory_space<hbm>>
          %dma_start3A_681 = arith.constant 0 : i32
          %dma_start3A_682 = tpu.memref_slice %arg2[%dma_start3A_681, %multiple_of3A_678] : memref<64x1000000xf32, #tpu.memory_space<hbm>> -> memref<64x128xf32, #tpu.memory_space<hbm>>
          tpu.enqueue_dma source(%dma_start3A_682 : memref<64x128xf32, #tpu.memory_space<hbm>>) target(%arg13 : memref<64x128xf32, #tpu.memory_space<vmem>>) target_semaphore(%arg21 : memref<!tpu.dma_semaphore, #tpu.memory_space<semaphore_mem>>)
        } else {
        }
        %dma_wait3A_580 = arith.constant 0 : i32
        %dma_wait3A_581 = arith.constant 0 : i32
        %dma_wait3A_582 = tpu.memref_slice %arg2[%dma_wait3A_580, %dma_wait3A_581] : memref<64x1000000xf32, #tpu.memory_space<hbm>> -> memref<64x128xf32, #tpu.memory_space<hbm>>
        %dma_wait3A_583 = arith.constant 0 : i32
        %dma_wait3A_584 = arith.constant 0 : i32
        %dma_wait3A_585 = tpu.memref_slice %arg2[%dma_wait3A_583, %dma_wait3A_584] : memref<64x1000000xf32, #tpu.memory_space<hbm>> -> memref<64x128xf32, #tpu.memory_space<hbm>>
        tpu.wait_dma2 semaphore(%arg22 : memref<!tpu.dma_semaphore, #tpu.memory_space<semaphore_mem>>) src(%dma_wait3A_585 : memref<64x128xf32, #tpu.memory_space<hbm>>) dst(%arg14 : memref<64x128xf32, #tpu.memory_space<vmem>>)
        %slice3A_586 = vector.extract_strided_slice %get3A_149 {offsets = [13], sizes = [1], strides = [1]} : vector<16xi32> to vector<1xi32>
        %squeeze3A_587 = vector.extract %slice3A_586[0] : i32 from vector<1xi32>
        %and3A_588 = arith.constant 127 : i32
        %and3A_589 = arith.andi %squeeze3A_587, %and3A_588 : i32
        %broadcast_in_dim3A_590 = vector.broadcast %and3A_589 : i32 to vector<16xi32>
        %lt3A_591 = arith.constant 999936 : i32
        %lt3A_592 = arith.cmpi slt, %squeeze3A_587, %lt3A_591 : i32
        %convert_element_type3A_593 = arith.extui %lt3A_592 : i1 to i32
        %cond3A_594 = arith.constant 0 : i32
        %cond3A_595 = arith.cmpi ne, %convert_element_type3A_593, %cond3A_594 : i32
        scf.if %cond3A_595 {
          %add3A_668 = arith.constant 0 : i32
          %add3A_669 = vector.broadcast %add3A_668 : i32 to vector<16xi32>
          %add3A_670 = arith.addi %iota3A, %add3A_669 : vector<16xi32>
          %gather3A = tpu.vector_load_idx %arg14[%add3A_670, %broadcast_in_dim3A_590] : memref<64x128xf32, #tpu.memory_space<vmem>>[vector<16xi32>, vector<16xi32>], vector<16xf32>,
          %add3A_671 = arith.constant 832 : i32
          %add3A_672 = arith.addi %multiple_of3A_158, %add3A_671 : i32
          %add3A_673 = arith.constant 0 : i32
          %add3A_674 = arith.addi %add3A_672, %add3A_673 : i32
          %multiple_of3A_675 = tpu.assume_multiple %add3A_674, 16 : i32
          %swap3A = arith.index_cast %multiple_of3A_675 : i32 to index
          %swap3A_676 = tpu.vector_load %arg7[%swap3A] {strides = array<i32>} : memref<2048xf32, #tpu.memory_space<vmem>>, vector<16xf32>,
          tpu.vector_store %arg7[%swap3A], %gather3A {strides = array<i32>} : memref<2048xf32, #tpu.memory_space<vmem>>, vector<16xf32>,
          %add3A_677 = arith.constant 16 : i32
          %add3A_678 = vector.broadcast %add3A_677 : i32 to vector<16xi32>
          %add3A_679 = arith.addi %iota3A, %add3A_678 : vector<16xi32>
          %gather3A_680 = tpu.vector_load_idx %arg14[%add3A_679, %broadcast_in_dim3A_590] : memref<64x128xf32, #tpu.memory_space<vmem>>[vector<16xi32>, vector<16xi32>], vector<16xf32>,
          %add3A_681 = arith.constant 832 : i32
          %add3A_682 = arith.addi %multiple_of3A_158, %add3A_681 : i32
          %add3A_683 = arith.constant 16 : i32
          %add3A_684 = arith.addi %add3A_682, %add3A_683 : i32
          %multiple_of3A_685 = tpu.assume_multiple %add3A_684, 16 : i32
          %swap3A_686 = arith.index_cast %multiple_of3A_685 : i32 to index
          %swap3A_687 = tpu.vector_load %arg7[%swap3A_686] {strides = array<i32>} : memref<2048xf32, #tpu.memory_space<vmem>>, vector<16xf32>,
          tpu.vector_store %arg7[%swap3A_686], %gather3A_680 {strides = array<i32>} : memref<2048xf32, #tpu.memory_space<vmem>>, vector<16xf32>,
          %add3A_688 = arith.constant 32 : i32
          %add3A_689 = vector.broadcast %add3A_688 : i32 to vector<16xi32>
          %add3A_690 = arith.addi %iota3A, %add3A_689 : vector<16xi32>
          %gather3A_691 = tpu.vector_load_idx %arg14[%add3A_690, %broadcast_in_dim3A_590] : memref<64x128xf32, #tpu.memory_space<vmem>>[vector<16xi32>, vector<16xi32>], vector<16xf32>,
          %add3A_692 = arith.constant 832 : i32
          %add3A_693 = arith.addi %multiple_of3A_158, %add3A_692 : i32
          %add3A_694 = arith.constant 32 : i32
          %add3A_695 = arith.addi %add3A_693, %add3A_694 : i32
          %multiple_of3A_696 = tpu.assume_multiple %add3A_695, 16 : i32
          %swap3A_697 = arith.index_cast %multiple_of3A_696 : i32 to index
          %swap3A_698 = tpu.vector_load %arg7[%swap3A_697] {strides = array<i32>} : memref<2048xf32, #tpu.memory_space<vmem>>, vector<16xf32>,
          tpu.vector_store %arg7[%swap3A_697], %gather3A_691 {strides = array<i32>} : memref<2048xf32, #tpu.memory_space<vmem>>, vector<16xf32>,
          %add3A_699 = arith.constant 48 : i32
          %add3A_700 = vector.broadcast %add3A_699 : i32 to vector<16xi32>
          %add3A_701 = arith.addi %iota3A, %add3A_700 : vector<16xi32>
          %gather3A_702 = tpu.vector_load_idx %arg14[%add3A_701, %broadcast_in_dim3A_590] : memref<64x128xf32, #tpu.memory_space<vmem>>[vector<16xi32>, vector<16xi32>], vector<16xf32>,
          %add3A_703 = arith.constant 832 : i32
          %add3A_704 = arith.addi %multiple_of3A_158, %add3A_703 : i32
          %add3A_705 = arith.constant 48 : i32
          %add3A_706 = arith.addi %add3A_704, %add3A_705 : i32
          %multiple_of3A_707 = tpu.assume_multiple %add3A_706, 16 : i32
          %swap3A_708 = arith.index_cast %multiple_of3A_707 : i32 to index
          %swap3A_709 = tpu.vector_load %arg7[%swap3A_708] {strides = array<i32>} : memref<2048xf32, #tpu.memory_space<vmem>>, vector<16xf32>,
          tpu.vector_store %arg7[%swap3A_708], %gather3A_702 {strides = array<i32>} : memref<2048xf32, #tpu.memory_space<vmem>>, vector<16xf32>,
        } else {
        }
        %ge3A_596 = arith.constant 999936 : i32
        %ge3A_597 = arith.cmpi sge, %squeeze3A_587, %ge3A_596 : i32
        %convert_element_type3A_598 = arith.extui %ge3A_597 : i1 to i32
        %cond3A_599 = arith.constant 0 : i32
        %cond3A_600 = arith.cmpi ne, %convert_element_type3A_598, %cond3A_599 : i32
        scf.if %cond3A_600 {
          %add3A_668 = arith.constant 0 : i32
          %add3A_669 = vector.broadcast %add3A_668 : i32 to vector<16xi32>
          %add3A_670 = arith.addi %iota3A, %add3A_669 : vector<16xi32>
          %gather3A = tpu.vector_load_idx %arg8[%add3A_670, %broadcast_in_dim3A_590] : memref<64x128xf32, #tpu.memory_space<vmem>>[vector<16xi32>, vector<16xi32>], vector<16xf32>,
          %add3A_671 = arith.constant 832 : i32
          %add3A_672 = arith.addi %multiple_of3A_158, %add3A_671 : i32
          %add3A_673 = arith.constant 0 : i32
          %add3A_674 = arith.addi %add3A_672, %add3A_673 : i32
          %multiple_of3A_675 = tpu.assume_multiple %add3A_674, 16 : i32
          %swap3A = arith.index_cast %multiple_of3A_675 : i32 to index
          %swap3A_676 = tpu.vector_load %arg7[%swap3A] {strides = array<i32>} : memref<2048xf32, #tpu.memory_space<vmem>>, vector<16xf32>,
          tpu.vector_store %arg7[%swap3A], %gather3A {strides = array<i32>} : memref<2048xf32, #tpu.memory_space<vmem>>, vector<16xf32>,
          %add3A_677 = arith.constant 16 : i32
          %add3A_678 = vector.broadcast %add3A_677 : i32 to vector<16xi32>
          %add3A_679 = arith.addi %iota3A, %add3A_678 : vector<16xi32>
          %gather3A_680 = tpu.vector_load_idx %arg8[%add3A_679, %broadcast_in_dim3A_590] : memref<64x128xf32, #tpu.memory_space<vmem>>[vector<16xi32>, vector<16xi32>], vector<16xf32>,
          %add3A_681 = arith.constant 832 : i32
          %add3A_682 = arith.addi %multiple_of3A_158, %add3A_681 : i32
          %add3A_683 = arith.constant 16 : i32
          %add3A_684 = arith.addi %add3A_682, %add3A_683 : i32
          %multiple_of3A_685 = tpu.assume_multiple %add3A_684, 16 : i32
          %swap3A_686 = arith.index_cast %multiple_of3A_685 : i32 to index
          %swap3A_687 = tpu.vector_load %arg7[%swap3A_686] {strides = array<i32>} : memref<2048xf32, #tpu.memory_space<vmem>>, vector<16xf32>,
          tpu.vector_store %arg7[%swap3A_686], %gather3A_680 {strides = array<i32>} : memref<2048xf32, #tpu.memory_space<vmem>>, vector<16xf32>,
          %add3A_688 = arith.constant 32 : i32
          %add3A_689 = vector.broadcast %add3A_688 : i32 to vector<16xi32>
          %add3A_690 = arith.addi %iota3A, %add3A_689 : vector<16xi32>
          %gather3A_691 = tpu.vector_load_idx %arg8[%add3A_690, %broadcast_in_dim3A_590] : memref<64x128xf32, #tpu.memory_space<vmem>>[vector<16xi32>, vector<16xi32>], vector<16xf32>,
          %add3A_692 = arith.constant 832 : i32
          %add3A_693 = arith.addi %multiple_of3A_158, %add3A_692 : i32
          %add3A_694 = arith.constant 32 : i32
          %add3A_695 = arith.addi %add3A_693, %add3A_694 : i32
          %multiple_of3A_696 = tpu.assume_multiple %add3A_695, 16 : i32
          %swap3A_697 = arith.index_cast %multiple_of3A_696 : i32 to index
          %swap3A_698 = tpu.vector_load %arg7[%swap3A_697] {strides = array<i32>} : memref<2048xf32, #tpu.memory_space<vmem>>, vector<16xf32>,
          tpu.vector_store %arg7[%swap3A_697], %gather3A_691 {strides = array<i32>} : memref<2048xf32, #tpu.memory_space<vmem>>, vector<16xf32>,
          %add3A_699 = arith.constant 48 : i32
          %add3A_700 = vector.broadcast %add3A_699 : i32 to vector<16xi32>
          %add3A_701 = arith.addi %iota3A, %add3A_700 : vector<16xi32>
          %gather3A_702 = tpu.vector_load_idx %arg8[%add3A_701, %broadcast_in_dim3A_590] : memref<64x128xf32, #tpu.memory_space<vmem>>[vector<16xi32>, vector<16xi32>], vector<16xf32>,
          %add3A_703 = arith.constant 832 : i32
          %add3A_704 = arith.addi %multiple_of3A_158, %add3A_703 : i32
          %add3A_705 = arith.constant 48 : i32
          %add3A_706 = arith.addi %add3A_704, %add3A_705 : i32
          %multiple_of3A_707 = tpu.assume_multiple %add3A_706, 16 : i32
          %swap3A_708 = arith.index_cast %multiple_of3A_707 : i32 to index
          %swap3A_709 = tpu.vector_load %arg7[%swap3A_708] {strides = array<i32>} : memref<2048xf32, #tpu.memory_space<vmem>>, vector<16xf32>,
          tpu.vector_store %arg7[%swap3A_708], %gather3A_702 {strides = array<i32>} : memref<2048xf32, #tpu.memory_space<vmem>>, vector<16xf32>,
        } else {
        }
        %lt3A_601 = arith.constant 31 : i32
        %lt3A_602 = arith.cmpi slt, %scan3A_135, %lt3A_601 : i32
        %convert_element_type3A_603 = arith.extui %lt3A_602 : i1 to i32
        %cond3A_604 = arith.constant 0 : i32
        %cond3A_605 = arith.cmpi ne, %convert_element_type3A_603, %cond3A_604 : i32
        scf.if %cond3A_605 {
          %slice3A_668 = vector.extract_strided_slice %get3A_156 {offsets = [5], sizes = [1], strides = [1]} : vector<16xi32> to vector<1xi32>
          %squeeze3A_669 = vector.extract %slice3A_668[0] : i32 from vector<1xi32>
          %lt3A_670 = arith.constant 999936 : i32
          %lt3A_671 = arith.cmpi slt, %squeeze3A_669, %lt3A_670 : i32
          %shift_right_arithmetic3A_672 = arith.constant 7 : i32
          %shift_right_arithmetic3A_673 = arith.shrsi %squeeze3A_669, %shift_right_arithmetic3A_672 : i32
          %shift_left3A_674 = arith.constant 7 : i32
          %shift_left3A_675 = arith.shli %shift_right_arithmetic3A_673, %shift_left3A_674 : i32
          %jit3A_676 = arith.constant 0 : i32
          %select_n3A_677 = arith.select %lt3A_671, %shift_left3A_675, %jit3A_676 : i32
          %multiple_of3A_678 = tpu.assume_multiple %select_n3A_677, 128 : i32
          %dma_start3A_679 = arith.constant 0 : i32
          %dma_start3A_680 = tpu.memref_slice %arg2[%dma_start3A_679, %multiple_of3A_678] : memref<64x1000000xf32, #tpu.memory_space<hbm>> -> memref<64x128xf32, #tpu.memory_space<hbm>>
          %dma_start3A_681 = arith.constant 0 : i32
          %dma_start3A_682 = tpu.memref_slice %arg2[%dma_start3A_681, %multiple_of3A_678] : memref<64x1000000xf32, #tpu.memory_space<hbm>> -> memref<64x128xf32, #tpu.memory_space<hbm>>
          tpu.enqueue_dma source(%dma_start3A_682 : memref<64x128xf32, #tpu.memory_space<hbm>>) target(%arg14 : memref<64x128xf32, #tpu.memory_space<vmem>>) target_semaphore(%arg22 : memref<!tpu.dma_semaphore, #tpu.memory_space<semaphore_mem>>)
        } else {
        }
        %dma_wait3A_606 = arith.constant 0 : i32
        %dma_wait3A_607 = arith.constant 0 : i32
        %dma_wait3A_608 = tpu.memref_slice %arg2[%dma_wait3A_606, %dma_wait3A_607] : memref<64x1000000xf32, #tpu.memory_space<hbm>> -> memref<64x128xf32, #tpu.memory_space<hbm>>
        %dma_wait3A_609 = arith.constant 0 : i32
        %dma_wait3A_610 = arith.constant 0 : i32
        %dma_wait3A_611 = tpu.memref_slice %arg2[%dma_wait3A_609, %dma_wait3A_610] : memref<64x1000000xf32, #tpu.memory_space<hbm>> -> memref<64x128xf32, #tpu.memory_space<hbm>>
        tpu.wait_dma2 semaphore(%arg23 : memref<!tpu.dma_semaphore, #tpu.memory_space<semaphore_mem>>) src(%dma_wait3A_611 : memref<64x128xf32, #tpu.memory_space<hbm>>) dst(%arg15 : memref<64x128xf32, #tpu.memory_space<vmem>>)
        %slice3A_612 = vector.extract_strided_slice %get3A_149 {offsets = [14], sizes = [1], strides = [1]} : vector<16xi32> to vector<1xi32>
        %squeeze3A_613 = vector.extract %slice3A_612[0] : i32 from vector<1xi32>
        %and3A_614 = arith.constant 127 : i32
        %and3A_615 = arith.andi %squeeze3A_613, %and3A_614 : i32
        %broadcast_in_dim3A_616 = vector.broadcast %and3A_615 : i32 to vector<16xi32>
        %lt3A_617 = arith.constant 999936 : i32
        %lt3A_618 = arith.cmpi slt, %squeeze3A_613, %lt3A_617 : i32
        %convert_element_type3A_619 = arith.extui %lt3A_618 : i1 to i32
        %cond3A_620 = arith.constant 0 : i32
        %cond3A_621 = arith.cmpi ne, %convert_element_type3A_619, %cond3A_620 : i32
        scf.if %cond3A_621 {
          %add3A_668 = arith.constant 0 : i32
          %add3A_669 = vector.broadcast %add3A_668 : i32 to vector<16xi32>
          %add3A_670 = arith.addi %iota3A, %add3A_669 : vector<16xi32>
          %gather3A = tpu.vector_load_idx %arg15[%add3A_670, %broadcast_in_dim3A_616] : memref<64x128xf32, #tpu.memory_space<vmem>>[vector<16xi32>, vector<16xi32>], vector<16xf32>,
          %add3A_671 = arith.constant 896 : i32
          %add3A_672 = arith.addi %multiple_of3A_158, %add3A_671 : i32
          %add3A_673 = arith.constant 0 : i32
          %add3A_674 = arith.addi %add3A_672, %add3A_673 : i32
          %multiple_of3A_675 = tpu.assume_multiple %add3A_674, 16 : i32
          %swap3A = arith.index_cast %multiple_of3A_675 : i32 to index
          %swap3A_676 = tpu.vector_load %arg7[%swap3A] {strides = array<i32>} : memref<2048xf32, #tpu.memory_space<vmem>>, vector<16xf32>,
          tpu.vector_store %arg7[%swap3A], %gather3A {strides = array<i32>} : memref<2048xf32, #tpu.memory_space<vmem>>, vector<16xf32>,
          %add3A_677 = arith.constant 16 : i32
          %add3A_678 = vector.broadcast %add3A_677 : i32 to vector<16xi32>
          %add3A_679 = arith.addi %iota3A, %add3A_678 : vector<16xi32>
          %gather3A_680 = tpu.vector_load_idx %arg15[%add3A_679, %broadcast_in_dim3A_616] : memref<64x128xf32, #tpu.memory_space<vmem>>[vector<16xi32>, vector<16xi32>], vector<16xf32>,
          %add3A_681 = arith.constant 896 : i32
          %add3A_682 = arith.addi %multiple_of3A_158, %add3A_681 : i32
          %add3A_683 = arith.constant 16 : i32
          %add3A_684 = arith.addi %add3A_682, %add3A_683 : i32
          %multiple_of3A_685 = tpu.assume_multiple %add3A_684, 16 : i32
          %swap3A_686 = arith.index_cast %multiple_of3A_685 : i32 to index
          %swap3A_687 = tpu.vector_load %arg7[%swap3A_686] {strides = array<i32>} : memref<2048xf32, #tpu.memory_space<vmem>>, vector<16xf32>,
          tpu.vector_store %arg7[%swap3A_686], %gather3A_680 {strides = array<i32>} : memref<2048xf32, #tpu.memory_space<vmem>>, vector<16xf32>,
          %add3A_688 = arith.constant 32 : i32
          %add3A_689 = vector.broadcast %add3A_688 : i32 to vector<16xi32>
          %add3A_690 = arith.addi %iota3A, %add3A_689 : vector<16xi32>
          %gather3A_691 = tpu.vector_load_idx %arg15[%add3A_690, %broadcast_in_dim3A_616] : memref<64x128xf32, #tpu.memory_space<vmem>>[vector<16xi32>, vector<16xi32>], vector<16xf32>,
          %add3A_692 = arith.constant 896 : i32
          %add3A_693 = arith.addi %multiple_of3A_158, %add3A_692 : i32
          %add3A_694 = arith.constant 32 : i32
          %add3A_695 = arith.addi %add3A_693, %add3A_694 : i32
          %multiple_of3A_696 = tpu.assume_multiple %add3A_695, 16 : i32
          %swap3A_697 = arith.index_cast %multiple_of3A_696 : i32 to index
          %swap3A_698 = tpu.vector_load %arg7[%swap3A_697] {strides = array<i32>} : memref<2048xf32, #tpu.memory_space<vmem>>, vector<16xf32>,
          tpu.vector_store %arg7[%swap3A_697], %gather3A_691 {strides = array<i32>} : memref<2048xf32, #tpu.memory_space<vmem>>, vector<16xf32>,
          %add3A_699 = arith.constant 48 : i32
          %add3A_700 = vector.broadcast %add3A_699 : i32 to vector<16xi32>
          %add3A_701 = arith.addi %iota3A, %add3A_700 : vector<16xi32>
          %gather3A_702 = tpu.vector_load_idx %arg15[%add3A_701, %broadcast_in_dim3A_616] : memref<64x128xf32, #tpu.memory_space<vmem>>[vector<16xi32>, vector<16xi32>], vector<16xf32>,
          %add3A_703 = arith.constant 896 : i32
          %add3A_704 = arith.addi %multiple_of3A_158, %add3A_703 : i32
          %add3A_705 = arith.constant 48 : i32
          %add3A_706 = arith.addi %add3A_704, %add3A_705 : i32
          %multiple_of3A_707 = tpu.assume_multiple %add3A_706, 16 : i32
          %swap3A_708 = arith.index_cast %multiple_of3A_707 : i32 to index
          %swap3A_709 = tpu.vector_load %arg7[%swap3A_708] {strides = array<i32>} : memref<2048xf32, #tpu.memory_space<vmem>>, vector<16xf32>,
          tpu.vector_store %arg7[%swap3A_708], %gather3A_702 {strides = array<i32>} : memref<2048xf32, #tpu.memory_space<vmem>>, vector<16xf32>,
        } else {
        }
        %ge3A_622 = arith.constant 999936 : i32
        %ge3A_623 = arith.cmpi sge, %squeeze3A_613, %ge3A_622 : i32
        %convert_element_type3A_624 = arith.extui %ge3A_623 : i1 to i32
        %cond3A_625 = arith.constant 0 : i32
        %cond3A_626 = arith.cmpi ne, %convert_element_type3A_624, %cond3A_625 : i32
        scf.if %cond3A_626 {
          %add3A_668 = arith.constant 0 : i32
          %add3A_669 = vector.broadcast %add3A_668 : i32 to vector<16xi32>
          %add3A_670 = arith.addi %iota3A, %add3A_669 : vector<16xi32>
          %gather3A = tpu.vector_load_idx %arg8[%add3A_670, %broadcast_in_dim3A_616] : memref<64x128xf32, #tpu.memory_space<vmem>>[vector<16xi32>, vector<16xi32>], vector<16xf32>,
          %add3A_671 = arith.constant 896 : i32
          %add3A_672 = arith.addi %multiple_of3A_158, %add3A_671 : i32
          %add3A_673 = arith.constant 0 : i32
          %add3A_674 = arith.addi %add3A_672, %add3A_673 : i32
          %multiple_of3A_675 = tpu.assume_multiple %add3A_674, 16 : i32
          %swap3A = arith.index_cast %multiple_of3A_675 : i32 to index
          %swap3A_676 = tpu.vector_load %arg7[%swap3A] {strides = array<i32>} : memref<2048xf32, #tpu.memory_space<vmem>>, vector<16xf32>,
          tpu.vector_store %arg7[%swap3A], %gather3A {strides = array<i32>} : memref<2048xf32, #tpu.memory_space<vmem>>, vector<16xf32>,
          %add3A_677 = arith.constant 16 : i32
          %add3A_678 = vector.broadcast %add3A_677 : i32 to vector<16xi32>
          %add3A_679 = arith.addi %iota3A, %add3A_678 : vector<16xi32>
          %gather3A_680 = tpu.vector_load_idx %arg8[%add3A_679, %broadcast_in_dim3A_616] : memref<64x128xf32, #tpu.memory_space<vmem>>[vector<16xi32>, vector<16xi32>], vector<16xf32>,
          %add3A_681 = arith.constant 896 : i32
          %add3A_682 = arith.addi %multiple_of3A_158, %add3A_681 : i32
          %add3A_683 = arith.constant 16 : i32
          %add3A_684 = arith.addi %add3A_682, %add3A_683 : i32
          %multiple_of3A_685 = tpu.assume_multiple %add3A_684, 16 : i32
          %swap3A_686 = arith.index_cast %multiple_of3A_685 : i32 to index
          %swap3A_687 = tpu.vector_load %arg7[%swap3A_686] {strides = array<i32>} : memref<2048xf32, #tpu.memory_space<vmem>>, vector<16xf32>,
          tpu.vector_store %arg7[%swap3A_686], %gather3A_680 {strides = array<i32>} : memref<2048xf32, #tpu.memory_space<vmem>>, vector<16xf32>,
          %add3A_688 = arith.constant 32 : i32
          %add3A_689 = vector.broadcast %add3A_688 : i32 to vector<16xi32>
          %add3A_690 = arith.addi %iota3A, %add3A_689 : vector<16xi32>
          %gather3A_691 = tpu.vector_load_idx %arg8[%add3A_690, %broadcast_in_dim3A_616] : memref<64x128xf32, #tpu.memory_space<vmem>>[vector<16xi32>, vector<16xi32>], vector<16xf32>,
          %add3A_692 = arith.constant 896 : i32
          %add3A_693 = arith.addi %multiple_of3A_158, %add3A_692 : i32
          %add3A_694 = arith.constant 32 : i32
          %add3A_695 = arith.addi %add3A_693, %add3A_694 : i32
          %multiple_of3A_696 = tpu.assume_multiple %add3A_695, 16 : i32
          %swap3A_697 = arith.index_cast %multiple_of3A_696 : i32 to index
          %swap3A_698 = tpu.vector_load %arg7[%swap3A_697] {strides = array<i32>} : memref<2048xf32, #tpu.memory_space<vmem>>, vector<16xf32>,
          tpu.vector_store %arg7[%swap3A_697], %gather3A_691 {strides = array<i32>} : memref<2048xf32, #tpu.memory_space<vmem>>, vector<16xf32>,
          %add3A_699 = arith.constant 48 : i32
          %add3A_700 = vector.broadcast %add3A_699 : i32 to vector<16xi32>
          %add3A_701 = arith.addi %iota3A, %add3A_700 : vector<16xi32>
          %gather3A_702 = tpu.vector_load_idx %arg8[%add3A_701, %broadcast_in_dim3A_616] : memref<64x128xf32, #tpu.memory_space<vmem>>[vector<16xi32>, vector<16xi32>], vector<16xf32>,
          %add3A_703 = arith.constant 896 : i32
          %add3A_704 = arith.addi %multiple_of3A_158, %add3A_703 : i32
          %add3A_705 = arith.constant 48 : i32
          %add3A_706 = arith.addi %add3A_704, %add3A_705 : i32
          %multiple_of3A_707 = tpu.assume_multiple %add3A_706, 16 : i32
          %swap3A_708 = arith.index_cast %multiple_of3A_707 : i32 to index
          %swap3A_709 = tpu.vector_load %arg7[%swap3A_708] {strides = array<i32>} : memref<2048xf32, #tpu.memory_space<vmem>>, vector<16xf32>,
          tpu.vector_store %arg7[%swap3A_708], %gather3A_702 {strides = array<i32>} : memref<2048xf32, #tpu.memory_space<vmem>>, vector<16xf32>,
        } else {
        }
        %lt3A_627 = arith.constant 31 : i32
        %lt3A_628 = arith.cmpi slt, %scan3A_135, %lt3A_627 : i32
        %convert_element_type3A_629 = arith.extui %lt3A_628 : i1 to i32
        %cond3A_630 = arith.constant 0 : i32
        %cond3A_631 = arith.cmpi ne, %convert_element_type3A_629, %cond3A_630 : i32
        scf.if %cond3A_631 {
          %slice3A_668 = vector.extract_strided_slice %get3A_156 {offsets = [6], sizes = [1], strides = [1]} : vector<16xi32> to vector<1xi32>
          %squeeze3A_669 = vector.extract %slice3A_668[0] : i32 from vector<1xi32>
          %lt3A_670 = arith.constant 999936 : i32
          %lt3A_671 = arith.cmpi slt, %squeeze3A_669, %lt3A_670 : i32
          %shift_right_arithmetic3A_672 = arith.constant 7 : i32
          %shift_right_arithmetic3A_673 = arith.shrsi %squeeze3A_669, %shift_right_arithmetic3A_672 : i32
          %shift_left3A_674 = arith.constant 7 : i32
          %shift_left3A_675 = arith.shli %shift_right_arithmetic3A_673, %shift_left3A_674 : i32
          %jit3A_676 = arith.constant 0 : i32
          %select_n3A_677 = arith.select %lt3A_671, %shift_left3A_675, %jit3A_676 : i32
          %multiple_of3A_678 = tpu.assume_multiple %select_n3A_677, 128 : i32
          %dma_start3A_679 = arith.constant 0 : i32
          %dma_start3A_680 = tpu.memref_slice %arg2[%dma_start3A_679, %multiple_of3A_678] : memref<64x1000000xf32, #tpu.memory_space<hbm>> -> memref<64x128xf32, #tpu.memory_space<hbm>>
          %dma_start3A_681 = arith.constant 0 : i32
          %dma_start3A_682 = tpu.memref_slice %arg2[%dma_start3A_681, %multiple_of3A_678] : memref<64x1000000xf32, #tpu.memory_space<hbm>> -> memref<64x128xf32, #tpu.memory_space<hbm>>
          tpu.enqueue_dma source(%dma_start3A_682 : memref<64x128xf32, #tpu.memory_space<hbm>>) target(%arg15 : memref<64x128xf32, #tpu.memory_space<vmem>>) target_semaphore(%arg23 : memref<!tpu.dma_semaphore, #tpu.memory_space<semaphore_mem>>)
        } else {
        }
        %dma_wait3A_632 = arith.constant 0 : i32
        %dma_wait3A_633 = arith.constant 0 : i32
        %dma_wait3A_634 = tpu.memref_slice %arg2[%dma_wait3A_632, %dma_wait3A_633] : memref<64x1000000xf32, #tpu.memory_space<hbm>> -> memref<64x128xf32, #tpu.memory_space<hbm>>
        %dma_wait3A_635 = arith.constant 0 : i32
        %dma_wait3A_636 = arith.constant 0 : i32
        %dma_wait3A_637 = tpu.memref_slice %arg2[%dma_wait3A_635, %dma_wait3A_636] : memref<64x1000000xf32, #tpu.memory_space<hbm>> -> memref<64x128xf32, #tpu.memory_space<hbm>>
        tpu.wait_dma2 semaphore(%arg24 : memref<!tpu.dma_semaphore, #tpu.memory_space<semaphore_mem>>) src(%dma_wait3A_637 : memref<64x128xf32, #tpu.memory_space<hbm>>) dst(%arg16 : memref<64x128xf32, #tpu.memory_space<vmem>>)
        %slice3A_638 = vector.extract_strided_slice %get3A_149 {offsets = [15], sizes = [1], strides = [1]} : vector<16xi32> to vector<1xi32>
        %squeeze3A_639 = vector.extract %slice3A_638[0] : i32 from vector<1xi32>
        %and3A_640 = arith.constant 127 : i32
        %and3A_641 = arith.andi %squeeze3A_639, %and3A_640 : i32
        %broadcast_in_dim3A_642 = vector.broadcast %and3A_641 : i32 to vector<16xi32>
        %lt3A_643 = arith.constant 999936 : i32
        %lt3A_644 = arith.cmpi slt, %squeeze3A_639, %lt3A_643 : i32
        %convert_element_type3A_645 = arith.extui %lt3A_644 : i1 to i32
        %cond3A_646 = arith.constant 0 : i32
        %cond3A_647 = arith.cmpi ne, %convert_element_type3A_645, %cond3A_646 : i32
        scf.if %cond3A_647 {
          %add3A_668 = arith.constant 0 : i32
          %add3A_669 = vector.broadcast %add3A_668 : i32 to vector<16xi32>
          %add3A_670 = arith.addi %iota3A, %add3A_669 : vector<16xi32>
          %gather3A = tpu.vector_load_idx %arg16[%add3A_670, %broadcast_in_dim3A_642] : memref<64x128xf32, #tpu.memory_space<vmem>>[vector<16xi32>, vector<16xi32>], vector<16xf32>,
          %add3A_671 = arith.constant 960 : i32
          %add3A_672 = arith.addi %multiple_of3A_158, %add3A_671 : i32
          %add3A_673 = arith.constant 0 : i32
          %add3A_674 = arith.addi %add3A_672, %add3A_673 : i32
          %multiple_of3A_675 = tpu.assume_multiple %add3A_674, 16 : i32
          %swap3A = arith.index_cast %multiple_of3A_675 : i32 to index
          %swap3A_676 = tpu.vector_load %arg7[%swap3A] {strides = array<i32>} : memref<2048xf32, #tpu.memory_space<vmem>>, vector<16xf32>,
          tpu.vector_store %arg7[%swap3A], %gather3A {strides = array<i32>} : memref<2048xf32, #tpu.memory_space<vmem>>, vector<16xf32>,
          %add3A_677 = arith.constant 16 : i32
          %add3A_678 = vector.broadcast %add3A_677 : i32 to vector<16xi32>
          %add3A_679 = arith.addi %iota3A, %add3A_678 : vector<16xi32>
          %gather3A_680 = tpu.vector_load_idx %arg16[%add3A_679, %broadcast_in_dim3A_642] : memref<64x128xf32, #tpu.memory_space<vmem>>[vector<16xi32>, vector<16xi32>], vector<16xf32>,
          %add3A_681 = arith.constant 960 : i32
          %add3A_682 = arith.addi %multiple_of3A_158, %add3A_681 : i32
          %add3A_683 = arith.constant 16 : i32
          %add3A_684 = arith.addi %add3A_682, %add3A_683 : i32
          %multiple_of3A_685 = tpu.assume_multiple %add3A_684, 16 : i32
          %swap3A_686 = arith.index_cast %multiple_of3A_685 : i32 to index
          %swap3A_687 = tpu.vector_load %arg7[%swap3A_686] {strides = array<i32>} : memref<2048xf32, #tpu.memory_space<vmem>>, vector<16xf32>,
          tpu.vector_store %arg7[%swap3A_686], %gather3A_680 {strides = array<i32>} : memref<2048xf32, #tpu.memory_space<vmem>>, vector<16xf32>,
          %add3A_688 = arith.constant 32 : i32
          %add3A_689 = vector.broadcast %add3A_688 : i32 to vector<16xi32>
          %add3A_690 = arith.addi %iota3A, %add3A_689 : vector<16xi32>
          %gather3A_691 = tpu.vector_load_idx %arg16[%add3A_690, %broadcast_in_dim3A_642] : memref<64x128xf32, #tpu.memory_space<vmem>>[vector<16xi32>, vector<16xi32>], vector<16xf32>,
          %add3A_692 = arith.constant 960 : i32
          %add3A_693 = arith.addi %multiple_of3A_158, %add3A_692 : i32
          %add3A_694 = arith.constant 32 : i32
          %add3A_695 = arith.addi %add3A_693, %add3A_694 : i32
          %multiple_of3A_696 = tpu.assume_multiple %add3A_695, 16 : i32
          %swap3A_697 = arith.index_cast %multiple_of3A_696 : i32 to index
          %swap3A_698 = tpu.vector_load %arg7[%swap3A_697] {strides = array<i32>} : memref<2048xf32, #tpu.memory_space<vmem>>, vector<16xf32>,
          tpu.vector_store %arg7[%swap3A_697], %gather3A_691 {strides = array<i32>} : memref<2048xf32, #tpu.memory_space<vmem>>, vector<16xf32>,
          %add3A_699 = arith.constant 48 : i32
          %add3A_700 = vector.broadcast %add3A_699 : i32 to vector<16xi32>
          %add3A_701 = arith.addi %iota3A, %add3A_700 : vector<16xi32>
          %gather3A_702 = tpu.vector_load_idx %arg16[%add3A_701, %broadcast_in_dim3A_642] : memref<64x128xf32, #tpu.memory_space<vmem>>[vector<16xi32>, vector<16xi32>], vector<16xf32>,
          %add3A_703 = arith.constant 960 : i32
          %add3A_704 = arith.addi %multiple_of3A_158, %add3A_703 : i32
          %add3A_705 = arith.constant 48 : i32
          %add3A_706 = arith.addi %add3A_704, %add3A_705 : i32
          %multiple_of3A_707 = tpu.assume_multiple %add3A_706, 16 : i32
          %swap3A_708 = arith.index_cast %multiple_of3A_707 : i32 to index
          %swap3A_709 = tpu.vector_load %arg7[%swap3A_708] {strides = array<i32>} : memref<2048xf32, #tpu.memory_space<vmem>>, vector<16xf32>,
          tpu.vector_store %arg7[%swap3A_708], %gather3A_702 {strides = array<i32>} : memref<2048xf32, #tpu.memory_space<vmem>>, vector<16xf32>,
        } else {
        }
        %ge3A_648 = arith.constant 999936 : i32
        %ge3A_649 = arith.cmpi sge, %squeeze3A_639, %ge3A_648 : i32
        %convert_element_type3A_650 = arith.extui %ge3A_649 : i1 to i32
        %cond3A_651 = arith.constant 0 : i32
        %cond3A_652 = arith.cmpi ne, %convert_element_type3A_650, %cond3A_651 : i32
        scf.if %cond3A_652 {
          %add3A_668 = arith.constant 0 : i32
          %add3A_669 = vector.broadcast %add3A_668 : i32 to vector<16xi32>
          %add3A_670 = arith.addi %iota3A, %add3A_669 : vector<16xi32>
          %gather3A = tpu.vector_load_idx %arg8[%add3A_670, %broadcast_in_dim3A_642] : memref<64x128xf32, #tpu.memory_space<vmem>>[vector<16xi32>, vector<16xi32>], vector<16xf32>,
          %add3A_671 = arith.constant 960 : i32
          %add3A_672 = arith.addi %multiple_of3A_158, %add3A_671 : i32
          %add3A_673 = arith.constant 0 : i32
          %add3A_674 = arith.addi %add3A_672, %add3A_673 : i32
          %multiple_of3A_675 = tpu.assume_multiple %add3A_674, 16 : i32
          %swap3A = arith.index_cast %multiple_of3A_675 : i32 to index
          %swap3A_676 = tpu.vector_load %arg7[%swap3A] {strides = array<i32>} : memref<2048xf32, #tpu.memory_space<vmem>>, vector<16xf32>,
          tpu.vector_store %arg7[%swap3A], %gather3A {strides = array<i32>} : memref<2048xf32, #tpu.memory_space<vmem>>, vector<16xf32>,
          %add3A_677 = arith.constant 16 : i32
          %add3A_678 = vector.broadcast %add3A_677 : i32 to vector<16xi32>
          %add3A_679 = arith.addi %iota3A, %add3A_678 : vector<16xi32>
          %gather3A_680 = tpu.vector_load_idx %arg8[%add3A_679, %broadcast_in_dim3A_642] : memref<64x128xf32, #tpu.memory_space<vmem>>[vector<16xi32>, vector<16xi32>], vector<16xf32>,
          %add3A_681 = arith.constant 960 : i32
          %add3A_682 = arith.addi %multiple_of3A_158, %add3A_681 : i32
          %add3A_683 = arith.constant 16 : i32
          %add3A_684 = arith.addi %add3A_682, %add3A_683 : i32
          %multiple_of3A_685 = tpu.assume_multiple %add3A_684, 16 : i32
          %swap3A_686 = arith.index_cast %multiple_of3A_685 : i32 to index
          %swap3A_687 = tpu.vector_load %arg7[%swap3A_686] {strides = array<i32>} : memref<2048xf32, #tpu.memory_space<vmem>>, vector<16xf32>,
          tpu.vector_store %arg7[%swap3A_686], %gather3A_680 {strides = array<i32>} : memref<2048xf32, #tpu.memory_space<vmem>>, vector<16xf32>,
          %add3A_688 = arith.constant 32 : i32
          %add3A_689 = vector.broadcast %add3A_688 : i32 to vector<16xi32>
          %add3A_690 = arith.addi %iota3A, %add3A_689 : vector<16xi32>
          %gather3A_691 = tpu.vector_load_idx %arg8[%add3A_690, %broadcast_in_dim3A_642] : memref<64x128xf32, #tpu.memory_space<vmem>>[vector<16xi32>, vector<16xi32>], vector<16xf32>,
          %add3A_692 = arith.constant 960 : i32
          %add3A_693 = arith.addi %multiple_of3A_158, %add3A_692 : i32
          %add3A_694 = arith.constant 32 : i32
          %add3A_695 = arith.addi %add3A_693, %add3A_694 : i32
          %multiple_of3A_696 = tpu.assume_multiple %add3A_695, 16 : i32
          %swap3A_697 = arith.index_cast %multiple_of3A_696 : i32 to index
          %swap3A_698 = tpu.vector_load %arg7[%swap3A_697] {strides = array<i32>} : memref<2048xf32, #tpu.memory_space<vmem>>, vector<16xf32>,
          tpu.vector_store %arg7[%swap3A_697], %gather3A_691 {strides = array<i32>} : memref<2048xf32, #tpu.memory_space<vmem>>, vector<16xf32>,
          %add3A_699 = arith.constant 48 : i32
          %add3A_700 = vector.broadcast %add3A_699 : i32 to vector<16xi32>
          %add3A_701 = arith.addi %iota3A, %add3A_700 : vector<16xi32>
          %gather3A_702 = tpu.vector_load_idx %arg8[%add3A_701, %broadcast_in_dim3A_642] : memref<64x128xf32, #tpu.memory_space<vmem>>[vector<16xi32>, vector<16xi32>], vector<16xf32>,
          %add3A_703 = arith.constant 960 : i32
          %add3A_704 = arith.addi %multiple_of3A_158, %add3A_703 : i32
          %add3A_705 = arith.constant 48 : i32
          %add3A_706 = arith.addi %add3A_704, %add3A_705 : i32
          %multiple_of3A_707 = tpu.assume_multiple %add3A_706, 16 : i32
          %swap3A_708 = arith.index_cast %multiple_of3A_707 : i32 to index
          %swap3A_709 = tpu.vector_load %arg7[%swap3A_708] {strides = array<i32>} : memref<2048xf32, #tpu.memory_space<vmem>>, vector<16xf32>,
          tpu.vector_store %arg7[%swap3A_708], %gather3A_702 {strides = array<i32>} : memref<2048xf32, #tpu.memory_space<vmem>>, vector<16xf32>,
        } else {
        }
        %lt3A_653 = arith.constant 31 : i32
        %lt3A_654 = arith.cmpi slt, %scan3A_135, %lt3A_653 : i32
        %convert_element_type3A_655 = arith.extui %lt3A_654 : i1 to i32
        %cond3A_656 = arith.constant 0 : i32
        %cond3A_657 = arith.cmpi ne, %convert_element_type3A_655, %cond3A_656 : i32
        scf.if %cond3A_657 {
          %slice3A_668 = vector.extract_strided_slice %get3A_156 {offsets = [7], sizes = [1], strides = [1]} : vector<16xi32> to vector<1xi32>
          %squeeze3A_669 = vector.extract %slice3A_668[0] : i32 from vector<1xi32>
          %lt3A_670 = arith.constant 999936 : i32
          %lt3A_671 = arith.cmpi slt, %squeeze3A_669, %lt3A_670 : i32
          %shift_right_arithmetic3A_672 = arith.constant 7 : i32
          %shift_right_arithmetic3A_673 = arith.shrsi %squeeze3A_669, %shift_right_arithmetic3A_672 : i32
          %shift_left3A_674 = arith.constant 7 : i32
          %shift_left3A_675 = arith.shli %shift_right_arithmetic3A_673, %shift_left3A_674 : i32
          %jit3A_676 = arith.constant 0 : i32
          %select_n3A_677 = arith.select %lt3A_671, %shift_left3A_675, %jit3A_676 : i32
          %multiple_of3A_678 = tpu.assume_multiple %select_n3A_677, 128 : i32
          %dma_start3A_679 = arith.constant 0 : i32
          %dma_start3A_680 = tpu.memref_slice %arg2[%dma_start3A_679, %multiple_of3A_678] : memref<64x1000000xf32, #tpu.memory_space<hbm>> -> memref<64x128xf32, #tpu.memory_space<hbm>>
          %dma_start3A_681 = arith.constant 0 : i32
          %dma_start3A_682 = tpu.memref_slice %arg2[%dma_start3A_681, %multiple_of3A_678] : memref<64x1000000xf32, #tpu.memory_space<hbm>> -> memref<64x128xf32, #tpu.memory_space<hbm>>
          tpu.enqueue_dma source(%dma_start3A_682 : memref<64x128xf32, #tpu.memory_space<hbm>>) target(%arg16 : memref<64x128xf32, #tpu.memory_space<vmem>>) target_semaphore(%arg24 : memref<!tpu.dma_semaphore, #tpu.memory_space<semaphore_mem>>)
        } else {
        }
        %mul3A_658 = arith.constant 16 : i32
        %mul3A_659 = arith.muli %scan3A_135, %mul3A_658 : i32
        %add3A_660 = arith.addi %mul3A_2, %mul3A_659 : i32
        %mul3A_661 = arith.constant 64 : i32
        %mul3A_662 = arith.muli %add3A_660, %mul3A_661 : i32
        %multiple_of3A_663 = tpu.assume_multiple %mul3A_662, 64 : i32
        %dma_start3A_664 = tpu.memref_slice %arg7[%multiple_of3A_158] : memref<2048xf32, #tpu.memory_space<vmem>> -> memref<1024xf32, #tpu.memory_space<vmem>>
        %dma_start3A_665 = tpu.memref_slice %arg5[%multiple_of3A_663] : memref<1048576xf32, #tpu.memory_space<hbm>> -> memref<1024xf32, #tpu.memory_space<hbm>>
        %dma_start3A_666 = tpu.memref_slice %arg5[%multiple_of3A_663] : memref<1048576xf32, #tpu.memory_space<hbm>> -> memref<1024xf32, #tpu.memory_space<hbm>>
        %dma_start3A_667 = tpu.memref_slice %arg7[%multiple_of3A_158] : memref<2048xf32, #tpu.memory_space<vmem>> -> memref<1024xf32, #tpu.memory_space<vmem>>
        tpu.enqueue_dma source(%dma_start3A_667 : memref<1024xf32, #tpu.memory_space<vmem>>) target(%dma_start3A_666 : memref<1024xf32, #tpu.memory_space<hbm>>) target_semaphore(%arg25 : memref<!tpu.dma_semaphore, #tpu.memory_space<semaphore_mem>>)
      } else {
      }
      %and3A_139 = arith.constant 1 : i32
      %and3A_140 = arith.andi %scan3A_135, %and3A_139 : i32
      %eq3A_141 = arith.constant 1 : i32
      %eq3A_142 = arith.cmpi eq, %and3A_140, %eq3A_141 : i32
      %convert_element_type3A_143 = arith.extui %eq3A_142 : i1 to i32
      %cond3A_144 = arith.constant 0 : i32
      %cond3A_145 = arith.cmpi ne, %convert_element_type3A_143, %cond3A_144 : i32
      scf.if %cond3A_145 {
        %mul3A_146 = arith.constant 16 : i32
        %mul3A_147 = arith.muli %scan3A_135, %mul3A_146 : i32
        %get3A_148 = arith.index_cast %mul3A_147 : i32 to index
        %get3A_149 = tpu.vector_load %arg6[%get3A_148] {strides = array<i32>} : memref<512xi32, #tpu.memory_space<vmem>>, vector<16xi32>,
        %add3A_150 = arith.constant 1 : i32
        %add3A_151 = arith.addi %scan3A_135, %add3A_150 : i32
        %min3A = arith.constant 31 : i32
        %min3A_152 = arith.minsi %add3A_151, %min3A : i32
        %mul3A_153 = arith.constant 16 : i32
        %mul3A_154 = arith.muli %min3A_152, %mul3A_153 : i32
        %get3A_155 = arith.index_cast %mul3A_154 : i32 to index
        %get3A_156 = tpu.vector_load %arg6[%get3A_155] {strides = array<i32>} : memref<512xi32, #tpu.memory_space<vmem>>, vector<16xi32>,
        %multiple_of3A_157 = arith.constant 1024 : i32
        %multiple_of3A_158 = tpu.assume_multiple %multiple_of3A_157, 64 : i32
        %ge3A = arith.constant 2 : i32
        %ge3A_159 = arith.cmpi sge, %scan3A_135, %ge3A : i32
        %convert_element_type3A_160 = arith.extui %ge3A_159 : i1 to i32
        %cond3A_161 = arith.constant 0 : i32
        %cond3A_162 = arith.cmpi ne, %convert_element_type3A_160, %cond3A_161 : i32
        scf.if %cond3A_162 {
          %dma_wait3A_668 = arith.constant 0 : i32
          %dma_wait3A_669 = tpu.memref_slice %arg7[%dma_wait3A_668] : memref<2048xf32, #tpu.memory_space<vmem>> -> memref<1024xf32, #tpu.memory_space<vmem>>
          %dma_wait3A_670 = arith.constant 0 : i32
          %dma_wait3A_671 = tpu.memref_slice %arg5[%dma_wait3A_670] : memref<1048576xf32, #tpu.memory_space<hbm>> -> memref<1024xf32, #tpu.memory_space<hbm>>
          %dma_wait3A_672 = arith.constant 0 : i32
          %dma_wait3A_673 = tpu.memref_slice %arg5[%dma_wait3A_672] : memref<1048576xf32, #tpu.memory_space<hbm>> -> memref<1024xf32, #tpu.memory_space<hbm>>
          %dma_wait3A_674 = arith.constant 0 : i32
          %dma_wait3A_675 = tpu.memref_slice %arg7[%dma_wait3A_674] : memref<2048xf32, #tpu.memory_space<vmem>> -> memref<1024xf32, #tpu.memory_space<vmem>>
          tpu.wait_dma2 semaphore(%arg26 : memref<!tpu.dma_semaphore, #tpu.memory_space<semaphore_mem>>) src(%dma_wait3A_675 : memref<1024xf32, #tpu.memory_space<vmem>>) dst(%dma_wait3A_673 : memref<1024xf32, #tpu.memory_space<hbm>>)
        } else {
        }
        %dma_wait3A_163 = arith.constant 0 : i32
        %dma_wait3A_164 = arith.constant 0 : i32
        %dma_wait3A_165 = tpu.memref_slice %arg2[%dma_wait3A_163, %dma_wait3A_164] : memref<64x1000000xf32, #tpu.memory_space<hbm>> -> memref<64x128xf32, #tpu.memory_space<hbm>>
        %dma_wait3A_166 = arith.constant 0 : i32
        %dma_wait3A_167 = arith.constant 0 : i32
        %dma_wait3A_168 = tpu.memref_slice %arg2[%dma_wait3A_166, %dma_wait3A_167] : memref<64x1000000xf32, #tpu.memory_space<hbm>> -> memref<64x128xf32, #tpu.memory_space<hbm>>
        tpu.wait_dma2 semaphore(%arg17 : memref<!tpu.dma_semaphore, #tpu.memory_space<semaphore_mem>>) src(%dma_wait3A_168 : memref<64x128xf32, #tpu.memory_space<hbm>>) dst(%arg9 : memref<64x128xf32, #tpu.memory_space<vmem>>)
        %slice3A_169 = vector.extract_strided_slice %get3A_149 {offsets = [0], sizes = [1], strides = [1]} : vector<16xi32> to vector<1xi32>
        %squeeze3A_170 = vector.extract %slice3A_169[0] : i32 from vector<1xi32>
        %and3A_171 = arith.constant 127 : i32
        %and3A_172 = arith.andi %squeeze3A_170, %and3A_171 : i32
        %broadcast_in_dim3A = vector.broadcast %and3A_172 : i32 to vector<16xi32>
        %lt3A_173 = arith.constant 999936 : i32
        %lt3A_174 = arith.cmpi slt, %squeeze3A_170, %lt3A_173 : i32
        %convert_element_type3A_175 = arith.extui %lt3A_174 : i1 to i32
        %cond3A_176 = arith.constant 0 : i32
        %cond3A_177 = arith.cmpi ne, %convert_element_type3A_175, %cond3A_176 : i32
        scf.if %cond3A_177 {
          %add3A_668 = arith.constant 0 : i32
          %add3A_669 = vector.broadcast %add3A_668 : i32 to vector<16xi32>
          %add3A_670 = arith.addi %iota3A, %add3A_669 : vector<16xi32>
          %gather3A = tpu.vector_load_idx %arg9[%add3A_670, %broadcast_in_dim3A] : memref<64x128xf32, #tpu.memory_space<vmem>>[vector<16xi32>, vector<16xi32>], vector<16xf32>,
          %add3A_671 = arith.constant 0 : i32
          %add3A_672 = arith.addi %multiple_of3A_158, %add3A_671 : i32
          %add3A_673 = arith.constant 0 : i32
          %add3A_674 = arith.addi %add3A_672, %add3A_673 : i32
          %multiple_of3A_675 = tpu.assume_multiple %add3A_674, 16 : i32
          %swap3A = arith.index_cast %multiple_of3A_675 : i32 to index
          %swap3A_676 = tpu.vector_load %arg7[%swap3A] {strides = array<i32>} : memref<2048xf32, #tpu.memory_space<vmem>>, vector<16xf32>,
          tpu.vector_store %arg7[%swap3A], %gather3A {strides = array<i32>} : memref<2048xf32, #tpu.memory_space<vmem>>, vector<16xf32>,
          %add3A_677 = arith.constant 16 : i32
          %add3A_678 = vector.broadcast %add3A_677 : i32 to vector<16xi32>
          %add3A_679 = arith.addi %iota3A, %add3A_678 : vector<16xi32>
          %gather3A_680 = tpu.vector_load_idx %arg9[%add3A_679, %broadcast_in_dim3A] : memref<64x128xf32, #tpu.memory_space<vmem>>[vector<16xi32>, vector<16xi32>], vector<16xf32>,
          %add3A_681 = arith.constant 0 : i32
          %add3A_682 = arith.addi %multiple_of3A_158, %add3A_681 : i32
          %add3A_683 = arith.constant 16 : i32
          %add3A_684 = arith.addi %add3A_682, %add3A_683 : i32
          %multiple_of3A_685 = tpu.assume_multiple %add3A_684, 16 : i32
          %swap3A_686 = arith.index_cast %multiple_of3A_685 : i32 to index
          %swap3A_687 = tpu.vector_load %arg7[%swap3A_686] {strides = array<i32>} : memref<2048xf32, #tpu.memory_space<vmem>>, vector<16xf32>,
          tpu.vector_store %arg7[%swap3A_686], %gather3A_680 {strides = array<i32>} : memref<2048xf32, #tpu.memory_space<vmem>>, vector<16xf32>,
          %add3A_688 = arith.constant 32 : i32
          %add3A_689 = vector.broadcast %add3A_688 : i32 to vector<16xi32>
          %add3A_690 = arith.addi %iota3A, %add3A_689 : vector<16xi32>
          %gather3A_691 = tpu.vector_load_idx %arg9[%add3A_690, %broadcast_in_dim3A] : memref<64x128xf32, #tpu.memory_space<vmem>>[vector<16xi32>, vector<16xi32>], vector<16xf32>,
          %add3A_692 = arith.constant 0 : i32
          %add3A_693 = arith.addi %multiple_of3A_158, %add3A_692 : i32
          %add3A_694 = arith.constant 32 : i32
          %add3A_695 = arith.addi %add3A_693, %add3A_694 : i32
          %multiple_of3A_696 = tpu.assume_multiple %add3A_695, 16 : i32
          %swap3A_697 = arith.index_cast %multiple_of3A_696 : i32 to index
          %swap3A_698 = tpu.vector_load %arg7[%swap3A_697] {strides = array<i32>} : memref<2048xf32, #tpu.memory_space<vmem>>, vector<16xf32>,
          tpu.vector_store %arg7[%swap3A_697], %gather3A_691 {strides = array<i32>} : memref<2048xf32, #tpu.memory_space<vmem>>, vector<16xf32>,
          %add3A_699 = arith.constant 48 : i32
          %add3A_700 = vector.broadcast %add3A_699 : i32 to vector<16xi32>
          %add3A_701 = arith.addi %iota3A, %add3A_700 : vector<16xi32>
          %gather3A_702 = tpu.vector_load_idx %arg9[%add3A_701, %broadcast_in_dim3A] : memref<64x128xf32, #tpu.memory_space<vmem>>[vector<16xi32>, vector<16xi32>], vector<16xf32>,
          %add3A_703 = arith.constant 0 : i32
          %add3A_704 = arith.addi %multiple_of3A_158, %add3A_703 : i32
          %add3A_705 = arith.constant 48 : i32
          %add3A_706 = arith.addi %add3A_704, %add3A_705 : i32
          %multiple_of3A_707 = tpu.assume_multiple %add3A_706, 16 : i32
          %swap3A_708 = arith.index_cast %multiple_of3A_707 : i32 to index
          %swap3A_709 = tpu.vector_load %arg7[%swap3A_708] {strides = array<i32>} : memref<2048xf32, #tpu.memory_space<vmem>>, vector<16xf32>,
          tpu.vector_store %arg7[%swap3A_708], %gather3A_702 {strides = array<i32>} : memref<2048xf32, #tpu.memory_space<vmem>>, vector<16xf32>,
        } else {
        }
        %ge3A_178 = arith.constant 999936 : i32
        %ge3A_179 = arith.cmpi sge, %squeeze3A_170, %ge3A_178 : i32
        %convert_element_type3A_180 = arith.extui %ge3A_179 : i1 to i32
        %cond3A_181 = arith.constant 0 : i32
        %cond3A_182 = arith.cmpi ne, %convert_element_type3A_180, %cond3A_181 : i32
        scf.if %cond3A_182 {
          %add3A_668 = arith.constant 0 : i32
          %add3A_669 = vector.broadcast %add3A_668 : i32 to vector<16xi32>
          %add3A_670 = arith.addi %iota3A, %add3A_669 : vector<16xi32>
          %gather3A = tpu.vector_load_idx %arg8[%add3A_670, %broadcast_in_dim3A] : memref<64x128xf32, #tpu.memory_space<vmem>>[vector<16xi32>, vector<16xi32>], vector<16xf32>,
          %add3A_671 = arith.constant 0 : i32
          %add3A_672 = arith.addi %multiple_of3A_158, %add3A_671 : i32
          %add3A_673 = arith.constant 0 : i32
          %add3A_674 = arith.addi %add3A_672, %add3A_673 : i32
          %multiple_of3A_675 = tpu.assume_multiple %add3A_674, 16 : i32
          %swap3A = arith.index_cast %multiple_of3A_675 : i32 to index
          %swap3A_676 = tpu.vector_load %arg7[%swap3A] {strides = array<i32>} : memref<2048xf32, #tpu.memory_space<vmem>>, vector<16xf32>,
          tpu.vector_store %arg7[%swap3A], %gather3A {strides = array<i32>} : memref<2048xf32, #tpu.memory_space<vmem>>, vector<16xf32>,
          %add3A_677 = arith.constant 16 : i32
          %add3A_678 = vector.broadcast %add3A_677 : i32 to vector<16xi32>
          %add3A_679 = arith.addi %iota3A, %add3A_678 : vector<16xi32>
          %gather3A_680 = tpu.vector_load_idx %arg8[%add3A_679, %broadcast_in_dim3A] : memref<64x128xf32, #tpu.memory_space<vmem>>[vector<16xi32>, vector<16xi32>], vector<16xf32>,
          %add3A_681 = arith.constant 0 : i32
          %add3A_682 = arith.addi %multiple_of3A_158, %add3A_681 : i32
          %add3A_683 = arith.constant 16 : i32
          %add3A_684 = arith.addi %add3A_682, %add3A_683 : i32
          %multiple_of3A_685 = tpu.assume_multiple %add3A_684, 16 : i32
          %swap3A_686 = arith.index_cast %multiple_of3A_685 : i32 to index
          %swap3A_687 = tpu.vector_load %arg7[%swap3A_686] {strides = array<i32>} : memref<2048xf32, #tpu.memory_space<vmem>>, vector<16xf32>,
          tpu.vector_store %arg7[%swap3A_686], %gather3A_680 {strides = array<i32>} : memref<2048xf32, #tpu.memory_space<vmem>>, vector<16xf32>,
          %add3A_688 = arith.constant 32 : i32
          %add3A_689 = vector.broadcast %add3A_688 : i32 to vector<16xi32>
          %add3A_690 = arith.addi %iota3A, %add3A_689 : vector<16xi32>
          %gather3A_691 = tpu.vector_load_idx %arg8[%add3A_690, %broadcast_in_dim3A] : memref<64x128xf32, #tpu.memory_space<vmem>>[vector<16xi32>, vector<16xi32>], vector<16xf32>,
          %add3A_692 = arith.constant 0 : i32
          %add3A_693 = arith.addi %multiple_of3A_158, %add3A_692 : i32
          %add3A_694 = arith.constant 32 : i32
          %add3A_695 = arith.addi %add3A_693, %add3A_694 : i32
          %multiple_of3A_696 = tpu.assume_multiple %add3A_695, 16 : i32
          %swap3A_697 = arith.index_cast %multiple_of3A_696 : i32 to index
          %swap3A_698 = tpu.vector_load %arg7[%swap3A_697] {strides = array<i32>} : memref<2048xf32, #tpu.memory_space<vmem>>, vector<16xf32>,
          tpu.vector_store %arg7[%swap3A_697], %gather3A_691 {strides = array<i32>} : memref<2048xf32, #tpu.memory_space<vmem>>, vector<16xf32>,
          %add3A_699 = arith.constant 48 : i32
          %add3A_700 = vector.broadcast %add3A_699 : i32 to vector<16xi32>
          %add3A_701 = arith.addi %iota3A, %add3A_700 : vector<16xi32>
          %gather3A_702 = tpu.vector_load_idx %arg8[%add3A_701, %broadcast_in_dim3A] : memref<64x128xf32, #tpu.memory_space<vmem>>[vector<16xi32>, vector<16xi32>], vector<16xf32>,
          %add3A_703 = arith.constant 0 : i32
          %add3A_704 = arith.addi %multiple_of3A_158, %add3A_703 : i32
          %add3A_705 = arith.constant 48 : i32
          %add3A_706 = arith.addi %add3A_704, %add3A_705 : i32
          %multiple_of3A_707 = tpu.assume_multiple %add3A_706, 16 : i32
          %swap3A_708 = arith.index_cast %multiple_of3A_707 : i32 to index
          %swap3A_709 = tpu.vector_load %arg7[%swap3A_708] {strides = array<i32>} : memref<2048xf32, #tpu.memory_space<vmem>>, vector<16xf32>,
          tpu.vector_store %arg7[%swap3A_708], %gather3A_702 {strides = array<i32>} : memref<2048xf32, #tpu.memory_space<vmem>>, vector<16xf32>,
        } else {
        }
        %slice3A_183 = vector.extract_strided_slice %get3A_149 {offsets = [8], sizes = [1], strides = [1]} : vector<16xi32> to vector<1xi32>
        %squeeze3A_184 = vector.extract %slice3A_183[0] : i32 from vector<1xi32>
        %lt3A_185 = arith.constant 999936 : i32
        %lt3A_186 = arith.cmpi slt, %squeeze3A_184, %lt3A_185 : i32
        %shift_right_arithmetic3A_187 = arith.constant 7 : i32
        %shift_right_arithmetic3A_188 = arith.shrsi %squeeze3A_184, %shift_right_arithmetic3A_187 : i32
        %shift_left3A_189 = arith.constant 7 : i32
        %shift_left3A_190 = arith.shli %shift_right_arithmetic3A_188, %shift_left3A_189 : i32
        %jit3A_191 = arith.constant 0 : i32
        %select_n3A_192 = arith.select %lt3A_186, %shift_left3A_190, %jit3A_191 : i32
        %multiple_of3A_193 = tpu.assume_multiple %select_n3A_192, 128 : i32
        %dma_start3A_194 = arith.constant 0 : i32
        %dma_start3A_195 = tpu.memref_slice %arg2[%dma_start3A_194, %multiple_of3A_193] : memref<64x1000000xf32, #tpu.memory_space<hbm>> -> memref<64x128xf32, #tpu.memory_space<hbm>>
        %dma_start3A_196 = arith.constant 0 : i32
        %dma_start3A_197 = tpu.memref_slice %arg2[%dma_start3A_196, %multiple_of3A_193] : memref<64x1000000xf32, #tpu.memory_space<hbm>> -> memref<64x128xf32, #tpu.memory_space<hbm>>
        tpu.enqueue_dma source(%dma_start3A_197 : memref<64x128xf32, #tpu.memory_space<hbm>>) target(%arg9 : memref<64x128xf32, #tpu.memory_space<vmem>>) target_semaphore(%arg17 : memref<!tpu.dma_semaphore, #tpu.memory_space<semaphore_mem>>)
        %dma_wait3A_198 = arith.constant 0 : i32
        %dma_wait3A_199 = arith.constant 0 : i32
        %dma_wait3A_200 = tpu.memref_slice %arg2[%dma_wait3A_198, %dma_wait3A_199] : memref<64x1000000xf32, #tpu.memory_space<hbm>> -> memref<64x128xf32, #tpu.memory_space<hbm>>
        %dma_wait3A_201 = arith.constant 0 : i32
        %dma_wait3A_202 = arith.constant 0 : i32
        %dma_wait3A_203 = tpu.memref_slice %arg2[%dma_wait3A_201, %dma_wait3A_202] : memref<64x1000000xf32, #tpu.memory_space<hbm>> -> memref<64x128xf32, #tpu.memory_space<hbm>>
        tpu.wait_dma2 semaphore(%arg18 : memref<!tpu.dma_semaphore, #tpu.memory_space<semaphore_mem>>) src(%dma_wait3A_203 : memref<64x128xf32, #tpu.memory_space<hbm>>) dst(%arg10 : memref<64x128xf32, #tpu.memory_space<vmem>>)
        %slice3A_204 = vector.extract_strided_slice %get3A_149 {offsets = [1], sizes = [1], strides = [1]} : vector<16xi32> to vector<1xi32>
        %squeeze3A_205 = vector.extract %slice3A_204[0] : i32 from vector<1xi32>
        %and3A_206 = arith.constant 127 : i32
        %and3A_207 = arith.andi %squeeze3A_205, %and3A_206 : i32
        %broadcast_in_dim3A_208 = vector.broadcast %and3A_207 : i32 to vector<16xi32>
        %lt3A_209 = arith.constant 999936 : i32
        %lt3A_210 = arith.cmpi slt, %squeeze3A_205, %lt3A_209 : i32
        %convert_element_type3A_211 = arith.extui %lt3A_210 : i1 to i32
        %cond3A_212 = arith.constant 0 : i32
        %cond3A_213 = arith.cmpi ne, %convert_element_type3A_211, %cond3A_212 : i32
        scf.if %cond3A_213 {
          %add3A_668 = arith.constant 0 : i32
          %add3A_669 = vector.broadcast %add3A_668 : i32 to vector<16xi32>
          %add3A_670 = arith.addi %iota3A, %add3A_669 : vector<16xi32>
          %gather3A = tpu.vector_load_idx %arg10[%add3A_670, %broadcast_in_dim3A_208] : memref<64x128xf32, #tpu.memory_space<vmem>>[vector<16xi32>, vector<16xi32>], vector<16xf32>,
          %add3A_671 = arith.constant 64 : i32
          %add3A_672 = arith.addi %multiple_of3A_158, %add3A_671 : i32
          %add3A_673 = arith.constant 0 : i32
          %add3A_674 = arith.addi %add3A_672, %add3A_673 : i32
          %multiple_of3A_675 = tpu.assume_multiple %add3A_674, 16 : i32
          %swap3A = arith.index_cast %multiple_of3A_675 : i32 to index
          %swap3A_676 = tpu.vector_load %arg7[%swap3A] {strides = array<i32>} : memref<2048xf32, #tpu.memory_space<vmem>>, vector<16xf32>,
          tpu.vector_store %arg7[%swap3A], %gather3A {strides = array<i32>} : memref<2048xf32, #tpu.memory_space<vmem>>, vector<16xf32>,
          %add3A_677 = arith.constant 16 : i32
          %add3A_678 = vector.broadcast %add3A_677 : i32 to vector<16xi32>
          %add3A_679 = arith.addi %iota3A, %add3A_678 : vector<16xi32>
          %gather3A_680 = tpu.vector_load_idx %arg10[%add3A_679, %broadcast_in_dim3A_208] : memref<64x128xf32, #tpu.memory_space<vmem>>[vector<16xi32>, vector<16xi32>], vector<16xf32>,
          %add3A_681 = arith.constant 64 : i32
          %add3A_682 = arith.addi %multiple_of3A_158, %add3A_681 : i32
          %add3A_683 = arith.constant 16 : i32
          %add3A_684 = arith.addi %add3A_682, %add3A_683 : i32
          %multiple_of3A_685 = tpu.assume_multiple %add3A_684, 16 : i32
          %swap3A_686 = arith.index_cast %multiple_of3A_685 : i32 to index
          %swap3A_687 = tpu.vector_load %arg7[%swap3A_686] {strides = array<i32>} : memref<2048xf32, #tpu.memory_space<vmem>>, vector<16xf32>,
          tpu.vector_store %arg7[%swap3A_686], %gather3A_680 {strides = array<i32>} : memref<2048xf32, #tpu.memory_space<vmem>>, vector<16xf32>,
          %add3A_688 = arith.constant 32 : i32
          %add3A_689 = vector.broadcast %add3A_688 : i32 to vector<16xi32>
          %add3A_690 = arith.addi %iota3A, %add3A_689 : vector<16xi32>
          %gather3A_691 = tpu.vector_load_idx %arg10[%add3A_690, %broadcast_in_dim3A_208] : memref<64x128xf32, #tpu.memory_space<vmem>>[vector<16xi32>, vector<16xi32>], vector<16xf32>,
          %add3A_692 = arith.constant 64 : i32
          %add3A_693 = arith.addi %multiple_of3A_158, %add3A_692 : i32
          %add3A_694 = arith.constant 32 : i32
          %add3A_695 = arith.addi %add3A_693, %add3A_694 : i32
          %multiple_of3A_696 = tpu.assume_multiple %add3A_695, 16 : i32
          %swap3A_697 = arith.index_cast %multiple_of3A_696 : i32 to index
          %swap3A_698 = tpu.vector_load %arg7[%swap3A_697] {strides = array<i32>} : memref<2048xf32, #tpu.memory_space<vmem>>, vector<16xf32>,
          tpu.vector_store %arg7[%swap3A_697], %gather3A_691 {strides = array<i32>} : memref<2048xf32, #tpu.memory_space<vmem>>, vector<16xf32>,
          %add3A_699 = arith.constant 48 : i32
          %add3A_700 = vector.broadcast %add3A_699 : i32 to vector<16xi32>
          %add3A_701 = arith.addi %iota3A, %add3A_700 : vector<16xi32>
          %gather3A_702 = tpu.vector_load_idx %arg10[%add3A_701, %broadcast_in_dim3A_208] : memref<64x128xf32, #tpu.memory_space<vmem>>[vector<16xi32>, vector<16xi32>], vector<16xf32>,
          %add3A_703 = arith.constant 64 : i32
          %add3A_704 = arith.addi %multiple_of3A_158, %add3A_703 : i32
          %add3A_705 = arith.constant 48 : i32
          %add3A_706 = arith.addi %add3A_704, %add3A_705 : i32
          %multiple_of3A_707 = tpu.assume_multiple %add3A_706, 16 : i32
          %swap3A_708 = arith.index_cast %multiple_of3A_707 : i32 to index
          %swap3A_709 = tpu.vector_load %arg7[%swap3A_708] {strides = array<i32>} : memref<2048xf32, #tpu.memory_space<vmem>>, vector<16xf32>,
          tpu.vector_store %arg7[%swap3A_708], %gather3A_702 {strides = array<i32>} : memref<2048xf32, #tpu.memory_space<vmem>>, vector<16xf32>,
        } else {
        }
        %ge3A_214 = arith.constant 999936 : i32
        %ge3A_215 = arith.cmpi sge, %squeeze3A_205, %ge3A_214 : i32
        %convert_element_type3A_216 = arith.extui %ge3A_215 : i1 to i32
        %cond3A_217 = arith.constant 0 : i32
        %cond3A_218 = arith.cmpi ne, %convert_element_type3A_216, %cond3A_217 : i32
        scf.if %cond3A_218 {
          %add3A_668 = arith.constant 0 : i32
          %add3A_669 = vector.broadcast %add3A_668 : i32 to vector<16xi32>
          %add3A_670 = arith.addi %iota3A, %add3A_669 : vector<16xi32>
          %gather3A = tpu.vector_load_idx %arg8[%add3A_670, %broadcast_in_dim3A_208] : memref<64x128xf32, #tpu.memory_space<vmem>>[vector<16xi32>, vector<16xi32>], vector<16xf32>,
          %add3A_671 = arith.constant 64 : i32
          %add3A_672 = arith.addi %multiple_of3A_158, %add3A_671 : i32
          %add3A_673 = arith.constant 0 : i32
          %add3A_674 = arith.addi %add3A_672, %add3A_673 : i32
          %multiple_of3A_675 = tpu.assume_multiple %add3A_674, 16 : i32
          %swap3A = arith.index_cast %multiple_of3A_675 : i32 to index
          %swap3A_676 = tpu.vector_load %arg7[%swap3A] {strides = array<i32>} : memref<2048xf32, #tpu.memory_space<vmem>>, vector<16xf32>,
          tpu.vector_store %arg7[%swap3A], %gather3A {strides = array<i32>} : memref<2048xf32, #tpu.memory_space<vmem>>, vector<16xf32>,
          %add3A_677 = arith.constant 16 : i32
          %add3A_678 = vector.broadcast %add3A_677 : i32 to vector<16xi32>
          %add3A_679 = arith.addi %iota3A, %add3A_678 : vector<16xi32>
          %gather3A_680 = tpu.vector_load_idx %arg8[%add3A_679, %broadcast_in_dim3A_208] : memref<64x128xf32, #tpu.memory_space<vmem>>[vector<16xi32>, vector<16xi32>], vector<16xf32>,
          %add3A_681 = arith.constant 64 : i32
          %add3A_682 = arith.addi %multiple_of3A_158, %add3A_681 : i32
          %add3A_683 = arith.constant 16 : i32
          %add3A_684 = arith.addi %add3A_682, %add3A_683 : i32
          %multiple_of3A_685 = tpu.assume_multiple %add3A_684, 16 : i32
          %swap3A_686 = arith.index_cast %multiple_of3A_685 : i32 to index
          %swap3A_687 = tpu.vector_load %arg7[%swap3A_686] {strides = array<i32>} : memref<2048xf32, #tpu.memory_space<vmem>>, vector<16xf32>,
          tpu.vector_store %arg7[%swap3A_686], %gather3A_680 {strides = array<i32>} : memref<2048xf32, #tpu.memory_space<vmem>>, vector<16xf32>,
          %add3A_688 = arith.constant 32 : i32
          %add3A_689 = vector.broadcast %add3A_688 : i32 to vector<16xi32>
          %add3A_690 = arith.addi %iota3A, %add3A_689 : vector<16xi32>
          %gather3A_691 = tpu.vector_load_idx %arg8[%add3A_690, %broadcast_in_dim3A_208] : memref<64x128xf32, #tpu.memory_space<vmem>>[vector<16xi32>, vector<16xi32>], vector<16xf32>,
          %add3A_692 = arith.constant 64 : i32
          %add3A_693 = arith.addi %multiple_of3A_158, %add3A_692 : i32
          %add3A_694 = arith.constant 32 : i32
          %add3A_695 = arith.addi %add3A_693, %add3A_694 : i32
          %multiple_of3A_696 = tpu.assume_multiple %add3A_695, 16 : i32
          %swap3A_697 = arith.index_cast %multiple_of3A_696 : i32 to index
          %swap3A_698 = tpu.vector_load %arg7[%swap3A_697] {strides = array<i32>} : memref<2048xf32, #tpu.memory_space<vmem>>, vector<16xf32>,
          tpu.vector_store %arg7[%swap3A_697], %gather3A_691 {strides = array<i32>} : memref<2048xf32, #tpu.memory_space<vmem>>, vector<16xf32>,
          %add3A_699 = arith.constant 48 : i32
          %add3A_700 = vector.broadcast %add3A_699 : i32 to vector<16xi32>
          %add3A_701 = arith.addi %iota3A, %add3A_700 : vector<16xi32>
          %gather3A_702 = tpu.vector_load_idx %arg8[%add3A_701, %broadcast_in_dim3A_208] : memref<64x128xf32, #tpu.memory_space<vmem>>[vector<16xi32>, vector<16xi32>], vector<16xf32>,
          %add3A_703 = arith.constant 64 : i32
          %add3A_704 = arith.addi %multiple_of3A_158, %add3A_703 : i32
          %add3A_705 = arith.constant 48 : i32
          %add3A_706 = arith.addi %add3A_704, %add3A_705 : i32
          %multiple_of3A_707 = tpu.assume_multiple %add3A_706, 16 : i32
          %swap3A_708 = arith.index_cast %multiple_of3A_707 : i32 to index
          %swap3A_709 = tpu.vector_load %arg7[%swap3A_708] {strides = array<i32>} : memref<2048xf32, #tpu.memory_space<vmem>>, vector<16xf32>,
          tpu.vector_store %arg7[%swap3A_708], %gather3A_702 {strides = array<i32>} : memref<2048xf32, #tpu.memory_space<vmem>>, vector<16xf32>,
        } else {
        }
        %slice3A_219 = vector.extract_strided_slice %get3A_149 {offsets = [9], sizes = [1], strides = [1]} : vector<16xi32> to vector<1xi32>
        %squeeze3A_220 = vector.extract %slice3A_219[0] : i32 from vector<1xi32>
        %lt3A_221 = arith.constant 999936 : i32
        %lt3A_222 = arith.cmpi slt, %squeeze3A_220, %lt3A_221 : i32
        %shift_right_arithmetic3A_223 = arith.constant 7 : i32
        %shift_right_arithmetic3A_224 = arith.shrsi %squeeze3A_220, %shift_right_arithmetic3A_223 : i32
        %shift_left3A_225 = arith.constant 7 : i32
        %shift_left3A_226 = arith.shli %shift_right_arithmetic3A_224, %shift_left3A_225 : i32
        %jit3A_227 = arith.constant 0 : i32
        %select_n3A_228 = arith.select %lt3A_222, %shift_left3A_226, %jit3A_227 : i32
        %multiple_of3A_229 = tpu.assume_multiple %select_n3A_228, 128 : i32
        %dma_start3A_230 = arith.constant 0 : i32
        %dma_start3A_231 = tpu.memref_slice %arg2[%dma_start3A_230, %multiple_of3A_229] : memref<64x1000000xf32, #tpu.memory_space<hbm>> -> memref<64x128xf32, #tpu.memory_space<hbm>>
        %dma_start3A_232 = arith.constant 0 : i32
        %dma_start3A_233 = tpu.memref_slice %arg2[%dma_start3A_232, %multiple_of3A_229] : memref<64x1000000xf32, #tpu.memory_space<hbm>> -> memref<64x128xf32, #tpu.memory_space<hbm>>
        tpu.enqueue_dma source(%dma_start3A_233 : memref<64x128xf32, #tpu.memory_space<hbm>>) target(%arg10 : memref<64x128xf32, #tpu.memory_space<vmem>>) target_semaphore(%arg18 : memref<!tpu.dma_semaphore, #tpu.memory_space<semaphore_mem>>)
        %dma_wait3A_234 = arith.constant 0 : i32
        %dma_wait3A_235 = arith.constant 0 : i32
        %dma_wait3A_236 = tpu.memref_slice %arg2[%dma_wait3A_234, %dma_wait3A_235] : memref<64x1000000xf32, #tpu.memory_space<hbm>> -> memref<64x128xf32, #tpu.memory_space<hbm>>
        %dma_wait3A_237 = arith.constant 0 : i32
        %dma_wait3A_238 = arith.constant 0 : i32
        %dma_wait3A_239 = tpu.memref_slice %arg2[%dma_wait3A_237, %dma_wait3A_238] : memref<64x1000000xf32, #tpu.memory_space<hbm>> -> memref<64x128xf32, #tpu.memory_space<hbm>>
        tpu.wait_dma2 semaphore(%arg19 : memref<!tpu.dma_semaphore, #tpu.memory_space<semaphore_mem>>) src(%dma_wait3A_239 : memref<64x128xf32, #tpu.memory_space<hbm>>) dst(%arg11 : memref<64x128xf32, #tpu.memory_space<vmem>>)
        %slice3A_240 = vector.extract_strided_slice %get3A_149 {offsets = [2], sizes = [1], strides = [1]} : vector<16xi32> to vector<1xi32>
        %squeeze3A_241 = vector.extract %slice3A_240[0] : i32 from vector<1xi32>
        %and3A_242 = arith.constant 127 : i32
        %and3A_243 = arith.andi %squeeze3A_241, %and3A_242 : i32
        %broadcast_in_dim3A_244 = vector.broadcast %and3A_243 : i32 to vector<16xi32>
        %lt3A_245 = arith.constant 999936 : i32
        %lt3A_246 = arith.cmpi slt, %squeeze3A_241, %lt3A_245 : i32
        %convert_element_type3A_247 = arith.extui %lt3A_246 : i1 to i32
        %cond3A_248 = arith.constant 0 : i32
        %cond3A_249 = arith.cmpi ne, %convert_element_type3A_247, %cond3A_248 : i32
        scf.if %cond3A_249 {
          %add3A_668 = arith.constant 0 : i32
          %add3A_669 = vector.broadcast %add3A_668 : i32 to vector<16xi32>
          %add3A_670 = arith.addi %iota3A, %add3A_669 : vector<16xi32>
          %gather3A = tpu.vector_load_idx %arg11[%add3A_670, %broadcast_in_dim3A_244] : memref<64x128xf32, #tpu.memory_space<vmem>>[vector<16xi32>, vector<16xi32>], vector<16xf32>,
          %add3A_671 = arith.constant 128 : i32
          %add3A_672 = arith.addi %multiple_of3A_158, %add3A_671 : i32
          %add3A_673 = arith.constant 0 : i32
          %add3A_674 = arith.addi %add3A_672, %add3A_673 : i32
          %multiple_of3A_675 = tpu.assume_multiple %add3A_674, 16 : i32
          %swap3A = arith.index_cast %multiple_of3A_675 : i32 to index
          %swap3A_676 = tpu.vector_load %arg7[%swap3A] {strides = array<i32>} : memref<2048xf32, #tpu.memory_space<vmem>>, vector<16xf32>,
          tpu.vector_store %arg7[%swap3A], %gather3A {strides = array<i32>} : memref<2048xf32, #tpu.memory_space<vmem>>, vector<16xf32>,
          %add3A_677 = arith.constant 16 : i32
          %add3A_678 = vector.broadcast %add3A_677 : i32 to vector<16xi32>
          %add3A_679 = arith.addi %iota3A, %add3A_678 : vector<16xi32>
          %gather3A_680 = tpu.vector_load_idx %arg11[%add3A_679, %broadcast_in_dim3A_244] : memref<64x128xf32, #tpu.memory_space<vmem>>[vector<16xi32>, vector<16xi32>], vector<16xf32>,
          %add3A_681 = arith.constant 128 : i32
          %add3A_682 = arith.addi %multiple_of3A_158, %add3A_681 : i32
          %add3A_683 = arith.constant 16 : i32
          %add3A_684 = arith.addi %add3A_682, %add3A_683 : i32
          %multiple_of3A_685 = tpu.assume_multiple %add3A_684, 16 : i32
          %swap3A_686 = arith.index_cast %multiple_of3A_685 : i32 to index
          %swap3A_687 = tpu.vector_load %arg7[%swap3A_686] {strides = array<i32>} : memref<2048xf32, #tpu.memory_space<vmem>>, vector<16xf32>,
          tpu.vector_store %arg7[%swap3A_686], %gather3A_680 {strides = array<i32>} : memref<2048xf32, #tpu.memory_space<vmem>>, vector<16xf32>,
          %add3A_688 = arith.constant 32 : i32
          %add3A_689 = vector.broadcast %add3A_688 : i32 to vector<16xi32>
          %add3A_690 = arith.addi %iota3A, %add3A_689 : vector<16xi32>
          %gather3A_691 = tpu.vector_load_idx %arg11[%add3A_690, %broadcast_in_dim3A_244] : memref<64x128xf32, #tpu.memory_space<vmem>>[vector<16xi32>, vector<16xi32>], vector<16xf32>,
          %add3A_692 = arith.constant 128 : i32
          %add3A_693 = arith.addi %multiple_of3A_158, %add3A_692 : i32
          %add3A_694 = arith.constant 32 : i32
          %add3A_695 = arith.addi %add3A_693, %add3A_694 : i32
          %multiple_of3A_696 = tpu.assume_multiple %add3A_695, 16 : i32
          %swap3A_697 = arith.index_cast %multiple_of3A_696 : i32 to index
          %swap3A_698 = tpu.vector_load %arg7[%swap3A_697] {strides = array<i32>} : memref<2048xf32, #tpu.memory_space<vmem>>, vector<16xf32>,
          tpu.vector_store %arg7[%swap3A_697], %gather3A_691 {strides = array<i32>} : memref<2048xf32, #tpu.memory_space<vmem>>, vector<16xf32>,
          %add3A_699 = arith.constant 48 : i32
          %add3A_700 = vector.broadcast %add3A_699 : i32 to vector<16xi32>
          %add3A_701 = arith.addi %iota3A, %add3A_700 : vector<16xi32>
          %gather3A_702 = tpu.vector_load_idx %arg11[%add3A_701, %broadcast_in_dim3A_244] : memref<64x128xf32, #tpu.memory_space<vmem>>[vector<16xi32>, vector<16xi32>], vector<16xf32>,
          %add3A_703 = arith.constant 128 : i32
          %add3A_704 = arith.addi %multiple_of3A_158, %add3A_703 : i32
          %add3A_705 = arith.constant 48 : i32
          %add3A_706 = arith.addi %add3A_704, %add3A_705 : i32
          %multiple_of3A_707 = tpu.assume_multiple %add3A_706, 16 : i32
          %swap3A_708 = arith.index_cast %multiple_of3A_707 : i32 to index
          %swap3A_709 = tpu.vector_load %arg7[%swap3A_708] {strides = array<i32>} : memref<2048xf32, #tpu.memory_space<vmem>>, vector<16xf32>,
          tpu.vector_store %arg7[%swap3A_708], %gather3A_702 {strides = array<i32>} : memref<2048xf32, #tpu.memory_space<vmem>>, vector<16xf32>,
        } else {
        }
        %ge3A_250 = arith.constant 999936 : i32
        %ge3A_251 = arith.cmpi sge, %squeeze3A_241, %ge3A_250 : i32
        %convert_element_type3A_252 = arith.extui %ge3A_251 : i1 to i32
        %cond3A_253 = arith.constant 0 : i32
        %cond3A_254 = arith.cmpi ne, %convert_element_type3A_252, %cond3A_253 : i32
        scf.if %cond3A_254 {
          %add3A_668 = arith.constant 0 : i32
          %add3A_669 = vector.broadcast %add3A_668 : i32 to vector<16xi32>
          %add3A_670 = arith.addi %iota3A, %add3A_669 : vector<16xi32>
          %gather3A = tpu.vector_load_idx %arg8[%add3A_670, %broadcast_in_dim3A_244] : memref<64x128xf32, #tpu.memory_space<vmem>>[vector<16xi32>, vector<16xi32>], vector<16xf32>,
          %add3A_671 = arith.constant 128 : i32
          %add3A_672 = arith.addi %multiple_of3A_158, %add3A_671 : i32
          %add3A_673 = arith.constant 0 : i32
          %add3A_674 = arith.addi %add3A_672, %add3A_673 : i32
          %multiple_of3A_675 = tpu.assume_multiple %add3A_674, 16 : i32
          %swap3A = arith.index_cast %multiple_of3A_675 : i32 to index
          %swap3A_676 = tpu.vector_load %arg7[%swap3A] {strides = array<i32>} : memref<2048xf32, #tpu.memory_space<vmem>>, vector<16xf32>,
          tpu.vector_store %arg7[%swap3A], %gather3A {strides = array<i32>} : memref<2048xf32, #tpu.memory_space<vmem>>, vector<16xf32>,
          %add3A_677 = arith.constant 16 : i32
          %add3A_678 = vector.broadcast %add3A_677 : i32 to vector<16xi32>
          %add3A_679 = arith.addi %iota3A, %add3A_678 : vector<16xi32>
          %gather3A_680 = tpu.vector_load_idx %arg8[%add3A_679, %broadcast_in_dim3A_244] : memref<64x128xf32, #tpu.memory_space<vmem>>[vector<16xi32>, vector<16xi32>], vector<16xf32>,
          %add3A_681 = arith.constant 128 : i32
          %add3A_682 = arith.addi %multiple_of3A_158, %add3A_681 : i32
          %add3A_683 = arith.constant 16 : i32
          %add3A_684 = arith.addi %add3A_682, %add3A_683 : i32
          %multiple_of3A_685 = tpu.assume_multiple %add3A_684, 16 : i32
          %swap3A_686 = arith.index_cast %multiple_of3A_685 : i32 to index
          %swap3A_687 = tpu.vector_load %arg7[%swap3A_686] {strides = array<i32>} : memref<2048xf32, #tpu.memory_space<vmem>>, vector<16xf32>,
          tpu.vector_store %arg7[%swap3A_686], %gather3A_680 {strides = array<i32>} : memref<2048xf32, #tpu.memory_space<vmem>>, vector<16xf32>,
          %add3A_688 = arith.constant 32 : i32
          %add3A_689 = vector.broadcast %add3A_688 : i32 to vector<16xi32>
          %add3A_690 = arith.addi %iota3A, %add3A_689 : vector<16xi32>
          %gather3A_691 = tpu.vector_load_idx %arg8[%add3A_690, %broadcast_in_dim3A_244] : memref<64x128xf32, #tpu.memory_space<vmem>>[vector<16xi32>, vector<16xi32>], vector<16xf32>,
          %add3A_692 = arith.constant 128 : i32
          %add3A_693 = arith.addi %multiple_of3A_158, %add3A_692 : i32
          %add3A_694 = arith.constant 32 : i32
          %add3A_695 = arith.addi %add3A_693, %add3A_694 : i32
          %multiple_of3A_696 = tpu.assume_multiple %add3A_695, 16 : i32
          %swap3A_697 = arith.index_cast %multiple_of3A_696 : i32 to index
          %swap3A_698 = tpu.vector_load %arg7[%swap3A_697] {strides = array<i32>} : memref<2048xf32, #tpu.memory_space<vmem>>, vector<16xf32>,
          tpu.vector_store %arg7[%swap3A_697], %gather3A_691 {strides = array<i32>} : memref<2048xf32, #tpu.memory_space<vmem>>, vector<16xf32>,
          %add3A_699 = arith.constant 48 : i32
          %add3A_700 = vector.broadcast %add3A_699 : i32 to vector<16xi32>
          %add3A_701 = arith.addi %iota3A, %add3A_700 : vector<16xi32>
          %gather3A_702 = tpu.vector_load_idx %arg8[%add3A_701, %broadcast_in_dim3A_244] : memref<64x128xf32, #tpu.memory_space<vmem>>[vector<16xi32>, vector<16xi32>], vector<16xf32>,
          %add3A_703 = arith.constant 128 : i32
          %add3A_704 = arith.addi %multiple_of3A_158, %add3A_703 : i32
          %add3A_705 = arith.constant 48 : i32
          %add3A_706 = arith.addi %add3A_704, %add3A_705 : i32
          %multiple_of3A_707 = tpu.assume_multiple %add3A_706, 16 : i32
          %swap3A_708 = arith.index_cast %multiple_of3A_707 : i32 to index
          %swap3A_709 = tpu.vector_load %arg7[%swap3A_708] {strides = array<i32>} : memref<2048xf32, #tpu.memory_space<vmem>>, vector<16xf32>,
          tpu.vector_store %arg7[%swap3A_708], %gather3A_702 {strides = array<i32>} : memref<2048xf32, #tpu.memory_space<vmem>>, vector<16xf32>,
        } else {
        }
        %slice3A_255 = vector.extract_strided_slice %get3A_149 {offsets = [10], sizes = [1], strides = [1]} : vector<16xi32> to vector<1xi32>
        %squeeze3A_256 = vector.extract %slice3A_255[0] : i32 from vector<1xi32>
        %lt3A_257 = arith.constant 999936 : i32
        %lt3A_258 = arith.cmpi slt, %squeeze3A_256, %lt3A_257 : i32
        %shift_right_arithmetic3A_259 = arith.constant 7 : i32
        %shift_right_arithmetic3A_260 = arith.shrsi %squeeze3A_256, %shift_right_arithmetic3A_259 : i32
        %shift_left3A_261 = arith.constant 7 : i32
        %shift_left3A_262 = arith.shli %shift_right_arithmetic3A_260, %shift_left3A_261 : i32
        %jit3A_263 = arith.constant 0 : i32
        %select_n3A_264 = arith.select %lt3A_258, %shift_left3A_262, %jit3A_263 : i32
        %multiple_of3A_265 = tpu.assume_multiple %select_n3A_264, 128 : i32
        %dma_start3A_266 = arith.constant 0 : i32
        %dma_start3A_267 = tpu.memref_slice %arg2[%dma_start3A_266, %multiple_of3A_265] : memref<64x1000000xf32, #tpu.memory_space<hbm>> -> memref<64x128xf32, #tpu.memory_space<hbm>>
        %dma_start3A_268 = arith.constant 0 : i32
        %dma_start3A_269 = tpu.memref_slice %arg2[%dma_start3A_268, %multiple_of3A_265] : memref<64x1000000xf32, #tpu.memory_space<hbm>> -> memref<64x128xf32, #tpu.memory_space<hbm>>
        tpu.enqueue_dma source(%dma_start3A_269 : memref<64x128xf32, #tpu.memory_space<hbm>>) target(%arg11 : memref<64x128xf32, #tpu.memory_space<vmem>>) target_semaphore(%arg19 : memref<!tpu.dma_semaphore, #tpu.memory_space<semaphore_mem>>)
        %dma_wait3A_270 = arith.constant 0 : i32
        %dma_wait3A_271 = arith.constant 0 : i32
        %dma_wait3A_272 = tpu.memref_slice %arg2[%dma_wait3A_270, %dma_wait3A_271] : memref<64x1000000xf32, #tpu.memory_space<hbm>> -> memref<64x128xf32, #tpu.memory_space<hbm>>
        %dma_wait3A_273 = arith.constant 0 : i32
        %dma_wait3A_274 = arith.constant 0 : i32
        %dma_wait3A_275 = tpu.memref_slice %arg2[%dma_wait3A_273, %dma_wait3A_274] : memref<64x1000000xf32, #tpu.memory_space<hbm>> -> memref<64x128xf32, #tpu.memory_space<hbm>>
        tpu.wait_dma2 semaphore(%arg20 : memref<!tpu.dma_semaphore, #tpu.memory_space<semaphore_mem>>) src(%dma_wait3A_275 : memref<64x128xf32, #tpu.memory_space<hbm>>) dst(%arg12 : memref<64x128xf32, #tpu.memory_space<vmem>>)
        %slice3A_276 = vector.extract_strided_slice %get3A_149 {offsets = [3], sizes = [1], strides = [1]} : vector<16xi32> to vector<1xi32>
        %squeeze3A_277 = vector.extract %slice3A_276[0] : i32 from vector<1xi32>
        %and3A_278 = arith.constant 127 : i32
        %and3A_279 = arith.andi %squeeze3A_277, %and3A_278 : i32
        %broadcast_in_dim3A_280 = vector.broadcast %and3A_279 : i32 to vector<16xi32>
        %lt3A_281 = arith.constant 999936 : i32
        %lt3A_282 = arith.cmpi slt, %squeeze3A_277, %lt3A_281 : i32
        %convert_element_type3A_283 = arith.extui %lt3A_282 : i1 to i32
        %cond3A_284 = arith.constant 0 : i32
        %cond3A_285 = arith.cmpi ne, %convert_element_type3A_283, %cond3A_284 : i32
        scf.if %cond3A_285 {
          %add3A_668 = arith.constant 0 : i32
          %add3A_669 = vector.broadcast %add3A_668 : i32 to vector<16xi32>
          %add3A_670 = arith.addi %iota3A, %add3A_669 : vector<16xi32>
          %gather3A = tpu.vector_load_idx %arg12[%add3A_670, %broadcast_in_dim3A_280] : memref<64x128xf32, #tpu.memory_space<vmem>>[vector<16xi32>, vector<16xi32>], vector<16xf32>,
          %add3A_671 = arith.constant 192 : i32
          %add3A_672 = arith.addi %multiple_of3A_158, %add3A_671 : i32
          %add3A_673 = arith.constant 0 : i32
          %add3A_674 = arith.addi %add3A_672, %add3A_673 : i32
          %multiple_of3A_675 = tpu.assume_multiple %add3A_674, 16 : i32
          %swap3A = arith.index_cast %multiple_of3A_675 : i32 to index
          %swap3A_676 = tpu.vector_load %arg7[%swap3A] {strides = array<i32>} : memref<2048xf32, #tpu.memory_space<vmem>>, vector<16xf32>,
          tpu.vector_store %arg7[%swap3A], %gather3A {strides = array<i32>} : memref<2048xf32, #tpu.memory_space<vmem>>, vector<16xf32>,
          %add3A_677 = arith.constant 16 : i32
          %add3A_678 = vector.broadcast %add3A_677 : i32 to vector<16xi32>
          %add3A_679 = arith.addi %iota3A, %add3A_678 : vector<16xi32>
          %gather3A_680 = tpu.vector_load_idx %arg12[%add3A_679, %broadcast_in_dim3A_280] : memref<64x128xf32, #tpu.memory_space<vmem>>[vector<16xi32>, vector<16xi32>], vector<16xf32>,
          %add3A_681 = arith.constant 192 : i32
          %add3A_682 = arith.addi %multiple_of3A_158, %add3A_681 : i32
          %add3A_683 = arith.constant 16 : i32
          %add3A_684 = arith.addi %add3A_682, %add3A_683 : i32
          %multiple_of3A_685 = tpu.assume_multiple %add3A_684, 16 : i32
          %swap3A_686 = arith.index_cast %multiple_of3A_685 : i32 to index
          %swap3A_687 = tpu.vector_load %arg7[%swap3A_686] {strides = array<i32>} : memref<2048xf32, #tpu.memory_space<vmem>>, vector<16xf32>,
          tpu.vector_store %arg7[%swap3A_686], %gather3A_680 {strides = array<i32>} : memref<2048xf32, #tpu.memory_space<vmem>>, vector<16xf32>,
          %add3A_688 = arith.constant 32 : i32
          %add3A_689 = vector.broadcast %add3A_688 : i32 to vector<16xi32>
          %add3A_690 = arith.addi %iota3A, %add3A_689 : vector<16xi32>
          %gather3A_691 = tpu.vector_load_idx %arg12[%add3A_690, %broadcast_in_dim3A_280] : memref<64x128xf32, #tpu.memory_space<vmem>>[vector<16xi32>, vector<16xi32>], vector<16xf32>,
          %add3A_692 = arith.constant 192 : i32
          %add3A_693 = arith.addi %multiple_of3A_158, %add3A_692 : i32
          %add3A_694 = arith.constant 32 : i32
          %add3A_695 = arith.addi %add3A_693, %add3A_694 : i32
          %multiple_of3A_696 = tpu.assume_multiple %add3A_695, 16 : i32
          %swap3A_697 = arith.index_cast %multiple_of3A_696 : i32 to index
          %swap3A_698 = tpu.vector_load %arg7[%swap3A_697] {strides = array<i32>} : memref<2048xf32, #tpu.memory_space<vmem>>, vector<16xf32>,
          tpu.vector_store %arg7[%swap3A_697], %gather3A_691 {strides = array<i32>} : memref<2048xf32, #tpu.memory_space<vmem>>, vector<16xf32>,
          %add3A_699 = arith.constant 48 : i32
          %add3A_700 = vector.broadcast %add3A_699 : i32 to vector<16xi32>
          %add3A_701 = arith.addi %iota3A, %add3A_700 : vector<16xi32>
          %gather3A_702 = tpu.vector_load_idx %arg12[%add3A_701, %broadcast_in_dim3A_280] : memref<64x128xf32, #tpu.memory_space<vmem>>[vector<16xi32>, vector<16xi32>], vector<16xf32>,
          %add3A_703 = arith.constant 192 : i32
          %add3A_704 = arith.addi %multiple_of3A_158, %add3A_703 : i32
          %add3A_705 = arith.constant 48 : i32
          %add3A_706 = arith.addi %add3A_704, %add3A_705 : i32
          %multiple_of3A_707 = tpu.assume_multiple %add3A_706, 16 : i32
          %swap3A_708 = arith.index_cast %multiple_of3A_707 : i32 to index
          %swap3A_709 = tpu.vector_load %arg7[%swap3A_708] {strides = array<i32>} : memref<2048xf32, #tpu.memory_space<vmem>>, vector<16xf32>,
          tpu.vector_store %arg7[%swap3A_708], %gather3A_702 {strides = array<i32>} : memref<2048xf32, #tpu.memory_space<vmem>>, vector<16xf32>,
        } else {
        }
        %ge3A_286 = arith.constant 999936 : i32
        %ge3A_287 = arith.cmpi sge, %squeeze3A_277, %ge3A_286 : i32
        %convert_element_type3A_288 = arith.extui %ge3A_287 : i1 to i32
        %cond3A_289 = arith.constant 0 : i32
        %cond3A_290 = arith.cmpi ne, %convert_element_type3A_288, %cond3A_289 : i32
        scf.if %cond3A_290 {
          %add3A_668 = arith.constant 0 : i32
          %add3A_669 = vector.broadcast %add3A_668 : i32 to vector<16xi32>
          %add3A_670 = arith.addi %iota3A, %add3A_669 : vector<16xi32>
          %gather3A = tpu.vector_load_idx %arg8[%add3A_670, %broadcast_in_dim3A_280] : memref<64x128xf32, #tpu.memory_space<vmem>>[vector<16xi32>, vector<16xi32>], vector<16xf32>,
          %add3A_671 = arith.constant 192 : i32
          %add3A_672 = arith.addi %multiple_of3A_158, %add3A_671 : i32
          %add3A_673 = arith.constant 0 : i32
          %add3A_674 = arith.addi %add3A_672, %add3A_673 : i32
          %multiple_of3A_675 = tpu.assume_multiple %add3A_674, 16 : i32
          %swap3A = arith.index_cast %multiple_of3A_675 : i32 to index
          %swap3A_676 = tpu.vector_load %arg7[%swap3A] {strides = array<i32>} : memref<2048xf32, #tpu.memory_space<vmem>>, vector<16xf32>,
          tpu.vector_store %arg7[%swap3A], %gather3A {strides = array<i32>} : memref<2048xf32, #tpu.memory_space<vmem>>, vector<16xf32>,
          %add3A_677 = arith.constant 16 : i32
          %add3A_678 = vector.broadcast %add3A_677 : i32 to vector<16xi32>
          %add3A_679 = arith.addi %iota3A, %add3A_678 : vector<16xi32>
          %gather3A_680 = tpu.vector_load_idx %arg8[%add3A_679, %broadcast_in_dim3A_280] : memref<64x128xf32, #tpu.memory_space<vmem>>[vector<16xi32>, vector<16xi32>], vector<16xf32>,
          %add3A_681 = arith.constant 192 : i32
          %add3A_682 = arith.addi %multiple_of3A_158, %add3A_681 : i32
          %add3A_683 = arith.constant 16 : i32
          %add3A_684 = arith.addi %add3A_682, %add3A_683 : i32
          %multiple_of3A_685 = tpu.assume_multiple %add3A_684, 16 : i32
          %swap3A_686 = arith.index_cast %multiple_of3A_685 : i32 to index
          %swap3A_687 = tpu.vector_load %arg7[%swap3A_686] {strides = array<i32>} : memref<2048xf32, #tpu.memory_space<vmem>>, vector<16xf32>,
          tpu.vector_store %arg7[%swap3A_686], %gather3A_680 {strides = array<i32>} : memref<2048xf32, #tpu.memory_space<vmem>>, vector<16xf32>,
          %add3A_688 = arith.constant 32 : i32
          %add3A_689 = vector.broadcast %add3A_688 : i32 to vector<16xi32>
          %add3A_690 = arith.addi %iota3A, %add3A_689 : vector<16xi32>
          %gather3A_691 = tpu.vector_load_idx %arg8[%add3A_690, %broadcast_in_dim3A_280] : memref<64x128xf32, #tpu.memory_space<vmem>>[vector<16xi32>, vector<16xi32>], vector<16xf32>,
          %add3A_692 = arith.constant 192 : i32
          %add3A_693 = arith.addi %multiple_of3A_158, %add3A_692 : i32
          %add3A_694 = arith.constant 32 : i32
          %add3A_695 = arith.addi %add3A_693, %add3A_694 : i32
          %multiple_of3A_696 = tpu.assume_multiple %add3A_695, 16 : i32
          %swap3A_697 = arith.index_cast %multiple_of3A_696 : i32 to index
          %swap3A_698 = tpu.vector_load %arg7[%swap3A_697] {strides = array<i32>} : memref<2048xf32, #tpu.memory_space<vmem>>, vector<16xf32>,
          tpu.vector_store %arg7[%swap3A_697], %gather3A_691 {strides = array<i32>} : memref<2048xf32, #tpu.memory_space<vmem>>, vector<16xf32>,
          %add3A_699 = arith.constant 48 : i32
          %add3A_700 = vector.broadcast %add3A_699 : i32 to vector<16xi32>
          %add3A_701 = arith.addi %iota3A, %add3A_700 : vector<16xi32>
          %gather3A_702 = tpu.vector_load_idx %arg8[%add3A_701, %broadcast_in_dim3A_280] : memref<64x128xf32, #tpu.memory_space<vmem>>[vector<16xi32>, vector<16xi32>], vector<16xf32>,
          %add3A_703 = arith.constant 192 : i32
          %add3A_704 = arith.addi %multiple_of3A_158, %add3A_703 : i32
          %add3A_705 = arith.constant 48 : i32
          %add3A_706 = arith.addi %add3A_704, %add3A_705 : i32
          %multiple_of3A_707 = tpu.assume_multiple %add3A_706, 16 : i32
          %swap3A_708 = arith.index_cast %multiple_of3A_707 : i32 to index
          %swap3A_709 = tpu.vector_load %arg7[%swap3A_708] {strides = array<i32>} : memref<2048xf32, #tpu.memory_space<vmem>>, vector<16xf32>,
          tpu.vector_store %arg7[%swap3A_708], %gather3A_702 {strides = array<i32>} : memref<2048xf32, #tpu.memory_space<vmem>>, vector<16xf32>,
        } else {
        }
        %slice3A_291 = vector.extract_strided_slice %get3A_149 {offsets = [11], sizes = [1], strides = [1]} : vector<16xi32> to vector<1xi32>
        %squeeze3A_292 = vector.extract %slice3A_291[0] : i32 from vector<1xi32>
        %lt3A_293 = arith.constant 999936 : i32
        %lt3A_294 = arith.cmpi slt, %squeeze3A_292, %lt3A_293 : i32
        %shift_right_arithmetic3A_295 = arith.constant 7 : i32
        %shift_right_arithmetic3A_296 = arith.shrsi %squeeze3A_292, %shift_right_arithmetic3A_295 : i32
        %shift_left3A_297 = arith.constant 7 : i32
        %shift_left3A_298 = arith.shli %shift_right_arithmetic3A_296, %shift_left3A_297 : i32
        %jit3A_299 = arith.constant 0 : i32
        %select_n3A_300 = arith.select %lt3A_294, %shift_left3A_298, %jit3A_299 : i32
        %multiple_of3A_301 = tpu.assume_multiple %select_n3A_300, 128 : i32
        %dma_start3A_302 = arith.constant 0 : i32
        %dma_start3A_303 = tpu.memref_slice %arg2[%dma_start3A_302, %multiple_of3A_301] : memref<64x1000000xf32, #tpu.memory_space<hbm>> -> memref<64x128xf32, #tpu.memory_space<hbm>>
        %dma_start3A_304 = arith.constant 0 : i32
        %dma_start3A_305 = tpu.memref_slice %arg2[%dma_start3A_304, %multiple_of3A_301] : memref<64x1000000xf32, #tpu.memory_space<hbm>> -> memref<64x128xf32, #tpu.memory_space<hbm>>
        tpu.enqueue_dma source(%dma_start3A_305 : memref<64x128xf32, #tpu.memory_space<hbm>>) target(%arg12 : memref<64x128xf32, #tpu.memory_space<vmem>>) target_semaphore(%arg20 : memref<!tpu.dma_semaphore, #tpu.memory_space<semaphore_mem>>)
        %dma_wait3A_306 = arith.constant 0 : i32
        %dma_wait3A_307 = arith.constant 0 : i32
        %dma_wait3A_308 = tpu.memref_slice %arg2[%dma_wait3A_306, %dma_wait3A_307] : memref<64x1000000xf32, #tpu.memory_space<hbm>> -> memref<64x128xf32, #tpu.memory_space<hbm>>
        %dma_wait3A_309 = arith.constant 0 : i32
        %dma_wait3A_310 = arith.constant 0 : i32
        %dma_wait3A_311 = tpu.memref_slice %arg2[%dma_wait3A_309, %dma_wait3A_310] : memref<64x1000000xf32, #tpu.memory_space<hbm>> -> memref<64x128xf32, #tpu.memory_space<hbm>>
        tpu.wait_dma2 semaphore(%arg21 : memref<!tpu.dma_semaphore, #tpu.memory_space<semaphore_mem>>) src(%dma_wait3A_311 : memref<64x128xf32, #tpu.memory_space<hbm>>) dst(%arg13 : memref<64x128xf32, #tpu.memory_space<vmem>>)
        %slice3A_312 = vector.extract_strided_slice %get3A_149 {offsets = [4], sizes = [1], strides = [1]} : vector<16xi32> to vector<1xi32>
        %squeeze3A_313 = vector.extract %slice3A_312[0] : i32 from vector<1xi32>
        %and3A_314 = arith.constant 127 : i32
        %and3A_315 = arith.andi %squeeze3A_313, %and3A_314 : i32
        %broadcast_in_dim3A_316 = vector.broadcast %and3A_315 : i32 to vector<16xi32>
        %lt3A_317 = arith.constant 999936 : i32
        %lt3A_318 = arith.cmpi slt, %squeeze3A_313, %lt3A_317 : i32
        %convert_element_type3A_319 = arith.extui %lt3A_318 : i1 to i32
        %cond3A_320 = arith.constant 0 : i32
        %cond3A_321 = arith.cmpi ne, %convert_element_type3A_319, %cond3A_320 : i32
        scf.if %cond3A_321 {
          %add3A_668 = arith.constant 0 : i32
          %add3A_669 = vector.broadcast %add3A_668 : i32 to vector<16xi32>
          %add3A_670 = arith.addi %iota3A, %add3A_669 : vector<16xi32>
          %gather3A = tpu.vector_load_idx %arg13[%add3A_670, %broadcast_in_dim3A_316] : memref<64x128xf32, #tpu.memory_space<vmem>>[vector<16xi32>, vector<16xi32>], vector<16xf32>,
          %add3A_671 = arith.constant 256 : i32
          %add3A_672 = arith.addi %multiple_of3A_158, %add3A_671 : i32
          %add3A_673 = arith.constant 0 : i32
          %add3A_674 = arith.addi %add3A_672, %add3A_673 : i32
          %multiple_of3A_675 = tpu.assume_multiple %add3A_674, 16 : i32
          %swap3A = arith.index_cast %multiple_of3A_675 : i32 to index
          %swap3A_676 = tpu.vector_load %arg7[%swap3A] {strides = array<i32>} : memref<2048xf32, #tpu.memory_space<vmem>>, vector<16xf32>,
          tpu.vector_store %arg7[%swap3A], %gather3A {strides = array<i32>} : memref<2048xf32, #tpu.memory_space<vmem>>, vector<16xf32>,
          %add3A_677 = arith.constant 16 : i32
          %add3A_678 = vector.broadcast %add3A_677 : i32 to vector<16xi32>
          %add3A_679 = arith.addi %iota3A, %add3A_678 : vector<16xi32>
          %gather3A_680 = tpu.vector_load_idx %arg13[%add3A_679, %broadcast_in_dim3A_316] : memref<64x128xf32, #tpu.memory_space<vmem>>[vector<16xi32>, vector<16xi32>], vector<16xf32>,
          %add3A_681 = arith.constant 256 : i32
          %add3A_682 = arith.addi %multiple_of3A_158, %add3A_681 : i32
          %add3A_683 = arith.constant 16 : i32
          %add3A_684 = arith.addi %add3A_682, %add3A_683 : i32
          %multiple_of3A_685 = tpu.assume_multiple %add3A_684, 16 : i32
          %swap3A_686 = arith.index_cast %multiple_of3A_685 : i32 to index
          %swap3A_687 = tpu.vector_load %arg7[%swap3A_686] {strides = array<i32>} : memref<2048xf32, #tpu.memory_space<vmem>>, vector<16xf32>,
          tpu.vector_store %arg7[%swap3A_686], %gather3A_680 {strides = array<i32>} : memref<2048xf32, #tpu.memory_space<vmem>>, vector<16xf32>,
          %add3A_688 = arith.constant 32 : i32
          %add3A_689 = vector.broadcast %add3A_688 : i32 to vector<16xi32>
          %add3A_690 = arith.addi %iota3A, %add3A_689 : vector<16xi32>
          %gather3A_691 = tpu.vector_load_idx %arg13[%add3A_690, %broadcast_in_dim3A_316] : memref<64x128xf32, #tpu.memory_space<vmem>>[vector<16xi32>, vector<16xi32>], vector<16xf32>,
          %add3A_692 = arith.constant 256 : i32
          %add3A_693 = arith.addi %multiple_of3A_158, %add3A_692 : i32
          %add3A_694 = arith.constant 32 : i32
          %add3A_695 = arith.addi %add3A_693, %add3A_694 : i32
          %multiple_of3A_696 = tpu.assume_multiple %add3A_695, 16 : i32
          %swap3A_697 = arith.index_cast %multiple_of3A_696 : i32 to index
          %swap3A_698 = tpu.vector_load %arg7[%swap3A_697] {strides = array<i32>} : memref<2048xf32, #tpu.memory_space<vmem>>, vector<16xf32>,
          tpu.vector_store %arg7[%swap3A_697], %gather3A_691 {strides = array<i32>} : memref<2048xf32, #tpu.memory_space<vmem>>, vector<16xf32>,
          %add3A_699 = arith.constant 48 : i32
          %add3A_700 = vector.broadcast %add3A_699 : i32 to vector<16xi32>
          %add3A_701 = arith.addi %iota3A, %add3A_700 : vector<16xi32>
          %gather3A_702 = tpu.vector_load_idx %arg13[%add3A_701, %broadcast_in_dim3A_316] : memref<64x128xf32, #tpu.memory_space<vmem>>[vector<16xi32>, vector<16xi32>], vector<16xf32>,
          %add3A_703 = arith.constant 256 : i32
          %add3A_704 = arith.addi %multiple_of3A_158, %add3A_703 : i32
          %add3A_705 = arith.constant 48 : i32
          %add3A_706 = arith.addi %add3A_704, %add3A_705 : i32
          %multiple_of3A_707 = tpu.assume_multiple %add3A_706, 16 : i32
          %swap3A_708 = arith.index_cast %multiple_of3A_707 : i32 to index
          %swap3A_709 = tpu.vector_load %arg7[%swap3A_708] {strides = array<i32>} : memref<2048xf32, #tpu.memory_space<vmem>>, vector<16xf32>,
          tpu.vector_store %arg7[%swap3A_708], %gather3A_702 {strides = array<i32>} : memref<2048xf32, #tpu.memory_space<vmem>>, vector<16xf32>,
        } else {
        }
        %ge3A_322 = arith.constant 999936 : i32
        %ge3A_323 = arith.cmpi sge, %squeeze3A_313, %ge3A_322 : i32
        %convert_element_type3A_324 = arith.extui %ge3A_323 : i1 to i32
        %cond3A_325 = arith.constant 0 : i32
        %cond3A_326 = arith.cmpi ne, %convert_element_type3A_324, %cond3A_325 : i32
        scf.if %cond3A_326 {
          %add3A_668 = arith.constant 0 : i32
          %add3A_669 = vector.broadcast %add3A_668 : i32 to vector<16xi32>
          %add3A_670 = arith.addi %iota3A, %add3A_669 : vector<16xi32>
          %gather3A = tpu.vector_load_idx %arg8[%add3A_670, %broadcast_in_dim3A_316] : memref<64x128xf32, #tpu.memory_space<vmem>>[vector<16xi32>, vector<16xi32>], vector<16xf32>,
          %add3A_671 = arith.constant 256 : i32
          %add3A_672 = arith.addi %multiple_of3A_158, %add3A_671 : i32
          %add3A_673 = arith.constant 0 : i32
          %add3A_674 = arith.addi %add3A_672, %add3A_673 : i32
          %multiple_of3A_675 = tpu.assume_multiple %add3A_674, 16 : i32
          %swap3A = arith.index_cast %multiple_of3A_675 : i32 to index
          %swap3A_676 = tpu.vector_load %arg7[%swap3A] {strides = array<i32>} : memref<2048xf32, #tpu.memory_space<vmem>>, vector<16xf32>,
          tpu.vector_store %arg7[%swap3A], %gather3A {strides = array<i32>} : memref<2048xf32, #tpu.memory_space<vmem>>, vector<16xf32>,
          %add3A_677 = arith.constant 16 : i32
          %add3A_678 = vector.broadcast %add3A_677 : i32 to vector<16xi32>
          %add3A_679 = arith.addi %iota3A, %add3A_678 : vector<16xi32>
          %gather3A_680 = tpu.vector_load_idx %arg8[%add3A_679, %broadcast_in_dim3A_316] : memref<64x128xf32, #tpu.memory_space<vmem>>[vector<16xi32>, vector<16xi32>], vector<16xf32>,
          %add3A_681 = arith.constant 256 : i32
          %add3A_682 = arith.addi %multiple_of3A_158, %add3A_681 : i32
          %add3A_683 = arith.constant 16 : i32
          %add3A_684 = arith.addi %add3A_682, %add3A_683 : i32
          %multiple_of3A_685 = tpu.assume_multiple %add3A_684, 16 : i32
          %swap3A_686 = arith.index_cast %multiple_of3A_685 : i32 to index
          %swap3A_687 = tpu.vector_load %arg7[%swap3A_686] {strides = array<i32>} : memref<2048xf32, #tpu.memory_space<vmem>>, vector<16xf32>,
          tpu.vector_store %arg7[%swap3A_686], %gather3A_680 {strides = array<i32>} : memref<2048xf32, #tpu.memory_space<vmem>>, vector<16xf32>,
          %add3A_688 = arith.constant 32 : i32
          %add3A_689 = vector.broadcast %add3A_688 : i32 to vector<16xi32>
          %add3A_690 = arith.addi %iota3A, %add3A_689 : vector<16xi32>
          %gather3A_691 = tpu.vector_load_idx %arg8[%add3A_690, %broadcast_in_dim3A_316] : memref<64x128xf32, #tpu.memory_space<vmem>>[vector<16xi32>, vector<16xi32>], vector<16xf32>,
          %add3A_692 = arith.constant 256 : i32
          %add3A_693 = arith.addi %multiple_of3A_158, %add3A_692 : i32
          %add3A_694 = arith.constant 32 : i32
          %add3A_695 = arith.addi %add3A_693, %add3A_694 : i32
          %multiple_of3A_696 = tpu.assume_multiple %add3A_695, 16 : i32
          %swap3A_697 = arith.index_cast %multiple_of3A_696 : i32 to index
          %swap3A_698 = tpu.vector_load %arg7[%swap3A_697] {strides = array<i32>} : memref<2048xf32, #tpu.memory_space<vmem>>, vector<16xf32>,
          tpu.vector_store %arg7[%swap3A_697], %gather3A_691 {strides = array<i32>} : memref<2048xf32, #tpu.memory_space<vmem>>, vector<16xf32>,
          %add3A_699 = arith.constant 48 : i32
          %add3A_700 = vector.broadcast %add3A_699 : i32 to vector<16xi32>
          %add3A_701 = arith.addi %iota3A, %add3A_700 : vector<16xi32>
          %gather3A_702 = tpu.vector_load_idx %arg8[%add3A_701, %broadcast_in_dim3A_316] : memref<64x128xf32, #tpu.memory_space<vmem>>[vector<16xi32>, vector<16xi32>], vector<16xf32>,
          %add3A_703 = arith.constant 256 : i32
          %add3A_704 = arith.addi %multiple_of3A_158, %add3A_703 : i32
          %add3A_705 = arith.constant 48 : i32
          %add3A_706 = arith.addi %add3A_704, %add3A_705 : i32
          %multiple_of3A_707 = tpu.assume_multiple %add3A_706, 16 : i32
          %swap3A_708 = arith.index_cast %multiple_of3A_707 : i32 to index
          %swap3A_709 = tpu.vector_load %arg7[%swap3A_708] {strides = array<i32>} : memref<2048xf32, #tpu.memory_space<vmem>>, vector<16xf32>,
          tpu.vector_store %arg7[%swap3A_708], %gather3A_702 {strides = array<i32>} : memref<2048xf32, #tpu.memory_space<vmem>>, vector<16xf32>,
        } else {
        }
        %slice3A_327 = vector.extract_strided_slice %get3A_149 {offsets = [12], sizes = [1], strides = [1]} : vector<16xi32> to vector<1xi32>
        %squeeze3A_328 = vector.extract %slice3A_327[0] : i32 from vector<1xi32>
        %lt3A_329 = arith.constant 999936 : i32
        %lt3A_330 = arith.cmpi slt, %squeeze3A_328, %lt3A_329 : i32
        %shift_right_arithmetic3A_331 = arith.constant 7 : i32
        %shift_right_arithmetic3A_332 = arith.shrsi %squeeze3A_328, %shift_right_arithmetic3A_331 : i32
        %shift_left3A_333 = arith.constant 7 : i32
        %shift_left3A_334 = arith.shli %shift_right_arithmetic3A_332, %shift_left3A_333 : i32
        %jit3A_335 = arith.constant 0 : i32
        %select_n3A_336 = arith.select %lt3A_330, %shift_left3A_334, %jit3A_335 : i32
        %multiple_of3A_337 = tpu.assume_multiple %select_n3A_336, 128 : i32
        %dma_start3A_338 = arith.constant 0 : i32
        %dma_start3A_339 = tpu.memref_slice %arg2[%dma_start3A_338, %multiple_of3A_337] : memref<64x1000000xf32, #tpu.memory_space<hbm>> -> memref<64x128xf32, #tpu.memory_space<hbm>>
        %dma_start3A_340 = arith.constant 0 : i32
        %dma_start3A_341 = tpu.memref_slice %arg2[%dma_start3A_340, %multiple_of3A_337] : memref<64x1000000xf32, #tpu.memory_space<hbm>> -> memref<64x128xf32, #tpu.memory_space<hbm>>
        tpu.enqueue_dma source(%dma_start3A_341 : memref<64x128xf32, #tpu.memory_space<hbm>>) target(%arg13 : memref<64x128xf32, #tpu.memory_space<vmem>>) target_semaphore(%arg21 : memref<!tpu.dma_semaphore, #tpu.memory_space<semaphore_mem>>)
        %dma_wait3A_342 = arith.constant 0 : i32
        %dma_wait3A_343 = arith.constant 0 : i32
        %dma_wait3A_344 = tpu.memref_slice %arg2[%dma_wait3A_342, %dma_wait3A_343] : memref<64x1000000xf32, #tpu.memory_space<hbm>> -> memref<64x128xf32, #tpu.memory_space<hbm>>
        %dma_wait3A_345 = arith.constant 0 : i32
        %dma_wait3A_346 = arith.constant 0 : i32
        %dma_wait3A_347 = tpu.memref_slice %arg2[%dma_wait3A_345, %dma_wait3A_346] : memref<64x1000000xf32, #tpu.memory_space<hbm>> -> memref<64x128xf32, #tpu.memory_space<hbm>>
        tpu.wait_dma2 semaphore(%arg22 : memref<!tpu.dma_semaphore, #tpu.memory_space<semaphore_mem>>) src(%dma_wait3A_347 : memref<64x128xf32, #tpu.memory_space<hbm>>) dst(%arg14 : memref<64x128xf32, #tpu.memory_space<vmem>>)
        %slice3A_348 = vector.extract_strided_slice %get3A_149 {offsets = [5], sizes = [1], strides = [1]} : vector<16xi32> to vector<1xi32>
        %squeeze3A_349 = vector.extract %slice3A_348[0] : i32 from vector<1xi32>
        %and3A_350 = arith.constant 127 : i32
        %and3A_351 = arith.andi %squeeze3A_349, %and3A_350 : i32
        %broadcast_in_dim3A_352 = vector.broadcast %and3A_351 : i32 to vector<16xi32>
        %lt3A_353 = arith.constant 999936 : i32
        %lt3A_354 = arith.cmpi slt, %squeeze3A_349, %lt3A_353 : i32
        %convert_element_type3A_355 = arith.extui %lt3A_354 : i1 to i32
        %cond3A_356 = arith.constant 0 : i32
        %cond3A_357 = arith.cmpi ne, %convert_element_type3A_355, %cond3A_356 : i32
        scf.if %cond3A_357 {
          %add3A_668 = arith.constant 0 : i32
          %add3A_669 = vector.broadcast %add3A_668 : i32 to vector<16xi32>
          %add3A_670 = arith.addi %iota3A, %add3A_669 : vector<16xi32>
          %gather3A = tpu.vector_load_idx %arg14[%add3A_670, %broadcast_in_dim3A_352] : memref<64x128xf32, #tpu.memory_space<vmem>>[vector<16xi32>, vector<16xi32>], vector<16xf32>,
          %add3A_671 = arith.constant 320 : i32
          %add3A_672 = arith.addi %multiple_of3A_158, %add3A_671 : i32
          %add3A_673 = arith.constant 0 : i32
          %add3A_674 = arith.addi %add3A_672, %add3A_673 : i32
          %multiple_of3A_675 = tpu.assume_multiple %add3A_674, 16 : i32
          %swap3A = arith.index_cast %multiple_of3A_675 : i32 to index
          %swap3A_676 = tpu.vector_load %arg7[%swap3A] {strides = array<i32>} : memref<2048xf32, #tpu.memory_space<vmem>>, vector<16xf32>,
          tpu.vector_store %arg7[%swap3A], %gather3A {strides = array<i32>} : memref<2048xf32, #tpu.memory_space<vmem>>, vector<16xf32>,
          %add3A_677 = arith.constant 16 : i32
          %add3A_678 = vector.broadcast %add3A_677 : i32 to vector<16xi32>
          %add3A_679 = arith.addi %iota3A, %add3A_678 : vector<16xi32>
          %gather3A_680 = tpu.vector_load_idx %arg14[%add3A_679, %broadcast_in_dim3A_352] : memref<64x128xf32, #tpu.memory_space<vmem>>[vector<16xi32>, vector<16xi32>], vector<16xf32>,
          %add3A_681 = arith.constant 320 : i32
          %add3A_682 = arith.addi %multiple_of3A_158, %add3A_681 : i32
          %add3A_683 = arith.constant 16 : i32
          %add3A_684 = arith.addi %add3A_682, %add3A_683 : i32
          %multiple_of3A_685 = tpu.assume_multiple %add3A_684, 16 : i32
          %swap3A_686 = arith.index_cast %multiple_of3A_685 : i32 to index
          %swap3A_687 = tpu.vector_load %arg7[%swap3A_686] {strides = array<i32>} : memref<2048xf32, #tpu.memory_space<vmem>>, vector<16xf32>,
          tpu.vector_store %arg7[%swap3A_686], %gather3A_680 {strides = array<i32>} : memref<2048xf32, #tpu.memory_space<vmem>>, vector<16xf32>,
          %add3A_688 = arith.constant 32 : i32
          %add3A_689 = vector.broadcast %add3A_688 : i32 to vector<16xi32>
          %add3A_690 = arith.addi %iota3A, %add3A_689 : vector<16xi32>
          %gather3A_691 = tpu.vector_load_idx %arg14[%add3A_690, %broadcast_in_dim3A_352] : memref<64x128xf32, #tpu.memory_space<vmem>>[vector<16xi32>, vector<16xi32>], vector<16xf32>,
          %add3A_692 = arith.constant 320 : i32
          %add3A_693 = arith.addi %multiple_of3A_158, %add3A_692 : i32
          %add3A_694 = arith.constant 32 : i32
          %add3A_695 = arith.addi %add3A_693, %add3A_694 : i32
          %multiple_of3A_696 = tpu.assume_multiple %add3A_695, 16 : i32
          %swap3A_697 = arith.index_cast %multiple_of3A_696 : i32 to index
          %swap3A_698 = tpu.vector_load %arg7[%swap3A_697] {strides = array<i32>} : memref<2048xf32, #tpu.memory_space<vmem>>, vector<16xf32>,
          tpu.vector_store %arg7[%swap3A_697], %gather3A_691 {strides = array<i32>} : memref<2048xf32, #tpu.memory_space<vmem>>, vector<16xf32>,
          %add3A_699 = arith.constant 48 : i32
          %add3A_700 = vector.broadcast %add3A_699 : i32 to vector<16xi32>
          %add3A_701 = arith.addi %iota3A, %add3A_700 : vector<16xi32>
          %gather3A_702 = tpu.vector_load_idx %arg14[%add3A_701, %broadcast_in_dim3A_352] : memref<64x128xf32, #tpu.memory_space<vmem>>[vector<16xi32>, vector<16xi32>], vector<16xf32>,
          %add3A_703 = arith.constant 320 : i32
          %add3A_704 = arith.addi %multiple_of3A_158, %add3A_703 : i32
          %add3A_705 = arith.constant 48 : i32
          %add3A_706 = arith.addi %add3A_704, %add3A_705 : i32
          %multiple_of3A_707 = tpu.assume_multiple %add3A_706, 16 : i32
          %swap3A_708 = arith.index_cast %multiple_of3A_707 : i32 to index
          %swap3A_709 = tpu.vector_load %arg7[%swap3A_708] {strides = array<i32>} : memref<2048xf32, #tpu.memory_space<vmem>>, vector<16xf32>,
          tpu.vector_store %arg7[%swap3A_708], %gather3A_702 {strides = array<i32>} : memref<2048xf32, #tpu.memory_space<vmem>>, vector<16xf32>,
        } else {
        }
        %ge3A_358 = arith.constant 999936 : i32
        %ge3A_359 = arith.cmpi sge, %squeeze3A_349, %ge3A_358 : i32
        %convert_element_type3A_360 = arith.extui %ge3A_359 : i1 to i32
        %cond3A_361 = arith.constant 0 : i32
        %cond3A_362 = arith.cmpi ne, %convert_element_type3A_360, %cond3A_361 : i32
        scf.if %cond3A_362 {
          %add3A_668 = arith.constant 0 : i32
          %add3A_669 = vector.broadcast %add3A_668 : i32 to vector<16xi32>
          %add3A_670 = arith.addi %iota3A, %add3A_669 : vector<16xi32>
          %gather3A = tpu.vector_load_idx %arg8[%add3A_670, %broadcast_in_dim3A_352] : memref<64x128xf32, #tpu.memory_space<vmem>>[vector<16xi32>, vector<16xi32>], vector<16xf32>,
          %add3A_671 = arith.constant 320 : i32
          %add3A_672 = arith.addi %multiple_of3A_158, %add3A_671 : i32
          %add3A_673 = arith.constant 0 : i32
          %add3A_674 = arith.addi %add3A_672, %add3A_673 : i32
          %multiple_of3A_675 = tpu.assume_multiple %add3A_674, 16 : i32
          %swap3A = arith.index_cast %multiple_of3A_675 : i32 to index
          %swap3A_676 = tpu.vector_load %arg7[%swap3A] {strides = array<i32>} : memref<2048xf32, #tpu.memory_space<vmem>>, vector<16xf32>,
          tpu.vector_store %arg7[%swap3A], %gather3A {strides = array<i32>} : memref<2048xf32, #tpu.memory_space<vmem>>, vector<16xf32>,
          %add3A_677 = arith.constant 16 : i32
          %add3A_678 = vector.broadcast %add3A_677 : i32 to vector<16xi32>
          %add3A_679 = arith.addi %iota3A, %add3A_678 : vector<16xi32>
          %gather3A_680 = tpu.vector_load_idx %arg8[%add3A_679, %broadcast_in_dim3A_352] : memref<64x128xf32, #tpu.memory_space<vmem>>[vector<16xi32>, vector<16xi32>], vector<16xf32>,
          %add3A_681 = arith.constant 320 : i32
          %add3A_682 = arith.addi %multiple_of3A_158, %add3A_681 : i32
          %add3A_683 = arith.constant 16 : i32
          %add3A_684 = arith.addi %add3A_682, %add3A_683 : i32
          %multiple_of3A_685 = tpu.assume_multiple %add3A_684, 16 : i32
          %swap3A_686 = arith.index_cast %multiple_of3A_685 : i32 to index
          %swap3A_687 = tpu.vector_load %arg7[%swap3A_686] {strides = array<i32>} : memref<2048xf32, #tpu.memory_space<vmem>>, vector<16xf32>,
          tpu.vector_store %arg7[%swap3A_686], %gather3A_680 {strides = array<i32>} : memref<2048xf32, #tpu.memory_space<vmem>>, vector<16xf32>,
          %add3A_688 = arith.constant 32 : i32
          %add3A_689 = vector.broadcast %add3A_688 : i32 to vector<16xi32>
          %add3A_690 = arith.addi %iota3A, %add3A_689 : vector<16xi32>
          %gather3A_691 = tpu.vector_load_idx %arg8[%add3A_690, %broadcast_in_dim3A_352] : memref<64x128xf32, #tpu.memory_space<vmem>>[vector<16xi32>, vector<16xi32>], vector<16xf32>,
          %add3A_692 = arith.constant 320 : i32
          %add3A_693 = arith.addi %multiple_of3A_158, %add3A_692 : i32
          %add3A_694 = arith.constant 32 : i32
          %add3A_695 = arith.addi %add3A_693, %add3A_694 : i32
          %multiple_of3A_696 = tpu.assume_multiple %add3A_695, 16 : i32
          %swap3A_697 = arith.index_cast %multiple_of3A_696 : i32 to index
          %swap3A_698 = tpu.vector_load %arg7[%swap3A_697] {strides = array<i32>} : memref<2048xf32, #tpu.memory_space<vmem>>, vector<16xf32>,
          tpu.vector_store %arg7[%swap3A_697], %gather3A_691 {strides = array<i32>} : memref<2048xf32, #tpu.memory_space<vmem>>, vector<16xf32>,
          %add3A_699 = arith.constant 48 : i32
          %add3A_700 = vector.broadcast %add3A_699 : i32 to vector<16xi32>
          %add3A_701 = arith.addi %iota3A, %add3A_700 : vector<16xi32>
          %gather3A_702 = tpu.vector_load_idx %arg8[%add3A_701, %broadcast_in_dim3A_352] : memref<64x128xf32, #tpu.memory_space<vmem>>[vector<16xi32>, vector<16xi32>], vector<16xf32>,
          %add3A_703 = arith.constant 320 : i32
          %add3A_704 = arith.addi %multiple_of3A_158, %add3A_703 : i32
          %add3A_705 = arith.constant 48 : i32
          %add3A_706 = arith.addi %add3A_704, %add3A_705 : i32
          %multiple_of3A_707 = tpu.assume_multiple %add3A_706, 16 : i32
          %swap3A_708 = arith.index_cast %multiple_of3A_707 : i32 to index
          %swap3A_709 = tpu.vector_load %arg7[%swap3A_708] {strides = array<i32>} : memref<2048xf32, #tpu.memory_space<vmem>>, vector<16xf32>,
          tpu.vector_store %arg7[%swap3A_708], %gather3A_702 {strides = array<i32>} : memref<2048xf32, #tpu.memory_space<vmem>>, vector<16xf32>,
        } else {
        }
        %slice3A_363 = vector.extract_strided_slice %get3A_149 {offsets = [13], sizes = [1], strides = [1]} : vector<16xi32> to vector<1xi32>
        %squeeze3A_364 = vector.extract %slice3A_363[0] : i32 from vector<1xi32>
        %lt3A_365 = arith.constant 999936 : i32
        %lt3A_366 = arith.cmpi slt, %squeeze3A_364, %lt3A_365 : i32
        %shift_right_arithmetic3A_367 = arith.constant 7 : i32
        %shift_right_arithmetic3A_368 = arith.shrsi %squeeze3A_364, %shift_right_arithmetic3A_367 : i32
        %shift_left3A_369 = arith.constant 7 : i32
        %shift_left3A_370 = arith.shli %shift_right_arithmetic3A_368, %shift_left3A_369 : i32
        %jit3A_371 = arith.constant 0 : i32
        %select_n3A_372 = arith.select %lt3A_366, %shift_left3A_370, %jit3A_371 : i32
        %multiple_of3A_373 = tpu.assume_multiple %select_n3A_372, 128 : i32
        %dma_start3A_374 = arith.constant 0 : i32
        %dma_start3A_375 = tpu.memref_slice %arg2[%dma_start3A_374, %multiple_of3A_373] : memref<64x1000000xf32, #tpu.memory_space<hbm>> -> memref<64x128xf32, #tpu.memory_space<hbm>>
        %dma_start3A_376 = arith.constant 0 : i32
        %dma_start3A_377 = tpu.memref_slice %arg2[%dma_start3A_376, %multiple_of3A_373] : memref<64x1000000xf32, #tpu.memory_space<hbm>> -> memref<64x128xf32, #tpu.memory_space<hbm>>
        tpu.enqueue_dma source(%dma_start3A_377 : memref<64x128xf32, #tpu.memory_space<hbm>>) target(%arg14 : memref<64x128xf32, #tpu.memory_space<vmem>>) target_semaphore(%arg22 : memref<!tpu.dma_semaphore, #tpu.memory_space<semaphore_mem>>)
        %dma_wait3A_378 = arith.constant 0 : i32
        %dma_wait3A_379 = arith.constant 0 : i32
        %dma_wait3A_380 = tpu.memref_slice %arg2[%dma_wait3A_378, %dma_wait3A_379] : memref<64x1000000xf32, #tpu.memory_space<hbm>> -> memref<64x128xf32, #tpu.memory_space<hbm>>
        %dma_wait3A_381 = arith.constant 0 : i32
        %dma_wait3A_382 = arith.constant 0 : i32
        %dma_wait3A_383 = tpu.memref_slice %arg2[%dma_wait3A_381, %dma_wait3A_382] : memref<64x1000000xf32, #tpu.memory_space<hbm>> -> memref<64x128xf32, #tpu.memory_space<hbm>>
        tpu.wait_dma2 semaphore(%arg23 : memref<!tpu.dma_semaphore, #tpu.memory_space<semaphore_mem>>) src(%dma_wait3A_383 : memref<64x128xf32, #tpu.memory_space<hbm>>) dst(%arg15 : memref<64x128xf32, #tpu.memory_space<vmem>>)
        %slice3A_384 = vector.extract_strided_slice %get3A_149 {offsets = [6], sizes = [1], strides = [1]} : vector<16xi32> to vector<1xi32>
        %squeeze3A_385 = vector.extract %slice3A_384[0] : i32 from vector<1xi32>
        %and3A_386 = arith.constant 127 : i32
        %and3A_387 = arith.andi %squeeze3A_385, %and3A_386 : i32
        %broadcast_in_dim3A_388 = vector.broadcast %and3A_387 : i32 to vector<16xi32>
        %lt3A_389 = arith.constant 999936 : i32
        %lt3A_390 = arith.cmpi slt, %squeeze3A_385, %lt3A_389 : i32
        %convert_element_type3A_391 = arith.extui %lt3A_390 : i1 to i32
        %cond3A_392 = arith.constant 0 : i32
        %cond3A_393 = arith.cmpi ne, %convert_element_type3A_391, %cond3A_392 : i32
        scf.if %cond3A_393 {
          %add3A_668 = arith.constant 0 : i32
          %add3A_669 = vector.broadcast %add3A_668 : i32 to vector<16xi32>
          %add3A_670 = arith.addi %iota3A, %add3A_669 : vector<16xi32>
          %gather3A = tpu.vector_load_idx %arg15[%add3A_670, %broadcast_in_dim3A_388] : memref<64x128xf32, #tpu.memory_space<vmem>>[vector<16xi32>, vector<16xi32>], vector<16xf32>,
          %add3A_671 = arith.constant 384 : i32
          %add3A_672 = arith.addi %multiple_of3A_158, %add3A_671 : i32
          %add3A_673 = arith.constant 0 : i32
          %add3A_674 = arith.addi %add3A_672, %add3A_673 : i32
          %multiple_of3A_675 = tpu.assume_multiple %add3A_674, 16 : i32
          %swap3A = arith.index_cast %multiple_of3A_675 : i32 to index
          %swap3A_676 = tpu.vector_load %arg7[%swap3A] {strides = array<i32>} : memref<2048xf32, #tpu.memory_space<vmem>>, vector<16xf32>,
          tpu.vector_store %arg7[%swap3A], %gather3A {strides = array<i32>} : memref<2048xf32, #tpu.memory_space<vmem>>, vector<16xf32>,
          %add3A_677 = arith.constant 16 : i32
          %add3A_678 = vector.broadcast %add3A_677 : i32 to vector<16xi32>
          %add3A_679 = arith.addi %iota3A, %add3A_678 : vector<16xi32>
          %gather3A_680 = tpu.vector_load_idx %arg15[%add3A_679, %broadcast_in_dim3A_388] : memref<64x128xf32, #tpu.memory_space<vmem>>[vector<16xi32>, vector<16xi32>], vector<16xf32>,
          %add3A_681 = arith.constant 384 : i32
          %add3A_682 = arith.addi %multiple_of3A_158, %add3A_681 : i32
          %add3A_683 = arith.constant 16 : i32
          %add3A_684 = arith.addi %add3A_682, %add3A_683 : i32
          %multiple_of3A_685 = tpu.assume_multiple %add3A_684, 16 : i32
          %swap3A_686 = arith.index_cast %multiple_of3A_685 : i32 to index
          %swap3A_687 = tpu.vector_load %arg7[%swap3A_686] {strides = array<i32>} : memref<2048xf32, #tpu.memory_space<vmem>>, vector<16xf32>,
          tpu.vector_store %arg7[%swap3A_686], %gather3A_680 {strides = array<i32>} : memref<2048xf32, #tpu.memory_space<vmem>>, vector<16xf32>,
          %add3A_688 = arith.constant 32 : i32
          %add3A_689 = vector.broadcast %add3A_688 : i32 to vector<16xi32>
          %add3A_690 = arith.addi %iota3A, %add3A_689 : vector<16xi32>
          %gather3A_691 = tpu.vector_load_idx %arg15[%add3A_690, %broadcast_in_dim3A_388] : memref<64x128xf32, #tpu.memory_space<vmem>>[vector<16xi32>, vector<16xi32>], vector<16xf32>,
          %add3A_692 = arith.constant 384 : i32
          %add3A_693 = arith.addi %multiple_of3A_158, %add3A_692 : i32
          %add3A_694 = arith.constant 32 : i32
          %add3A_695 = arith.addi %add3A_693, %add3A_694 : i32
          %multiple_of3A_696 = tpu.assume_multiple %add3A_695, 16 : i32
          %swap3A_697 = arith.index_cast %multiple_of3A_696 : i32 to index
          %swap3A_698 = tpu.vector_load %arg7[%swap3A_697] {strides = array<i32>} : memref<2048xf32, #tpu.memory_space<vmem>>, vector<16xf32>,
          tpu.vector_store %arg7[%swap3A_697], %gather3A_691 {strides = array<i32>} : memref<2048xf32, #tpu.memory_space<vmem>>, vector<16xf32>,
          %add3A_699 = arith.constant 48 : i32
          %add3A_700 = vector.broadcast %add3A_699 : i32 to vector<16xi32>
          %add3A_701 = arith.addi %iota3A, %add3A_700 : vector<16xi32>
          %gather3A_702 = tpu.vector_load_idx %arg15[%add3A_701, %broadcast_in_dim3A_388] : memref<64x128xf32, #tpu.memory_space<vmem>>[vector<16xi32>, vector<16xi32>], vector<16xf32>,
          %add3A_703 = arith.constant 384 : i32
          %add3A_704 = arith.addi %multiple_of3A_158, %add3A_703 : i32
          %add3A_705 = arith.constant 48 : i32
          %add3A_706 = arith.addi %add3A_704, %add3A_705 : i32
          %multiple_of3A_707 = tpu.assume_multiple %add3A_706, 16 : i32
          %swap3A_708 = arith.index_cast %multiple_of3A_707 : i32 to index
          %swap3A_709 = tpu.vector_load %arg7[%swap3A_708] {strides = array<i32>} : memref<2048xf32, #tpu.memory_space<vmem>>, vector<16xf32>,
          tpu.vector_store %arg7[%swap3A_708], %gather3A_702 {strides = array<i32>} : memref<2048xf32, #tpu.memory_space<vmem>>, vector<16xf32>,
        } else {
        }
        %ge3A_394 = arith.constant 999936 : i32
        %ge3A_395 = arith.cmpi sge, %squeeze3A_385, %ge3A_394 : i32
        %convert_element_type3A_396 = arith.extui %ge3A_395 : i1 to i32
        %cond3A_397 = arith.constant 0 : i32
        %cond3A_398 = arith.cmpi ne, %convert_element_type3A_396, %cond3A_397 : i32
        scf.if %cond3A_398 {
          %add3A_668 = arith.constant 0 : i32
          %add3A_669 = vector.broadcast %add3A_668 : i32 to vector<16xi32>
          %add3A_670 = arith.addi %iota3A, %add3A_669 : vector<16xi32>
          %gather3A = tpu.vector_load_idx %arg8[%add3A_670, %broadcast_in_dim3A_388] : memref<64x128xf32, #tpu.memory_space<vmem>>[vector<16xi32>, vector<16xi32>], vector<16xf32>,
          %add3A_671 = arith.constant 384 : i32
          %add3A_672 = arith.addi %multiple_of3A_158, %add3A_671 : i32
          %add3A_673 = arith.constant 0 : i32
          %add3A_674 = arith.addi %add3A_672, %add3A_673 : i32
          %multiple_of3A_675 = tpu.assume_multiple %add3A_674, 16 : i32
          %swap3A = arith.index_cast %multiple_of3A_675 : i32 to index
          %swap3A_676 = tpu.vector_load %arg7[%swap3A] {strides = array<i32>} : memref<2048xf32, #tpu.memory_space<vmem>>, vector<16xf32>,
          tpu.vector_store %arg7[%swap3A], %gather3A {strides = array<i32>} : memref<2048xf32, #tpu.memory_space<vmem>>, vector<16xf32>,
          %add3A_677 = arith.constant 16 : i32
          %add3A_678 = vector.broadcast %add3A_677 : i32 to vector<16xi32>
          %add3A_679 = arith.addi %iota3A, %add3A_678 : vector<16xi32>
          %gather3A_680 = tpu.vector_load_idx %arg8[%add3A_679, %broadcast_in_dim3A_388] : memref<64x128xf32, #tpu.memory_space<vmem>>[vector<16xi32>, vector<16xi32>], vector<16xf32>,
          %add3A_681 = arith.constant 384 : i32
          %add3A_682 = arith.addi %multiple_of3A_158, %add3A_681 : i32
          %add3A_683 = arith.constant 16 : i32
          %add3A_684 = arith.addi %add3A_682, %add3A_683 : i32
          %multiple_of3A_685 = tpu.assume_multiple %add3A_684, 16 : i32
          %swap3A_686 = arith.index_cast %multiple_of3A_685 : i32 to index
          %swap3A_687 = tpu.vector_load %arg7[%swap3A_686] {strides = array<i32>} : memref<2048xf32, #tpu.memory_space<vmem>>, vector<16xf32>,
          tpu.vector_store %arg7[%swap3A_686], %gather3A_680 {strides = array<i32>} : memref<2048xf32, #tpu.memory_space<vmem>>, vector<16xf32>,
          %add3A_688 = arith.constant 32 : i32
          %add3A_689 = vector.broadcast %add3A_688 : i32 to vector<16xi32>
          %add3A_690 = arith.addi %iota3A, %add3A_689 : vector<16xi32>
          %gather3A_691 = tpu.vector_load_idx %arg8[%add3A_690, %broadcast_in_dim3A_388] : memref<64x128xf32, #tpu.memory_space<vmem>>[vector<16xi32>, vector<16xi32>], vector<16xf32>,
          %add3A_692 = arith.constant 384 : i32
          %add3A_693 = arith.addi %multiple_of3A_158, %add3A_692 : i32
          %add3A_694 = arith.constant 32 : i32
          %add3A_695 = arith.addi %add3A_693, %add3A_694 : i32
          %multiple_of3A_696 = tpu.assume_multiple %add3A_695, 16 : i32
          %swap3A_697 = arith.index_cast %multiple_of3A_696 : i32 to index
          %swap3A_698 = tpu.vector_load %arg7[%swap3A_697] {strides = array<i32>} : memref<2048xf32, #tpu.memory_space<vmem>>, vector<16xf32>,
          tpu.vector_store %arg7[%swap3A_697], %gather3A_691 {strides = array<i32>} : memref<2048xf32, #tpu.memory_space<vmem>>, vector<16xf32>,
          %add3A_699 = arith.constant 48 : i32
          %add3A_700 = vector.broadcast %add3A_699 : i32 to vector<16xi32>
          %add3A_701 = arith.addi %iota3A, %add3A_700 : vector<16xi32>
          %gather3A_702 = tpu.vector_load_idx %arg8[%add3A_701, %broadcast_in_dim3A_388] : memref<64x128xf32, #tpu.memory_space<vmem>>[vector<16xi32>, vector<16xi32>], vector<16xf32>,
          %add3A_703 = arith.constant 384 : i32
          %add3A_704 = arith.addi %multiple_of3A_158, %add3A_703 : i32
          %add3A_705 = arith.constant 48 : i32
          %add3A_706 = arith.addi %add3A_704, %add3A_705 : i32
          %multiple_of3A_707 = tpu.assume_multiple %add3A_706, 16 : i32
          %swap3A_708 = arith.index_cast %multiple_of3A_707 : i32 to index
          %swap3A_709 = tpu.vector_load %arg7[%swap3A_708] {strides = array<i32>} : memref<2048xf32, #tpu.memory_space<vmem>>, vector<16xf32>,
          tpu.vector_store %arg7[%swap3A_708], %gather3A_702 {strides = array<i32>} : memref<2048xf32, #tpu.memory_space<vmem>>, vector<16xf32>,
        } else {
        }
        %slice3A_399 = vector.extract_strided_slice %get3A_149 {offsets = [14], sizes = [1], strides = [1]} : vector<16xi32> to vector<1xi32>
        %squeeze3A_400 = vector.extract %slice3A_399[0] : i32 from vector<1xi32>
        %lt3A_401 = arith.constant 999936 : i32
        %lt3A_402 = arith.cmpi slt, %squeeze3A_400, %lt3A_401 : i32
        %shift_right_arithmetic3A_403 = arith.constant 7 : i32
        %shift_right_arithmetic3A_404 = arith.shrsi %squeeze3A_400, %shift_right_arithmetic3A_403 : i32
        %shift_left3A_405 = arith.constant 7 : i32
        %shift_left3A_406 = arith.shli %shift_right_arithmetic3A_404, %shift_left3A_405 : i32
        %jit3A_407 = arith.constant 0 : i32
        %select_n3A_408 = arith.select %lt3A_402, %shift_left3A_406, %jit3A_407 : i32
        %multiple_of3A_409 = tpu.assume_multiple %select_n3A_408, 128 : i32
        %dma_start3A_410 = arith.constant 0 : i32
        %dma_start3A_411 = tpu.memref_slice %arg2[%dma_start3A_410, %multiple_of3A_409] : memref<64x1000000xf32, #tpu.memory_space<hbm>> -> memref<64x128xf32, #tpu.memory_space<hbm>>
        %dma_start3A_412 = arith.constant 0 : i32
        %dma_start3A_413 = tpu.memref_slice %arg2[%dma_start3A_412, %multiple_of3A_409] : memref<64x1000000xf32, #tpu.memory_space<hbm>> -> memref<64x128xf32, #tpu.memory_space<hbm>>
        tpu.enqueue_dma source(%dma_start3A_413 : memref<64x128xf32, #tpu.memory_space<hbm>>) target(%arg15 : memref<64x128xf32, #tpu.memory_space<vmem>>) target_semaphore(%arg23 : memref<!tpu.dma_semaphore, #tpu.memory_space<semaphore_mem>>)
        %dma_wait3A_414 = arith.constant 0 : i32
        %dma_wait3A_415 = arith.constant 0 : i32
        %dma_wait3A_416 = tpu.memref_slice %arg2[%dma_wait3A_414, %dma_wait3A_415] : memref<64x1000000xf32, #tpu.memory_space<hbm>> -> memref<64x128xf32, #tpu.memory_space<hbm>>
        %dma_wait3A_417 = arith.constant 0 : i32
        %dma_wait3A_418 = arith.constant 0 : i32
        %dma_wait3A_419 = tpu.memref_slice %arg2[%dma_wait3A_417, %dma_wait3A_418] : memref<64x1000000xf32, #tpu.memory_space<hbm>> -> memref<64x128xf32, #tpu.memory_space<hbm>>
        tpu.wait_dma2 semaphore(%arg24 : memref<!tpu.dma_semaphore, #tpu.memory_space<semaphore_mem>>) src(%dma_wait3A_419 : memref<64x128xf32, #tpu.memory_space<hbm>>) dst(%arg16 : memref<64x128xf32, #tpu.memory_space<vmem>>)
        %slice3A_420 = vector.extract_strided_slice %get3A_149 {offsets = [7], sizes = [1], strides = [1]} : vector<16xi32> to vector<1xi32>
        %squeeze3A_421 = vector.extract %slice3A_420[0] : i32 from vector<1xi32>
        %and3A_422 = arith.constant 127 : i32
        %and3A_423 = arith.andi %squeeze3A_421, %and3A_422 : i32
        %broadcast_in_dim3A_424 = vector.broadcast %and3A_423 : i32 to vector<16xi32>
        %lt3A_425 = arith.constant 999936 : i32
        %lt3A_426 = arith.cmpi slt, %squeeze3A_421, %lt3A_425 : i32
        %convert_element_type3A_427 = arith.extui %lt3A_426 : i1 to i32
        %cond3A_428 = arith.constant 0 : i32
        %cond3A_429 = arith.cmpi ne, %convert_element_type3A_427, %cond3A_428 : i32
        scf.if %cond3A_429 {
          %add3A_668 = arith.constant 0 : i32
          %add3A_669 = vector.broadcast %add3A_668 : i32 to vector<16xi32>
          %add3A_670 = arith.addi %iota3A, %add3A_669 : vector<16xi32>
          %gather3A = tpu.vector_load_idx %arg16[%add3A_670, %broadcast_in_dim3A_424] : memref<64x128xf32, #tpu.memory_space<vmem>>[vector<16xi32>, vector<16xi32>], vector<16xf32>,
          %add3A_671 = arith.constant 448 : i32
          %add3A_672 = arith.addi %multiple_of3A_158, %add3A_671 : i32
          %add3A_673 = arith.constant 0 : i32
          %add3A_674 = arith.addi %add3A_672, %add3A_673 : i32
          %multiple_of3A_675 = tpu.assume_multiple %add3A_674, 16 : i32
          %swap3A = arith.index_cast %multiple_of3A_675 : i32 to index
          %swap3A_676 = tpu.vector_load %arg7[%swap3A] {strides = array<i32>} : memref<2048xf32, #tpu.memory_space<vmem>>, vector<16xf32>,
          tpu.vector_store %arg7[%swap3A], %gather3A {strides = array<i32>} : memref<2048xf32, #tpu.memory_space<vmem>>, vector<16xf32>,
          %add3A_677 = arith.constant 16 : i32
          %add3A_678 = vector.broadcast %add3A_677 : i32 to vector<16xi32>
          %add3A_679 = arith.addi %iota3A, %add3A_678 : vector<16xi32>
          %gather3A_680 = tpu.vector_load_idx %arg16[%add3A_679, %broadcast_in_dim3A_424] : memref<64x128xf32, #tpu.memory_space<vmem>>[vector<16xi32>, vector<16xi32>], vector<16xf32>,
          %add3A_681 = arith.constant 448 : i32
          %add3A_682 = arith.addi %multiple_of3A_158, %add3A_681 : i32
          %add3A_683 = arith.constant 16 : i32
          %add3A_684 = arith.addi %add3A_682, %add3A_683 : i32
          %multiple_of3A_685 = tpu.assume_multiple %add3A_684, 16 : i32
          %swap3A_686 = arith.index_cast %multiple_of3A_685 : i32 to index
          %swap3A_687 = tpu.vector_load %arg7[%swap3A_686] {strides = array<i32>} : memref<2048xf32, #tpu.memory_space<vmem>>, vector<16xf32>,
          tpu.vector_store %arg7[%swap3A_686], %gather3A_680 {strides = array<i32>} : memref<2048xf32, #tpu.memory_space<vmem>>, vector<16xf32>,
          %add3A_688 = arith.constant 32 : i32
          %add3A_689 = vector.broadcast %add3A_688 : i32 to vector<16xi32>
          %add3A_690 = arith.addi %iota3A, %add3A_689 : vector<16xi32>
          %gather3A_691 = tpu.vector_load_idx %arg16[%add3A_690, %broadcast_in_dim3A_424] : memref<64x128xf32, #tpu.memory_space<vmem>>[vector<16xi32>, vector<16xi32>], vector<16xf32>,
          %add3A_692 = arith.constant 448 : i32
          %add3A_693 = arith.addi %multiple_of3A_158, %add3A_692 : i32
          %add3A_694 = arith.constant 32 : i32
          %add3A_695 = arith.addi %add3A_693, %add3A_694 : i32
          %multiple_of3A_696 = tpu.assume_multiple %add3A_695, 16 : i32
          %swap3A_697 = arith.index_cast %multiple_of3A_696 : i32 to index
          %swap3A_698 = tpu.vector_load %arg7[%swap3A_697] {strides = array<i32>} : memref<2048xf32, #tpu.memory_space<vmem>>, vector<16xf32>,
          tpu.vector_store %arg7[%swap3A_697], %gather3A_691 {strides = array<i32>} : memref<2048xf32, #tpu.memory_space<vmem>>, vector<16xf32>,
          %add3A_699 = arith.constant 48 : i32
          %add3A_700 = vector.broadcast %add3A_699 : i32 to vector<16xi32>
          %add3A_701 = arith.addi %iota3A, %add3A_700 : vector<16xi32>
          %gather3A_702 = tpu.vector_load_idx %arg16[%add3A_701, %broadcast_in_dim3A_424] : memref<64x128xf32, #tpu.memory_space<vmem>>[vector<16xi32>, vector<16xi32>], vector<16xf32>,
          %add3A_703 = arith.constant 448 : i32
          %add3A_704 = arith.addi %multiple_of3A_158, %add3A_703 : i32
          %add3A_705 = arith.constant 48 : i32
          %add3A_706 = arith.addi %add3A_704, %add3A_705 : i32
          %multiple_of3A_707 = tpu.assume_multiple %add3A_706, 16 : i32
          %swap3A_708 = arith.index_cast %multiple_of3A_707 : i32 to index
          %swap3A_709 = tpu.vector_load %arg7[%swap3A_708] {strides = array<i32>} : memref<2048xf32, #tpu.memory_space<vmem>>, vector<16xf32>,
          tpu.vector_store %arg7[%swap3A_708], %gather3A_702 {strides = array<i32>} : memref<2048xf32, #tpu.memory_space<vmem>>, vector<16xf32>,
        } else {
        }
        %ge3A_430 = arith.constant 999936 : i32
        %ge3A_431 = arith.cmpi sge, %squeeze3A_421, %ge3A_430 : i32
        %convert_element_type3A_432 = arith.extui %ge3A_431 : i1 to i32
        %cond3A_433 = arith.constant 0 : i32
        %cond3A_434 = arith.cmpi ne, %convert_element_type3A_432, %cond3A_433 : i32
        scf.if %cond3A_434 {
          %add3A_668 = arith.constant 0 : i32
          %add3A_669 = vector.broadcast %add3A_668 : i32 to vector<16xi32>
          %add3A_670 = arith.addi %iota3A, %add3A_669 : vector<16xi32>
          %gather3A = tpu.vector_load_idx %arg8[%add3A_670, %broadcast_in_dim3A_424] : memref<64x128xf32, #tpu.memory_space<vmem>>[vector<16xi32>, vector<16xi32>], vector<16xf32>,
          %add3A_671 = arith.constant 448 : i32
          %add3A_672 = arith.addi %multiple_of3A_158, %add3A_671 : i32
          %add3A_673 = arith.constant 0 : i32
          %add3A_674 = arith.addi %add3A_672, %add3A_673 : i32
          %multiple_of3A_675 = tpu.assume_multiple %add3A_674, 16 : i32
          %swap3A = arith.index_cast %multiple_of3A_675 : i32 to index
          %swap3A_676 = tpu.vector_load %arg7[%swap3A] {strides = array<i32>} : memref<2048xf32, #tpu.memory_space<vmem>>, vector<16xf32>,
          tpu.vector_store %arg7[%swap3A], %gather3A {strides = array<i32>} : memref<2048xf32, #tpu.memory_space<vmem>>, vector<16xf32>,
          %add3A_677 = arith.constant 16 : i32
          %add3A_678 = vector.broadcast %add3A_677 : i32 to vector<16xi32>
          %add3A_679 = arith.addi %iota3A, %add3A_678 : vector<16xi32>
          %gather3A_680 = tpu.vector_load_idx %arg8[%add3A_679, %broadcast_in_dim3A_424] : memref<64x128xf32, #tpu.memory_space<vmem>>[vector<16xi32>, vector<16xi32>], vector<16xf32>,
          %add3A_681 = arith.constant 448 : i32
          %add3A_682 = arith.addi %multiple_of3A_158, %add3A_681 : i32
          %add3A_683 = arith.constant 16 : i32
          %add3A_684 = arith.addi %add3A_682, %add3A_683 : i32
          %multiple_of3A_685 = tpu.assume_multiple %add3A_684, 16 : i32
          %swap3A_686 = arith.index_cast %multiple_of3A_685 : i32 to index
          %swap3A_687 = tpu.vector_load %arg7[%swap3A_686] {strides = array<i32>} : memref<2048xf32, #tpu.memory_space<vmem>>, vector<16xf32>,
          tpu.vector_store %arg7[%swap3A_686], %gather3A_680 {strides = array<i32>} : memref<2048xf32, #tpu.memory_space<vmem>>, vector<16xf32>,
          %add3A_688 = arith.constant 32 : i32
          %add3A_689 = vector.broadcast %add3A_688 : i32 to vector<16xi32>
          %add3A_690 = arith.addi %iota3A, %add3A_689 : vector<16xi32>
          %gather3A_691 = tpu.vector_load_idx %arg8[%add3A_690, %broadcast_in_dim3A_424] : memref<64x128xf32, #tpu.memory_space<vmem>>[vector<16xi32>, vector<16xi32>], vector<16xf32>,
          %add3A_692 = arith.constant 448 : i32
          %add3A_693 = arith.addi %multiple_of3A_158, %add3A_692 : i32
          %add3A_694 = arith.constant 32 : i32
          %add3A_695 = arith.addi %add3A_693, %add3A_694 : i32
          %multiple_of3A_696 = tpu.assume_multiple %add3A_695, 16 : i32
          %swap3A_697 = arith.index_cast %multiple_of3A_696 : i32 to index
          %swap3A_698 = tpu.vector_load %arg7[%swap3A_697] {strides = array<i32>} : memref<2048xf32, #tpu.memory_space<vmem>>, vector<16xf32>,
          tpu.vector_store %arg7[%swap3A_697], %gather3A_691 {strides = array<i32>} : memref<2048xf32, #tpu.memory_space<vmem>>, vector<16xf32>,
          %add3A_699 = arith.constant 48 : i32
          %add3A_700 = vector.broadcast %add3A_699 : i32 to vector<16xi32>
          %add3A_701 = arith.addi %iota3A, %add3A_700 : vector<16xi32>
          %gather3A_702 = tpu.vector_load_idx %arg8[%add3A_701, %broadcast_in_dim3A_424] : memref<64x128xf32, #tpu.memory_space<vmem>>[vector<16xi32>, vector<16xi32>], vector<16xf32>,
          %add3A_703 = arith.constant 448 : i32
          %add3A_704 = arith.addi %multiple_of3A_158, %add3A_703 : i32
          %add3A_705 = arith.constant 48 : i32
          %add3A_706 = arith.addi %add3A_704, %add3A_705 : i32
          %multiple_of3A_707 = tpu.assume_multiple %add3A_706, 16 : i32
          %swap3A_708 = arith.index_cast %multiple_of3A_707 : i32 to index
          %swap3A_709 = tpu.vector_load %arg7[%swap3A_708] {strides = array<i32>} : memref<2048xf32, #tpu.memory_space<vmem>>, vector<16xf32>,
          tpu.vector_store %arg7[%swap3A_708], %gather3A_702 {strides = array<i32>} : memref<2048xf32, #tpu.memory_space<vmem>>, vector<16xf32>,
        } else {
        }
        %slice3A_435 = vector.extract_strided_slice %get3A_149 {offsets = [15], sizes = [1], strides = [1]} : vector<16xi32> to vector<1xi32>
        %squeeze3A_436 = vector.extract %slice3A_435[0] : i32 from vector<1xi32>
        %lt3A_437 = arith.constant 999936 : i32
        %lt3A_438 = arith.cmpi slt, %squeeze3A_436, %lt3A_437 : i32
        %shift_right_arithmetic3A_439 = arith.constant 7 : i32
        %shift_right_arithmetic3A_440 = arith.shrsi %squeeze3A_436, %shift_right_arithmetic3A_439 : i32
        %shift_left3A_441 = arith.constant 7 : i32
        %shift_left3A_442 = arith.shli %shift_right_arithmetic3A_440, %shift_left3A_441 : i32
        %jit3A_443 = arith.constant 0 : i32
        %select_n3A_444 = arith.select %lt3A_438, %shift_left3A_442, %jit3A_443 : i32
        %multiple_of3A_445 = tpu.assume_multiple %select_n3A_444, 128 : i32
        %dma_start3A_446 = arith.constant 0 : i32
        %dma_start3A_447 = tpu.memref_slice %arg2[%dma_start3A_446, %multiple_of3A_445] : memref<64x1000000xf32, #tpu.memory_space<hbm>> -> memref<64x128xf32, #tpu.memory_space<hbm>>
        %dma_start3A_448 = arith.constant 0 : i32
        %dma_start3A_449 = tpu.memref_slice %arg2[%dma_start3A_448, %multiple_of3A_445] : memref<64x1000000xf32, #tpu.memory_space<hbm>> -> memref<64x128xf32, #tpu.memory_space<hbm>>
        tpu.enqueue_dma source(%dma_start3A_449 : memref<64x128xf32, #tpu.memory_space<hbm>>) target(%arg16 : memref<64x128xf32, #tpu.memory_space<vmem>>) target_semaphore(%arg24 : memref<!tpu.dma_semaphore, #tpu.memory_space<semaphore_mem>>)
        %dma_wait3A_450 = arith.constant 0 : i32
        %dma_wait3A_451 = arith.constant 0 : i32
        %dma_wait3A_452 = tpu.memref_slice %arg2[%dma_wait3A_450, %dma_wait3A_451] : memref<64x1000000xf32, #tpu.memory_space<hbm>> -> memref<64x128xf32, #tpu.memory_space<hbm>>
        %dma_wait3A_453 = arith.constant 0 : i32
        %dma_wait3A_454 = arith.constant 0 : i32
        %dma_wait3A_455 = tpu.memref_slice %arg2[%dma_wait3A_453, %dma_wait3A_454] : memref<64x1000000xf32, #tpu.memory_space<hbm>> -> memref<64x128xf32, #tpu.memory_space<hbm>>
        tpu.wait_dma2 semaphore(%arg17 : memref<!tpu.dma_semaphore, #tpu.memory_space<semaphore_mem>>) src(%dma_wait3A_455 : memref<64x128xf32, #tpu.memory_space<hbm>>) dst(%arg9 : memref<64x128xf32, #tpu.memory_space<vmem>>)
        %slice3A_456 = vector.extract_strided_slice %get3A_149 {offsets = [8], sizes = [1], strides = [1]} : vector<16xi32> to vector<1xi32>
        %squeeze3A_457 = vector.extract %slice3A_456[0] : i32 from vector<1xi32>
        %and3A_458 = arith.constant 127 : i32
        %and3A_459 = arith.andi %squeeze3A_457, %and3A_458 : i32
        %broadcast_in_dim3A_460 = vector.broadcast %and3A_459 : i32 to vector<16xi32>
        %lt3A_461 = arith.constant 999936 : i32
        %lt3A_462 = arith.cmpi slt, %squeeze3A_457, %lt3A_461 : i32
        %convert_element_type3A_463 = arith.extui %lt3A_462 : i1 to i32
        %cond3A_464 = arith.constant 0 : i32
        %cond3A_465 = arith.cmpi ne, %convert_element_type3A_463, %cond3A_464 : i32
        scf.if %cond3A_465 {
          %add3A_668 = arith.constant 0 : i32
          %add3A_669 = vector.broadcast %add3A_668 : i32 to vector<16xi32>
          %add3A_670 = arith.addi %iota3A, %add3A_669 : vector<16xi32>
          %gather3A = tpu.vector_load_idx %arg9[%add3A_670, %broadcast_in_dim3A_460] : memref<64x128xf32, #tpu.memory_space<vmem>>[vector<16xi32>, vector<16xi32>], vector<16xf32>,
          %add3A_671 = arith.constant 512 : i32
          %add3A_672 = arith.addi %multiple_of3A_158, %add3A_671 : i32
          %add3A_673 = arith.constant 0 : i32
          %add3A_674 = arith.addi %add3A_672, %add3A_673 : i32
          %multiple_of3A_675 = tpu.assume_multiple %add3A_674, 16 : i32
          %swap3A = arith.index_cast %multiple_of3A_675 : i32 to index
          %swap3A_676 = tpu.vector_load %arg7[%swap3A] {strides = array<i32>} : memref<2048xf32, #tpu.memory_space<vmem>>, vector<16xf32>,
          tpu.vector_store %arg7[%swap3A], %gather3A {strides = array<i32>} : memref<2048xf32, #tpu.memory_space<vmem>>, vector<16xf32>,
          %add3A_677 = arith.constant 16 : i32
          %add3A_678 = vector.broadcast %add3A_677 : i32 to vector<16xi32>
          %add3A_679 = arith.addi %iota3A, %add3A_678 : vector<16xi32>
          %gather3A_680 = tpu.vector_load_idx %arg9[%add3A_679, %broadcast_in_dim3A_460] : memref<64x128xf32, #tpu.memory_space<vmem>>[vector<16xi32>, vector<16xi32>], vector<16xf32>,
          %add3A_681 = arith.constant 512 : i32
          %add3A_682 = arith.addi %multiple_of3A_158, %add3A_681 : i32
          %add3A_683 = arith.constant 16 : i32
          %add3A_684 = arith.addi %add3A_682, %add3A_683 : i32
          %multiple_of3A_685 = tpu.assume_multiple %add3A_684, 16 : i32
          %swap3A_686 = arith.index_cast %multiple_of3A_685 : i32 to index
          %swap3A_687 = tpu.vector_load %arg7[%swap3A_686] {strides = array<i32>} : memref<2048xf32, #tpu.memory_space<vmem>>, vector<16xf32>,
          tpu.vector_store %arg7[%swap3A_686], %gather3A_680 {strides = array<i32>} : memref<2048xf32, #tpu.memory_space<vmem>>, vector<16xf32>,
          %add3A_688 = arith.constant 32 : i32
          %add3A_689 = vector.broadcast %add3A_688 : i32 to vector<16xi32>
          %add3A_690 = arith.addi %iota3A, %add3A_689 : vector<16xi32>
          %gather3A_691 = tpu.vector_load_idx %arg9[%add3A_690, %broadcast_in_dim3A_460] : memref<64x128xf32, #tpu.memory_space<vmem>>[vector<16xi32>, vector<16xi32>], vector<16xf32>,
          %add3A_692 = arith.constant 512 : i32
          %add3A_693 = arith.addi %multiple_of3A_158, %add3A_692 : i32
          %add3A_694 = arith.constant 32 : i32
          %add3A_695 = arith.addi %add3A_693, %add3A_694 : i32
          %multiple_of3A_696 = tpu.assume_multiple %add3A_695, 16 : i32
          %swap3A_697 = arith.index_cast %multiple_of3A_696 : i32 to index
          %swap3A_698 = tpu.vector_load %arg7[%swap3A_697] {strides = array<i32>} : memref<2048xf32, #tpu.memory_space<vmem>>, vector<16xf32>,
          tpu.vector_store %arg7[%swap3A_697], %gather3A_691 {strides = array<i32>} : memref<2048xf32, #tpu.memory_space<vmem>>, vector<16xf32>,
          %add3A_699 = arith.constant 48 : i32
          %add3A_700 = vector.broadcast %add3A_699 : i32 to vector<16xi32>
          %add3A_701 = arith.addi %iota3A, %add3A_700 : vector<16xi32>
          %gather3A_702 = tpu.vector_load_idx %arg9[%add3A_701, %broadcast_in_dim3A_460] : memref<64x128xf32, #tpu.memory_space<vmem>>[vector<16xi32>, vector<16xi32>], vector<16xf32>,
          %add3A_703 = arith.constant 512 : i32
          %add3A_704 = arith.addi %multiple_of3A_158, %add3A_703 : i32
          %add3A_705 = arith.constant 48 : i32
          %add3A_706 = arith.addi %add3A_704, %add3A_705 : i32
          %multiple_of3A_707 = tpu.assume_multiple %add3A_706, 16 : i32
          %swap3A_708 = arith.index_cast %multiple_of3A_707 : i32 to index
          %swap3A_709 = tpu.vector_load %arg7[%swap3A_708] {strides = array<i32>} : memref<2048xf32, #tpu.memory_space<vmem>>, vector<16xf32>,
          tpu.vector_store %arg7[%swap3A_708], %gather3A_702 {strides = array<i32>} : memref<2048xf32, #tpu.memory_space<vmem>>, vector<16xf32>,
        } else {
        }
        %ge3A_466 = arith.constant 999936 : i32
        %ge3A_467 = arith.cmpi sge, %squeeze3A_457, %ge3A_466 : i32
        %convert_element_type3A_468 = arith.extui %ge3A_467 : i1 to i32
        %cond3A_469 = arith.constant 0 : i32
        %cond3A_470 = arith.cmpi ne, %convert_element_type3A_468, %cond3A_469 : i32
        scf.if %cond3A_470 {
          %add3A_668 = arith.constant 0 : i32
          %add3A_669 = vector.broadcast %add3A_668 : i32 to vector<16xi32>
          %add3A_670 = arith.addi %iota3A, %add3A_669 : vector<16xi32>
          %gather3A = tpu.vector_load_idx %arg8[%add3A_670, %broadcast_in_dim3A_460] : memref<64x128xf32, #tpu.memory_space<vmem>>[vector<16xi32>, vector<16xi32>], vector<16xf32>,
          %add3A_671 = arith.constant 512 : i32
          %add3A_672 = arith.addi %multiple_of3A_158, %add3A_671 : i32
          %add3A_673 = arith.constant 0 : i32
          %add3A_674 = arith.addi %add3A_672, %add3A_673 : i32
          %multiple_of3A_675 = tpu.assume_multiple %add3A_674, 16 : i32
          %swap3A = arith.index_cast %multiple_of3A_675 : i32 to index
          %swap3A_676 = tpu.vector_load %arg7[%swap3A] {strides = array<i32>} : memref<2048xf32, #tpu.memory_space<vmem>>, vector<16xf32>,
          tpu.vector_store %arg7[%swap3A], %gather3A {strides = array<i32>} : memref<2048xf32, #tpu.memory_space<vmem>>, vector<16xf32>,
          %add3A_677 = arith.constant 16 : i32
          %add3A_678 = vector.broadcast %add3A_677 : i32 to vector<16xi32>
          %add3A_679 = arith.addi %iota3A, %add3A_678 : vector<16xi32>
          %gather3A_680 = tpu.vector_load_idx %arg8[%add3A_679, %broadcast_in_dim3A_460] : memref<64x128xf32, #tpu.memory_space<vmem>>[vector<16xi32>, vector<16xi32>], vector<16xf32>,
          %add3A_681 = arith.constant 512 : i32
          %add3A_682 = arith.addi %multiple_of3A_158, %add3A_681 : i32
          %add3A_683 = arith.constant 16 : i32
          %add3A_684 = arith.addi %add3A_682, %add3A_683 : i32
          %multiple_of3A_685 = tpu.assume_multiple %add3A_684, 16 : i32
          %swap3A_686 = arith.index_cast %multiple_of3A_685 : i32 to index
          %swap3A_687 = tpu.vector_load %arg7[%swap3A_686] {strides = array<i32>} : memref<2048xf32, #tpu.memory_space<vmem>>, vector<16xf32>,
          tpu.vector_store %arg7[%swap3A_686], %gather3A_680 {strides = array<i32>} : memref<2048xf32, #tpu.memory_space<vmem>>, vector<16xf32>,
          %add3A_688 = arith.constant 32 : i32
          %add3A_689 = vector.broadcast %add3A_688 : i32 to vector<16xi32>
          %add3A_690 = arith.addi %iota3A, %add3A_689 : vector<16xi32>
          %gather3A_691 = tpu.vector_load_idx %arg8[%add3A_690, %broadcast_in_dim3A_460] : memref<64x128xf32, #tpu.memory_space<vmem>>[vector<16xi32>, vector<16xi32>], vector<16xf32>,
          %add3A_692 = arith.constant 512 : i32
          %add3A_693 = arith.addi %multiple_of3A_158, %add3A_692 : i32
          %add3A_694 = arith.constant 32 : i32
          %add3A_695 = arith.addi %add3A_693, %add3A_694 : i32
          %multiple_of3A_696 = tpu.assume_multiple %add3A_695, 16 : i32
          %swap3A_697 = arith.index_cast %multiple_of3A_696 : i32 to index
          %swap3A_698 = tpu.vector_load %arg7[%swap3A_697] {strides = array<i32>} : memref<2048xf32, #tpu.memory_space<vmem>>, vector<16xf32>,
          tpu.vector_store %arg7[%swap3A_697], %gather3A_691 {strides = array<i32>} : memref<2048xf32, #tpu.memory_space<vmem>>, vector<16xf32>,
          %add3A_699 = arith.constant 48 : i32
          %add3A_700 = vector.broadcast %add3A_699 : i32 to vector<16xi32>
          %add3A_701 = arith.addi %iota3A, %add3A_700 : vector<16xi32>
          %gather3A_702 = tpu.vector_load_idx %arg8[%add3A_701, %broadcast_in_dim3A_460] : memref<64x128xf32, #tpu.memory_space<vmem>>[vector<16xi32>, vector<16xi32>], vector<16xf32>,
          %add3A_703 = arith.constant 512 : i32
          %add3A_704 = arith.addi %multiple_of3A_158, %add3A_703 : i32
          %add3A_705 = arith.constant 48 : i32
          %add3A_706 = arith.addi %add3A_704, %add3A_705 : i32
          %multiple_of3A_707 = tpu.assume_multiple %add3A_706, 16 : i32
          %swap3A_708 = arith.index_cast %multiple_of3A_707 : i32 to index
          %swap3A_709 = tpu.vector_load %arg7[%swap3A_708] {strides = array<i32>} : memref<2048xf32, #tpu.memory_space<vmem>>, vector<16xf32>,
          tpu.vector_store %arg7[%swap3A_708], %gather3A_702 {strides = array<i32>} : memref<2048xf32, #tpu.memory_space<vmem>>, vector<16xf32>,
        } else {
        }
        %lt3A_471 = arith.constant 31 : i32
        %lt3A_472 = arith.cmpi slt, %scan3A_135, %lt3A_471 : i32
        %convert_element_type3A_473 = arith.extui %lt3A_472 : i1 to i32
        %cond3A_474 = arith.constant 0 : i32
        %cond3A_475 = arith.cmpi ne, %convert_element_type3A_473, %cond3A_474 : i32
        scf.if %cond3A_475 {
          %slice3A_668 = vector.extract_strided_slice %get3A_156 {offsets = [0], sizes = [1], strides = [1]} : vector<16xi32> to vector<1xi32>
          %squeeze3A_669 = vector.extract %slice3A_668[0] : i32 from vector<1xi32>
          %lt3A_670 = arith.constant 999936 : i32
          %lt3A_671 = arith.cmpi slt, %squeeze3A_669, %lt3A_670 : i32
          %shift_right_arithmetic3A_672 = arith.constant 7 : i32
          %shift_right_arithmetic3A_673 = arith.shrsi %squeeze3A_669, %shift_right_arithmetic3A_672 : i32
          %shift_left3A_674 = arith.constant 7 : i32
          %shift_left3A_675 = arith.shli %shift_right_arithmetic3A_673, %shift_left3A_674 : i32
          %jit3A_676 = arith.constant 0 : i32
          %select_n3A_677 = arith.select %lt3A_671, %shift_left3A_675, %jit3A_676 : i32
          %multiple_of3A_678 = tpu.assume_multiple %select_n3A_677, 128 : i32
          %dma_start3A_679 = arith.constant 0 : i32
          %dma_start3A_680 = tpu.memref_slice %arg2[%dma_start3A_679, %multiple_of3A_678] : memref<64x1000000xf32, #tpu.memory_space<hbm>> -> memref<64x128xf32, #tpu.memory_space<hbm>>
          %dma_start3A_681 = arith.constant 0 : i32
          %dma_start3A_682 = tpu.memref_slice %arg2[%dma_start3A_681, %multiple_of3A_678] : memref<64x1000000xf32, #tpu.memory_space<hbm>> -> memref<64x128xf32, #tpu.memory_space<hbm>>
          tpu.enqueue_dma source(%dma_start3A_682 : memref<64x128xf32, #tpu.memory_space<hbm>>) target(%arg9 : memref<64x128xf32, #tpu.memory_space<vmem>>) target_semaphore(%arg17 : memref<!tpu.dma_semaphore, #tpu.memory_space<semaphore_mem>>)
        } else {
        }
        %dma_wait3A_476 = arith.constant 0 : i32
        %dma_wait3A_477 = arith.constant 0 : i32
        %dma_wait3A_478 = tpu.memref_slice %arg2[%dma_wait3A_476, %dma_wait3A_477] : memref<64x1000000xf32, #tpu.memory_space<hbm>> -> memref<64x128xf32, #tpu.memory_space<hbm>>
        %dma_wait3A_479 = arith.constant 0 : i32
        %dma_wait3A_480 = arith.constant 0 : i32
        %dma_wait3A_481 = tpu.memref_slice %arg2[%dma_wait3A_479, %dma_wait3A_480] : memref<64x1000000xf32, #tpu.memory_space<hbm>> -> memref<64x128xf32, #tpu.memory_space<hbm>>
        tpu.wait_dma2 semaphore(%arg18 : memref<!tpu.dma_semaphore, #tpu.memory_space<semaphore_mem>>) src(%dma_wait3A_481 : memref<64x128xf32, #tpu.memory_space<hbm>>) dst(%arg10 : memref<64x128xf32, #tpu.memory_space<vmem>>)
        %slice3A_482 = vector.extract_strided_slice %get3A_149 {offsets = [9], sizes = [1], strides = [1]} : vector<16xi32> to vector<1xi32>
        %squeeze3A_483 = vector.extract %slice3A_482[0] : i32 from vector<1xi32>
        %and3A_484 = arith.constant 127 : i32
        %and3A_485 = arith.andi %squeeze3A_483, %and3A_484 : i32
        %broadcast_in_dim3A_486 = vector.broadcast %and3A_485 : i32 to vector<16xi32>
        %lt3A_487 = arith.constant 999936 : i32
        %lt3A_488 = arith.cmpi slt, %squeeze3A_483, %lt3A_487 : i32
        %convert_element_type3A_489 = arith.extui %lt3A_488 : i1 to i32
        %cond3A_490 = arith.constant 0 : i32
        %cond3A_491 = arith.cmpi ne, %convert_element_type3A_489, %cond3A_490 : i32
        scf.if %cond3A_491 {
          %add3A_668 = arith.constant 0 : i32
          %add3A_669 = vector.broadcast %add3A_668 : i32 to vector<16xi32>
          %add3A_670 = arith.addi %iota3A, %add3A_669 : vector<16xi32>
          %gather3A = tpu.vector_load_idx %arg10[%add3A_670, %broadcast_in_dim3A_486] : memref<64x128xf32, #tpu.memory_space<vmem>>[vector<16xi32>, vector<16xi32>], vector<16xf32>,
          %add3A_671 = arith.constant 576 : i32
          %add3A_672 = arith.addi %multiple_of3A_158, %add3A_671 : i32
          %add3A_673 = arith.constant 0 : i32
          %add3A_674 = arith.addi %add3A_672, %add3A_673 : i32
          %multiple_of3A_675 = tpu.assume_multiple %add3A_674, 16 : i32
          %swap3A = arith.index_cast %multiple_of3A_675 : i32 to index
          %swap3A_676 = tpu.vector_load %arg7[%swap3A] {strides = array<i32>} : memref<2048xf32, #tpu.memory_space<vmem>>, vector<16xf32>,
          tpu.vector_store %arg7[%swap3A], %gather3A {strides = array<i32>} : memref<2048xf32, #tpu.memory_space<vmem>>, vector<16xf32>,
          %add3A_677 = arith.constant 16 : i32
          %add3A_678 = vector.broadcast %add3A_677 : i32 to vector<16xi32>
          %add3A_679 = arith.addi %iota3A, %add3A_678 : vector<16xi32>
          %gather3A_680 = tpu.vector_load_idx %arg10[%add3A_679, %broadcast_in_dim3A_486] : memref<64x128xf32, #tpu.memory_space<vmem>>[vector<16xi32>, vector<16xi32>], vector<16xf32>,
          %add3A_681 = arith.constant 576 : i32
          %add3A_682 = arith.addi %multiple_of3A_158, %add3A_681 : i32
          %add3A_683 = arith.constant 16 : i32
          %add3A_684 = arith.addi %add3A_682, %add3A_683 : i32
          %multiple_of3A_685 = tpu.assume_multiple %add3A_684, 16 : i32
          %swap3A_686 = arith.index_cast %multiple_of3A_685 : i32 to index
          %swap3A_687 = tpu.vector_load %arg7[%swap3A_686] {strides = array<i32>} : memref<2048xf32, #tpu.memory_space<vmem>>, vector<16xf32>,
          tpu.vector_store %arg7[%swap3A_686], %gather3A_680 {strides = array<i32>} : memref<2048xf32, #tpu.memory_space<vmem>>, vector<16xf32>,
          %add3A_688 = arith.constant 32 : i32
          %add3A_689 = vector.broadcast %add3A_688 : i32 to vector<16xi32>
          %add3A_690 = arith.addi %iota3A, %add3A_689 : vector<16xi32>
          %gather3A_691 = tpu.vector_load_idx %arg10[%add3A_690, %broadcast_in_dim3A_486] : memref<64x128xf32, #tpu.memory_space<vmem>>[vector<16xi32>, vector<16xi32>], vector<16xf32>,
          %add3A_692 = arith.constant 576 : i32
          %add3A_693 = arith.addi %multiple_of3A_158, %add3A_692 : i32
          %add3A_694 = arith.constant 32 : i32
          %add3A_695 = arith.addi %add3A_693, %add3A_694 : i32
          %multiple_of3A_696 = tpu.assume_multiple %add3A_695, 16 : i32
          %swap3A_697 = arith.index_cast %multiple_of3A_696 : i32 to index
          %swap3A_698 = tpu.vector_load %arg7[%swap3A_697] {strides = array<i32>} : memref<2048xf32, #tpu.memory_space<vmem>>, vector<16xf32>,
          tpu.vector_store %arg7[%swap3A_697], %gather3A_691 {strides = array<i32>} : memref<2048xf32, #tpu.memory_space<vmem>>, vector<16xf32>,
          %add3A_699 = arith.constant 48 : i32
          %add3A_700 = vector.broadcast %add3A_699 : i32 to vector<16xi32>
          %add3A_701 = arith.addi %iota3A, %add3A_700 : vector<16xi32>
          %gather3A_702 = tpu.vector_load_idx %arg10[%add3A_701, %broadcast_in_dim3A_486] : memref<64x128xf32, #tpu.memory_space<vmem>>[vector<16xi32>, vector<16xi32>], vector<16xf32>,
          %add3A_703 = arith.constant 576 : i32
          %add3A_704 = arith.addi %multiple_of3A_158, %add3A_703 : i32
          %add3A_705 = arith.constant 48 : i32
          %add3A_706 = arith.addi %add3A_704, %add3A_705 : i32
          %multiple_of3A_707 = tpu.assume_multiple %add3A_706, 16 : i32
          %swap3A_708 = arith.index_cast %multiple_of3A_707 : i32 to index
          %swap3A_709 = tpu.vector_load %arg7[%swap3A_708] {strides = array<i32>} : memref<2048xf32, #tpu.memory_space<vmem>>, vector<16xf32>,
          tpu.vector_store %arg7[%swap3A_708], %gather3A_702 {strides = array<i32>} : memref<2048xf32, #tpu.memory_space<vmem>>, vector<16xf32>,
        } else {
        }
        %ge3A_492 = arith.constant 999936 : i32
        %ge3A_493 = arith.cmpi sge, %squeeze3A_483, %ge3A_492 : i32
        %convert_element_type3A_494 = arith.extui %ge3A_493 : i1 to i32
        %cond3A_495 = arith.constant 0 : i32
        %cond3A_496 = arith.cmpi ne, %convert_element_type3A_494, %cond3A_495 : i32
        scf.if %cond3A_496 {
          %add3A_668 = arith.constant 0 : i32
          %add3A_669 = vector.broadcast %add3A_668 : i32 to vector<16xi32>
          %add3A_670 = arith.addi %iota3A, %add3A_669 : vector<16xi32>
          %gather3A = tpu.vector_load_idx %arg8[%add3A_670, %broadcast_in_dim3A_486] : memref<64x128xf32, #tpu.memory_space<vmem>>[vector<16xi32>, vector<16xi32>], vector<16xf32>,
          %add3A_671 = arith.constant 576 : i32
          %add3A_672 = arith.addi %multiple_of3A_158, %add3A_671 : i32
          %add3A_673 = arith.constant 0 : i32
          %add3A_674 = arith.addi %add3A_672, %add3A_673 : i32
          %multiple_of3A_675 = tpu.assume_multiple %add3A_674, 16 : i32
          %swap3A = arith.index_cast %multiple_of3A_675 : i32 to index
          %swap3A_676 = tpu.vector_load %arg7[%swap3A] {strides = array<i32>} : memref<2048xf32, #tpu.memory_space<vmem>>, vector<16xf32>,
          tpu.vector_store %arg7[%swap3A], %gather3A {strides = array<i32>} : memref<2048xf32, #tpu.memory_space<vmem>>, vector<16xf32>,
          %add3A_677 = arith.constant 16 : i32
          %add3A_678 = vector.broadcast %add3A_677 : i32 to vector<16xi32>
          %add3A_679 = arith.addi %iota3A, %add3A_678 : vector<16xi32>
          %gather3A_680 = tpu.vector_load_idx %arg8[%add3A_679, %broadcast_in_dim3A_486] : memref<64x128xf32, #tpu.memory_space<vmem>>[vector<16xi32>, vector<16xi32>], vector<16xf32>,
          %add3A_681 = arith.constant 576 : i32
          %add3A_682 = arith.addi %multiple_of3A_158, %add3A_681 : i32
          %add3A_683 = arith.constant 16 : i32
          %add3A_684 = arith.addi %add3A_682, %add3A_683 : i32
          %multiple_of3A_685 = tpu.assume_multiple %add3A_684, 16 : i32
          %swap3A_686 = arith.index_cast %multiple_of3A_685 : i32 to index
          %swap3A_687 = tpu.vector_load %arg7[%swap3A_686] {strides = array<i32>} : memref<2048xf32, #tpu.memory_space<vmem>>, vector<16xf32>,
          tpu.vector_store %arg7[%swap3A_686], %gather3A_680 {strides = array<i32>} : memref<2048xf32, #tpu.memory_space<vmem>>, vector<16xf32>,
          %add3A_688 = arith.constant 32 : i32
          %add3A_689 = vector.broadcast %add3A_688 : i32 to vector<16xi32>
          %add3A_690 = arith.addi %iota3A, %add3A_689 : vector<16xi32>
          %gather3A_691 = tpu.vector_load_idx %arg8[%add3A_690, %broadcast_in_dim3A_486] : memref<64x128xf32, #tpu.memory_space<vmem>>[vector<16xi32>, vector<16xi32>], vector<16xf32>,
          %add3A_692 = arith.constant 576 : i32
          %add3A_693 = arith.addi %multiple_of3A_158, %add3A_692 : i32
          %add3A_694 = arith.constant 32 : i32
          %add3A_695 = arith.addi %add3A_693, %add3A_694 : i32
          %multiple_of3A_696 = tpu.assume_multiple %add3A_695, 16 : i32
          %swap3A_697 = arith.index_cast %multiple_of3A_696 : i32 to index
          %swap3A_698 = tpu.vector_load %arg7[%swap3A_697] {strides = array<i32>} : memref<2048xf32, #tpu.memory_space<vmem>>, vector<16xf32>,
          tpu.vector_store %arg7[%swap3A_697], %gather3A_691 {strides = array<i32>} : memref<2048xf32, #tpu.memory_space<vmem>>, vector<16xf32>,
          %add3A_699 = arith.constant 48 : i32
          %add3A_700 = vector.broadcast %add3A_699 : i32 to vector<16xi32>
          %add3A_701 = arith.addi %iota3A, %add3A_700 : vector<16xi32>
          %gather3A_702 = tpu.vector_load_idx %arg8[%add3A_701, %broadcast_in_dim3A_486] : memref<64x128xf32, #tpu.memory_space<vmem>>[vector<16xi32>, vector<16xi32>], vector<16xf32>,
          %add3A_703 = arith.constant 576 : i32
          %add3A_704 = arith.addi %multiple_of3A_158, %add3A_703 : i32
          %add3A_705 = arith.constant 48 : i32
          %add3A_706 = arith.addi %add3A_704, %add3A_705 : i32
          %multiple_of3A_707 = tpu.assume_multiple %add3A_706, 16 : i32
          %swap3A_708 = arith.index_cast %multiple_of3A_707 : i32 to index
          %swap3A_709 = tpu.vector_load %arg7[%swap3A_708] {strides = array<i32>} : memref<2048xf32, #tpu.memory_space<vmem>>, vector<16xf32>,
          tpu.vector_store %arg7[%swap3A_708], %gather3A_702 {strides = array<i32>} : memref<2048xf32, #tpu.memory_space<vmem>>, vector<16xf32>,
        } else {
        }
        %lt3A_497 = arith.constant 31 : i32
        %lt3A_498 = arith.cmpi slt, %scan3A_135, %lt3A_497 : i32
        %convert_element_type3A_499 = arith.extui %lt3A_498 : i1 to i32
        %cond3A_500 = arith.constant 0 : i32
        %cond3A_501 = arith.cmpi ne, %convert_element_type3A_499, %cond3A_500 : i32
        scf.if %cond3A_501 {
          %slice3A_668 = vector.extract_strided_slice %get3A_156 {offsets = [1], sizes = [1], strides = [1]} : vector<16xi32> to vector<1xi32>
          %squeeze3A_669 = vector.extract %slice3A_668[0] : i32 from vector<1xi32>
          %lt3A_670 = arith.constant 999936 : i32
          %lt3A_671 = arith.cmpi slt, %squeeze3A_669, %lt3A_670 : i32
          %shift_right_arithmetic3A_672 = arith.constant 7 : i32
          %shift_right_arithmetic3A_673 = arith.shrsi %squeeze3A_669, %shift_right_arithmetic3A_672 : i32
          %shift_left3A_674 = arith.constant 7 : i32
          %shift_left3A_675 = arith.shli %shift_right_arithmetic3A_673, %shift_left3A_674 : i32
          %jit3A_676 = arith.constant 0 : i32
          %select_n3A_677 = arith.select %lt3A_671, %shift_left3A_675, %jit3A_676 : i32
          %multiple_of3A_678 = tpu.assume_multiple %select_n3A_677, 128 : i32
          %dma_start3A_679 = arith.constant 0 : i32
          %dma_start3A_680 = tpu.memref_slice %arg2[%dma_start3A_679, %multiple_of3A_678] : memref<64x1000000xf32, #tpu.memory_space<hbm>> -> memref<64x128xf32, #tpu.memory_space<hbm>>
          %dma_start3A_681 = arith.constant 0 : i32
          %dma_start3A_682 = tpu.memref_slice %arg2[%dma_start3A_681, %multiple_of3A_678] : memref<64x1000000xf32, #tpu.memory_space<hbm>> -> memref<64x128xf32, #tpu.memory_space<hbm>>
          tpu.enqueue_dma source(%dma_start3A_682 : memref<64x128xf32, #tpu.memory_space<hbm>>) target(%arg10 : memref<64x128xf32, #tpu.memory_space<vmem>>) target_semaphore(%arg18 : memref<!tpu.dma_semaphore, #tpu.memory_space<semaphore_mem>>)
        } else {
        }
        %dma_wait3A_502 = arith.constant 0 : i32
        %dma_wait3A_503 = arith.constant 0 : i32
        %dma_wait3A_504 = tpu.memref_slice %arg2[%dma_wait3A_502, %dma_wait3A_503] : memref<64x1000000xf32, #tpu.memory_space<hbm>> -> memref<64x128xf32, #tpu.memory_space<hbm>>
        %dma_wait3A_505 = arith.constant 0 : i32
        %dma_wait3A_506 = arith.constant 0 : i32
        %dma_wait3A_507 = tpu.memref_slice %arg2[%dma_wait3A_505, %dma_wait3A_506] : memref<64x1000000xf32, #tpu.memory_space<hbm>> -> memref<64x128xf32, #tpu.memory_space<hbm>>
        tpu.wait_dma2 semaphore(%arg19 : memref<!tpu.dma_semaphore, #tpu.memory_space<semaphore_mem>>) src(%dma_wait3A_507 : memref<64x128xf32, #tpu.memory_space<hbm>>) dst(%arg11 : memref<64x128xf32, #tpu.memory_space<vmem>>)
        %slice3A_508 = vector.extract_strided_slice %get3A_149 {offsets = [10], sizes = [1], strides = [1]} : vector<16xi32> to vector<1xi32>
        %squeeze3A_509 = vector.extract %slice3A_508[0] : i32 from vector<1xi32>
        %and3A_510 = arith.constant 127 : i32
        %and3A_511 = arith.andi %squeeze3A_509, %and3A_510 : i32
        %broadcast_in_dim3A_512 = vector.broadcast %and3A_511 : i32 to vector<16xi32>
        %lt3A_513 = arith.constant 999936 : i32
        %lt3A_514 = arith.cmpi slt, %squeeze3A_509, %lt3A_513 : i32
        %convert_element_type3A_515 = arith.extui %lt3A_514 : i1 to i32
        %cond3A_516 = arith.constant 0 : i32
        %cond3A_517 = arith.cmpi ne, %convert_element_type3A_515, %cond3A_516 : i32
        scf.if %cond3A_517 {
          %add3A_668 = arith.constant 0 : i32
          %add3A_669 = vector.broadcast %add3A_668 : i32 to vector<16xi32>
          %add3A_670 = arith.addi %iota3A, %add3A_669 : vector<16xi32>
          %gather3A = tpu.vector_load_idx %arg11[%add3A_670, %broadcast_in_dim3A_512] : memref<64x128xf32, #tpu.memory_space<vmem>>[vector<16xi32>, vector<16xi32>], vector<16xf32>,
          %add3A_671 = arith.constant 640 : i32
          %add3A_672 = arith.addi %multiple_of3A_158, %add3A_671 : i32
          %add3A_673 = arith.constant 0 : i32
          %add3A_674 = arith.addi %add3A_672, %add3A_673 : i32
          %multiple_of3A_675 = tpu.assume_multiple %add3A_674, 16 : i32
          %swap3A = arith.index_cast %multiple_of3A_675 : i32 to index
          %swap3A_676 = tpu.vector_load %arg7[%swap3A] {strides = array<i32>} : memref<2048xf32, #tpu.memory_space<vmem>>, vector<16xf32>,
          tpu.vector_store %arg7[%swap3A], %gather3A {strides = array<i32>} : memref<2048xf32, #tpu.memory_space<vmem>>, vector<16xf32>,
          %add3A_677 = arith.constant 16 : i32
          %add3A_678 = vector.broadcast %add3A_677 : i32 to vector<16xi32>
          %add3A_679 = arith.addi %iota3A, %add3A_678 : vector<16xi32>
          %gather3A_680 = tpu.vector_load_idx %arg11[%add3A_679, %broadcast_in_dim3A_512] : memref<64x128xf32, #tpu.memory_space<vmem>>[vector<16xi32>, vector<16xi32>], vector<16xf32>,
          %add3A_681 = arith.constant 640 : i32
          %add3A_682 = arith.addi %multiple_of3A_158, %add3A_681 : i32
          %add3A_683 = arith.constant 16 : i32
          %add3A_684 = arith.addi %add3A_682, %add3A_683 : i32
          %multiple_of3A_685 = tpu.assume_multiple %add3A_684, 16 : i32
          %swap3A_686 = arith.index_cast %multiple_of3A_685 : i32 to index
          %swap3A_687 = tpu.vector_load %arg7[%swap3A_686] {strides = array<i32>} : memref<2048xf32, #tpu.memory_space<vmem>>, vector<16xf32>,
          tpu.vector_store %arg7[%swap3A_686], %gather3A_680 {strides = array<i32>} : memref<2048xf32, #tpu.memory_space<vmem>>, vector<16xf32>,
          %add3A_688 = arith.constant 32 : i32
          %add3A_689 = vector.broadcast %add3A_688 : i32 to vector<16xi32>
          %add3A_690 = arith.addi %iota3A, %add3A_689 : vector<16xi32>
          %gather3A_691 = tpu.vector_load_idx %arg11[%add3A_690, %broadcast_in_dim3A_512] : memref<64x128xf32, #tpu.memory_space<vmem>>[vector<16xi32>, vector<16xi32>], vector<16xf32>,
          %add3A_692 = arith.constant 640 : i32
          %add3A_693 = arith.addi %multiple_of3A_158, %add3A_692 : i32
          %add3A_694 = arith.constant 32 : i32
          %add3A_695 = arith.addi %add3A_693, %add3A_694 : i32
          %multiple_of3A_696 = tpu.assume_multiple %add3A_695, 16 : i32
          %swap3A_697 = arith.index_cast %multiple_of3A_696 : i32 to index
          %swap3A_698 = tpu.vector_load %arg7[%swap3A_697] {strides = array<i32>} : memref<2048xf32, #tpu.memory_space<vmem>>, vector<16xf32>,
          tpu.vector_store %arg7[%swap3A_697], %gather3A_691 {strides = array<i32>} : memref<2048xf32, #tpu.memory_space<vmem>>, vector<16xf32>,
          %add3A_699 = arith.constant 48 : i32
          %add3A_700 = vector.broadcast %add3A_699 : i32 to vector<16xi32>
          %add3A_701 = arith.addi %iota3A, %add3A_700 : vector<16xi32>
          %gather3A_702 = tpu.vector_load_idx %arg11[%add3A_701, %broadcast_in_dim3A_512] : memref<64x128xf32, #tpu.memory_space<vmem>>[vector<16xi32>, vector<16xi32>], vector<16xf32>,
          %add3A_703 = arith.constant 640 : i32
          %add3A_704 = arith.addi %multiple_of3A_158, %add3A_703 : i32
          %add3A_705 = arith.constant 48 : i32
          %add3A_706 = arith.addi %add3A_704, %add3A_705 : i32
          %multiple_of3A_707 = tpu.assume_multiple %add3A_706, 16 : i32
          %swap3A_708 = arith.index_cast %multiple_of3A_707 : i32 to index
          %swap3A_709 = tpu.vector_load %arg7[%swap3A_708] {strides = array<i32>} : memref<2048xf32, #tpu.memory_space<vmem>>, vector<16xf32>,
          tpu.vector_store %arg7[%swap3A_708], %gather3A_702 {strides = array<i32>} : memref<2048xf32, #tpu.memory_space<vmem>>, vector<16xf32>,
        } else {
        }
        %ge3A_518 = arith.constant 999936 : i32
        %ge3A_519 = arith.cmpi sge, %squeeze3A_509, %ge3A_518 : i32
        %convert_element_type3A_520 = arith.extui %ge3A_519 : i1 to i32
        %cond3A_521 = arith.constant 0 : i32
        %cond3A_522 = arith.cmpi ne, %convert_element_type3A_520, %cond3A_521 : i32
        scf.if %cond3A_522 {
          %add3A_668 = arith.constant 0 : i32
          %add3A_669 = vector.broadcast %add3A_668 : i32 to vector<16xi32>
          %add3A_670 = arith.addi %iota3A, %add3A_669 : vector<16xi32>
          %gather3A = tpu.vector_load_idx %arg8[%add3A_670, %broadcast_in_dim3A_512] : memref<64x128xf32, #tpu.memory_space<vmem>>[vector<16xi32>, vector<16xi32>], vector<16xf32>,
          %add3A_671 = arith.constant 640 : i32
          %add3A_672 = arith.addi %multiple_of3A_158, %add3A_671 : i32
          %add3A_673 = arith.constant 0 : i32
          %add3A_674 = arith.addi %add3A_672, %add3A_673 : i32
          %multiple_of3A_675 = tpu.assume_multiple %add3A_674, 16 : i32
          %swap3A = arith.index_cast %multiple_of3A_675 : i32 to index
          %swap3A_676 = tpu.vector_load %arg7[%swap3A] {strides = array<i32>} : memref<2048xf32, #tpu.memory_space<vmem>>, vector<16xf32>,
          tpu.vector_store %arg7[%swap3A], %gather3A {strides = array<i32>} : memref<2048xf32, #tpu.memory_space<vmem>>, vector<16xf32>,
          %add3A_677 = arith.constant 16 : i32
          %add3A_678 = vector.broadcast %add3A_677 : i32 to vector<16xi32>
          %add3A_679 = arith.addi %iota3A, %add3A_678 : vector<16xi32>
          %gather3A_680 = tpu.vector_load_idx %arg8[%add3A_679, %broadcast_in_dim3A_512] : memref<64x128xf32, #tpu.memory_space<vmem>>[vector<16xi32>, vector<16xi32>], vector<16xf32>,
          %add3A_681 = arith.constant 640 : i32
          %add3A_682 = arith.addi %multiple_of3A_158, %add3A_681 : i32
          %add3A_683 = arith.constant 16 : i32
          %add3A_684 = arith.addi %add3A_682, %add3A_683 : i32
          %multiple_of3A_685 = tpu.assume_multiple %add3A_684, 16 : i32
          %swap3A_686 = arith.index_cast %multiple_of3A_685 : i32 to index
          %swap3A_687 = tpu.vector_load %arg7[%swap3A_686] {strides = array<i32>} : memref<2048xf32, #tpu.memory_space<vmem>>, vector<16xf32>,
          tpu.vector_store %arg7[%swap3A_686], %gather3A_680 {strides = array<i32>} : memref<2048xf32, #tpu.memory_space<vmem>>, vector<16xf32>,
          %add3A_688 = arith.constant 32 : i32
          %add3A_689 = vector.broadcast %add3A_688 : i32 to vector<16xi32>
          %add3A_690 = arith.addi %iota3A, %add3A_689 : vector<16xi32>
          %gather3A_691 = tpu.vector_load_idx %arg8[%add3A_690, %broadcast_in_dim3A_512] : memref<64x128xf32, #tpu.memory_space<vmem>>[vector<16xi32>, vector<16xi32>], vector<16xf32>,
          %add3A_692 = arith.constant 640 : i32
          %add3A_693 = arith.addi %multiple_of3A_158, %add3A_692 : i32
          %add3A_694 = arith.constant 32 : i32
          %add3A_695 = arith.addi %add3A_693, %add3A_694 : i32
          %multiple_of3A_696 = tpu.assume_multiple %add3A_695, 16 : i32
          %swap3A_697 = arith.index_cast %multiple_of3A_696 : i32 to index
          %swap3A_698 = tpu.vector_load %arg7[%swap3A_697] {strides = array<i32>} : memref<2048xf32, #tpu.memory_space<vmem>>, vector<16xf32>,
          tpu.vector_store %arg7[%swap3A_697], %gather3A_691 {strides = array<i32>} : memref<2048xf32, #tpu.memory_space<vmem>>, vector<16xf32>,
          %add3A_699 = arith.constant 48 : i32
          %add3A_700 = vector.broadcast %add3A_699 : i32 to vector<16xi32>
          %add3A_701 = arith.addi %iota3A, %add3A_700 : vector<16xi32>
          %gather3A_702 = tpu.vector_load_idx %arg8[%add3A_701, %broadcast_in_dim3A_512] : memref<64x128xf32, #tpu.memory_space<vmem>>[vector<16xi32>, vector<16xi32>], vector<16xf32>,
          %add3A_703 = arith.constant 640 : i32
          %add3A_704 = arith.addi %multiple_of3A_158, %add3A_703 : i32
          %add3A_705 = arith.constant 48 : i32
          %add3A_706 = arith.addi %add3A_704, %add3A_705 : i32
          %multiple_of3A_707 = tpu.assume_multiple %add3A_706, 16 : i32
          %swap3A_708 = arith.index_cast %multiple_of3A_707 : i32 to index
          %swap3A_709 = tpu.vector_load %arg7[%swap3A_708] {strides = array<i32>} : memref<2048xf32, #tpu.memory_space<vmem>>, vector<16xf32>,
          tpu.vector_store %arg7[%swap3A_708], %gather3A_702 {strides = array<i32>} : memref<2048xf32, #tpu.memory_space<vmem>>, vector<16xf32>,
        } else {
        }
        %lt3A_523 = arith.constant 31 : i32
        %lt3A_524 = arith.cmpi slt, %scan3A_135, %lt3A_523 : i32
        %convert_element_type3A_525 = arith.extui %lt3A_524 : i1 to i32
        %cond3A_526 = arith.constant 0 : i32
        %cond3A_527 = arith.cmpi ne, %convert_element_type3A_525, %cond3A_526 : i32
        scf.if %cond3A_527 {
          %slice3A_668 = vector.extract_strided_slice %get3A_156 {offsets = [2], sizes = [1], strides = [1]} : vector<16xi32> to vector<1xi32>
          %squeeze3A_669 = vector.extract %slice3A_668[0] : i32 from vector<1xi32>
          %lt3A_670 = arith.constant 999936 : i32
          %lt3A_671 = arith.cmpi slt, %squeeze3A_669, %lt3A_670 : i32
          %shift_right_arithmetic3A_672 = arith.constant 7 : i32
          %shift_right_arithmetic3A_673 = arith.shrsi %squeeze3A_669, %shift_right_arithmetic3A_672 : i32
          %shift_left3A_674 = arith.constant 7 : i32
          %shift_left3A_675 = arith.shli %shift_right_arithmetic3A_673, %shift_left3A_674 : i32
          %jit3A_676 = arith.constant 0 : i32
          %select_n3A_677 = arith.select %lt3A_671, %shift_left3A_675, %jit3A_676 : i32
          %multiple_of3A_678 = tpu.assume_multiple %select_n3A_677, 128 : i32
          %dma_start3A_679 = arith.constant 0 : i32
          %dma_start3A_680 = tpu.memref_slice %arg2[%dma_start3A_679, %multiple_of3A_678] : memref<64x1000000xf32, #tpu.memory_space<hbm>> -> memref<64x128xf32, #tpu.memory_space<hbm>>
          %dma_start3A_681 = arith.constant 0 : i32
          %dma_start3A_682 = tpu.memref_slice %arg2[%dma_start3A_681, %multiple_of3A_678] : memref<64x1000000xf32, #tpu.memory_space<hbm>> -> memref<64x128xf32, #tpu.memory_space<hbm>>
          tpu.enqueue_dma source(%dma_start3A_682 : memref<64x128xf32, #tpu.memory_space<hbm>>) target(%arg11 : memref<64x128xf32, #tpu.memory_space<vmem>>) target_semaphore(%arg19 : memref<!tpu.dma_semaphore, #tpu.memory_space<semaphore_mem>>)
        } else {
        }
        %dma_wait3A_528 = arith.constant 0 : i32
        %dma_wait3A_529 = arith.constant 0 : i32
        %dma_wait3A_530 = tpu.memref_slice %arg2[%dma_wait3A_528, %dma_wait3A_529] : memref<64x1000000xf32, #tpu.memory_space<hbm>> -> memref<64x128xf32, #tpu.memory_space<hbm>>
        %dma_wait3A_531 = arith.constant 0 : i32
        %dma_wait3A_532 = arith.constant 0 : i32
        %dma_wait3A_533 = tpu.memref_slice %arg2[%dma_wait3A_531, %dma_wait3A_532] : memref<64x1000000xf32, #tpu.memory_space<hbm>> -> memref<64x128xf32, #tpu.memory_space<hbm>>
        tpu.wait_dma2 semaphore(%arg20 : memref<!tpu.dma_semaphore, #tpu.memory_space<semaphore_mem>>) src(%dma_wait3A_533 : memref<64x128xf32, #tpu.memory_space<hbm>>) dst(%arg12 : memref<64x128xf32, #tpu.memory_space<vmem>>)
        %slice3A_534 = vector.extract_strided_slice %get3A_149 {offsets = [11], sizes = [1], strides = [1]} : vector<16xi32> to vector<1xi32>
        %squeeze3A_535 = vector.extract %slice3A_534[0] : i32 from vector<1xi32>
        %and3A_536 = arith.constant 127 : i32
        %and3A_537 = arith.andi %squeeze3A_535, %and3A_536 : i32
        %broadcast_in_dim3A_538 = vector.broadcast %and3A_537 : i32 to vector<16xi32>
        %lt3A_539 = arith.constant 999936 : i32
        %lt3A_540 = arith.cmpi slt, %squeeze3A_535, %lt3A_539 : i32
        %convert_element_type3A_541 = arith.extui %lt3A_540 : i1 to i32
        %cond3A_542 = arith.constant 0 : i32
        %cond3A_543 = arith.cmpi ne, %convert_element_type3A_541, %cond3A_542 : i32
        scf.if %cond3A_543 {
          %add3A_668 = arith.constant 0 : i32
          %add3A_669 = vector.broadcast %add3A_668 : i32 to vector<16xi32>
          %add3A_670 = arith.addi %iota3A, %add3A_669 : vector<16xi32>
          %gather3A = tpu.vector_load_idx %arg12[%add3A_670, %broadcast_in_dim3A_538] : memref<64x128xf32, #tpu.memory_space<vmem>>[vector<16xi32>, vector<16xi32>], vector<16xf32>,
          %add3A_671 = arith.constant 704 : i32
          %add3A_672 = arith.addi %multiple_of3A_158, %add3A_671 : i32
          %add3A_673 = arith.constant 0 : i32
          %add3A_674 = arith.addi %add3A_672, %add3A_673 : i32
          %multiple_of3A_675 = tpu.assume_multiple %add3A_674, 16 : i32
          %swap3A = arith.index_cast %multiple_of3A_675 : i32 to index
          %swap3A_676 = tpu.vector_load %arg7[%swap3A] {strides = array<i32>} : memref<2048xf32, #tpu.memory_space<vmem>>, vector<16xf32>,
          tpu.vector_store %arg7[%swap3A], %gather3A {strides = array<i32>} : memref<2048xf32, #tpu.memory_space<vmem>>, vector<16xf32>,
          %add3A_677 = arith.constant 16 : i32
          %add3A_678 = vector.broadcast %add3A_677 : i32 to vector<16xi32>
          %add3A_679 = arith.addi %iota3A, %add3A_678 : vector<16xi32>
          %gather3A_680 = tpu.vector_load_idx %arg12[%add3A_679, %broadcast_in_dim3A_538] : memref<64x128xf32, #tpu.memory_space<vmem>>[vector<16xi32>, vector<16xi32>], vector<16xf32>,
          %add3A_681 = arith.constant 704 : i32
          %add3A_682 = arith.addi %multiple_of3A_158, %add3A_681 : i32
          %add3A_683 = arith.constant 16 : i32
          %add3A_684 = arith.addi %add3A_682, %add3A_683 : i32
          %multiple_of3A_685 = tpu.assume_multiple %add3A_684, 16 : i32
          %swap3A_686 = arith.index_cast %multiple_of3A_685 : i32 to index
          %swap3A_687 = tpu.vector_load %arg7[%swap3A_686] {strides = array<i32>} : memref<2048xf32, #tpu.memory_space<vmem>>, vector<16xf32>,
          tpu.vector_store %arg7[%swap3A_686], %gather3A_680 {strides = array<i32>} : memref<2048xf32, #tpu.memory_space<vmem>>, vector<16xf32>,
          %add3A_688 = arith.constant 32 : i32
          %add3A_689 = vector.broadcast %add3A_688 : i32 to vector<16xi32>
          %add3A_690 = arith.addi %iota3A, %add3A_689 : vector<16xi32>
          %gather3A_691 = tpu.vector_load_idx %arg12[%add3A_690, %broadcast_in_dim3A_538] : memref<64x128xf32, #tpu.memory_space<vmem>>[vector<16xi32>, vector<16xi32>], vector<16xf32>,
          %add3A_692 = arith.constant 704 : i32
          %add3A_693 = arith.addi %multiple_of3A_158, %add3A_692 : i32
          %add3A_694 = arith.constant 32 : i32
          %add3A_695 = arith.addi %add3A_693, %add3A_694 : i32
          %multiple_of3A_696 = tpu.assume_multiple %add3A_695, 16 : i32
          %swap3A_697 = arith.index_cast %multiple_of3A_696 : i32 to index
          %swap3A_698 = tpu.vector_load %arg7[%swap3A_697] {strides = array<i32>} : memref<2048xf32, #tpu.memory_space<vmem>>, vector<16xf32>,
          tpu.vector_store %arg7[%swap3A_697], %gather3A_691 {strides = array<i32>} : memref<2048xf32, #tpu.memory_space<vmem>>, vector<16xf32>,
          %add3A_699 = arith.constant 48 : i32
          %add3A_700 = vector.broadcast %add3A_699 : i32 to vector<16xi32>
          %add3A_701 = arith.addi %iota3A, %add3A_700 : vector<16xi32>
          %gather3A_702 = tpu.vector_load_idx %arg12[%add3A_701, %broadcast_in_dim3A_538] : memref<64x128xf32, #tpu.memory_space<vmem>>[vector<16xi32>, vector<16xi32>], vector<16xf32>,
          %add3A_703 = arith.constant 704 : i32
          %add3A_704 = arith.addi %multiple_of3A_158, %add3A_703 : i32
          %add3A_705 = arith.constant 48 : i32
          %add3A_706 = arith.addi %add3A_704, %add3A_705 : i32
          %multiple_of3A_707 = tpu.assume_multiple %add3A_706, 16 : i32
          %swap3A_708 = arith.index_cast %multiple_of3A_707 : i32 to index
          %swap3A_709 = tpu.vector_load %arg7[%swap3A_708] {strides = array<i32>} : memref<2048xf32, #tpu.memory_space<vmem>>, vector<16xf32>,
          tpu.vector_store %arg7[%swap3A_708], %gather3A_702 {strides = array<i32>} : memref<2048xf32, #tpu.memory_space<vmem>>, vector<16xf32>,
        } else {
        }
        %ge3A_544 = arith.constant 999936 : i32
        %ge3A_545 = arith.cmpi sge, %squeeze3A_535, %ge3A_544 : i32
        %convert_element_type3A_546 = arith.extui %ge3A_545 : i1 to i32
        %cond3A_547 = arith.constant 0 : i32
        %cond3A_548 = arith.cmpi ne, %convert_element_type3A_546, %cond3A_547 : i32
        scf.if %cond3A_548 {
          %add3A_668 = arith.constant 0 : i32
          %add3A_669 = vector.broadcast %add3A_668 : i32 to vector<16xi32>
          %add3A_670 = arith.addi %iota3A, %add3A_669 : vector<16xi32>
          %gather3A = tpu.vector_load_idx %arg8[%add3A_670, %broadcast_in_dim3A_538] : memref<64x128xf32, #tpu.memory_space<vmem>>[vector<16xi32>, vector<16xi32>], vector<16xf32>,
          %add3A_671 = arith.constant 704 : i32
          %add3A_672 = arith.addi %multiple_of3A_158, %add3A_671 : i32
          %add3A_673 = arith.constant 0 : i32
          %add3A_674 = arith.addi %add3A_672, %add3A_673 : i32
          %multiple_of3A_675 = tpu.assume_multiple %add3A_674, 16 : i32
          %swap3A = arith.index_cast %multiple_of3A_675 : i32 to index
          %swap3A_676 = tpu.vector_load %arg7[%swap3A] {strides = array<i32>} : memref<2048xf32, #tpu.memory_space<vmem>>, vector<16xf32>,
          tpu.vector_store %arg7[%swap3A], %gather3A {strides = array<i32>} : memref<2048xf32, #tpu.memory_space<vmem>>, vector<16xf32>,
          %add3A_677 = arith.constant 16 : i32
          %add3A_678 = vector.broadcast %add3A_677 : i32 to vector<16xi32>
          %add3A_679 = arith.addi %iota3A, %add3A_678 : vector<16xi32>
          %gather3A_680 = tpu.vector_load_idx %arg8[%add3A_679, %broadcast_in_dim3A_538] : memref<64x128xf32, #tpu.memory_space<vmem>>[vector<16xi32>, vector<16xi32>], vector<16xf32>,
          %add3A_681 = arith.constant 704 : i32
          %add3A_682 = arith.addi %multiple_of3A_158, %add3A_681 : i32
          %add3A_683 = arith.constant 16 : i32
          %add3A_684 = arith.addi %add3A_682, %add3A_683 : i32
          %multiple_of3A_685 = tpu.assume_multiple %add3A_684, 16 : i32
          %swap3A_686 = arith.index_cast %multiple_of3A_685 : i32 to index
          %swap3A_687 = tpu.vector_load %arg7[%swap3A_686] {strides = array<i32>} : memref<2048xf32, #tpu.memory_space<vmem>>, vector<16xf32>,
          tpu.vector_store %arg7[%swap3A_686], %gather3A_680 {strides = array<i32>} : memref<2048xf32, #tpu.memory_space<vmem>>, vector<16xf32>,
          %add3A_688 = arith.constant 32 : i32
          %add3A_689 = vector.broadcast %add3A_688 : i32 to vector<16xi32>
          %add3A_690 = arith.addi %iota3A, %add3A_689 : vector<16xi32>
          %gather3A_691 = tpu.vector_load_idx %arg8[%add3A_690, %broadcast_in_dim3A_538] : memref<64x128xf32, #tpu.memory_space<vmem>>[vector<16xi32>, vector<16xi32>], vector<16xf32>,
          %add3A_692 = arith.constant 704 : i32
          %add3A_693 = arith.addi %multiple_of3A_158, %add3A_692 : i32
          %add3A_694 = arith.constant 32 : i32
          %add3A_695 = arith.addi %add3A_693, %add3A_694 : i32
          %multiple_of3A_696 = tpu.assume_multiple %add3A_695, 16 : i32
          %swap3A_697 = arith.index_cast %multiple_of3A_696 : i32 to index
          %swap3A_698 = tpu.vector_load %arg7[%swap3A_697] {strides = array<i32>} : memref<2048xf32, #tpu.memory_space<vmem>>, vector<16xf32>,
          tpu.vector_store %arg7[%swap3A_697], %gather3A_691 {strides = array<i32>} : memref<2048xf32, #tpu.memory_space<vmem>>, vector<16xf32>,
          %add3A_699 = arith.constant 48 : i32
          %add3A_700 = vector.broadcast %add3A_699 : i32 to vector<16xi32>
          %add3A_701 = arith.addi %iota3A, %add3A_700 : vector<16xi32>
          %gather3A_702 = tpu.vector_load_idx %arg8[%add3A_701, %broadcast_in_dim3A_538] : memref<64x128xf32, #tpu.memory_space<vmem>>[vector<16xi32>, vector<16xi32>], vector<16xf32>,
          %add3A_703 = arith.constant 704 : i32
          %add3A_704 = arith.addi %multiple_of3A_158, %add3A_703 : i32
          %add3A_705 = arith.constant 48 : i32
          %add3A_706 = arith.addi %add3A_704, %add3A_705 : i32
          %multiple_of3A_707 = tpu.assume_multiple %add3A_706, 16 : i32
          %swap3A_708 = arith.index_cast %multiple_of3A_707 : i32 to index
          %swap3A_709 = tpu.vector_load %arg7[%swap3A_708] {strides = array<i32>} : memref<2048xf32, #tpu.memory_space<vmem>>, vector<16xf32>,
          tpu.vector_store %arg7[%swap3A_708], %gather3A_702 {strides = array<i32>} : memref<2048xf32, #tpu.memory_space<vmem>>, vector<16xf32>,
        } else {
        }
        %lt3A_549 = arith.constant 31 : i32
        %lt3A_550 = arith.cmpi slt, %scan3A_135, %lt3A_549 : i32
        %convert_element_type3A_551 = arith.extui %lt3A_550 : i1 to i32
        %cond3A_552 = arith.constant 0 : i32
        %cond3A_553 = arith.cmpi ne, %convert_element_type3A_551, %cond3A_552 : i32
        scf.if %cond3A_553 {
          %slice3A_668 = vector.extract_strided_slice %get3A_156 {offsets = [3], sizes = [1], strides = [1]} : vector<16xi32> to vector<1xi32>
          %squeeze3A_669 = vector.extract %slice3A_668[0] : i32 from vector<1xi32>
          %lt3A_670 = arith.constant 999936 : i32
          %lt3A_671 = arith.cmpi slt, %squeeze3A_669, %lt3A_670 : i32
          %shift_right_arithmetic3A_672 = arith.constant 7 : i32
          %shift_right_arithmetic3A_673 = arith.shrsi %squeeze3A_669, %shift_right_arithmetic3A_672 : i32
          %shift_left3A_674 = arith.constant 7 : i32
          %shift_left3A_675 = arith.shli %shift_right_arithmetic3A_673, %shift_left3A_674 : i32
          %jit3A_676 = arith.constant 0 : i32
          %select_n3A_677 = arith.select %lt3A_671, %shift_left3A_675, %jit3A_676 : i32
          %multiple_of3A_678 = tpu.assume_multiple %select_n3A_677, 128 : i32
          %dma_start3A_679 = arith.constant 0 : i32
          %dma_start3A_680 = tpu.memref_slice %arg2[%dma_start3A_679, %multiple_of3A_678] : memref<64x1000000xf32, #tpu.memory_space<hbm>> -> memref<64x128xf32, #tpu.memory_space<hbm>>
          %dma_start3A_681 = arith.constant 0 : i32
          %dma_start3A_682 = tpu.memref_slice %arg2[%dma_start3A_681, %multiple_of3A_678] : memref<64x1000000xf32, #tpu.memory_space<hbm>> -> memref<64x128xf32, #tpu.memory_space<hbm>>
          tpu.enqueue_dma source(%dma_start3A_682 : memref<64x128xf32, #tpu.memory_space<hbm>>) target(%arg12 : memref<64x128xf32, #tpu.memory_space<vmem>>) target_semaphore(%arg20 : memref<!tpu.dma_semaphore, #tpu.memory_space<semaphore_mem>>)
        } else {
        }
        %dma_wait3A_554 = arith.constant 0 : i32
        %dma_wait3A_555 = arith.constant 0 : i32
        %dma_wait3A_556 = tpu.memref_slice %arg2[%dma_wait3A_554, %dma_wait3A_555] : memref<64x1000000xf32, #tpu.memory_space<hbm>> -> memref<64x128xf32, #tpu.memory_space<hbm>>
        %dma_wait3A_557 = arith.constant 0 : i32
        %dma_wait3A_558 = arith.constant 0 : i32
        %dma_wait3A_559 = tpu.memref_slice %arg2[%dma_wait3A_557, %dma_wait3A_558] : memref<64x1000000xf32, #tpu.memory_space<hbm>> -> memref<64x128xf32, #tpu.memory_space<hbm>>
        tpu.wait_dma2 semaphore(%arg21 : memref<!tpu.dma_semaphore, #tpu.memory_space<semaphore_mem>>) src(%dma_wait3A_559 : memref<64x128xf32, #tpu.memory_space<hbm>>) dst(%arg13 : memref<64x128xf32, #tpu.memory_space<vmem>>)
        %slice3A_560 = vector.extract_strided_slice %get3A_149 {offsets = [12], sizes = [1], strides = [1]} : vector<16xi32> to vector<1xi32>
        %squeeze3A_561 = vector.extract %slice3A_560[0] : i32 from vector<1xi32>
        %and3A_562 = arith.constant 127 : i32
        %and3A_563 = arith.andi %squeeze3A_561, %and3A_562 : i32
        %broadcast_in_dim3A_564 = vector.broadcast %and3A_563 : i32 to vector<16xi32>
        %lt3A_565 = arith.constant 999936 : i32
        %lt3A_566 = arith.cmpi slt, %squeeze3A_561, %lt3A_565 : i32
        %convert_element_type3A_567 = arith.extui %lt3A_566 : i1 to i32
        %cond3A_568 = arith.constant 0 : i32
        %cond3A_569 = arith.cmpi ne, %convert_element_type3A_567, %cond3A_568 : i32
        scf.if %cond3A_569 {
          %add3A_668 = arith.constant 0 : i32
          %add3A_669 = vector.broadcast %add3A_668 : i32 to vector<16xi32>
          %add3A_670 = arith.addi %iota3A, %add3A_669 : vector<16xi32>
          %gather3A = tpu.vector_load_idx %arg13[%add3A_670, %broadcast_in_dim3A_564] : memref<64x128xf32, #tpu.memory_space<vmem>>[vector<16xi32>, vector<16xi32>], vector<16xf32>,
          %add3A_671 = arith.constant 768 : i32
          %add3A_672 = arith.addi %multiple_of3A_158, %add3A_671 : i32
          %add3A_673 = arith.constant 0 : i32
          %add3A_674 = arith.addi %add3A_672, %add3A_673 : i32
          %multiple_of3A_675 = tpu.assume_multiple %add3A_674, 16 : i32
          %swap3A = arith.index_cast %multiple_of3A_675 : i32 to index
          %swap3A_676 = tpu.vector_load %arg7[%swap3A] {strides = array<i32>} : memref<2048xf32, #tpu.memory_space<vmem>>, vector<16xf32>,
          tpu.vector_store %arg7[%swap3A], %gather3A {strides = array<i32>} : memref<2048xf32, #tpu.memory_space<vmem>>, vector<16xf32>,
          %add3A_677 = arith.constant 16 : i32
          %add3A_678 = vector.broadcast %add3A_677 : i32 to vector<16xi32>
          %add3A_679 = arith.addi %iota3A, %add3A_678 : vector<16xi32>
          %gather3A_680 = tpu.vector_load_idx %arg13[%add3A_679, %broadcast_in_dim3A_564] : memref<64x128xf32, #tpu.memory_space<vmem>>[vector<16xi32>, vector<16xi32>], vector<16xf32>,
          %add3A_681 = arith.constant 768 : i32
          %add3A_682 = arith.addi %multiple_of3A_158, %add3A_681 : i32
          %add3A_683 = arith.constant 16 : i32
          %add3A_684 = arith.addi %add3A_682, %add3A_683 : i32
          %multiple_of3A_685 = tpu.assume_multiple %add3A_684, 16 : i32
          %swap3A_686 = arith.index_cast %multiple_of3A_685 : i32 to index
          %swap3A_687 = tpu.vector_load %arg7[%swap3A_686] {strides = array<i32>} : memref<2048xf32, #tpu.memory_space<vmem>>, vector<16xf32>,
          tpu.vector_store %arg7[%swap3A_686], %gather3A_680 {strides = array<i32>} : memref<2048xf32, #tpu.memory_space<vmem>>, vector<16xf32>,
          %add3A_688 = arith.constant 32 : i32
          %add3A_689 = vector.broadcast %add3A_688 : i32 to vector<16xi32>
          %add3A_690 = arith.addi %iota3A, %add3A_689 : vector<16xi32>
          %gather3A_691 = tpu.vector_load_idx %arg13[%add3A_690, %broadcast_in_dim3A_564] : memref<64x128xf32, #tpu.memory_space<vmem>>[vector<16xi32>, vector<16xi32>], vector<16xf32>,
          %add3A_692 = arith.constant 768 : i32
          %add3A_693 = arith.addi %multiple_of3A_158, %add3A_692 : i32
          %add3A_694 = arith.constant 32 : i32
          %add3A_695 = arith.addi %add3A_693, %add3A_694 : i32
          %multiple_of3A_696 = tpu.assume_multiple %add3A_695, 16 : i32
          %swap3A_697 = arith.index_cast %multiple_of3A_696 : i32 to index
          %swap3A_698 = tpu.vector_load %arg7[%swap3A_697] {strides = array<i32>} : memref<2048xf32, #tpu.memory_space<vmem>>, vector<16xf32>,
          tpu.vector_store %arg7[%swap3A_697], %gather3A_691 {strides = array<i32>} : memref<2048xf32, #tpu.memory_space<vmem>>, vector<16xf32>,
          %add3A_699 = arith.constant 48 : i32
          %add3A_700 = vector.broadcast %add3A_699 : i32 to vector<16xi32>
          %add3A_701 = arith.addi %iota3A, %add3A_700 : vector<16xi32>
          %gather3A_702 = tpu.vector_load_idx %arg13[%add3A_701, %broadcast_in_dim3A_564] : memref<64x128xf32, #tpu.memory_space<vmem>>[vector<16xi32>, vector<16xi32>], vector<16xf32>,
          %add3A_703 = arith.constant 768 : i32
          %add3A_704 = arith.addi %multiple_of3A_158, %add3A_703 : i32
          %add3A_705 = arith.constant 48 : i32
          %add3A_706 = arith.addi %add3A_704, %add3A_705 : i32
          %multiple_of3A_707 = tpu.assume_multiple %add3A_706, 16 : i32
          %swap3A_708 = arith.index_cast %multiple_of3A_707 : i32 to index
          %swap3A_709 = tpu.vector_load %arg7[%swap3A_708] {strides = array<i32>} : memref<2048xf32, #tpu.memory_space<vmem>>, vector<16xf32>,
          tpu.vector_store %arg7[%swap3A_708], %gather3A_702 {strides = array<i32>} : memref<2048xf32, #tpu.memory_space<vmem>>, vector<16xf32>,
        } else {
        }
        %ge3A_570 = arith.constant 999936 : i32
        %ge3A_571 = arith.cmpi sge, %squeeze3A_561, %ge3A_570 : i32
        %convert_element_type3A_572 = arith.extui %ge3A_571 : i1 to i32
        %cond3A_573 = arith.constant 0 : i32
        %cond3A_574 = arith.cmpi ne, %convert_element_type3A_572, %cond3A_573 : i32
        scf.if %cond3A_574 {
          %add3A_668 = arith.constant 0 : i32
          %add3A_669 = vector.broadcast %add3A_668 : i32 to vector<16xi32>
          %add3A_670 = arith.addi %iota3A, %add3A_669 : vector<16xi32>
          %gather3A = tpu.vector_load_idx %arg8[%add3A_670, %broadcast_in_dim3A_564] : memref<64x128xf32, #tpu.memory_space<vmem>>[vector<16xi32>, vector<16xi32>], vector<16xf32>,
          %add3A_671 = arith.constant 768 : i32
          %add3A_672 = arith.addi %multiple_of3A_158, %add3A_671 : i32
          %add3A_673 = arith.constant 0 : i32
          %add3A_674 = arith.addi %add3A_672, %add3A_673 : i32
          %multiple_of3A_675 = tpu.assume_multiple %add3A_674, 16 : i32
          %swap3A = arith.index_cast %multiple_of3A_675 : i32 to index
          %swap3A_676 = tpu.vector_load %arg7[%swap3A] {strides = array<i32>} : memref<2048xf32, #tpu.memory_space<vmem>>, vector<16xf32>,
          tpu.vector_store %arg7[%swap3A], %gather3A {strides = array<i32>} : memref<2048xf32, #tpu.memory_space<vmem>>, vector<16xf32>,
          %add3A_677 = arith.constant 16 : i32
          %add3A_678 = vector.broadcast %add3A_677 : i32 to vector<16xi32>
          %add3A_679 = arith.addi %iota3A, %add3A_678 : vector<16xi32>
          %gather3A_680 = tpu.vector_load_idx %arg8[%add3A_679, %broadcast_in_dim3A_564] : memref<64x128xf32, #tpu.memory_space<vmem>>[vector<16xi32>, vector<16xi32>], vector<16xf32>,
          %add3A_681 = arith.constant 768 : i32
          %add3A_682 = arith.addi %multiple_of3A_158, %add3A_681 : i32
          %add3A_683 = arith.constant 16 : i32
          %add3A_684 = arith.addi %add3A_682, %add3A_683 : i32
          %multiple_of3A_685 = tpu.assume_multiple %add3A_684, 16 : i32
          %swap3A_686 = arith.index_cast %multiple_of3A_685 : i32 to index
          %swap3A_687 = tpu.vector_load %arg7[%swap3A_686] {strides = array<i32>} : memref<2048xf32, #tpu.memory_space<vmem>>, vector<16xf32>,
          tpu.vector_store %arg7[%swap3A_686], %gather3A_680 {strides = array<i32>} : memref<2048xf32, #tpu.memory_space<vmem>>, vector<16xf32>,
          %add3A_688 = arith.constant 32 : i32
          %add3A_689 = vector.broadcast %add3A_688 : i32 to vector<16xi32>
          %add3A_690 = arith.addi %iota3A, %add3A_689 : vector<16xi32>
          %gather3A_691 = tpu.vector_load_idx %arg8[%add3A_690, %broadcast_in_dim3A_564] : memref<64x128xf32, #tpu.memory_space<vmem>>[vector<16xi32>, vector<16xi32>], vector<16xf32>,
          %add3A_692 = arith.constant 768 : i32
          %add3A_693 = arith.addi %multiple_of3A_158, %add3A_692 : i32
          %add3A_694 = arith.constant 32 : i32
          %add3A_695 = arith.addi %add3A_693, %add3A_694 : i32
          %multiple_of3A_696 = tpu.assume_multiple %add3A_695, 16 : i32
          %swap3A_697 = arith.index_cast %multiple_of3A_696 : i32 to index
          %swap3A_698 = tpu.vector_load %arg7[%swap3A_697] {strides = array<i32>} : memref<2048xf32, #tpu.memory_space<vmem>>, vector<16xf32>,
          tpu.vector_store %arg7[%swap3A_697], %gather3A_691 {strides = array<i32>} : memref<2048xf32, #tpu.memory_space<vmem>>, vector<16xf32>,
          %add3A_699 = arith.constant 48 : i32
          %add3A_700 = vector.broadcast %add3A_699 : i32 to vector<16xi32>
          %add3A_701 = arith.addi %iota3A, %add3A_700 : vector<16xi32>
          %gather3A_702 = tpu.vector_load_idx %arg8[%add3A_701, %broadcast_in_dim3A_564] : memref<64x128xf32, #tpu.memory_space<vmem>>[vector<16xi32>, vector<16xi32>], vector<16xf32>,
          %add3A_703 = arith.constant 768 : i32
          %add3A_704 = arith.addi %multiple_of3A_158, %add3A_703 : i32
          %add3A_705 = arith.constant 48 : i32
          %add3A_706 = arith.addi %add3A_704, %add3A_705 : i32
          %multiple_of3A_707 = tpu.assume_multiple %add3A_706, 16 : i32
          %swap3A_708 = arith.index_cast %multiple_of3A_707 : i32 to index
          %swap3A_709 = tpu.vector_load %arg7[%swap3A_708] {strides = array<i32>} : memref<2048xf32, #tpu.memory_space<vmem>>, vector<16xf32>,
          tpu.vector_store %arg7[%swap3A_708], %gather3A_702 {strides = array<i32>} : memref<2048xf32, #tpu.memory_space<vmem>>, vector<16xf32>,
        } else {
        }
        %lt3A_575 = arith.constant 31 : i32
        %lt3A_576 = arith.cmpi slt, %scan3A_135, %lt3A_575 : i32
        %convert_element_type3A_577 = arith.extui %lt3A_576 : i1 to i32
        %cond3A_578 = arith.constant 0 : i32
        %cond3A_579 = arith.cmpi ne, %convert_element_type3A_577, %cond3A_578 : i32
        scf.if %cond3A_579 {
          %slice3A_668 = vector.extract_strided_slice %get3A_156 {offsets = [4], sizes = [1], strides = [1]} : vector<16xi32> to vector<1xi32>
          %squeeze3A_669 = vector.extract %slice3A_668[0] : i32 from vector<1xi32>
          %lt3A_670 = arith.constant 999936 : i32
          %lt3A_671 = arith.cmpi slt, %squeeze3A_669, %lt3A_670 : i32
          %shift_right_arithmetic3A_672 = arith.constant 7 : i32
          %shift_right_arithmetic3A_673 = arith.shrsi %squeeze3A_669, %shift_right_arithmetic3A_672 : i32
          %shift_left3A_674 = arith.constant 7 : i32
          %shift_left3A_675 = arith.shli %shift_right_arithmetic3A_673, %shift_left3A_674 : i32
          %jit3A_676 = arith.constant 0 : i32
          %select_n3A_677 = arith.select %lt3A_671, %shift_left3A_675, %jit3A_676 : i32
          %multiple_of3A_678 = tpu.assume_multiple %select_n3A_677, 128 : i32
          %dma_start3A_679 = arith.constant 0 : i32
          %dma_start3A_680 = tpu.memref_slice %arg2[%dma_start3A_679, %multiple_of3A_678] : memref<64x1000000xf32, #tpu.memory_space<hbm>> -> memref<64x128xf32, #tpu.memory_space<hbm>>
          %dma_start3A_681 = arith.constant 0 : i32
          %dma_start3A_682 = tpu.memref_slice %arg2[%dma_start3A_681, %multiple_of3A_678] : memref<64x1000000xf32, #tpu.memory_space<hbm>> -> memref<64x128xf32, #tpu.memory_space<hbm>>
          tpu.enqueue_dma source(%dma_start3A_682 : memref<64x128xf32, #tpu.memory_space<hbm>>) target(%arg13 : memref<64x128xf32, #tpu.memory_space<vmem>>) target_semaphore(%arg21 : memref<!tpu.dma_semaphore, #tpu.memory_space<semaphore_mem>>)
        } else {
        }
        %dma_wait3A_580 = arith.constant 0 : i32
        %dma_wait3A_581 = arith.constant 0 : i32
        %dma_wait3A_582 = tpu.memref_slice %arg2[%dma_wait3A_580, %dma_wait3A_581] : memref<64x1000000xf32, #tpu.memory_space<hbm>> -> memref<64x128xf32, #tpu.memory_space<hbm>>
        %dma_wait3A_583 = arith.constant 0 : i32
        %dma_wait3A_584 = arith.constant 0 : i32
        %dma_wait3A_585 = tpu.memref_slice %arg2[%dma_wait3A_583, %dma_wait3A_584] : memref<64x1000000xf32, #tpu.memory_space<hbm>> -> memref<64x128xf32, #tpu.memory_space<hbm>>
        tpu.wait_dma2 semaphore(%arg22 : memref<!tpu.dma_semaphore, #tpu.memory_space<semaphore_mem>>) src(%dma_wait3A_585 : memref<64x128xf32, #tpu.memory_space<hbm>>) dst(%arg14 : memref<64x128xf32, #tpu.memory_space<vmem>>)
        %slice3A_586 = vector.extract_strided_slice %get3A_149 {offsets = [13], sizes = [1], strides = [1]} : vector<16xi32> to vector<1xi32>
        %squeeze3A_587 = vector.extract %slice3A_586[0] : i32 from vector<1xi32>
        %and3A_588 = arith.constant 127 : i32
        %and3A_589 = arith.andi %squeeze3A_587, %and3A_588 : i32
        %broadcast_in_dim3A_590 = vector.broadcast %and3A_589 : i32 to vector<16xi32>
        %lt3A_591 = arith.constant 999936 : i32
        %lt3A_592 = arith.cmpi slt, %squeeze3A_587, %lt3A_591 : i32
        %convert_element_type3A_593 = arith.extui %lt3A_592 : i1 to i32
        %cond3A_594 = arith.constant 0 : i32
        %cond3A_595 = arith.cmpi ne, %convert_element_type3A_593, %cond3A_594 : i32
        scf.if %cond3A_595 {
          %add3A_668 = arith.constant 0 : i32
          %add3A_669 = vector.broadcast %add3A_668 : i32 to vector<16xi32>
          %add3A_670 = arith.addi %iota3A, %add3A_669 : vector<16xi32>
          %gather3A = tpu.vector_load_idx %arg14[%add3A_670, %broadcast_in_dim3A_590] : memref<64x128xf32, #tpu.memory_space<vmem>>[vector<16xi32>, vector<16xi32>], vector<16xf32>,
          %add3A_671 = arith.constant 832 : i32
          %add3A_672 = arith.addi %multiple_of3A_158, %add3A_671 : i32
          %add3A_673 = arith.constant 0 : i32
          %add3A_674 = arith.addi %add3A_672, %add3A_673 : i32
          %multiple_of3A_675 = tpu.assume_multiple %add3A_674, 16 : i32
          %swap3A = arith.index_cast %multiple_of3A_675 : i32 to index
          %swap3A_676 = tpu.vector_load %arg7[%swap3A] {strides = array<i32>} : memref<2048xf32, #tpu.memory_space<vmem>>, vector<16xf32>,
          tpu.vector_store %arg7[%swap3A], %gather3A {strides = array<i32>} : memref<2048xf32, #tpu.memory_space<vmem>>, vector<16xf32>,
          %add3A_677 = arith.constant 16 : i32
          %add3A_678 = vector.broadcast %add3A_677 : i32 to vector<16xi32>
          %add3A_679 = arith.addi %iota3A, %add3A_678 : vector<16xi32>
          %gather3A_680 = tpu.vector_load_idx %arg14[%add3A_679, %broadcast_in_dim3A_590] : memref<64x128xf32, #tpu.memory_space<vmem>>[vector<16xi32>, vector<16xi32>], vector<16xf32>,
          %add3A_681 = arith.constant 832 : i32
          %add3A_682 = arith.addi %multiple_of3A_158, %add3A_681 : i32
          %add3A_683 = arith.constant 16 : i32
          %add3A_684 = arith.addi %add3A_682, %add3A_683 : i32
          %multiple_of3A_685 = tpu.assume_multiple %add3A_684, 16 : i32
          %swap3A_686 = arith.index_cast %multiple_of3A_685 : i32 to index
          %swap3A_687 = tpu.vector_load %arg7[%swap3A_686] {strides = array<i32>} : memref<2048xf32, #tpu.memory_space<vmem>>, vector<16xf32>,
          tpu.vector_store %arg7[%swap3A_686], %gather3A_680 {strides = array<i32>} : memref<2048xf32, #tpu.memory_space<vmem>>, vector<16xf32>,
          %add3A_688 = arith.constant 32 : i32
          %add3A_689 = vector.broadcast %add3A_688 : i32 to vector<16xi32>
          %add3A_690 = arith.addi %iota3A, %add3A_689 : vector<16xi32>
          %gather3A_691 = tpu.vector_load_idx %arg14[%add3A_690, %broadcast_in_dim3A_590] : memref<64x128xf32, #tpu.memory_space<vmem>>[vector<16xi32>, vector<16xi32>], vector<16xf32>,
          %add3A_692 = arith.constant 832 : i32
          %add3A_693 = arith.addi %multiple_of3A_158, %add3A_692 : i32
          %add3A_694 = arith.constant 32 : i32
          %add3A_695 = arith.addi %add3A_693, %add3A_694 : i32
          %multiple_of3A_696 = tpu.assume_multiple %add3A_695, 16 : i32
          %swap3A_697 = arith.index_cast %multiple_of3A_696 : i32 to index
          %swap3A_698 = tpu.vector_load %arg7[%swap3A_697] {strides = array<i32>} : memref<2048xf32, #tpu.memory_space<vmem>>, vector<16xf32>,
          tpu.vector_store %arg7[%swap3A_697], %gather3A_691 {strides = array<i32>} : memref<2048xf32, #tpu.memory_space<vmem>>, vector<16xf32>,
          %add3A_699 = arith.constant 48 : i32
          %add3A_700 = vector.broadcast %add3A_699 : i32 to vector<16xi32>
          %add3A_701 = arith.addi %iota3A, %add3A_700 : vector<16xi32>
          %gather3A_702 = tpu.vector_load_idx %arg14[%add3A_701, %broadcast_in_dim3A_590] : memref<64x128xf32, #tpu.memory_space<vmem>>[vector<16xi32>, vector<16xi32>], vector<16xf32>,
          %add3A_703 = arith.constant 832 : i32
          %add3A_704 = arith.addi %multiple_of3A_158, %add3A_703 : i32
          %add3A_705 = arith.constant 48 : i32
          %add3A_706 = arith.addi %add3A_704, %add3A_705 : i32
          %multiple_of3A_707 = tpu.assume_multiple %add3A_706, 16 : i32
          %swap3A_708 = arith.index_cast %multiple_of3A_707 : i32 to index
          %swap3A_709 = tpu.vector_load %arg7[%swap3A_708] {strides = array<i32>} : memref<2048xf32, #tpu.memory_space<vmem>>, vector<16xf32>,
          tpu.vector_store %arg7[%swap3A_708], %gather3A_702 {strides = array<i32>} : memref<2048xf32, #tpu.memory_space<vmem>>, vector<16xf32>,
        } else {
        }
        %ge3A_596 = arith.constant 999936 : i32
        %ge3A_597 = arith.cmpi sge, %squeeze3A_587, %ge3A_596 : i32
        %convert_element_type3A_598 = arith.extui %ge3A_597 : i1 to i32
        %cond3A_599 = arith.constant 0 : i32
        %cond3A_600 = arith.cmpi ne, %convert_element_type3A_598, %cond3A_599 : i32
        scf.if %cond3A_600 {
          %add3A_668 = arith.constant 0 : i32
          %add3A_669 = vector.broadcast %add3A_668 : i32 to vector<16xi32>
          %add3A_670 = arith.addi %iota3A, %add3A_669 : vector<16xi32>
          %gather3A = tpu.vector_load_idx %arg8[%add3A_670, %broadcast_in_dim3A_590] : memref<64x128xf32, #tpu.memory_space<vmem>>[vector<16xi32>, vector<16xi32>], vector<16xf32>,
          %add3A_671 = arith.constant 832 : i32
          %add3A_672 = arith.addi %multiple_of3A_158, %add3A_671 : i32
          %add3A_673 = arith.constant 0 : i32
          %add3A_674 = arith.addi %add3A_672, %add3A_673 : i32
          %multiple_of3A_675 = tpu.assume_multiple %add3A_674, 16 : i32
          %swap3A = arith.index_cast %multiple_of3A_675 : i32 to index
          %swap3A_676 = tpu.vector_load %arg7[%swap3A] {strides = array<i32>} : memref<2048xf32, #tpu.memory_space<vmem>>, vector<16xf32>,
          tpu.vector_store %arg7[%swap3A], %gather3A {strides = array<i32>} : memref<2048xf32, #tpu.memory_space<vmem>>, vector<16xf32>,
          %add3A_677 = arith.constant 16 : i32
          %add3A_678 = vector.broadcast %add3A_677 : i32 to vector<16xi32>
          %add3A_679 = arith.addi %iota3A, %add3A_678 : vector<16xi32>
          %gather3A_680 = tpu.vector_load_idx %arg8[%add3A_679, %broadcast_in_dim3A_590] : memref<64x128xf32, #tpu.memory_space<vmem>>[vector<16xi32>, vector<16xi32>], vector<16xf32>,
          %add3A_681 = arith.constant 832 : i32
          %add3A_682 = arith.addi %multiple_of3A_158, %add3A_681 : i32
          %add3A_683 = arith.constant 16 : i32
          %add3A_684 = arith.addi %add3A_682, %add3A_683 : i32
          %multiple_of3A_685 = tpu.assume_multiple %add3A_684, 16 : i32
          %swap3A_686 = arith.index_cast %multiple_of3A_685 : i32 to index
          %swap3A_687 = tpu.vector_load %arg7[%swap3A_686] {strides = array<i32>} : memref<2048xf32, #tpu.memory_space<vmem>>, vector<16xf32>,
          tpu.vector_store %arg7[%swap3A_686], %gather3A_680 {strides = array<i32>} : memref<2048xf32, #tpu.memory_space<vmem>>, vector<16xf32>,
          %add3A_688 = arith.constant 32 : i32
          %add3A_689 = vector.broadcast %add3A_688 : i32 to vector<16xi32>
          %add3A_690 = arith.addi %iota3A, %add3A_689 : vector<16xi32>
          %gather3A_691 = tpu.vector_load_idx %arg8[%add3A_690, %broadcast_in_dim3A_590] : memref<64x128xf32, #tpu.memory_space<vmem>>[vector<16xi32>, vector<16xi32>], vector<16xf32>,
          %add3A_692 = arith.constant 832 : i32
          %add3A_693 = arith.addi %multiple_of3A_158, %add3A_692 : i32
          %add3A_694 = arith.constant 32 : i32
          %add3A_695 = arith.addi %add3A_693, %add3A_694 : i32
          %multiple_of3A_696 = tpu.assume_multiple %add3A_695, 16 : i32
          %swap3A_697 = arith.index_cast %multiple_of3A_696 : i32 to index
          %swap3A_698 = tpu.vector_load %arg7[%swap3A_697] {strides = array<i32>} : memref<2048xf32, #tpu.memory_space<vmem>>, vector<16xf32>,
          tpu.vector_store %arg7[%swap3A_697], %gather3A_691 {strides = array<i32>} : memref<2048xf32, #tpu.memory_space<vmem>>, vector<16xf32>,
          %add3A_699 = arith.constant 48 : i32
          %add3A_700 = vector.broadcast %add3A_699 : i32 to vector<16xi32>
          %add3A_701 = arith.addi %iota3A, %add3A_700 : vector<16xi32>
          %gather3A_702 = tpu.vector_load_idx %arg8[%add3A_701, %broadcast_in_dim3A_590] : memref<64x128xf32, #tpu.memory_space<vmem>>[vector<16xi32>, vector<16xi32>], vector<16xf32>,
          %add3A_703 = arith.constant 832 : i32
          %add3A_704 = arith.addi %multiple_of3A_158, %add3A_703 : i32
          %add3A_705 = arith.constant 48 : i32
          %add3A_706 = arith.addi %add3A_704, %add3A_705 : i32
          %multiple_of3A_707 = tpu.assume_multiple %add3A_706, 16 : i32
          %swap3A_708 = arith.index_cast %multiple_of3A_707 : i32 to index
          %swap3A_709 = tpu.vector_load %arg7[%swap3A_708] {strides = array<i32>} : memref<2048xf32, #tpu.memory_space<vmem>>, vector<16xf32>,
          tpu.vector_store %arg7[%swap3A_708], %gather3A_702 {strides = array<i32>} : memref<2048xf32, #tpu.memory_space<vmem>>, vector<16xf32>,
        } else {
        }
        %lt3A_601 = arith.constant 31 : i32
        %lt3A_602 = arith.cmpi slt, %scan3A_135, %lt3A_601 : i32
        %convert_element_type3A_603 = arith.extui %lt3A_602 : i1 to i32
        %cond3A_604 = arith.constant 0 : i32
        %cond3A_605 = arith.cmpi ne, %convert_element_type3A_603, %cond3A_604 : i32
        scf.if %cond3A_605 {
          %slice3A_668 = vector.extract_strided_slice %get3A_156 {offsets = [5], sizes = [1], strides = [1]} : vector<16xi32> to vector<1xi32>
          %squeeze3A_669 = vector.extract %slice3A_668[0] : i32 from vector<1xi32>
          %lt3A_670 = arith.constant 999936 : i32
          %lt3A_671 = arith.cmpi slt, %squeeze3A_669, %lt3A_670 : i32
          %shift_right_arithmetic3A_672 = arith.constant 7 : i32
          %shift_right_arithmetic3A_673 = arith.shrsi %squeeze3A_669, %shift_right_arithmetic3A_672 : i32
          %shift_left3A_674 = arith.constant 7 : i32
          %shift_left3A_675 = arith.shli %shift_right_arithmetic3A_673, %shift_left3A_674 : i32
          %jit3A_676 = arith.constant 0 : i32
          %select_n3A_677 = arith.select %lt3A_671, %shift_left3A_675, %jit3A_676 : i32
          %multiple_of3A_678 = tpu.assume_multiple %select_n3A_677, 128 : i32
          %dma_start3A_679 = arith.constant 0 : i32
          %dma_start3A_680 = tpu.memref_slice %arg2[%dma_start3A_679, %multiple_of3A_678] : memref<64x1000000xf32, #tpu.memory_space<hbm>> -> memref<64x128xf32, #tpu.memory_space<hbm>>
          %dma_start3A_681 = arith.constant 0 : i32
          %dma_start3A_682 = tpu.memref_slice %arg2[%dma_start3A_681, %multiple_of3A_678] : memref<64x1000000xf32, #tpu.memory_space<hbm>> -> memref<64x128xf32, #tpu.memory_space<hbm>>
          tpu.enqueue_dma source(%dma_start3A_682 : memref<64x128xf32, #tpu.memory_space<hbm>>) target(%arg14 : memref<64x128xf32, #tpu.memory_space<vmem>>) target_semaphore(%arg22 : memref<!tpu.dma_semaphore, #tpu.memory_space<semaphore_mem>>)
        } else {
        }
        %dma_wait3A_606 = arith.constant 0 : i32
        %dma_wait3A_607 = arith.constant 0 : i32
        %dma_wait3A_608 = tpu.memref_slice %arg2[%dma_wait3A_606, %dma_wait3A_607] : memref<64x1000000xf32, #tpu.memory_space<hbm>> -> memref<64x128xf32, #tpu.memory_space<hbm>>
        %dma_wait3A_609 = arith.constant 0 : i32
        %dma_wait3A_610 = arith.constant 0 : i32
        %dma_wait3A_611 = tpu.memref_slice %arg2[%dma_wait3A_609, %dma_wait3A_610] : memref<64x1000000xf32, #tpu.memory_space<hbm>> -> memref<64x128xf32, #tpu.memory_space<hbm>>
        tpu.wait_dma2 semaphore(%arg23 : memref<!tpu.dma_semaphore, #tpu.memory_space<semaphore_mem>>) src(%dma_wait3A_611 : memref<64x128xf32, #tpu.memory_space<hbm>>) dst(%arg15 : memref<64x128xf32, #tpu.memory_space<vmem>>)
        %slice3A_612 = vector.extract_strided_slice %get3A_149 {offsets = [14], sizes = [1], strides = [1]} : vector<16xi32> to vector<1xi32>
        %squeeze3A_613 = vector.extract %slice3A_612[0] : i32 from vector<1xi32>
        %and3A_614 = arith.constant 127 : i32
        %and3A_615 = arith.andi %squeeze3A_613, %and3A_614 : i32
        %broadcast_in_dim3A_616 = vector.broadcast %and3A_615 : i32 to vector<16xi32>
        %lt3A_617 = arith.constant 999936 : i32
        %lt3A_618 = arith.cmpi slt, %squeeze3A_613, %lt3A_617 : i32
        %convert_element_type3A_619 = arith.extui %lt3A_618 : i1 to i32
        %cond3A_620 = arith.constant 0 : i32
        %cond3A_621 = arith.cmpi ne, %convert_element_type3A_619, %cond3A_620 : i32
        scf.if %cond3A_621 {
          %add3A_668 = arith.constant 0 : i32
          %add3A_669 = vector.broadcast %add3A_668 : i32 to vector<16xi32>
          %add3A_670 = arith.addi %iota3A, %add3A_669 : vector<16xi32>
          %gather3A = tpu.vector_load_idx %arg15[%add3A_670, %broadcast_in_dim3A_616] : memref<64x128xf32, #tpu.memory_space<vmem>>[vector<16xi32>, vector<16xi32>], vector<16xf32>,
          %add3A_671 = arith.constant 896 : i32
          %add3A_672 = arith.addi %multiple_of3A_158, %add3A_671 : i32
          %add3A_673 = arith.constant 0 : i32
          %add3A_674 = arith.addi %add3A_672, %add3A_673 : i32
          %multiple_of3A_675 = tpu.assume_multiple %add3A_674, 16 : i32
          %swap3A = arith.index_cast %multiple_of3A_675 : i32 to index
          %swap3A_676 = tpu.vector_load %arg7[%swap3A] {strides = array<i32>} : memref<2048xf32, #tpu.memory_space<vmem>>, vector<16xf32>,
          tpu.vector_store %arg7[%swap3A], %gather3A {strides = array<i32>} : memref<2048xf32, #tpu.memory_space<vmem>>, vector<16xf32>,
          %add3A_677 = arith.constant 16 : i32
          %add3A_678 = vector.broadcast %add3A_677 : i32 to vector<16xi32>
          %add3A_679 = arith.addi %iota3A, %add3A_678 : vector<16xi32>
          %gather3A_680 = tpu.vector_load_idx %arg15[%add3A_679, %broadcast_in_dim3A_616] : memref<64x128xf32, #tpu.memory_space<vmem>>[vector<16xi32>, vector<16xi32>], vector<16xf32>,
          %add3A_681 = arith.constant 896 : i32
          %add3A_682 = arith.addi %multiple_of3A_158, %add3A_681 : i32
          %add3A_683 = arith.constant 16 : i32
          %add3A_684 = arith.addi %add3A_682, %add3A_683 : i32
          %multiple_of3A_685 = tpu.assume_multiple %add3A_684, 16 : i32
          %swap3A_686 = arith.index_cast %multiple_of3A_685 : i32 to index
          %swap3A_687 = tpu.vector_load %arg7[%swap3A_686] {strides = array<i32>} : memref<2048xf32, #tpu.memory_space<vmem>>, vector<16xf32>,
          tpu.vector_store %arg7[%swap3A_686], %gather3A_680 {strides = array<i32>} : memref<2048xf32, #tpu.memory_space<vmem>>, vector<16xf32>,
          %add3A_688 = arith.constant 32 : i32
          %add3A_689 = vector.broadcast %add3A_688 : i32 to vector<16xi32>
          %add3A_690 = arith.addi %iota3A, %add3A_689 : vector<16xi32>
          %gather3A_691 = tpu.vector_load_idx %arg15[%add3A_690, %broadcast_in_dim3A_616] : memref<64x128xf32, #tpu.memory_space<vmem>>[vector<16xi32>, vector<16xi32>], vector<16xf32>,
          %add3A_692 = arith.constant 896 : i32
          %add3A_693 = arith.addi %multiple_of3A_158, %add3A_692 : i32
          %add3A_694 = arith.constant 32 : i32
          %add3A_695 = arith.addi %add3A_693, %add3A_694 : i32
          %multiple_of3A_696 = tpu.assume_multiple %add3A_695, 16 : i32
          %swap3A_697 = arith.index_cast %multiple_of3A_696 : i32 to index
          %swap3A_698 = tpu.vector_load %arg7[%swap3A_697] {strides = array<i32>} : memref<2048xf32, #tpu.memory_space<vmem>>, vector<16xf32>,
          tpu.vector_store %arg7[%swap3A_697], %gather3A_691 {strides = array<i32>} : memref<2048xf32, #tpu.memory_space<vmem>>, vector<16xf32>,
          %add3A_699 = arith.constant 48 : i32
          %add3A_700 = vector.broadcast %add3A_699 : i32 to vector<16xi32>
          %add3A_701 = arith.addi %iota3A, %add3A_700 : vector<16xi32>
          %gather3A_702 = tpu.vector_load_idx %arg15[%add3A_701, %broadcast_in_dim3A_616] : memref<64x128xf32, #tpu.memory_space<vmem>>[vector<16xi32>, vector<16xi32>], vector<16xf32>,
          %add3A_703 = arith.constant 896 : i32
          %add3A_704 = arith.addi %multiple_of3A_158, %add3A_703 : i32
          %add3A_705 = arith.constant 48 : i32
          %add3A_706 = arith.addi %add3A_704, %add3A_705 : i32
          %multiple_of3A_707 = tpu.assume_multiple %add3A_706, 16 : i32
          %swap3A_708 = arith.index_cast %multiple_of3A_707 : i32 to index
          %swap3A_709 = tpu.vector_load %arg7[%swap3A_708] {strides = array<i32>} : memref<2048xf32, #tpu.memory_space<vmem>>, vector<16xf32>,
          tpu.vector_store %arg7[%swap3A_708], %gather3A_702 {strides = array<i32>} : memref<2048xf32, #tpu.memory_space<vmem>>, vector<16xf32>,
        } else {
        }
        %ge3A_622 = arith.constant 999936 : i32
        %ge3A_623 = arith.cmpi sge, %squeeze3A_613, %ge3A_622 : i32
        %convert_element_type3A_624 = arith.extui %ge3A_623 : i1 to i32
        %cond3A_625 = arith.constant 0 : i32
        %cond3A_626 = arith.cmpi ne, %convert_element_type3A_624, %cond3A_625 : i32
        scf.if %cond3A_626 {
          %add3A_668 = arith.constant 0 : i32
          %add3A_669 = vector.broadcast %add3A_668 : i32 to vector<16xi32>
          %add3A_670 = arith.addi %iota3A, %add3A_669 : vector<16xi32>
          %gather3A = tpu.vector_load_idx %arg8[%add3A_670, %broadcast_in_dim3A_616] : memref<64x128xf32, #tpu.memory_space<vmem>>[vector<16xi32>, vector<16xi32>], vector<16xf32>,
          %add3A_671 = arith.constant 896 : i32
          %add3A_672 = arith.addi %multiple_of3A_158, %add3A_671 : i32
          %add3A_673 = arith.constant 0 : i32
          %add3A_674 = arith.addi %add3A_672, %add3A_673 : i32
          %multiple_of3A_675 = tpu.assume_multiple %add3A_674, 16 : i32
          %swap3A = arith.index_cast %multiple_of3A_675 : i32 to index
          %swap3A_676 = tpu.vector_load %arg7[%swap3A] {strides = array<i32>} : memref<2048xf32, #tpu.memory_space<vmem>>, vector<16xf32>,
          tpu.vector_store %arg7[%swap3A], %gather3A {strides = array<i32>} : memref<2048xf32, #tpu.memory_space<vmem>>, vector<16xf32>,
          %add3A_677 = arith.constant 16 : i32
          %add3A_678 = vector.broadcast %add3A_677 : i32 to vector<16xi32>
          %add3A_679 = arith.addi %iota3A, %add3A_678 : vector<16xi32>
          %gather3A_680 = tpu.vector_load_idx %arg8[%add3A_679, %broadcast_in_dim3A_616] : memref<64x128xf32, #tpu.memory_space<vmem>>[vector<16xi32>, vector<16xi32>], vector<16xf32>,
          %add3A_681 = arith.constant 896 : i32
          %add3A_682 = arith.addi %multiple_of3A_158, %add3A_681 : i32
          %add3A_683 = arith.constant 16 : i32
          %add3A_684 = arith.addi %add3A_682, %add3A_683 : i32
          %multiple_of3A_685 = tpu.assume_multiple %add3A_684, 16 : i32
          %swap3A_686 = arith.index_cast %multiple_of3A_685 : i32 to index
          %swap3A_687 = tpu.vector_load %arg7[%swap3A_686] {strides = array<i32>} : memref<2048xf32, #tpu.memory_space<vmem>>, vector<16xf32>,
          tpu.vector_store %arg7[%swap3A_686], %gather3A_680 {strides = array<i32>} : memref<2048xf32, #tpu.memory_space<vmem>>, vector<16xf32>,
          %add3A_688 = arith.constant 32 : i32
          %add3A_689 = vector.broadcast %add3A_688 : i32 to vector<16xi32>
          %add3A_690 = arith.addi %iota3A, %add3A_689 : vector<16xi32>
          %gather3A_691 = tpu.vector_load_idx %arg8[%add3A_690, %broadcast_in_dim3A_616] : memref<64x128xf32, #tpu.memory_space<vmem>>[vector<16xi32>, vector<16xi32>], vector<16xf32>,
          %add3A_692 = arith.constant 896 : i32
          %add3A_693 = arith.addi %multiple_of3A_158, %add3A_692 : i32
          %add3A_694 = arith.constant 32 : i32
          %add3A_695 = arith.addi %add3A_693, %add3A_694 : i32
          %multiple_of3A_696 = tpu.assume_multiple %add3A_695, 16 : i32
          %swap3A_697 = arith.index_cast %multiple_of3A_696 : i32 to index
          %swap3A_698 = tpu.vector_load %arg7[%swap3A_697] {strides = array<i32>} : memref<2048xf32, #tpu.memory_space<vmem>>, vector<16xf32>,
          tpu.vector_store %arg7[%swap3A_697], %gather3A_691 {strides = array<i32>} : memref<2048xf32, #tpu.memory_space<vmem>>, vector<16xf32>,
          %add3A_699 = arith.constant 48 : i32
          %add3A_700 = vector.broadcast %add3A_699 : i32 to vector<16xi32>
          %add3A_701 = arith.addi %iota3A, %add3A_700 : vector<16xi32>
          %gather3A_702 = tpu.vector_load_idx %arg8[%add3A_701, %broadcast_in_dim3A_616] : memref<64x128xf32, #tpu.memory_space<vmem>>[vector<16xi32>, vector<16xi32>], vector<16xf32>,
          %add3A_703 = arith.constant 896 : i32
          %add3A_704 = arith.addi %multiple_of3A_158, %add3A_703 : i32
          %add3A_705 = arith.constant 48 : i32
          %add3A_706 = arith.addi %add3A_704, %add3A_705 : i32
          %multiple_of3A_707 = tpu.assume_multiple %add3A_706, 16 : i32
          %swap3A_708 = arith.index_cast %multiple_of3A_707 : i32 to index
          %swap3A_709 = tpu.vector_load %arg7[%swap3A_708] {strides = array<i32>} : memref<2048xf32, #tpu.memory_space<vmem>>, vector<16xf32>,
          tpu.vector_store %arg7[%swap3A_708], %gather3A_702 {strides = array<i32>} : memref<2048xf32, #tpu.memory_space<vmem>>, vector<16xf32>,
        } else {
        }
        %lt3A_627 = arith.constant 31 : i32
        %lt3A_628 = arith.cmpi slt, %scan3A_135, %lt3A_627 : i32
        %convert_element_type3A_629 = arith.extui %lt3A_628 : i1 to i32
        %cond3A_630 = arith.constant 0 : i32
        %cond3A_631 = arith.cmpi ne, %convert_element_type3A_629, %cond3A_630 : i32
        scf.if %cond3A_631 {
          %slice3A_668 = vector.extract_strided_slice %get3A_156 {offsets = [6], sizes = [1], strides = [1]} : vector<16xi32> to vector<1xi32>
          %squeeze3A_669 = vector.extract %slice3A_668[0] : i32 from vector<1xi32>
          %lt3A_670 = arith.constant 999936 : i32
          %lt3A_671 = arith.cmpi slt, %squeeze3A_669, %lt3A_670 : i32
          %shift_right_arithmetic3A_672 = arith.constant 7 : i32
          %shift_right_arithmetic3A_673 = arith.shrsi %squeeze3A_669, %shift_right_arithmetic3A_672 : i32
          %shift_left3A_674 = arith.constant 7 : i32
          %shift_left3A_675 = arith.shli %shift_right_arithmetic3A_673, %shift_left3A_674 : i32
          %jit3A_676 = arith.constant 0 : i32
          %select_n3A_677 = arith.select %lt3A_671, %shift_left3A_675, %jit3A_676 : i32
          %multiple_of3A_678 = tpu.assume_multiple %select_n3A_677, 128 : i32
          %dma_start3A_679 = arith.constant 0 : i32
          %dma_start3A_680 = tpu.memref_slice %arg2[%dma_start3A_679, %multiple_of3A_678] : memref<64x1000000xf32, #tpu.memory_space<hbm>> -> memref<64x128xf32, #tpu.memory_space<hbm>>
          %dma_start3A_681 = arith.constant 0 : i32
          %dma_start3A_682 = tpu.memref_slice %arg2[%dma_start3A_681, %multiple_of3A_678] : memref<64x1000000xf32, #tpu.memory_space<hbm>> -> memref<64x128xf32, #tpu.memory_space<hbm>>
          tpu.enqueue_dma source(%dma_start3A_682 : memref<64x128xf32, #tpu.memory_space<hbm>>) target(%arg15 : memref<64x128xf32, #tpu.memory_space<vmem>>) target_semaphore(%arg23 : memref<!tpu.dma_semaphore, #tpu.memory_space<semaphore_mem>>)
        } else {
        }
        %dma_wait3A_632 = arith.constant 0 : i32
        %dma_wait3A_633 = arith.constant 0 : i32
        %dma_wait3A_634 = tpu.memref_slice %arg2[%dma_wait3A_632, %dma_wait3A_633] : memref<64x1000000xf32, #tpu.memory_space<hbm>> -> memref<64x128xf32, #tpu.memory_space<hbm>>
        %dma_wait3A_635 = arith.constant 0 : i32
        %dma_wait3A_636 = arith.constant 0 : i32
        %dma_wait3A_637 = tpu.memref_slice %arg2[%dma_wait3A_635, %dma_wait3A_636] : memref<64x1000000xf32, #tpu.memory_space<hbm>> -> memref<64x128xf32, #tpu.memory_space<hbm>>
        tpu.wait_dma2 semaphore(%arg24 : memref<!tpu.dma_semaphore, #tpu.memory_space<semaphore_mem>>) src(%dma_wait3A_637 : memref<64x128xf32, #tpu.memory_space<hbm>>) dst(%arg16 : memref<64x128xf32, #tpu.memory_space<vmem>>)
        %slice3A_638 = vector.extract_strided_slice %get3A_149 {offsets = [15], sizes = [1], strides = [1]} : vector<16xi32> to vector<1xi32>
        %squeeze3A_639 = vector.extract %slice3A_638[0] : i32 from vector<1xi32>
        %and3A_640 = arith.constant 127 : i32
        %and3A_641 = arith.andi %squeeze3A_639, %and3A_640 : i32
        %broadcast_in_dim3A_642 = vector.broadcast %and3A_641 : i32 to vector<16xi32>
        %lt3A_643 = arith.constant 999936 : i32
        %lt3A_644 = arith.cmpi slt, %squeeze3A_639, %lt3A_643 : i32
        %convert_element_type3A_645 = arith.extui %lt3A_644 : i1 to i32
        %cond3A_646 = arith.constant 0 : i32
        %cond3A_647 = arith.cmpi ne, %convert_element_type3A_645, %cond3A_646 : i32
        scf.if %cond3A_647 {
          %add3A_668 = arith.constant 0 : i32
          %add3A_669 = vector.broadcast %add3A_668 : i32 to vector<16xi32>
          %add3A_670 = arith.addi %iota3A, %add3A_669 : vector<16xi32>
          %gather3A = tpu.vector_load_idx %arg16[%add3A_670, %broadcast_in_dim3A_642] : memref<64x128xf32, #tpu.memory_space<vmem>>[vector<16xi32>, vector<16xi32>], vector<16xf32>,
          %add3A_671 = arith.constant 960 : i32
          %add3A_672 = arith.addi %multiple_of3A_158, %add3A_671 : i32
          %add3A_673 = arith.constant 0 : i32
          %add3A_674 = arith.addi %add3A_672, %add3A_673 : i32
          %multiple_of3A_675 = tpu.assume_multiple %add3A_674, 16 : i32
          %swap3A = arith.index_cast %multiple_of3A_675 : i32 to index
          %swap3A_676 = tpu.vector_load %arg7[%swap3A] {strides = array<i32>} : memref<2048xf32, #tpu.memory_space<vmem>>, vector<16xf32>,
          tpu.vector_store %arg7[%swap3A], %gather3A {strides = array<i32>} : memref<2048xf32, #tpu.memory_space<vmem>>, vector<16xf32>,
          %add3A_677 = arith.constant 16 : i32
          %add3A_678 = vector.broadcast %add3A_677 : i32 to vector<16xi32>
          %add3A_679 = arith.addi %iota3A, %add3A_678 : vector<16xi32>
          %gather3A_680 = tpu.vector_load_idx %arg16[%add3A_679, %broadcast_in_dim3A_642] : memref<64x128xf32, #tpu.memory_space<vmem>>[vector<16xi32>, vector<16xi32>], vector<16xf32>,
          %add3A_681 = arith.constant 960 : i32
          %add3A_682 = arith.addi %multiple_of3A_158, %add3A_681 : i32
          %add3A_683 = arith.constant 16 : i32
          %add3A_684 = arith.addi %add3A_682, %add3A_683 : i32
          %multiple_of3A_685 = tpu.assume_multiple %add3A_684, 16 : i32
          %swap3A_686 = arith.index_cast %multiple_of3A_685 : i32 to index
          %swap3A_687 = tpu.vector_load %arg7[%swap3A_686] {strides = array<i32>} : memref<2048xf32, #tpu.memory_space<vmem>>, vector<16xf32>,
          tpu.vector_store %arg7[%swap3A_686], %gather3A_680 {strides = array<i32>} : memref<2048xf32, #tpu.memory_space<vmem>>, vector<16xf32>,
          %add3A_688 = arith.constant 32 : i32
          %add3A_689 = vector.broadcast %add3A_688 : i32 to vector<16xi32>
          %add3A_690 = arith.addi %iota3A, %add3A_689 : vector<16xi32>
          %gather3A_691 = tpu.vector_load_idx %arg16[%add3A_690, %broadcast_in_dim3A_642] : memref<64x128xf32, #tpu.memory_space<vmem>>[vector<16xi32>, vector<16xi32>], vector<16xf32>,
          %add3A_692 = arith.constant 960 : i32
          %add3A_693 = arith.addi %multiple_of3A_158, %add3A_692 : i32
          %add3A_694 = arith.constant 32 : i32
          %add3A_695 = arith.addi %add3A_693, %add3A_694 : i32
          %multiple_of3A_696 = tpu.assume_multiple %add3A_695, 16 : i32
          %swap3A_697 = arith.index_cast %multiple_of3A_696 : i32 to index
          %swap3A_698 = tpu.vector_load %arg7[%swap3A_697] {strides = array<i32>} : memref<2048xf32, #tpu.memory_space<vmem>>, vector<16xf32>,
          tpu.vector_store %arg7[%swap3A_697], %gather3A_691 {strides = array<i32>} : memref<2048xf32, #tpu.memory_space<vmem>>, vector<16xf32>,
          %add3A_699 = arith.constant 48 : i32
          %add3A_700 = vector.broadcast %add3A_699 : i32 to vector<16xi32>
          %add3A_701 = arith.addi %iota3A, %add3A_700 : vector<16xi32>
          %gather3A_702 = tpu.vector_load_idx %arg16[%add3A_701, %broadcast_in_dim3A_642] : memref<64x128xf32, #tpu.memory_space<vmem>>[vector<16xi32>, vector<16xi32>], vector<16xf32>,
          %add3A_703 = arith.constant 960 : i32
          %add3A_704 = arith.addi %multiple_of3A_158, %add3A_703 : i32
          %add3A_705 = arith.constant 48 : i32
          %add3A_706 = arith.addi %add3A_704, %add3A_705 : i32
          %multiple_of3A_707 = tpu.assume_multiple %add3A_706, 16 : i32
          %swap3A_708 = arith.index_cast %multiple_of3A_707 : i32 to index
          %swap3A_709 = tpu.vector_load %arg7[%swap3A_708] {strides = array<i32>} : memref<2048xf32, #tpu.memory_space<vmem>>, vector<16xf32>,
          tpu.vector_store %arg7[%swap3A_708], %gather3A_702 {strides = array<i32>} : memref<2048xf32, #tpu.memory_space<vmem>>, vector<16xf32>,
        } else {
        }
        %ge3A_648 = arith.constant 999936 : i32
        %ge3A_649 = arith.cmpi sge, %squeeze3A_639, %ge3A_648 : i32
        %convert_element_type3A_650 = arith.extui %ge3A_649 : i1 to i32
        %cond3A_651 = arith.constant 0 : i32
        %cond3A_652 = arith.cmpi ne, %convert_element_type3A_650, %cond3A_651 : i32
        scf.if %cond3A_652 {
          %add3A_668 = arith.constant 0 : i32
          %add3A_669 = vector.broadcast %add3A_668 : i32 to vector<16xi32>
          %add3A_670 = arith.addi %iota3A, %add3A_669 : vector<16xi32>
          %gather3A = tpu.vector_load_idx %arg8[%add3A_670, %broadcast_in_dim3A_642] : memref<64x128xf32, #tpu.memory_space<vmem>>[vector<16xi32>, vector<16xi32>], vector<16xf32>,
          %add3A_671 = arith.constant 960 : i32
          %add3A_672 = arith.addi %multiple_of3A_158, %add3A_671 : i32
          %add3A_673 = arith.constant 0 : i32
          %add3A_674 = arith.addi %add3A_672, %add3A_673 : i32
          %multiple_of3A_675 = tpu.assume_multiple %add3A_674, 16 : i32
          %swap3A = arith.index_cast %multiple_of3A_675 : i32 to index
          %swap3A_676 = tpu.vector_load %arg7[%swap3A] {strides = array<i32>} : memref<2048xf32, #tpu.memory_space<vmem>>, vector<16xf32>,
          tpu.vector_store %arg7[%swap3A], %gather3A {strides = array<i32>} : memref<2048xf32, #tpu.memory_space<vmem>>, vector<16xf32>,
          %add3A_677 = arith.constant 16 : i32
          %add3A_678 = vector.broadcast %add3A_677 : i32 to vector<16xi32>
          %add3A_679 = arith.addi %iota3A, %add3A_678 : vector<16xi32>
          %gather3A_680 = tpu.vector_load_idx %arg8[%add3A_679, %broadcast_in_dim3A_642] : memref<64x128xf32, #tpu.memory_space<vmem>>[vector<16xi32>, vector<16xi32>], vector<16xf32>,
          %add3A_681 = arith.constant 960 : i32
          %add3A_682 = arith.addi %multiple_of3A_158, %add3A_681 : i32
          %add3A_683 = arith.constant 16 : i32
          %add3A_684 = arith.addi %add3A_682, %add3A_683 : i32
          %multiple_of3A_685 = tpu.assume_multiple %add3A_684, 16 : i32
          %swap3A_686 = arith.index_cast %multiple_of3A_685 : i32 to index
          %swap3A_687 = tpu.vector_load %arg7[%swap3A_686] {strides = array<i32>} : memref<2048xf32, #tpu.memory_space<vmem>>, vector<16xf32>,
          tpu.vector_store %arg7[%swap3A_686], %gather3A_680 {strides = array<i32>} : memref<2048xf32, #tpu.memory_space<vmem>>, vector<16xf32>,
          %add3A_688 = arith.constant 32 : i32
          %add3A_689 = vector.broadcast %add3A_688 : i32 to vector<16xi32>
          %add3A_690 = arith.addi %iota3A, %add3A_689 : vector<16xi32>
          %gather3A_691 = tpu.vector_load_idx %arg8[%add3A_690, %broadcast_in_dim3A_642] : memref<64x128xf32, #tpu.memory_space<vmem>>[vector<16xi32>, vector<16xi32>], vector<16xf32>,
          %add3A_692 = arith.constant 960 : i32
          %add3A_693 = arith.addi %multiple_of3A_158, %add3A_692 : i32
          %add3A_694 = arith.constant 32 : i32
          %add3A_695 = arith.addi %add3A_693, %add3A_694 : i32
          %multiple_of3A_696 = tpu.assume_multiple %add3A_695, 16 : i32
          %swap3A_697 = arith.index_cast %multiple_of3A_696 : i32 to index
          %swap3A_698 = tpu.vector_load %arg7[%swap3A_697] {strides = array<i32>} : memref<2048xf32, #tpu.memory_space<vmem>>, vector<16xf32>,
          tpu.vector_store %arg7[%swap3A_697], %gather3A_691 {strides = array<i32>} : memref<2048xf32, #tpu.memory_space<vmem>>, vector<16xf32>,
          %add3A_699 = arith.constant 48 : i32
          %add3A_700 = vector.broadcast %add3A_699 : i32 to vector<16xi32>
          %add3A_701 = arith.addi %iota3A, %add3A_700 : vector<16xi32>
          %gather3A_702 = tpu.vector_load_idx %arg8[%add3A_701, %broadcast_in_dim3A_642] : memref<64x128xf32, #tpu.memory_space<vmem>>[vector<16xi32>, vector<16xi32>], vector<16xf32>,
          %add3A_703 = arith.constant 960 : i32
          %add3A_704 = arith.addi %multiple_of3A_158, %add3A_703 : i32
          %add3A_705 = arith.constant 48 : i32
          %add3A_706 = arith.addi %add3A_704, %add3A_705 : i32
          %multiple_of3A_707 = tpu.assume_multiple %add3A_706, 16 : i32
          %swap3A_708 = arith.index_cast %multiple_of3A_707 : i32 to index
          %swap3A_709 = tpu.vector_load %arg7[%swap3A_708] {strides = array<i32>} : memref<2048xf32, #tpu.memory_space<vmem>>, vector<16xf32>,
          tpu.vector_store %arg7[%swap3A_708], %gather3A_702 {strides = array<i32>} : memref<2048xf32, #tpu.memory_space<vmem>>, vector<16xf32>,
        } else {
        }
        %lt3A_653 = arith.constant 31 : i32
        %lt3A_654 = arith.cmpi slt, %scan3A_135, %lt3A_653 : i32
        %convert_element_type3A_655 = arith.extui %lt3A_654 : i1 to i32
        %cond3A_656 = arith.constant 0 : i32
        %cond3A_657 = arith.cmpi ne, %convert_element_type3A_655, %cond3A_656 : i32
        scf.if %cond3A_657 {
          %slice3A_668 = vector.extract_strided_slice %get3A_156 {offsets = [7], sizes = [1], strides = [1]} : vector<16xi32> to vector<1xi32>
          %squeeze3A_669 = vector.extract %slice3A_668[0] : i32 from vector<1xi32>
          %lt3A_670 = arith.constant 999936 : i32
          %lt3A_671 = arith.cmpi slt, %squeeze3A_669, %lt3A_670 : i32
          %shift_right_arithmetic3A_672 = arith.constant 7 : i32
          %shift_right_arithmetic3A_673 = arith.shrsi %squeeze3A_669, %shift_right_arithmetic3A_672 : i32
          %shift_left3A_674 = arith.constant 7 : i32
          %shift_left3A_675 = arith.shli %shift_right_arithmetic3A_673, %shift_left3A_674 : i32
          %jit3A_676 = arith.constant 0 : i32
          %select_n3A_677 = arith.select %lt3A_671, %shift_left3A_675, %jit3A_676 : i32
          %multiple_of3A_678 = tpu.assume_multiple %select_n3A_677, 128 : i32
          %dma_start3A_679 = arith.constant 0 : i32
          %dma_start3A_680 = tpu.memref_slice %arg2[%dma_start3A_679, %multiple_of3A_678] : memref<64x1000000xf32, #tpu.memory_space<hbm>> -> memref<64x128xf32, #tpu.memory_space<hbm>>
          %dma_start3A_681 = arith.constant 0 : i32
          %dma_start3A_682 = tpu.memref_slice %arg2[%dma_start3A_681, %multiple_of3A_678] : memref<64x1000000xf32, #tpu.memory_space<hbm>> -> memref<64x128xf32, #tpu.memory_space<hbm>>
          tpu.enqueue_dma source(%dma_start3A_682 : memref<64x128xf32, #tpu.memory_space<hbm>>) target(%arg16 : memref<64x128xf32, #tpu.memory_space<vmem>>) target_semaphore(%arg24 : memref<!tpu.dma_semaphore, #tpu.memory_space<semaphore_mem>>)
        } else {
        }
        %mul3A_658 = arith.constant 16 : i32
        %mul3A_659 = arith.muli %scan3A_135, %mul3A_658 : i32
        %add3A_660 = arith.addi %mul3A_2, %mul3A_659 : i32
        %mul3A_661 = arith.constant 64 : i32
        %mul3A_662 = arith.muli %add3A_660, %mul3A_661 : i32
        %multiple_of3A_663 = tpu.assume_multiple %mul3A_662, 64 : i32
        %dma_start3A_664 = tpu.memref_slice %arg7[%multiple_of3A_158] : memref<2048xf32, #tpu.memory_space<vmem>> -> memref<1024xf32, #tpu.memory_space<vmem>>
        %dma_start3A_665 = tpu.memref_slice %arg5[%multiple_of3A_663] : memref<1048576xf32, #tpu.memory_space<hbm>> -> memref<1024xf32, #tpu.memory_space<hbm>>
        %dma_start3A_666 = tpu.memref_slice %arg5[%multiple_of3A_663] : memref<1048576xf32, #tpu.memory_space<hbm>> -> memref<1024xf32, #tpu.memory_space<hbm>>
        %dma_start3A_667 = tpu.memref_slice %arg7[%multiple_of3A_158] : memref<2048xf32, #tpu.memory_space<vmem>> -> memref<1024xf32, #tpu.memory_space<vmem>>
        tpu.enqueue_dma source(%dma_start3A_667 : memref<1024xf32, #tpu.memory_space<vmem>>) target(%dma_start3A_666 : memref<1024xf32, #tpu.memory_space<hbm>>) target_semaphore(%arg26 : memref<!tpu.dma_semaphore, #tpu.memory_space<semaphore_mem>>)
      } else {
      }
    }
    %scan3A_119 = arith.constant 32 : i32
    %dma_wait3A = arith.constant 0 : i32
    %dma_wait3A_120 = tpu.memref_slice %arg7[%dma_wait3A] : memref<2048xf32, #tpu.memory_space<vmem>> -> memref<1024xf32, #tpu.memory_space<vmem>>
    %dma_wait3A_121 = arith.constant 0 : i32
    %dma_wait3A_122 = tpu.memref_slice %arg5[%dma_wait3A_121] : memref<1048576xf32, #tpu.memory_space<hbm>> -> memref<1024xf32, #tpu.memory_space<hbm>>
    %dma_wait3A_123 = arith.constant 0 : i32
    %dma_wait3A_124 = tpu.memref_slice %arg5[%dma_wait3A_123] : memref<1048576xf32, #tpu.memory_space<hbm>> -> memref<1024xf32, #tpu.memory_space<hbm>>
    %dma_wait3A_125 = arith.constant 0 : i32
    %dma_wait3A_126 = tpu.memref_slice %arg7[%dma_wait3A_125] : memref<2048xf32, #tpu.memory_space<vmem>> -> memref<1024xf32, #tpu.memory_space<vmem>>
    tpu.wait_dma2 semaphore(%arg25 : memref<!tpu.dma_semaphore, #tpu.memory_space<semaphore_mem>>) src(%dma_wait3A_126 : memref<1024xf32, #tpu.memory_space<vmem>>) dst(%dma_wait3A_124 : memref<1024xf32, #tpu.memory_space<hbm>>)
    %dma_wait3A_127 = arith.constant 0 : i32
    %dma_wait3A_128 = tpu.memref_slice %arg7[%dma_wait3A_127] : memref<2048xf32, #tpu.memory_space<vmem>> -> memref<1024xf32, #tpu.memory_space<vmem>>
    %dma_wait3A_129 = arith.constant 0 : i32
    %dma_wait3A_130 = tpu.memref_slice %arg5[%dma_wait3A_129] : memref<1048576xf32, #tpu.memory_space<hbm>> -> memref<1024xf32, #tpu.memory_space<hbm>>
    %dma_wait3A_131 = arith.constant 0 : i32
    %dma_wait3A_132 = tpu.memref_slice %arg5[%dma_wait3A_131] : memref<1048576xf32, #tpu.memory_space<hbm>> -> memref<1024xf32, #tpu.memory_space<hbm>>
    %dma_wait3A_133 = arith.constant 0 : i32
    %dma_wait3A_134 = tpu.memref_slice %arg7[%dma_wait3A_133] : memref<2048xf32, #tpu.memory_space<vmem>> -> memref<1024xf32, #tpu.memory_space<vmem>>
    tpu.wait_dma2 semaphore(%arg26 : memref<!tpu.dma_semaphore, #tpu.memory_space<semaphore_mem>>) src(%dma_wait3A_134 : memref<1024xf32, #tpu.memory_space<vmem>>) dst(%dma_wait3A_132 : memref<1024xf32, #tpu.memory_space<hbm>>)
    return
  }
}

</mosaic_0001>

<sc_bundles>
// kernel: kernel.3.cloned.1.call-start
scs
__scs_entry_jumppad:
0x0: {  	(pc) =	sbr.rel $0x88, $3  }
0x1: {  	(tag) =	ssettag $0x0;
	lr =	simm.s32 $0x1  }
0x2: {  	[smem:$0x3F9F] =	sst lr;
	_ =	strace $0xD0000000  }
0x3: {  	_ = 	snop  }
0x4: {  	_ = 	snop  }
0x5: {  	_ = 	snop  }
0x6: {  	_ = 	snop  }
0x7: {  	_ = 	snop  }
__scs_overlays_trampoline_lowered:
0x8: {  	[smem:$0x3FAE] =	sst s0  }
0x9: {  	[smem:$0x3FAF] =	sst s1  }
0xa: {  	[smem:$0x3FB0] =	sst s2  }
0xb: {  	[smem:$0x3FB1] =	sst s3  }
0xc: {  	[smem:$0x3FB2] =	sst s4  }
0xd: {  	[smem:$0x3FB3] =	sst s5  }
0xe: {  	[smem:$0x3FB4] =	sst s6  }
0xf: {  	[smem:$0x3FB5] =	sst s7  }
0x10: {  	[smem:$0x3FB6] =	sst s8  }
0x11: {  	[smem:$0x3FB7] =	sst s9;
	s0 =	simm.s32 @!p0 $0x0  }
0x12: {  	s1 =	sld [smem:$0x3F9D];
	s0 =	simm.s32 @p0 $0x1  }
0x13: {  	[smem:$0x3FB8] =	sst s0;
	s0 =	simm.s32 @!p1 $0x0  }
0x14: {  	s2 =	sld [smem:$0x3F9C];
	s0 =	simm.s32 @p1 $0x1  }
0x15: {  	[smem:$0x3FB9] =	sst s0;
	s0 =	simm.s32 @!p2 $0x0  }
0x16: {  	s3 =	sld [smem:$0x3FDB];
	s0 =	simm.s32 @p2 $0x1  }
0x17: {  	s4 =	simm.s32 $0x1BF5;
	[smem:$0x3FBB] =	sst s0  }
0x18: {  	s0 =	sld [smem:$0x3F9E];
	_ =	swait.ge [sflag:s4], $0x0  }
0x19: {  	s7 =	sld [smem:$0x3F9F]  }
0x1a: {  	s8 =	sadd.s32 $0xFFFFE003, lr  }
0x1b: {  	s9 =	sadd.s32 $0xFFFFFEF7, lr;
	s5 =	simm.s32 $0xFFFFFFFF;
	p2 =	slt.u32 s8, $0xFFFFF086  }
0x1c: {  	p1 =	slt.u32 s9, $0xF7A;
	s5 =	simm.s32 @!p2 $0x0  }
0x1d: {  	s5 =	simm.s32 @p1 $0x1;
	p0 =	seq.s32 s7, s2  }
0x1e: {  	s7 =	smul.u32 @!p0 $0xF7A, s2;
	p2 =	seq.s32 @!p0 s5, $0x0  }
0x1f: {  	s9 =	smul.u32 $0xF7A, s1;
	s8 =	simm.s32 @!p0 $0x1BF5;
	p2 =	por !p2, p0  }
0x20: {  	[sflag:s8] =	ssyncset.s32 @!p0 $0xFFFFF086;
	s6 =	sadd.s32 @!p0 s3, s7;
	s7 =	simm.s32 @!p0 $0x108  }
0x21: {  	s3 =	sadd.s32 s3, s9;
	s6 =	sadd.s32 @!p0 $0x88, s6;
	s7 =	simm.s32 @p2 $0x1082  }
0x22: {  	[simem:s7], [sflag:s8] =	dma.local @!p0 [hbm:s6], $0xF7A  }
0x23: {  	s9 =	sor.u32 $0xD0000000, s2;
	s6 =	simm.s32 $0x108;
	_ =	swait.ge @!p0 [sflag:s8], $0x0  }
0x24: {  	s3 =	sadd.s32 $0x88, s3;
	s6 =	simm.s32 @!p1 $0x1082;
	[sflag:s4] =	ssyncset.s32 $0xFFFFF086  }
0x25: {  	[simem:s6], [sflag:s4] =	dma.local [hbm:s3], $0xF7A  }
0x26: {  	[smem:$0x3F9F] =	sst s1;
	(tag) =	ssettag s2;
	_ =	strace s9  }
0x27: {  	s1 =	sld [smem:$0x3FAF]  }
0x28: {  	s2 =	sld [smem:$0x3FB0]  }
0x29: {  	s4 =	sld [smem:$0x3FB2]  }
0x2a: {  	p0 =	seq.s32 s5, $0x0;
	s5 =	sld [smem:$0x3FB3]  }
0x2b: {  	s6 =	sld [smem:$0x3FB4]  }
0x2c: {  	s7 =	sld [smem:$0x3FB5]  }
0x2d: {  	s3 =	simm.s32 $0x108;
	s8 =	sld [smem:$0x3FB6]  }
0x2e: {  	s3 =	simm.s32 @!p0 $0x1082;
	s9 =	sld [smem:$0x3FB7]  }
0x2f: {  	lr =	sadd.s32 s0, s3;
	s0 =	sld [smem:$0x3FAE]  }
0x30: {  	s3 =	sld [smem:$0x3FB1]  }
0x31: {  	[smem:$0x3FBA] =	sst s10  }
0x32: {  	s10 =	sld [smem:$0x3FB8];
	_ =	sdelay $0x3  }
0x33: {  	p0 =	seq.s32 s10, $0x1;
	s10 =	sld [smem:$0x3FBA];
	_ =	sdelay $0x3  }
0x34: {  	[smem:$0x3FBA] =	sst s10  }
0x35: {  	s10 =	sld [smem:$0x3FB9];
	_ =	sdelay $0x3  }
0x36: {  	p1 =	seq.s32 s10, $0x1;
	s10 =	sld [smem:$0x3FBA];
	_ =	sdelay $0x3  }
0x37: {  	[smem:$0x3FBA] =	sst s10  }
0x38: {  	s10 =	sld [smem:$0x3FBB]  }
0x39: {  	_ = 	snop;
	(pc) =	sbr.ind lr, $3  }
0x3a: {  	_ = 	snop  }
0x3b: {  	_ = 	snop  }
0x3c: {  	p2 =	seq.s32 s10, $0x1;
	s10 =	sld [smem:$0x3FBA]  }
0x3d: {  	_ =	shalt  }
0x3e: {  	_ =	shalt  }
0x3f: {  	_ =	shalt  }
0x40: {  	_ =	shalt  }
0x41: {  	_ =	shalt  }
0x42: {  	_ =	shalt  }
0x43: {  	_ =	shalt  }
0x44: {  	_ =	shalt  }
0x45: {  	_ =	shalt  }
0x46: {  	_ =	shalt  }
0x47: {  	_ =	shalt  }
0x48: {  	_ =	shalt  }
0x49: {  	_ =	shalt  }
0x4a: {  	_ =	shalt  }
0x4b: {  	_ =	shalt  }
0x4c: {  	_ =	shalt  }
0x4d: {  	_ =	shalt  }
0x4e: {  	_ =	shalt  }
0x4f: {  	_ =	shalt  }
0x50: {  	_ =	shalt  }
0x51: {  	_ =	shalt  }
0x52: {  	_ =	shalt  }
0x53: {  	_ =	shalt  }
0x54: {  	_ =	shalt  }
0x55: {  	_ =	shalt  }
0x56: {  	_ =	shalt  }
0x57: {  	_ =	shalt  }
0x58: {  	_ =	shalt  }
0x59: {  	_ =	shalt  }
0x5a: {  	_ =	shalt  }
0x5b: {  	_ =	shalt  }
0x5c: {  	_ =	shalt  }
0x5d: {  	_ =	shalt  }
0x5e: {  	_ =	shalt  }
0x5f: {  	_ =	shalt  }
0x60: {  	_ =	shalt  }
0x61: {  	_ =	shalt  }
0x62: {  	_ =	shalt  }
0x63: {  	_ =	shalt  }
0x64: {  	_ =	shalt  }
0x65: {  	_ =	shalt  }
0x66: {  	_ =	shalt  }
0x67: {  	_ =	shalt  }
0x68: {  	_ =	shalt  }
0x69: {  	_ =	shalt  }
0x6a: {  	_ =	shalt  }
0x6b: {  	_ =	shalt  }
0x6c: {  	_ =	shalt  }
0x6d: {  	_ =	shalt  }
0x6e: {  	_ =	shalt  }
0x6f: {  	_ =	shalt  }
0x70: {  	_ =	shalt  }
0x71: {  	_ =	shalt  }
0x72: {  	_ =	shalt  }
0x73: {  	_ =	shalt  }
0x74: {  	_ =	shalt  }
0x75: {  	_ =	shalt  }
0x76: {  	_ =	shalt  }
0x77: {  	_ =	shalt  }
0x78: {  	_ =	shalt  }
0x79: {  	_ =	shalt  }
0x7a: {  	_ =	shalt  }
0x7b: {  	_ =	shalt  }
0x7c: {  	_ =	shalt  }
0x7d: {  	_ =	shalt  }
0x7e: {  	_ =	shalt  }
0x7f: {  	_ =	shalt  }
0x80: {  	_ =	shalt  }
0x81: {  	_ =	shalt  }
0x82: {  	_ =	shalt  }
0x83: {  	_ =	shalt  }
0x84: {  	_ =	shalt  }
0x85: {  	_ =	shalt  }
0x86: {  	_ =	shalt  }
0x87: {  	_ =	shalt  }
.Lfunc_end0:
.L_simem_size_0:
called_computation_lowered:
.L_overlay_start_0:
0x88: {  	s2 =	sld [smem:$0x3FD9]  }
0x89: {  	s3 =	sld [smem:$0x3FFE];
	_ =	sdelay $0x1  }
0x8a: {  	s1 =	srdreg.scid  }
0x8b: {  	s0 =	sand.u32 $0x1, s1  }
0x8c: {  	s17 =	sshll.u32 s0, $0xA;
	s2 =	sadd.s32 s3, s2  }
0x8d: {  	s2 =	sadd.s32 s2, s17  }
0x8e: {  	[smem:$0x3FC6] =	sst s2  }
0x8f: {  	_ = 	snop  }
0x90: {  	s2 =	sld [smem:$0x3FC9]  }
0x91: {  	s18 =	sld [smem:$0x3FC8]  }
0x92: {  	s4 =	sld [smem:$0x3FD0];
	(tm) =	ssettm $0x1  }
0x93: {  	s5 =	sld [smem:$0x3FFB];
	_ =	sdelay $0x3  }
0x94: {  	_ =	strace s5  }
0x95: {  	s5 =	sld [smem:$0x3FFC];
	_ =	sdelay $0x3  }
0x96: {  	_ =	strace s5  }
0x97: {  	s5 =	sld [smem:$0x3FFD];
	_ =	sdelay $0x3  }
0x98: {  	_ =	strace s5  }
0x99: {  	_ =	strace $0x8FFFFFFF  }
0x9a: {  	s19 =	sld [smem:$0x3FDB];
	_ =	sdelay $0x1  }
0x9b: {  	s6 =	simm.s32 $_scs_section_size  }
0x9c: {  	s7 =	simm.s32 $_size__tile_overlayer_lowered;
	s8 =	simm.s32 $_tile_overlayer_lowered  }
0x9d: {  	s22 =	simm.s32 $0x1BFF;
	s21 =	sshll.u32 s8, $0x1;
	s5 =	sadd.s32 s6, s19  }
0x9e: {  	s9 =	simm.s32 $0x0;
	s20 =	sshll.u32 s7, $0x1;
	s7 =	sadd.s32 s21, s5  }
0x9f: {  	[timem:s9], [sflag:s22] =	dma.local [hbm:s7], s20  }
0xa0: {  	_ =	swait.ge [sflag:s22], s20  }
0xa1: {  	s6 =	ssub.s32 $0x0, s20;
	[sflag:s22] =	ssyncset.done $0x0  }
0xa2: {  	[sflag:s22] =	ssyncadd.s32 s6;
	_ =	sdelay $0x1  }
0xa3: {  	s23 =	simm.s32 $0x1B8B  }
0xa4: {  	_ =	swait.ge [sflag:s23], $0x1  }
0xa5: {  	[sflag:s23] =	ssyncset.done $0x0  }
0xa6: {  	s25 =	simm.s32 $0x1B8E;
	s24 =	sld [smem:$0x3FFE];
	[sflag:s23] =	ssyncadd.s32 $0xFFFFFFFF  }
0xa7: {  	s26 =	simm.s32 $execute0_lowered;
	[smem:$0x3FD2] =	sst s25  }
0xa8: {  	s7 =	sshll.u32 s26, $0x1;
	_ =	strace $0x80000046;
	[dreg:$0x1] =	wrdreg $0xFFFFFFFF  }
0xa9: {  	s28 =	simm.s32 $_size_execute0_lowered;
	s5 =	sadd.s32 s5, s7;
	[dreg:$0x0] =	wrdreg $0x0  }
0xaa: {  	s7 =	sshll.u32 s28, $0x1;
	[dreg:$0x2] =	wrdreg s5  }
0xab: {  	[dreg:$0x3] =	wrdreg s7  }
0xac: {  	[dreg:$0x4] =	wrdreg $0xC0  }
0xad: {  	_ =	task [dreg:s9], $0x5FFFF  }
0xae: {  	[dreg:$0x1] =	wrdreg $0xFFFFFFFF  }
0xaf: {  	[dreg:$0x0] =	wrdreg $0x60  }
0xb0: {  	[dreg:$0x2] =	wrdreg s2  }
0xb1: {  	[dreg:$0x3] =	wrdreg s18  }
0xb2: {  	[dreg:$0x4] =	wrdreg s24  }
0xb3: {  	[dreg:$0x5] =	wrdreg s4  }
0xb4: {  	[dreg:$0x6] =	wrdreg $0x9  }
0xb5: {  	_ =	task.clear_ibuf [dreg:s9], $0x7FFFF;
	_ =	strace $0x90000046  }
0xb6: {  	s29 =	simm.s32 $0x9;
	_ =	strace $0x80000048  }
0xb7: {  	_ =	swait.ge [sflag:s29], $0x1  }
0xb8: {  	[sflag:s29] =	ssyncadd.s32 $0xFFFFFFFF  }
0xb9: {  	_ =	strace $0x90000048  }
0xba: {  	_ =	sfence  }
0xbb: {  	s30 =	sld [smem:$0x0];
	_ =	sdelay $0x2  }
0xbc: {  	s31 =	sshll.u32 s1, $0xD;
	s1 =	sshrl.u32 s1, $0x2  }
0xbd: {  	s3 =	sand.u32 $0x4000, s31;
	s1 =	sadd.s32 s1, s30  }
0xbe: {  	s0 =	sor.u32 s3, s0;
	s1 =	sshll.u32 s1, $0x11  }
0xbf: {  	s0 =	sor.u32 s1, s0  }
0xc0: {  	s0 =	sadd.s32 $0x8F2B, s0  }
0xc1: {  	[sflag:s0] =	ssyncadd.remote.s32 $0x1  }
0xc2: {  	_ =	sfence.sel $0xFFFF  }
0xc3: {  	[dreg:$0x0] =	wrdreg $0xFFFFFFFF;
	(pc) =	sbr.abs _section_cstart, $3  }
0xc4: {  	[dreg:$0x1] =	wrdreg $0xFFFFFFFF  }
0xc5: {  	_ =	task.clear_ibuf [dreg:s9], $0x2FFFF;
	_ =	strace $0x9FFFFFFF  }
0xc6: {  	(tm) =	ssettm $0x7FFFFFFF  }
0xc7: {  	_ =	shalt  }
tec
execute0_lowered:
.L_overlay_start_1:
0x0: {  	(tag) =	ssettag $0x1  }
0x1: {  	s1 =	rddreg [dreg:$0x0]  }
0x2: {  	s0 =	rddreg [dreg:$0x1]  }
0x3: {  	s2 =	rddreg [dreg:$0x2]  }
0x4: {  	s3 =	rddreg [dreg:$0x3];
	s4 =	simm.s32 $0x0;
	s25 =	srdreg.scid  }
0x5: {  	s8 =	stileid.u32;
	[smem:$0x7FF] =	sst s4;
	s4 =	sand.u32 $0x1, s25  }
0x6: {  	s2 =	sadd.s32 $0x400, s2;
	s6 =	sshll.u32 s8, $0xA;
	s29 =	sshll.u32 s8, $0xD  }
0x7: {  	_ =	strace $0x80000047;
	[dreg:$0x5] =	wrdreg s2;
	s26 =	ssub.s32 $0x2, s4  }
0x8: {  	s7 =	sshll.u32 s4, $0x9;
	s3 =	sadd.s32 s29, s3;
	s4 =	sshll.u32 s4, $0xC  }
.Ltmp0:
0x9: {  	s5 =	sshrl.u32 s26, $0x1;
	s28 =	sor.u32 s7, s6;
	(pc) =	sbr.rel .LBB2_1-.Ltmp0, $4  }
0xa: {  	v0 =	vlaneseq.u32;
	s31 =	sadd.s32 s4, s3;
	s2 =	ssub.s32 s26, s5;
	s5 =	sshrl.u32 s28, $0x3  }
0xb: {  	v0 =	vmul.u32 $0x80, v0;
	[dreg:$0x8] =	wrdreg s31;
	s0 =	sadd.s32 s0, s5  }
0xc: {  	s30 =	smax.u32 s2, $0x1;
	[dreg:$0x6] =	wrdreg s0  }
0xd: {  	v1 =	vor.u32 $0x800, v0;
	v2 =	vor.u32 $0x1000, v0;
	v3 =	vor.u32 $0x1800, v0;
	s3 =	simm.s32 $0x0;
	[dreg:$0x7] =	wrdreg s30  }
.LBB2_5:
0xe: {  	s0 =	simm.s32 $0x9  }
0xf: {  	_ =	swait.ge [sflag:s0], $0x400  }
0x10: {  	[sflag:s0] =	ssyncset.done $0x0  }
0x11: {  	s2 =	simm.s32 $0xA;
	[sflag:s0] =	ssyncadd.s32 $0xFFFFFC00  }
0x12: {  	_ =	swait.ge [sflag:s2], $0x400  }
0x13: {  	s3 =	rddreg [dreg:$0x9]  }
0x14: {  	s31 =	rddreg [dreg:$0x7];
	s3 =	sadd.s32 $0x1, s3  }
0x15: {  	p0 =	sne.s32 s3, s31  }
.Ltmp1:
0x16: {  	_ = 	snop;
	(pc) =	sbr.rel @!p0 .LBB2_6-.Ltmp1, $3  }
0x17: {  	_ =	sdelay $0x1  }
0x18: {  	[sflag:s2] =	ssyncset.done $0x0  }
0x19: {  	[sflag:s2] =	ssyncadd.s32 $0xFFFFFC00  }
.LBB2_1:
0x1a: {  	[dreg:$0x9] =	wrdreg s3  }
0x1b: {  	s0 =	simm.s32 $0x0;
	s2 =	rddreg [dreg:$0x6];
	s12 =	simm.s32 $0xB  }
0x1c: {  	[tilespmem:s0], [sflag:$0xB] =	stream.linear.gather [hbm4b:s2+s0], $0x200, $0x38;
	[tilespmem:$0x12A00] =	vst v63  }
0x1d: {  	_ =	swait.ge [sflag:s12], $0x200  }
0x1e: {  	[sflag:s12] =	ssyncset.done $0x0  }
0x1f: {  	s4 =	simm.s32 $0xA00;
	s13 =	rddreg [dreg:$0x5];
	[sflag:s12] =	ssyncadd.s32 $0xFFFFFE00  }
0x20: {  	[tilespmem:s4], [sflag:$0xB] =	stream.linear.gather [hbm4b:s13+s0], $0x2000, $0x38;
	[tilespmem:$0x12A00] =	vst v63  }
0x21: {  	_ =	swait.ge [sflag:s12], $0x2000  }
0x22: {  	[sflag:s12] =	ssyncset.done $0x0  }
0x23: {  	[sflag:s12] =	ssyncadd.s32 $0xFFFFE000  }
0x24: {  	v4 =	vld [tilespmem:$0x0];
	_ =	sdelay $0x4  }
0x25: {  	(v2sf) =	vpush v4, $0x0;
	_ =	sdelay $0x4  }
0x26: {  	(v2sf) =	vpush v4, $0x1;
	_ =	sdelay $0x3  }
0x27: {  	(v2sf) =	vpush v4, $0x2;
	_ =	sdelay $0x5  }
0x28: {  	s14 =	spop (v2sf);
	(v2sf) =	vpush v4, $0x3;
	_ =	sdelay $0x2  }
0x29: {  	p0 =	slt.s32 s14, $0xF4200;
	s0 =	sand.u32 $0xFFFFF80, s14;
	(v2sf) =	vpush v4, $0x4  }
0x2a: {  	s15 =	simm.s32 $0x400;
	s16 =	simm.s32 $0x7A1400;
	s0 =	simm.s32 @!p0 $0x0  }
0x2b: {  	s17 =	simm.s32 $0x2A00;
	s18 =	spop (v2sf);
	s0 =	sadd.s32 s1, s0  }
0x2c: {  	[tilespmem:s17], [sflag:$0x1] =	stream.strided.gather [hbm4b:s0+s15], $0x2000, s16, s15, $0x38;
	[tilespmem:$0x12A00] =	vst v63  }
0x2d: {  	p0 =	slt.s32 s18, $0xF4200;
	(v2sf) =	vpush v4, $0x5;
	s0 =	sand.u32 $0xFFFFF80, s18  }
0x2e: {  	s0 =	simm.s32 @!p0 $0x0  }
0x2f: {  	s19 =	simm.s32 $0x4A00;
	s20 =	spop (v2sf);
	s0 =	sadd.s32 s1, s0  }
0x30: {  	[tilespmem:s19], [sflag:$0x2] =	stream.strided.gather [hbm4b:s0+s15], $0x2000, s16, s15, $0x38;
	[tilespmem:$0x12A00] =	vst v63  }
0x31: {  	(v2sf) =	vpush v4, $0x6;
	p0 =	slt.s32 s20, $0xF4200;
	s0 =	sand.u32 $0xFFFFF80, s20  }
0x32: {  	s0 =	simm.s32 @!p0 $0x0  }
0x33: {  	s21 =	simm.s32 $0x6A00;
	s0 =	sadd.s32 s1, s0  }
0x34: {  	[tilespmem:s21], [sflag:$0x3] =	stream.strided.gather [hbm4b:s0+s15], $0x2000, s16, s15, $0x38;
	[tilespmem:$0x12A00] =	vst v63  }
0x35: {  	s22 =	spop (v2sf)  }
0x36: {  	p0 =	slt.s32 s22, $0xF4200;
	s0 =	sand.u32 $0xFFFFF80, s22  }
0x37: {  	(v2sf) =	vpush v4, $0x7;
	s0 =	simm.s32 @!p0 $0x0  }
0x38: {  	s5 =	simm.s32 $0x8A00;
	s23 =	spop (v2sf);
	s0 =	sadd.s32 s1, s0  }
0x39: {  	[tilespmem:s5], [sflag:$0x4] =	stream.strided.gather [hbm4b:s0+s15], $0x2000, s16, s15, $0x38;
	[tilespmem:$0x12A00] =	vst v63  }
0x3a: {  	p0 =	slt.s32 s23, $0xF4200;
	s0 =	sand.u32 $0xFFFFF80, s23  }
0x3b: {  	s0 =	simm.s32 @!p0 $0x0  }
0x3c: {  	s25 =	simm.s32 $0xAA00;
	s24 =	spop (v2sf);
	s0 =	sadd.s32 s1, s0  }
0x3d: {  	[tilespmem:s25], [sflag:$0x5] =	stream.strided.gather [hbm4b:s0+s15], $0x2000, s16, s15, $0x38;
	[tilespmem:$0x12A00] =	vst v63  }
0x3e: {  	p0 =	slt.s32 s24, $0xF4200;
	s0 =	sand.u32 $0xFFFFF80, s24  }
0x3f: {  	s0 =	simm.s32 @!p0 $0x0  }
0x40: {  	s28 =	simm.s32 $0xCA00;
	s26 =	spop (v2sf);
	s0 =	sadd.s32 s1, s0  }
0x41: {  	[tilespmem:s28], [sflag:$0x6] =	stream.strided.gather [hbm4b:s0+s15], $0x2000, s16, s15, $0x38;
	[tilespmem:$0x12A00] =	vst v63  }
0x42: {  	p0 =	slt.s32 s26, $0xF4200;
	s0 =	sand.u32 $0xFFFFF80, s26  }
0x43: {  	s0 =	simm.s32 @!p0 $0x0  }
0x44: {  	s29 =	simm.s32 $0xEA00;
	s0 =	sadd.s32 s1, s0  }
0x45: {  	[tilespmem:s29], [sflag:$0x7] =	stream.strided.gather [hbm4b:s0+s15], $0x2000, s16, s15, $0x38;
	[tilespmem:$0x12A00] =	vst v63  }
.Ltmp2:
0x46: {  	s30 =	spop (v2sf);
	(pc) =	sbr.rel .LBB2_2-.Ltmp2, $4  }
0x47: {  	p0 =	slt.s32 s30, $0xF4200;
	s0 =	sand.u32 $0xFFFFF80, s30  }
0x48: {  	s31 =	simm.s32 $0x10A00;
	s3 =	simm.s32 $0x0;
	s0 =	simm.s32 @!p0 $0x0  }
0x49: {  	s4 =	simm.s32 $0x0;
	s7 =	rddreg [dreg:$0x8];
	s0 =	sadd.s32 s1, s0  }
0x4a: {  	[tilespmem:s31], [sflag:$0x8] =	stream.strided.gather [hbm4b:s0+s15], $0x2000, s16, s15, $0x38;
	[tilespmem:$0x12A00] =	vst v63  }
.LBB2_4:
0x4b: {  	s4 =	sadd.s32 $0x1, s4  }
0x4c: {  	p0 =	sne.s32 s4, $0x20  }
.Ltmp3:
0x4d: {  	_ = 	snop;
	(pc) =	sbr.rel @!p0 .LBB2_5-.Ltmp3, $2  }
0x4e: {  	_ =	sdelay $0x2  }
0x4f: {  	s7 =	sadd.s32 $0x80, s7;
	s3 =	sadd.s32 $0x10, s3  }
.LBB2_2:
0x50: {  	s5 =	sand.u32 $0x1, s4  }
0x51: {  	p0 =	seq.s32 s5, $0x1  }
0x52: {  	p1 =	slt.u32 @!p0 s4, $0x2  }
0x53: {  	p1 =	por p1, p0  }
0x54: {  	v9 =	vld @!p0 [tilespmem:s3+$0x0];
	s0 =	simm.s32 @!p1 $0x9  }
0x55: {  	v4 =	vld @!p0 [tilespmem:s3+$0x10];
	_ =	swait.ge @!p1 [sflag:s0], $0x400  }
0x56: {  	[sflag:s0] =	ssyncset.done @!p1 $0x0  }
0x57: {  	s20 =	simm.s32 @!p0 $0x1;
	[sflag:s0] =	ssyncadd.s32 @!p1 $0xFFFFFC00  }
0x58: {  	_ =	swait.ge @!p0 [sflag:s20], $0x2000  }
0x59: {  	(v2sf) =	vpush @!p0 v9, $0x0;
	_ =	sdelay $0xd  }
0x5a: {  	v5 =	vlaneseq.u32 @!p0  }
0x5b: {  	v5 =	vmul.u32 @!p0 $0x80, v5;
	s0 =	spop @!p0 (v2sf)  }
0x5c: {  	s2 =	sand.u32 @!p0 $0x7F, s0  }
0x5d: {  	v7 =	vor.u32 @!p0 s2, v5;
	_ =	sdelay $0x1  }
0x5e: {  	p1 =	slt.s32 @!p0 s0, $0xF4200  }
0x5f: {  	[sflag:s20] =	ssyncset.done @!p0 $0x0;
	s0 =	simm.s32 @!p0 $0x2A00;
	p1 =	por !p1, p0  }
0x60: {  	[sflag:s20] =	ssyncadd.s32 @!p0 $0xFFFFE000;
	s0 =	simm.s32 @p1 $0xA00  }
0x61: {  	v6 =	vor.u32 @!p0 $0x800, v5;
	v7 =	vld.idx.msk @!p0 [tilespmem:v7+s0+$0x0], $0xffff  }
0x62: {  	v8 =	vor.u32 @!p0 s2, v6;
	_ =	sdelay $0x1  }
0x63: {  	(v2sf) =	vpush @!p0 v9, $0x8;
	_ =	sdelay $0x1  }
0x64: {  	[tilespmem:$0x200] =	vst @!p0 v7  }
0x65: {  	v7 =	vor.u32 @!p0 $0x1000, v5;
	v8 =	vld.idx.msk @!p0 [tilespmem:v8+s0+$0x0], $0xffff  }
0x66: {  	v10 =	vor.u32 @!p0 s2, v7;
	_ =	sdelay $0x3  }
0x67: {  	[tilespmem:$0x210] =	vst @!p0 v8  }
0x68: {  	v8 =	vor.u32 @!p0 $0x1800, v5;
	v10 =	vld.idx.msk @!p0 [tilespmem:v10+s0+$0x0], $0xffff  }
0x69: {  	v11 =	vor.u32 @!p0 s2, v8;
	_ =	sdelay $0x3  }
0x6a: {  	[tilespmem:$0x220] =	vst @!p0 v10  }
0x6b: {  	s16 =	spop @!p0 (v2sf);
	v10 =	vld.idx.msk @!p0 [tilespmem:v11+s0+$0x0], $0xffff  }
0x6c: {  	p1 =	slt.s32 @!p0 s16, $0xF4200  }
0x6d: {  	s6 =	simm.s32 @!p0 $0x400;
	p1 =	por !p1, p0  }
0x6e: {  	s9 =	simm.s32 @!p0 $0x7A1400;
	s2 =	simm.s32 @!p1 $0x0;
	s0 =	sand.u32 @!p0 $0xFFFFF80, s16  }
0x6f: {  	s8 =	simm.s32 @!p0 $0x2;
	s2 =	simm.s32 @p1 $0x1;
	s0 =	simm.s32 @p1 $0x0  }
0x70: {  	[smem:$0x7FB] =	sst s2;
	s2 =	simm.s32 @!p0 $0x2A00;
	s0 =	sadd.s32 @!p0 s1, s0;
	[tilespmem:$0x230] =	vst @!p0 v10  }
0x71: {  	[tilespmem:s2], [sflag:$0x1] =	stream.strided.gather @!p0 [hbm4b:s0+s6], $0x2000, s9, s6, $0x38;
	[tilespmem:$0x12A00] =	vst v63  }
0x72: {  	_ =	swait.ge @!p0 [sflag:s8], $0x2000  }
0x73: {  	(v2sf) =	vpush @!p0 v9, $0x1;
	_ =	sdelay $0xe  }
0x74: {  	s0 =	spop @!p0 (v2sf)  }
0x75: {  	s2 =	sand.u32 @!p0 $0x7F, s0  }
0x76: {  	v10 =	vor.u32 @!p0 s2, v5;
	_ =	sdelay $0x1  }
0x77: {  	p1 =	slt.s32 @!p0 s0, $0xF4200  }
0x78: {  	[sflag:s8] =	ssyncset.done @!p0 $0x0;
	s0 =	simm.s32 @!p0 $0x4A00;
	p1 =	por !p1, p0  }
0x79: {  	[sflag:s8] =	ssyncadd.s32 @!p0 $0xFFFFE000;
	s0 =	simm.s32 @p1 $0xA00  }
0x7a: {  	v10 =	vld.idx.msk @!p0 [tilespmem:v10+s0+$0x0], $0xffff  }
0x7b: {  	v11 =	vor.u32 @!p0 s2, v6;
	_ =	sdelay $0x1  }
0x7c: {  	(v2sf) =	vpush @!p0 v9, $0x9;
	_ =	sdelay $0x1  }
0x7d: {  	[tilespmem:$0x240] =	vst @!p0 v10  }
0x7e: {  	v10 =	vld.idx.msk @!p0 [tilespmem:v11+s0+$0x0], $0xffff  }
0x7f: {  	v11 =	vor.u32 @!p0 s2, v7;
	_ =	sdelay $0x3  }
0x80: {  	[tilespmem:$0x250] =	vst @!p0 v10  }
0x81: {  	v10 =	vld.idx.msk @!p0 [tilespmem:v11+s0+$0x0], $0xffff  }
0x82: {  	v11 =	vor.u32 @!p0 s2, v8;
	_ =	sdelay $0x3  }
0x83: {  	[tilespmem:$0x260] =	vst @!p0 v10  }
0x84: {  	s22 =	spop @!p0 (v2sf);
	v10 =	vld.idx.msk @!p0 [tilespmem:v11+s0+$0x0], $0xffff  }
0x85: {  	p1 =	slt.s32 @!p0 s22, $0xF4200  }
0x86: {  	p1 =	por !p1, p0  }
0x87: {  	s2 =	sand.u32 @!p0 $0xFFFFF80, s22;
	s0 =	simm.s32 @!p1 $0x0  }
0x88: {  	s21 =	simm.s32 @!p0 $0x4A00;
	s2 =	simm.s32 @p1 $0x0;
	s0 =	simm.s32 @p1 $0x1  }
0x89: {  	s31 =	simm.s32 @!p0 $0x3;
	s2 =	sadd.s32 @!p0 s1, s2;
	[smem:$0x7FC] =	sst s0;
	[tilespmem:$0x270] =	vst @!p0 v10  }
0x8a: {  	[tilespmem:s21], [sflag:$0x2] =	stream.strided.gather @!p0 [hbm4b:s2+s6], $0x2000, s9, s6, $0x38;
	[tilespmem:$0x12A00] =	vst v63  }
0x8b: {  	_ =	swait.ge @!p0 [sflag:s31], $0x2000  }
0x8c: {  	(v2sf) =	vpush @!p0 v9, $0x2;
	_ =	sdelay $0xe  }
0x8d: {  	s2 =	spop @!p0 (v2sf)  }
0x8e: {  	s10 =	sand.u32 @!p0 $0x7F, s2  }
0x8f: {  	v10 =	vor.u32 @!p0 s10, v5;
	_ =	sdelay $0x1  }
0x90: {  	p1 =	slt.s32 @!p0 s2, $0xF4200  }
0x91: {  	[sflag:s31] =	ssyncset.done @!p0 $0x0;
	s2 =	simm.s32 @!p0 $0x6A00;
	p1 =	por !p1, p0  }
0x92: {  	[sflag:s31] =	ssyncadd.s32 @!p0 $0xFFFFE000;
	s2 =	simm.s32 @p1 $0xA00  }
0x93: {  	v10 =	vld.idx.msk @!p0 [tilespmem:v10+s2+$0x0], $0xffff  }
0x94: {  	v11 =	vor.u32 @!p0 s10, v6;
	_ =	sdelay $0x1  }
0x95: {  	(v2sf) =	vpush @!p0 v9, $0xA;
	_ =	sdelay $0x1  }
0x96: {  	[tilespmem:$0x280] =	vst @!p0 v10  }
0x97: {  	v10 =	vld.idx.msk @!p0 [tilespmem:v11+s2+$0x0], $0xffff  }
0x98: {  	v11 =	vor.u32 @!p0 s10, v7;
	_ =	sdelay $0x3  }
0x99: {  	[tilespmem:$0x290] =	vst @!p0 v10  }
0x9a: {  	v10 =	vld.idx.msk @!p0 [tilespmem:v11+s2+$0x0], $0xffff  }
0x9b: {  	v11 =	vor.u32 @!p0 s10, v8;
	_ =	sdelay $0x3  }
0x9c: {  	[tilespmem:$0x2A0] =	vst @!p0 v10  }
0x9d: {  	s25 =	spop @!p0 (v2sf);
	v10 =	vld.idx.msk @!p0 [tilespmem:v11+s2+$0x0], $0xffff  }
0x9e: {  	p1 =	slt.s32 @!p0 s25, $0xF4200  }
0x9f: {  	p1 =	por !p1, p0  }
0xa0: {  	s0 =	simm.s32 @!p1 $0x0;
	s2 =	sand.u32 @!p0 $0xFFFFF80, s25  }
0xa1: {  	s12 =	simm.s32 @!p0 $0x6A00;
	s0 =	simm.s32 @p1 $0x1;
	s2 =	simm.s32 @p1 $0x0  }
0xa2: {  	s13 =	simm.s32 @!p0 $0x4;
	[smem:$0x7FD] =	sst s0;
	s2 =	sadd.s32 @!p0 s1, s2;
	[tilespmem:$0x2B0] =	vst @!p0 v10  }
0xa3: {  	[tilespmem:s12], [sflag:$0x3] =	stream.strided.gather @!p0 [hbm4b:s2+s6], $0x2000, s9, s6, $0x38;
	[tilespmem:$0x12A00] =	vst v63  }
0xa4: {  	_ =	swait.ge @!p0 [sflag:s13], $0x2000  }
0xa5: {  	(v2sf) =	vpush @!p0 v9, $0x3;
	_ =	sdelay $0xe  }
0xa6: {  	s2 =	spop @!p0 (v2sf)  }
0xa7: {  	s10 =	sand.u32 @!p0 $0x7F, s2  }
0xa8: {  	v10 =	vor.u32 @!p0 s10, v5;
	_ =	sdelay $0x1  }
0xa9: {  	p1 =	slt.s32 @!p0 s2, $0xF4200  }
0xaa: {  	[sflag:s13] =	ssyncset.done @!p0 $0x0;
	s2 =	simm.s32 @!p0 $0x8A00;
	p1 =	por !p1, p0  }
0xab: {  	[sflag:s13] =	ssyncadd.s32 @!p0 $0xFFFFE000;
	s2 =	simm.s32 @p1 $0xA00  }
0xac: {  	v10 =	vld.idx.msk @!p0 [tilespmem:v10+s2+$0x0], $0xffff  }
0xad: {  	v11 =	vor.u32 @!p0 s10, v6;
	_ =	sdelay $0x2  }
0xae: {  	(v2sf) =	vpush @!p0 v9, $0xB  }
0xaf: {  	[tilespmem:$0x2C0] =	vst @!p0 v10  }
0xb0: {  	v10 =	vld.idx.msk @!p0 [tilespmem:v11+s2+$0x0], $0xffff  }
0xb1: {  	v11 =	vor.u32 @!p0 s10, v7;
	_ =	sdelay $0x3  }
0xb2: {  	[tilespmem:$0x2D0] =	vst @!p0 v10  }
0xb3: {  	v10 =	vld.idx.msk @!p0 [tilespmem:v11+s2+$0x0], $0xffff  }
0xb4: {  	v11 =	vor.u32 @!p0 s10, v8;
	_ =	sdelay $0x3  }
0xb5: {  	[tilespmem:$0x2E0] =	vst @!p0 v10  }
0xb6: {  	v10 =	vld.idx.msk @!p0 [tilespmem:v11+s2+$0x0], $0xffff  }
0xb7: {  	s26 =	spop @!p0 (v2sf)  }
0xb8: {  	p1 =	slt.s32 @!p0 s26, $0xF4200  }
0xb9: {  	p4 =	por !p1, p0;
	s2 =	sand.u32 @!p0 $0xFFFFF80, s26  }
0xba: {  	s2 =	simm.s32 @p4 $0x0  }
0xbb: {  	s14 =	simm.s32 @!p0 $0x8A00;
	s15 =	simm.s32 @!p0 $0x5;
	s2 =	sadd.s32 @!p0 s1, s2;
	[tilespmem:$0x2F0] =	vst @!p0 v10  }
0xbc: {  	[tilespmem:s14], [sflag:$0x4] =	stream.strided.gather @!p0 [hbm4b:s2+s6], $0x2000, s9, s6, $0x38;
	[tilespmem:$0x12A00] =	vst v63  }
0xbd: {  	_ =	swait.ge @!p0 [sflag:s15], $0x2000  }
0xbe: {  	(v2sf) =	vpush @!p0 v9, $0x4;
	_ =	sdelay $0xe  }
0xbf: {  	s2 =	spop @!p0 (v2sf)  }
0xc0: {  	s10 =	sand.u32 @!p0 $0x7F, s2  }
0xc1: {  	v10 =	vor.u32 @!p0 s10, v5;
	_ =	sdelay $0x1  }
0xc2: {  	p1 =	slt.s32 @!p0 s2, $0xF4200  }
0xc3: {  	[sflag:s15] =	ssyncset.done @!p0 $0x0;
	s2 =	simm.s32 @!p0 $0xAA00;
	p1 =	por !p1, p0  }
0xc4: {  	[sflag:s15] =	ssyncadd.s32 @!p0 $0xFFFFE000;
	s2 =	simm.s32 @p1 $0xA00  }
0xc5: {  	v10 =	vld.idx.msk @!p0 [tilespmem:v10+s2+$0x0], $0xffff  }
0xc6: {  	v11 =	vor.u32 @!p0 s10, v6;
	_ =	sdelay $0x2  }
0xc7: {  	(v2sf) =	vpush @!p0 v9, $0xC  }
0xc8: {  	[tilespmem:$0x300] =	vst @!p0 v10  }
0xc9: {  	v10 =	vld.idx.msk @!p0 [tilespmem:v11+s2+$0x0], $0xffff  }
0xca: {  	v11 =	vor.u32 @!p0 s10, v7;
	_ =	sdelay $0x3  }
0xcb: {  	[tilespmem:$0x310] =	vst @!p0 v10  }
0xcc: {  	v10 =	vld.idx.msk @!p0 [tilespmem:v11+s2+$0x0], $0xffff  }
0xcd: {  	v11 =	vor.u32 @!p0 s10, v8;
	_ =	sdelay $0x3  }
0xce: {  	[tilespmem:$0x320] =	vst @!p0 v10  }
0xcf: {  	v10 =	vld.idx.msk @!p0 [tilespmem:v11+s2+$0x0], $0xffff  }
0xd0: {  	s28 =	spop @!p0 (v2sf)  }
0xd1: {  	p1 =	slt.s32 @!p0 s28, $0xF4200  }
0xd2: {  	p5 =	por !p1, p0;
	s2 =	sand.u32 @!p0 $0xFFFFF80, s28  }
0xd3: {  	s2 =	simm.s32 @p5 $0x0  }
0xd4: {  	s17 =	simm.s32 @!p0 $0xAA00;
	s18 =	simm.s32 @!p0 $0x6;
	s2 =	sadd.s32 @!p0 s1, s2;
	[tilespmem:$0x330] =	vst @!p0 v10  }
0xd5: {  	[tilespmem:s17], [sflag:$0x5] =	stream.strided.gather @!p0 [hbm4b:s2+s6], $0x2000, s9, s6, $0x38;
	[tilespmem:$0x12A00] =	vst v63  }
0xd6: {  	_ =	swait.ge @!p0 [sflag:s18], $0x2000  }
0xd7: {  	(v2sf) =	vpush @!p0 v9, $0x5;
	_ =	sdelay $0xe  }
0xd8: {  	s2 =	spop @!p0 (v2sf)  }
0xd9: {  	s10 =	sand.u32 @!p0 $0x7F, s2  }
0xda: {  	v10 =	vor.u32 @!p0 s10, v5;
	_ =	sdelay $0x1  }
0xdb: {  	p1 =	slt.s32 @!p0 s2, $0xF4200  }
0xdc: {  	[sflag:s18] =	ssyncset.done @!p0 $0x0;
	s2 =	simm.s32 @!p0 $0xCA00;
	p1 =	por !p1, p0  }
0xdd: {  	[sflag:s18] =	ssyncadd.s32 @!p0 $0xFFFFE000;
	s2 =	simm.s32 @p1 $0xA00  }
0xde: {  	v10 =	vld.idx.msk @!p0 [tilespmem:v10+s2+$0x0], $0xffff  }
0xdf: {  	v11 =	vor.u32 @!p0 s10, v6;
	_ =	sdelay $0x2  }
0xe0: {  	(v2sf) =	vpush @!p0 v9, $0xD  }
0xe1: {  	[tilespmem:$0x340] =	vst @!p0 v10  }
0xe2: {  	v10 =	vld.idx.msk @!p0 [tilespmem:v11+s2+$0x0], $0xffff  }
0xe3: {  	v11 =	vor.u32 @!p0 s10, v7;
	_ =	sdelay $0x3  }
0xe4: {  	[tilespmem:$0x350] =	vst @!p0 v10  }
0xe5: {  	v10 =	vld.idx.msk @!p0 [tilespmem:v11+s2+$0x0], $0xffff  }
0xe6: {  	v11 =	vor.u32 @!p0 s10, v8;
	_ =	sdelay $0x3  }
0xe7: {  	[tilespmem:$0x360] =	vst @!p0 v10  }
0xe8: {  	v10 =	vld.idx.msk @!p0 [tilespmem:v11+s2+$0x0], $0xffff  }
0xe9: {  	s29 =	spop @!p0 (v2sf)  }
0xea: {  	p1 =	slt.s32 @!p0 s29, $0xF4200  }
0xeb: {  	p6 =	por !p1, p0;
	s2 =	sand.u32 @!p0 $0xFFFFF80, s29  }
0xec: {  	s2 =	simm.s32 @p6 $0x0  }
0xed: {  	s19 =	simm.s32 @!p0 $0xCA00;
	s2 =	sadd.s32 @!p0 s1, s2;
	[tilespmem:$0x370] =	vst @!p0 v10  }
0xee: {  	[tilespmem:s19], [sflag:$0x6] =	stream.strided.gather @!p0 [hbm4b:s2+s6], $0x2000, s9, s6, $0x38;
	[tilespmem:$0x12A00] =	vst v63  }
0xef: {  	s2 =	simm.s32 @!p0 $0x7  }
0xf0: {  	_ =	swait.ge @!p0 [sflag:s2], $0x2000  }
0xf1: {  	(v2sf) =	vpush @!p0 v9, $0x6;
	_ =	sdelay $0xe  }
0xf2: {  	s10 =	spop @!p0 (v2sf)  }
0xf3: {  	s23 =	sand.u32 @!p0 $0x7F, s10  }
0xf4: {  	v10 =	vor.u32 @!p0 s23, v5;
	_ =	sdelay $0x1  }
0xf5: {  	p1 =	slt.s32 @!p0 s10, $0xF4200  }
0xf6: {  	[sflag:s2] =	ssyncset.done @!p0 $0x0;
	s10 =	simm.s32 @!p0 $0xEA00;
	p1 =	por !p1, p0  }
0xf7: {  	[sflag:s2] =	ssyncadd.s32 @!p0 $0xFFFFE000;
	s10 =	simm.s32 @p1 $0xA00  }
0xf8: {  	v10 =	vld.idx.msk @!p0 [tilespmem:v10+s10+$0x0], $0xffff  }
0xf9: {  	v11 =	vor.u32 @!p0 s23, v6;
	_ =	sdelay $0x2  }
0xfa: {  	(v2sf) =	vpush @!p0 v9, $0xE  }
0xfb: {  	[tilespmem:$0x380] =	vst @!p0 v10  }
0xfc: {  	v10 =	vld.idx.msk @!p0 [tilespmem:v11+s10+$0x0], $0xffff  }
0xfd: {  	v11 =	vor.u32 @!p0 s23, v7;
	_ =	sdelay $0x3  }
0xfe: {  	[tilespmem:$0x390] =	vst @!p0 v10  }
0xff: {  	v10 =	vld.idx.msk @!p0 [tilespmem:v11+s10+$0x0], $0xffff  }
0x100: {  	v11 =	vor.u32 @!p0 s23, v8;
	_ =	sdelay $0x3  }
0x101: {  	[tilespmem:$0x3A0] =	vst @!p0 v10  }
0x102: {  	v10 =	vld.idx.msk @!p0 [tilespmem:v11+s10+$0x0], $0xffff  }
0x103: {  	s30 =	spop @!p0 (v2sf)  }
0x104: {  	p1 =	slt.s32 @!p0 s30, $0xF4200  }
0x105: {  	p3 =	por !p1, p0;
	s10 =	sand.u32 @!p0 $0xFFFFF80, s30  }
0x106: {  	s10 =	simm.s32 @p3 $0x0  }
0x107: {  	s24 =	simm.s32 @!p0 $0x8;
	s23 =	simm.s32 @!p0 $0xEA00;
	s10 =	sadd.s32 @!p0 s1, s10;
	[tilespmem:$0x3B0] =	vst @!p0 v10  }
0x108: {  	[tilespmem:s23], [sflag:$0x7] =	stream.strided.gather @!p0 [hbm4b:s10+s6], $0x2000, s9, s6, $0x38;
	[tilespmem:$0x12A00] =	vst v63  }
0x109: {  	_ =	swait.ge @!p0 [sflag:s24], $0x2000  }
0x10a: {  	(v2sf) =	vpush @!p0 v9, $0x7;
	_ =	sdelay $0xe  }
0x10b: {  	s10 =	spop @!p0 (v2sf)  }
0x10c: {  	s11 =	sand.u32 @!p0 $0x7F, s10  }
0x10d: {  	v10 =	vor.u32 @!p0 s11, v5;
	_ =	sdelay $0x1  }
0x10e: {  	p1 =	slt.s32 @!p0 s10, $0xF4200  }
0x10f: {  	[sflag:s24] =	ssyncset.done @!p0 $0x0;
	s10 =	simm.s32 @!p0 $0x10A00;
	p1 =	por !p1, p0  }
0x110: {  	[sflag:s24] =	ssyncadd.s32 @!p0 $0xFFFFE000;
	s10 =	simm.s32 @p1 $0xA00  }
0x111: {  	v10 =	vld.idx.msk @!p0 [tilespmem:v10+s10+$0x0], $0xffff  }
0x112: {  	v11 =	vor.u32 @!p0 s11, v6;
	_ =	sdelay $0x2  }
0x113: {  	(v2sf) =	vpush @!p0 v9, $0xF  }
0x114: {  	[tilespmem:$0x3C0] =	vst @!p0 v10  }
0x115: {  	v9 =	vld.idx.msk @!p0 [tilespmem:v11+s10+$0x0], $0xffff  }
0x116: {  	v10 =	vor.u32 @!p0 s11, v7;
	_ =	sdelay $0x3  }
0x117: {  	[tilespmem:$0x3D0] =	vst @!p0 v9  }
0x118: {  	v9 =	vld.idx.msk @!p0 [tilespmem:v10+s10+$0x0], $0xffff  }
0x119: {  	v10 =	vor.u32 @!p0 s11, v8;
	_ =	sdelay $0x3  }
0x11a: {  	[tilespmem:$0x3E0] =	vst @!p0 v9  }
0x11b: {  	v9 =	vld.idx.msk @!p0 [tilespmem:v10+s10+$0x0], $0xffff  }
0x11c: {  	s10 =	spop @!p0 (v2sf)  }
0x11d: {  	p1 =	slt.s32 @!p0 s10, $0xF4200  }
0x11e: {  	s11 =	sand.u32 @!p0 $0xFFFFF80, s10;
	p2 =	por !p1, p0  }
0x11f: {  	s11 =	simm.s32 @p2 $0x0  }
0x120: {  	s0 =	sand.u32 @!p0 $0x7F, s16;
	s16 =	simm.s32 @!p0 $0x10A00;
	s11 =	sadd.s32 @!p0 s1, s11;
	[tilespmem:$0x3F0] =	vst @!p0 v9  }
0x121: {  	[tilespmem:s16], [sflag:$0x8] =	stream.strided.gather @!p0 [hbm4b:s11+s6], $0x2000, s9, s6, $0x38;
	[tilespmem:$0x12A00] =	vst v63  }
0x122: {  	_ =	swait.ge @!p0 [sflag:s20], $0x2000  }
0x123: {  	[sflag:s20] =	ssyncset.done @!p0 $0x0  }
0x124: {  	v9 =	vor.u32 @!p0 s0, v5;
	[sflag:s20] =	ssyncadd.s32 @!p0 $0xFFFFE000;
	s20 =	sld [smem:$0x7FB];
	_ =	sdelay $0x2  }
0x125: {  	s11 =	simm.s32 @!p0 $0x2A00;
	p1 =	seq.s32 s20, $0x1  }
0x126: {  	s11 =	simm.s32 @p1 $0xA00  }
0x127: {  	v9 =	vld.idx.msk @!p0 [tilespmem:v9+s11+$0x0], $0xffff  }
0x128: {  	v10 =	vor.u32 @!p0 s0, v6;
	_ =	sdelay $0x2  }
0x129: {  	(v2sf) =	vpush @!p0 v4, $0x0  }
0x12a: {  	[tilespmem:$0x400] =	vst @!p0 v9  }
0x12b: {  	v9 =	vld.idx.msk @!p0 [tilespmem:v10+s11+$0x0], $0xffff  }
0x12c: {  	v10 =	vor.u32 @!p0 s0, v7;
	_ =	sdelay $0x3  }
0x12d: {  	[tilespmem:$0x410] =	vst @!p0 v9  }
0x12e: {  	v9 =	vld.idx.msk @!p0 [tilespmem:v10+s11+$0x0], $0xffff  }
0x12f: {  	v10 =	vor.u32 @!p0 s0, v8;
	_ =	sdelay $0x3  }
0x130: {  	[tilespmem:$0x420] =	vst @!p0 v9  }
0x131: {  	v9 =	vld.idx.msk @!p0 [tilespmem:v10+s11+$0x0], $0xffff  }
0x132: {  	s0 =	spop @!p0 (v2sf)  }
0x133: {  	p1 =	slt.s32 @!p0 s0, $0xF4200  }
0x134: {  	s0 =	sand.u32 @!p0 $0xFFFFF80, s0;
	p1 =	por !p1, p0  }
0x135: {  	s0 =	simm.s32 @p1 $0x0  }
0x136: {  	s20 =	simm.s32 @!p0 $0x2A00;
	s0 =	sadd.s32 @!p0 s1, s0;
	[tilespmem:$0x430] =	vst @!p0 v9  }
0x137: {  	[tilespmem:s20], [sflag:$0x1] =	stream.strided.gather @!p0 [hbm4b:s0+s6], $0x2000, s9, s6, $0x38;
	[tilespmem:$0x12A00] =	vst v63  }
0x138: {  	s11 =	sand.u32 @!p0 $0x7F, s22;
	_ =	swait.ge @!p0 [sflag:s8], $0x2000  }
0x139: {  	v9 =	vor.u32 @!p0 s11, v5;
	s22 =	sld [smem:$0x7FC];
	_ =	sdelay $0x2  }
0x13a: {  	s0 =	simm.s32 @!p0 $0x4A00;
	[sflag:s8] =	ssyncset.done @!p0 $0x0;
	p1 =	seq.s32 s22, $0x1  }
0x13b: {  	[sflag:s8] =	ssyncadd.s32 @!p0 $0xFFFFE000;
	s0 =	simm.s32 @p1 $0xA00  }
0x13c: {  	v9 =	vld.idx.msk @!p0 [tilespmem:v9+s0+$0x0], $0xffff  }
0x13d: {  	v10 =	vor.u32 @!p0 s11, v6;
	_ =	sdelay $0x2  }
0x13e: {  	(v2sf) =	vpush @!p0 v4, $0x1  }
0x13f: {  	[tilespmem:$0x440] =	vst @!p0 v9  }
0x140: {  	v9 =	vld.idx.msk @!p0 [tilespmem:v10+s0+$0x0], $0xffff  }
0x141: {  	v10 =	vor.u32 @!p0 s11, v7;
	_ =	sdelay $0x3  }
0x142: {  	[tilespmem:$0x450] =	vst @!p0 v9  }
0x143: {  	v9 =	vld.idx.msk @!p0 [tilespmem:v10+s0+$0x0], $0xffff  }
0x144: {  	v10 =	vor.u32 @!p0 s11, v8;
	_ =	sdelay $0x3  }
0x145: {  	[tilespmem:$0x460] =	vst @!p0 v9  }
0x146: {  	v9 =	vld.idx.msk @!p0 [tilespmem:v10+s0+$0x0], $0xffff  }
0x147: {  	s0 =	spop @!p0 (v2sf)  }
0x148: {  	p1 =	slt.s32 @!p0 s0, $0xF4200  }
0x149: {  	s0 =	sand.u32 @!p0 $0xFFFFF80, s0;
	p1 =	por !p1, p0  }
0x14a: {  	s0 =	simm.s32 @p1 $0x0  }
0x14b: {  	s0 =	sadd.s32 @!p0 s1, s0;
	[tilespmem:$0x470] =	vst @!p0 v9  }
0x14c: {  	[tilespmem:s21], [sflag:$0x2] =	stream.strided.gather @!p0 [hbm4b:s0+s6], $0x2000, s9, s6, $0x38;
	[tilespmem:$0x12A00] =	vst v63  }
0x14d: {  	_ =	swait.ge @!p0 [sflag:s31], $0x2000  }
0x14e: {  	s8 =	sand.u32 @!p0 $0x7F, s25;
	[sflag:s31] =	ssyncset.done @!p0 $0x0  }
0x14f: {  	v9 =	vor.u32 @!p0 s8, v5;
	[sflag:s31] =	ssyncadd.s32 @!p0 $0xFFFFE000;
	s31 =	sld [smem:$0x7FD];
	_ =	sdelay $0x2  }
0x150: {  	s0 =	simm.s32 @!p0 $0x6A00;
	p1 =	seq.s32 s31, $0x1  }
0x151: {  	s0 =	simm.s32 @p1 $0xA00  }
0x152: {  	v9 =	vld.idx.msk @!p0 [tilespmem:v9+s0+$0x0], $0xffff  }
0x153: {  	v10 =	vor.u32 @!p0 s8, v6;
	_ =	sdelay $0x2  }
0x154: {  	(v2sf) =	vpush @!p0 v4, $0x2  }
0x155: {  	[tilespmem:$0x480] =	vst @!p0 v9  }
0x156: {  	v9 =	vld.idx.msk @!p0 [tilespmem:v10+s0+$0x0], $0xffff  }
0x157: {  	v10 =	vor.u32 @!p0 s8, v7;
	_ =	sdelay $0x3  }
0x158: {  	[tilespmem:$0x490] =	vst @!p0 v9  }
0x159: {  	v9 =	vld.idx.msk @!p0 [tilespmem:v10+s0+$0x0], $0xffff  }
0x15a: {  	v10 =	vor.u32 @!p0 s8, v8;
	_ =	sdelay $0x3  }
0x15b: {  	[tilespmem:$0x4A0] =	vst @!p0 v9  }
0x15c: {  	v9 =	vld.idx.msk @!p0 [tilespmem:v10+s0+$0x0], $0xffff  }
0x15d: {  	s0 =	spop @!p0 (v2sf)  }
0x15e: {  	p1 =	slt.s32 @!p0 s0, $0xF4200  }
0x15f: {  	s0 =	sand.u32 @!p0 $0xFFFFF80, s0;
	p1 =	por !p1, p0  }
0x160: {  	s8 =	sand.u32 @!p0 $0x7F, s26;
	s0 =	simm.s32 @p1 $0x0  }
0x161: {  	s0 =	sadd.s32 @!p0 s1, s0;
	[tilespmem:$0x4B0] =	vst @!p0 v9;
	v9 =	vor.u32 @!p0 s8, v5  }
0x162: {  	[tilespmem:s12], [sflag:$0x3] =	stream.strided.gather @!p0 [hbm4b:s0+s6], $0x2000, s9, s6, $0x38;
	[tilespmem:$0x12A00] =	vst v63  }
0x163: {  	_ =	swait.ge @!p0 [sflag:s13], $0x2000  }
0x164: {  	s0 =	simm.s32 @!p0 $0x8A00;
	[sflag:s13] =	ssyncset.done @!p0 $0x0  }
0x165: {  	s0 =	simm.s32 @p4 $0xA00;
	[sflag:s13] =	ssyncadd.s32 @!p0 $0xFFFFE000  }
0x166: {  	v9 =	vld.idx.msk @!p0 [tilespmem:v9+s0+$0x0], $0xffff  }
0x167: {  	v10 =	vor.u32 @!p0 s8, v6;
	_ =	sdelay $0x2  }
0x168: {  	(v2sf) =	vpush @!p0 v4, $0x3  }
0x169: {  	[tilespmem:$0x4C0] =	vst @!p0 v9  }
0x16a: {  	v9 =	vld.idx.msk @!p0 [tilespmem:v10+s0+$0x0], $0xffff  }
0x16b: {  	v10 =	vor.u32 @!p0 s8, v7;
	_ =	sdelay $0x3  }
0x16c: {  	[tilespmem:$0x4D0] =	vst @!p0 v9  }
0x16d: {  	v9 =	vld.idx.msk @!p0 [tilespmem:v10+s0+$0x0], $0xffff  }
0x16e: {  	v10 =	vor.u32 @!p0 s8, v8;
	_ =	sdelay $0x3  }
0x16f: {  	[tilespmem:$0x4E0] =	vst @!p0 v9  }
0x170: {  	v9 =	vld.idx.msk @!p0 [tilespmem:v10+s0+$0x0], $0xffff  }
0x171: {  	s0 =	spop @!p0 (v2sf)  }
0x172: {  	p1 =	slt.s32 @!p0 s0, $0xF4200  }
0x173: {  	s0 =	sand.u32 @!p0 $0xFFFFF80, s0;
	p1 =	por !p1, p0  }
0x174: {  	s8 =	sand.u32 @!p0 $0x7F, s28;
	s0 =	simm.s32 @p1 $0x0  }
0x175: {  	s0 =	sadd.s32 @!p0 s1, s0;
	[tilespmem:$0x4F0] =	vst @!p0 v9;
	v9 =	vor.u32 @!p0 s8, v5  }
0x176: {  	[tilespmem:s14], [sflag:$0x4] =	stream.strided.gather @!p0 [hbm4b:s0+s6], $0x2000, s9, s6, $0x38;
	[tilespmem:$0x12A00] =	vst v63  }
0x177: {  	_ =	swait.ge @!p0 [sflag:s15], $0x2000  }
0x178: {  	s0 =	simm.s32 @!p0 $0xAA00;
	[sflag:s15] =	ssyncset.done @!p0 $0x0  }
0x179: {  	s0 =	simm.s32 @p5 $0xA00;
	[sflag:s15] =	ssyncadd.s32 @!p0 $0xFFFFE000  }
0x17a: {  	v9 =	vld.idx.msk @!p0 [tilespmem:v9+s0+$0x0], $0xffff  }
0x17b: {  	v10 =	vor.u32 @!p0 s8, v6;
	_ =	sdelay $0x2  }
0x17c: {  	(v2sf) =	vpush @!p0 v4, $0x4  }
0x17d: {  	[tilespmem:$0x500] =	vst @!p0 v9  }
0x17e: {  	v9 =	vld.idx.msk @!p0 [tilespmem:v10+s0+$0x0], $0xffff  }
0x17f: {  	v10 =	vor.u32 @!p0 s8, v7;
	_ =	sdelay $0x3  }
0x180: {  	[tilespmem:$0x510] =	vst @!p0 v9  }
0x181: {  	v9 =	vld.idx.msk @!p0 [tilespmem:v10+s0+$0x0], $0xffff  }
0x182: {  	v10 =	vor.u32 @!p0 s8, v8;
	_ =	sdelay $0x3  }
0x183: {  	[tilespmem:$0x520] =	vst @!p0 v9  }
0x184: {  	v9 =	vld.idx.msk @!p0 [tilespmem:v10+s0+$0x0], $0xffff  }
0x185: {  	s0 =	spop @!p0 (v2sf)  }
0x186: {  	p1 =	slt.s32 @!p0 s0, $0xF4200  }
0x187: {  	s0 =	sand.u32 @!p0 $0xFFFFF80, s0;
	p1 =	por !p1, p0  }
0x188: {  	s8 =	sand.u32 @!p0 $0x7F, s29;
	s0 =	simm.s32 @p1 $0x0  }
0x189: {  	s0 =	sadd.s32 @!p0 s1, s0;
	[tilespmem:$0x530] =	vst @!p0 v9;
	v9 =	vor.u32 @!p0 s8, v5  }
0x18a: {  	[tilespmem:s17], [sflag:$0x5] =	stream.strided.gather @!p0 [hbm4b:s0+s6], $0x2000, s9, s6, $0x38;
	[tilespmem:$0x12A00] =	vst v63  }
0x18b: {  	_ =	swait.ge @!p0 [sflag:s18], $0x2000  }
0x18c: {  	s0 =	simm.s32 @!p0 $0xCA00;
	[sflag:s18] =	ssyncset.done @!p0 $0x0  }
0x18d: {  	s0 =	simm.s32 @p6 $0xA00;
	[sflag:s18] =	ssyncadd.s32 @!p0 $0xFFFFE000  }
0x18e: {  	v9 =	vld.idx.msk @!p0 [tilespmem:v9+s0+$0x0], $0xffff  }
0x18f: {  	v10 =	vor.u32 @!p0 s8, v6;
	_ =	sdelay $0x2  }
0x190: {  	(v2sf) =	vpush @!p0 v4, $0x5  }
0x191: {  	[tilespmem:$0x540] =	vst @!p0 v9  }
0x192: {  	v9 =	vld.idx.msk @!p0 [tilespmem:v10+s0+$0x0], $0xffff  }
0x193: {  	v10 =	vor.u32 @!p0 s8, v7;
	_ =	sdelay $0x3  }
0x194: {  	[tilespmem:$0x550] =	vst @!p0 v9  }
0x195: {  	v9 =	vld.idx.msk @!p0 [tilespmem:v10+s0+$0x0], $0xffff  }
0x196: {  	v10 =	vor.u32 @!p0 s8, v8;
	_ =	sdelay $0x3  }
0x197: {  	[tilespmem:$0x560] =	vst @!p0 v9  }
0x198: {  	v9 =	vld.idx.msk @!p0 [tilespmem:v10+s0+$0x0], $0xffff  }
0x199: {  	s0 =	spop @!p0 (v2sf)  }
0x19a: {  	p1 =	slt.s32 @!p0 s0, $0xF4200  }
0x19b: {  	s0 =	sand.u32 @!p0 $0xFFFFF80, s0;
	p1 =	por !p1, p0  }
0x19c: {  	s8 =	sand.u32 @!p0 $0x7F, s30;
	s0 =	simm.s32 @p1 $0x0  }
0x19d: {  	s0 =	sadd.s32 @!p0 s1, s0;
	[tilespmem:$0x570] =	vst @!p0 v9;
	v9 =	vor.u32 @!p0 s8, v5  }
0x19e: {  	[tilespmem:s19], [sflag:$0x6] =	stream.strided.gather @!p0 [hbm4b:s0+s6], $0x2000, s9, s6, $0x38;
	[tilespmem:$0x12A00] =	vst v63  }
0x19f: {  	_ =	swait.ge @!p0 [sflag:s2], $0x2000  }
0x1a0: {  	s0 =	simm.s32 @!p0 $0xEA00;
	[sflag:s2] =	ssyncset.done @!p0 $0x0  }
0x1a1: {  	s0 =	simm.s32 @p3 $0xA00;
	[sflag:s2] =	ssyncadd.s32 @!p0 $0xFFFFE000  }
0x1a2: {  	v9 =	vld.idx.msk @!p0 [tilespmem:v9+s0+$0x0], $0xffff  }
0x1a3: {  	v10 =	vor.u32 @!p0 s8, v6;
	_ =	sdelay $0x2  }
0x1a4: {  	(v2sf) =	vpush @!p0 v4, $0x6  }
0x1a5: {  	[tilespmem:$0x580] =	vst @!p0 v9  }
0x1a6: {  	v9 =	vld.idx.msk @!p0 [tilespmem:v10+s0+$0x0], $0xffff  }
0x1a7: {  	v10 =	vor.u32 @!p0 s8, v7;
	_ =	sdelay $0x3  }
0x1a8: {  	[tilespmem:$0x590] =	vst @!p0 v9  }
0x1a9: {  	v9 =	vld.idx.msk @!p0 [tilespmem:v10+s0+$0x0], $0xffff  }
0x1aa: {  	v10 =	vor.u32 @!p0 s8, v8;
	_ =	sdelay $0x3  }
0x1ab: {  	[tilespmem:$0x5A0] =	vst @!p0 v9  }
0x1ac: {  	v9 =	vld.idx.msk @!p0 [tilespmem:v10+s0+$0x0], $0xffff  }
0x1ad: {  	s0 =	spop @!p0 (v2sf)  }
0x1ae: {  	p1 =	slt.s32 @!p0 s0, $0xF4200  }
0x1af: {  	s0 =	sand.u32 @!p0 $0xFFFFF80, s0;
	p1 =	por !p1, p0  }
0x1b0: {  	s2 =	sand.u32 @!p0 $0x7F, s10;
	s0 =	simm.s32 @p1 $0x0  }
0x1b1: {  	v5 =	vor.u32 @!p0 s2, v5;
	s0 =	sadd.s32 @!p0 s1, s0;
	[tilespmem:$0x5B0] =	vst @!p0 v9  }
0x1b2: {  	[tilespmem:s23], [sflag:$0x7] =	stream.strided.gather @!p0 [hbm4b:s0+s6], $0x2000, s9, s6, $0x38;
	[tilespmem:$0x12A00] =	vst v63  }
0x1b3: {  	_ =	swait.ge @!p0 [sflag:s24], $0x2000  }
0x1b4: {  	s0 =	simm.s32 @!p0 $0x10A00;
	[sflag:s24] =	ssyncset.done @!p0 $0x0  }
0x1b5: {  	s0 =	simm.s32 @p2 $0xA00;
	[sflag:s24] =	ssyncadd.s32 @!p0 $0xFFFFE000  }
0x1b6: {  	v5 =	vld.idx.msk @!p0 [tilespmem:v5+s0+$0x0], $0xffff  }
0x1b7: {  	v6 =	vor.u32 @!p0 s2, v6;
	_ =	sdelay $0x2  }
0x1b8: {  	(v2sf) =	vpush @!p0 v4, $0x7  }
0x1b9: {  	[tilespmem:$0x5C0] =	vst @!p0 v5  }
0x1ba: {  	v4 =	vld.idx.msk @!p0 [tilespmem:v6+s0+$0x0], $0xffff  }
0x1bb: {  	v5 =	vor.u32 @!p0 s2, v7;
	_ =	sdelay $0x3  }
0x1bc: {  	[tilespmem:$0x5D0] =	vst @!p0 v4  }
0x1bd: {  	v4 =	vld.idx.msk @!p0 [tilespmem:v5+s0+$0x0], $0xffff  }
0x1be: {  	v5 =	vor.u32 @!p0 s2, v8;
	_ =	sdelay $0x3  }
0x1bf: {  	[tilespmem:$0x5E0] =	vst @!p0 v4  }
0x1c0: {  	v4 =	vld.idx.msk @!p0 [tilespmem:v5+s0+$0x0], $0xffff  }
0x1c1: {  	s0 =	spop @!p0 (v2sf)  }
0x1c2: {  	p1 =	slt.s32 @!p0 s0, $0xF4200  }
0x1c3: {  	s0 =	sand.u32 @!p0 $0xFFFFF80, s0;
	p1 =	por !p1, p0  }
0x1c4: {  	s0 =	simm.s32 @p1 $0x0  }
0x1c5: {  	s0 =	sadd.s32 @!p0 s1, s0;
	[tilespmem:$0x5F0] =	vst @!p0 v4  }
0x1c6: {  	[tilespmem:s16], [sflag:$0x8] =	stream.strided.gather @!p0 [hbm4b:s0+s6], $0x2000, s9, s6, $0x38;
	[tilespmem:$0x12A00] =	vst v63  }
0x1c7: {  	s2 =	simm.s32 @!p0 $0x200;
	p1 =	seq.s32 @!p0 s5, $0x0;
	s0 =	simm.s32 @!p0 $0x0  }
0x1c8: {  	[hbm4b:s7+s0] =	stream.linear.scatter @!p0 [tilespmem:s2], [sflag:$0x9], $0x400, $0x38;
	[tilespmem:$0x12A00] =	vst v63  }
0x1c9: {  	p0 =	por p0, !p1  }
.Ltmp4:
0x1ca: {  	_ = 	snop;
	(pc) =	sbr.rel @!p0 .LBB2_4-.Ltmp4, $1  }
0x1cb: {  	_ =	sdelay $0x3  }
0x1cc: {  	s0 =	smin.u32 s4, $0x1E  }
0x1cd: {  	v5 =	vld [tilespmem:s3+$0x0];
	p0 =	slt.u32 s4, $0x2;
	s0 =	sshll.u32 s0, $0x4  }
0x1ce: {  	v4 =	vld [tilespmem:s0+$0x10];
	s0 =	simm.s32 @!p0 $0xA  }
0x1cf: {  	_ =	swait.ge @!p0 [sflag:s0], $0x400  }
0x1d0: {  	[sflag:s0] =	ssyncset.done @!p0 $0x0  }
0x1d1: {  	s16 =	simm.s32 $0x1;
	[sflag:s0] =	ssyncadd.s32 @!p0 $0xFFFFFC00  }
0x1d2: {  	_ =	swait.ge [sflag:s16], $0x2000  }
0x1d3: {  	(v2sf) =	vpush v5, $0x0;
	_ =	sdelay $0xe  }
0x1d4: {  	s30 =	spop (v2sf)  }
0x1d5: {  	s2 =	sand.u32 $0x7F, s30  }
0x1d6: {  	v6 =	vor.u32 s2, v0;
	_ =	sdelay $0x2  }
0x1d7: {  	s0 =	simm.s32 $0x2A00;
	[sflag:s16] =	ssyncset.done $0x0;
	p0 =	slt.s32 s30, $0xF4200  }
0x1d8: {  	[sflag:s16] =	ssyncadd.s32 $0xFFFFE000;
	s0 =	simm.s32 @!p0 $0xA00  }
0x1d9: {  	v6 =	vld.idx.msk [tilespmem:v6+s0+$0x0], $0xffff  }
0x1da: {  	v7 =	vor.u32 s2, v1;
	_ =	sdelay $0x3  }
0x1db: {  	(v2sf) =	vpush v5, $0x8;
	[tilespmem:$0x600] =	vst v6  }
0x1dc: {  	v6 =	vld.idx.msk [tilespmem:v7+s0+$0x0], $0xffff  }
0x1dd: {  	v12 =	vor.u32 s2, v2;
	_ =	sdelay $0x3  }
0x1de: {  	[tilespmem:$0x610] =	vst v6  }
0x1df: {  	v6 =	vld.idx.msk [tilespmem:v12+s0+$0x0], $0xffff  }
0x1e0: {  	v13 =	vor.u32 s2, v3;
	_ =	sdelay $0x3  }
0x1e1: {  	[tilespmem:$0x620] =	vst v6  }
0x1e2: {  	v6 =	vld.idx.msk [tilespmem:v13+s0+$0x0], $0xffff;
	_ =	sdelay $0x1  }
0x1e3: {  	s5 =	spop (v2sf)  }
0x1e4: {  	p2 =	slt.s32 s5, $0xF4200;
	s0 =	sand.u32 $0xFFFFF80, s5  }
0x1e5: {  	s14 =	simm.s32 $0x400;
	s15 =	simm.s32 $0x7A1400;
	s0 =	simm.s32 @!p2 $0x0  }
0x1e6: {  	s31 =	simm.s32 $0x2A00;
	s17 =	simm.s32 $0x2;
	s0 =	sadd.s32 s1, s0;
	[tilespmem:$0x630] =	vst v6  }
0x1e7: {  	[tilespmem:s31], [sflag:$0x1] =	stream.strided.gather [hbm4b:s0+s14], $0x2000, s15, s14, $0x38;
	[tilespmem:$0x12A00] =	vst v63  }
0x1e8: {  	_ =	swait.ge [sflag:s17], $0x2000  }
0x1e9: {  	(v2sf) =	vpush v5, $0x1;
	_ =	sdelay $0xe  }
0x1ea: {  	s6 =	spop (v2sf)  }
0x1eb: {  	s8 =	sand.u32 $0x7F, s6  }
0x1ec: {  	v14 =	vor.u32 s8, v0;
	_ =	sdelay $0x2  }
0x1ed: {  	s0 =	simm.s32 $0x4A00;
	[sflag:s17] =	ssyncset.done $0x0;
	p0 =	slt.s32 s6, $0xF4200  }
0x1ee: {  	[sflag:s17] =	ssyncadd.s32 $0xFFFFE000;
	s0 =	simm.s32 @!p0 $0xA00  }
0x1ef: {  	v6 =	vld.idx.msk [tilespmem:v14+s0+$0x0], $0xffff  }
0x1f0: {  	v15 =	vor.u32 s8, v1;
	_ =	sdelay $0x1  }
0x1f1: {  	(v2sf) =	vpush v5, $0x9;
	_ =	sdelay $0x1  }
0x1f2: {  	[tilespmem:$0x640] =	vst v6  }
0x1f3: {  	v6 =	vld.idx.msk [tilespmem:v15+s0+$0x0], $0xffff  }
0x1f4: {  	v16 =	vor.u32 s8, v2;
	_ =	sdelay $0x3  }
0x1f5: {  	[tilespmem:$0x650] =	vst v6  }
0x1f6: {  	v6 =	vld.idx.msk [tilespmem:v16+s0+$0x0], $0xffff  }
0x1f7: {  	v17 =	vor.u32 s8, v3;
	_ =	sdelay $0x3  }
0x1f8: {  	[tilespmem:$0x660] =	vst v6  }
0x1f9: {  	v6 =	vld.idx.msk [tilespmem:v17+s0+$0x0], $0xffff;
	s0 =	spop (v2sf)  }
0x1fa: {  	p0 =	slt.s32 s0, $0xF4200  }
0x1fb: {  	s2 =	simm.s32 @!p0 $0x0  }
0x1fc: {  	s2 =	simm.s32 @p0 $0x1  }
0x1fd: {  	[smem:$0x7F9] =	sst s2;
	s2 =	sand.u32 $0xFFFFF80, s0  }
0x1fe: {  	s2 =	simm.s32 @!p0 $0x0  }
0x1ff: {  	s18 =	simm.s32 $0x3;
	s6 =	simm.s32 $0x4A00;
	[tilespmem:$0x670] =	vst v6;
	s2 =	sadd.s32 s1, s2  }
0x200: {  	[tilespmem:s6], [sflag:$0x2] =	stream.strided.gather [hbm4b:s2+s14], $0x2000, s15, s14, $0x38;
	[tilespmem:$0x12A00] =	vst v63  }
0x201: {  	_ =	swait.ge [sflag:s18], $0x2000  }
0x202: {  	(v2sf) =	vpush v5, $0x2;
	_ =	sdelay $0xe  }
0x203: {  	s9 =	spop (v2sf)  }
0x204: {  	s10 =	sand.u32 $0x7F, s9  }
0x205: {  	v18 =	vor.u32 s10, v0;
	_ =	sdelay $0x2  }
0x206: {  	s2 =	simm.s32 $0x6A00;
	[sflag:s18] =	ssyncset.done $0x0;
	p0 =	slt.s32 s9, $0xF4200  }
0x207: {  	[sflag:s18] =	ssyncadd.s32 $0xFFFFE000;
	s2 =	simm.s32 @!p0 $0xA00  }
0x208: {  	v6 =	vld.idx.msk [tilespmem:v18+s2+$0x0], $0xffff  }
0x209: {  	v19 =	vor.u32 s10, v1;
	_ =	sdelay $0x1  }
0x20a: {  	(v2sf) =	vpush v5, $0xA;
	_ =	sdelay $0x1  }
0x20b: {  	[tilespmem:$0x680] =	vst v6  }
0x20c: {  	v6 =	vld.idx.msk [tilespmem:v19+s2+$0x0], $0xffff  }
0x20d: {  	v20 =	vor.u32 s10, v2;
	_ =	sdelay $0x3  }
0x20e: {  	[tilespmem:$0x690] =	vst v6  }
0x20f: {  	v6 =	vld.idx.msk [tilespmem:v20+s2+$0x0], $0xffff  }
0x210: {  	v21 =	vor.u32 s10, v3;
	_ =	sdelay $0x3  }
0x211: {  	[tilespmem:$0x6A0] =	vst v6  }
0x212: {  	v6 =	vld.idx.msk [tilespmem:v21+s2+$0x0], $0xffff;
	s2 =	spop (v2sf)  }
0x213: {  	p0 =	slt.s32 s2, $0xF4200  }
0x214: {  	s6 =	simm.s32 @!p0 $0x0  }
0x215: {  	s6 =	simm.s32 @p0 $0x1  }
0x216: {  	[smem:$0x7FA] =	sst s6;
	s6 =	sand.u32 $0xFFFFF80, s2  }
0x217: {  	s6 =	simm.s32 @!p0 $0x0  }
0x218: {  	s19 =	simm.s32 $0x4;
	s8 =	simm.s32 $0x6A00;
	[tilespmem:$0x6B0] =	vst v6;
	s6 =	sadd.s32 s1, s6  }
0x219: {  	[tilespmem:s8], [sflag:$0x3] =	stream.strided.gather [hbm4b:s6+s14], $0x2000, s15, s14, $0x38;
	[tilespmem:$0x12A00] =	vst v63  }
0x21a: {  	_ =	swait.ge [sflag:s19], $0x2000  }
0x21b: {  	(v2sf) =	vpush v5, $0x3;
	_ =	sdelay $0xe  }
0x21c: {  	s11 =	spop (v2sf)  }
0x21d: {  	s12 =	sand.u32 $0x7F, s11  }
0x21e: {  	v22 =	vor.u32 s12, v0;
	_ =	sdelay $0x2  }
0x21f: {  	s6 =	simm.s32 $0x8A00;
	[sflag:s19] =	ssyncset.done $0x0;
	p0 =	slt.s32 s11, $0xF4200  }
0x220: {  	[sflag:s19] =	ssyncadd.s32 $0xFFFFE000;
	s6 =	simm.s32 @!p0 $0xA00  }
0x221: {  	v6 =	vld.idx.msk [tilespmem:v22+s6+$0x0], $0xffff  }
0x222: {  	v23 =	vor.u32 s12, v1;
	_ =	sdelay $0x3  }
0x223: {  	(v2sf) =	vpush v5, $0xB;
	[tilespmem:$0x6C0] =	vst v6  }
0x224: {  	v6 =	vld.idx.msk [tilespmem:v23+s6+$0x0], $0xffff  }
0x225: {  	v24 =	vor.u32 s12, v2;
	_ =	sdelay $0x3  }
0x226: {  	[tilespmem:$0x6D0] =	vst v6  }
0x227: {  	v6 =	vld.idx.msk [tilespmem:v24+s6+$0x0], $0xffff  }
0x228: {  	v25 =	vor.u32 s12, v3;
	_ =	sdelay $0x3  }
0x229: {  	[tilespmem:$0x6E0] =	vst v6  }
0x22a: {  	v6 =	vld.idx.msk [tilespmem:v25+s6+$0x0], $0xffff;
	_ =	sdelay $0x1  }
0x22b: {  	s6 =	spop (v2sf)  }
0x22c: {  	p3 =	slt.s32 s6, $0xF4200;
	s8 =	sand.u32 $0xFFFFF80, s6  }
0x22d: {  	s8 =	simm.s32 @!p3 $0x0  }
0x22e: {  	s20 =	simm.s32 $0x5;
	s9 =	simm.s32 $0x8A00;
	s8 =	sadd.s32 s1, s8;
	[tilespmem:$0x6F0] =	vst v6  }
0x22f: {  	[tilespmem:s9], [sflag:$0x4] =	stream.strided.gather [hbm4b:s8+s14], $0x2000, s15, s14, $0x38;
	[tilespmem:$0x12A00] =	vst v63  }
0x230: {  	_ =	swait.ge [sflag:s20], $0x2000  }
0x231: {  	(v2sf) =	vpush v5, $0x4;
	_ =	sdelay $0xe  }
0x232: {  	s13 =	spop (v2sf)  }
0x233: {  	s21 =	sand.u32 $0x7F, s13  }
0x234: {  	v26 =	vor.u32 s21, v0;
	_ =	sdelay $0x2  }
0x235: {  	s8 =	simm.s32 $0xAA00;
	[sflag:s20] =	ssyncset.done $0x0;
	p0 =	slt.s32 s13, $0xF4200  }
0x236: {  	[sflag:s20] =	ssyncadd.s32 $0xFFFFE000;
	s8 =	simm.s32 @!p0 $0xA00  }
0x237: {  	v6 =	vld.idx.msk [tilespmem:v26+s8+$0x0], $0xffff  }
0x238: {  	v27 =	vor.u32 s21, v1;
	_ =	sdelay $0x3  }
0x239: {  	(v2sf) =	vpush v5, $0xC;
	[tilespmem:$0x700] =	vst v6  }
0x23a: {  	v6 =	vld.idx.msk [tilespmem:v27+s8+$0x0], $0xffff  }
0x23b: {  	v28 =	vor.u32 s21, v2;
	_ =	sdelay $0x3  }
0x23c: {  	[tilespmem:$0x710] =	vst v6  }
0x23d: {  	v6 =	vld.idx.msk [tilespmem:v28+s8+$0x0], $0xffff  }
0x23e: {  	v29 =	vor.u32 s21, v3;
	_ =	sdelay $0x3  }
0x23f: {  	[tilespmem:$0x720] =	vst v6  }
0x240: {  	v6 =	vld.idx.msk [tilespmem:v29+s8+$0x0], $0xffff;
	_ =	sdelay $0x1  }
0x241: {  	s8 =	spop (v2sf)  }
0x242: {  	p4 =	slt.s32 s8, $0xF4200;
	s9 =	sand.u32 $0xFFFFF80, s8  }
0x243: {  	s9 =	simm.s32 @!p4 $0x0  }
0x244: {  	s10 =	simm.s32 $0xAA00;
	s21 =	simm.s32 $0x6;
	s9 =	sadd.s32 s1, s9;
	[tilespmem:$0x730] =	vst v6  }
0x245: {  	[tilespmem:s10], [sflag:$0x5] =	stream.strided.gather [hbm4b:s9+s14], $0x2000, s15, s14, $0x38;
	[tilespmem:$0x12A00] =	vst v63  }
0x246: {  	_ =	swait.ge [sflag:s21], $0x2000  }
0x247: {  	(v2sf) =	vpush v5, $0x5;
	_ =	sdelay $0xe  }
0x248: {  	s22 =	spop (v2sf)  }
0x249: {  	s23 =	sand.u32 $0x7F, s22  }
0x24a: {  	v30 =	vor.u32 s23, v0;
	_ =	sdelay $0x2  }
0x24b: {  	s9 =	simm.s32 $0xCA00;
	[sflag:s21] =	ssyncset.done $0x0;
	p0 =	slt.s32 s22, $0xF4200  }
0x24c: {  	[sflag:s21] =	ssyncadd.s32 $0xFFFFE000;
	s9 =	simm.s32 @!p0 $0xA00  }
0x24d: {  	v6 =	vld.idx.msk [tilespmem:v30+s9+$0x0], $0xffff  }
0x24e: {  	v31 =	vor.u32 s23, v1;
	_ =	sdelay $0x3  }
0x24f: {  	(v2sf) =	vpush v5, $0xD;
	[tilespmem:$0x740] =	vst v6  }
0x250: {  	v6 =	vld.idx.msk [tilespmem:v31+s9+$0x0], $0xffff  }
0x251: {  	v32 =	vor.u32 s23, v2;
	_ =	sdelay $0x3  }
0x252: {  	[tilespmem:$0x750] =	vst v6  }
0x253: {  	v6 =	vld.idx.msk [tilespmem:v32+s9+$0x0], $0xffff  }
0x254: {  	v33 =	vor.u32 s23, v3;
	_ =	sdelay $0x3  }
0x255: {  	[tilespmem:$0x760] =	vst v6  }
0x256: {  	v6 =	vld.idx.msk [tilespmem:v33+s9+$0x0], $0xffff;
	_ =	sdelay $0x1  }
0x257: {  	s9 =	spop (v2sf)  }
0x258: {  	p5 =	slt.s32 s9, $0xF4200;
	s10 =	sand.u32 $0xFFFFF80, s9  }
0x259: {  	s10 =	simm.s32 @!p5 $0x0  }
0x25a: {  	s11 =	simm.s32 $0xCA00;
	s22 =	simm.s32 $0x7;
	s10 =	sadd.s32 s1, s10;
	[tilespmem:$0x770] =	vst v6  }
0x25b: {  	[tilespmem:s11], [sflag:$0x6] =	stream.strided.gather [hbm4b:s10+s14], $0x2000, s15, s14, $0x38;
	[tilespmem:$0x12A00] =	vst v63  }
0x25c: {  	_ =	swait.ge [sflag:s22], $0x2000  }
0x25d: {  	(v2sf) =	vpush v5, $0x6;
	_ =	sdelay $0xe  }
0x25e: {  	s24 =	spop (v2sf)  }
0x25f: {  	s25 =	sand.u32 $0x7F, s24  }
0x260: {  	v34 =	vor.u32 s25, v0;
	_ =	sdelay $0x2  }
0x261: {  	s10 =	simm.s32 $0xEA00;
	[sflag:s22] =	ssyncset.done $0x0;
	p0 =	slt.s32 s24, $0xF4200  }
0x262: {  	[sflag:s22] =	ssyncadd.s32 $0xFFFFE000;
	s10 =	simm.s32 @!p0 $0xA00  }
0x263: {  	v6 =	vld.idx.msk [tilespmem:v34+s10+$0x0], $0xffff  }
0x264: {  	v35 =	vor.u32 s25, v1;
	_ =	sdelay $0x3  }
0x265: {  	(v2sf) =	vpush v5, $0xE;
	[tilespmem:$0x780] =	vst v6  }
0x266: {  	v6 =	vld.idx.msk [tilespmem:v35+s10+$0x0], $0xffff  }
0x267: {  	v36 =	vor.u32 s25, v2;
	_ =	sdelay $0x3  }
0x268: {  	[tilespmem:$0x790] =	vst v6  }
0x269: {  	v6 =	vld.idx.msk [tilespmem:v36+s10+$0x0], $0xffff  }
0x26a: {  	v37 =	vor.u32 s25, v3;
	_ =	sdelay $0x3  }
0x26b: {  	[tilespmem:$0x7A0] =	vst v6  }
0x26c: {  	v6 =	vld.idx.msk [tilespmem:v37+s10+$0x0], $0xffff;
	_ =	sdelay $0x1  }
0x26d: {  	s12 =	spop (v2sf)  }
0x26e: {  	p6 =	slt.s32 s12, $0xF4200;
	s10 =	sand.u32 $0xFFFFF80, s12  }
0x26f: {  	s10 =	simm.s32 @!p6 $0x0  }
0x270: {  	s26 =	simm.s32 $0xEA00;
	s23 =	simm.s32 $0x8;
	s10 =	sadd.s32 s1, s10;
	[tilespmem:$0x7B0] =	vst v6  }
0x271: {  	[tilespmem:s26], [sflag:$0x7] =	stream.strided.gather [hbm4b:s10+s14], $0x2000, s15, s14, $0x38;
	[tilespmem:$0x12A00] =	vst v63  }
0x272: {  	_ =	swait.ge [sflag:s23], $0x2000  }
0x273: {  	(v2sf) =	vpush v5, $0x7;
	_ =	sdelay $0xe  }
0x274: {  	s28 =	spop (v2sf)  }
0x275: {  	s29 =	sand.u32 $0x7F, s28  }
0x276: {  	v38 =	vor.u32 s29, v0;
	_ =	sdelay $0x2  }
0x277: {  	s13 =	simm.s32 $0x10A00;
	[sflag:s23] =	ssyncset.done $0x0;
	p0 =	slt.s32 s28, $0xF4200  }
0x278: {  	[sflag:s23] =	ssyncadd.s32 $0xFFFFE000;
	s13 =	simm.s32 @!p0 $0xA00  }
0x279: {  	v6 =	vld.idx.msk [tilespmem:v38+s13+$0x0], $0xffff  }
0x27a: {  	v39 =	vor.u32 s29, v1;
	_ =	sdelay $0x3  }
0x27b: {  	(v2sf) =	vpush v5, $0xF;
	[tilespmem:$0x7C0] =	vst v6  }
0x27c: {  	v5 =	vld.idx.msk [tilespmem:v39+s13+$0x0], $0xffff  }
0x27d: {  	v40 =	vor.u32 s29, v2;
	_ =	sdelay $0x3  }
0x27e: {  	[tilespmem:$0x7D0] =	vst v5  }
0x27f: {  	v5 =	vld.idx.msk [tilespmem:v40+s13+$0x0], $0xffff  }
0x280: {  	v41 =	vor.u32 s29, v3;
	_ =	sdelay $0x3  }
0x281: {  	[tilespmem:$0x7E0] =	vst v5  }
0x282: {  	v5 =	vld.idx.msk [tilespmem:v41+s13+$0x0], $0xffff;
	_ =	sdelay $0x1  }
0x283: {  	s30 =	spop (v2sf)  }
0x284: {  	s10 =	sand.u32 $0xFFFFF80, s30;
	p1 =	slt.s32 s30, $0xF4200  }
0x285: {  	s5 =	sand.u32 $0x7F, s5;
	s10 =	simm.s32 @!p1 $0x0  }
0x286: {  	s31 =	simm.s32 $0x10A00;
	s10 =	sadd.s32 s1, s10;
	[tilespmem:$0x7F0] =	vst v5;
	v5 =	vor.u32 s5, v0  }
0x287: {  	[tilespmem:s31], [sflag:$0x8] =	stream.strided.gather [hbm4b:s10+s14], $0x2000, s15, s14, $0x38;
	[tilespmem:$0x12A00] =	vst v63  }
0x288: {  	_ =	swait.ge [sflag:s16], $0x2000  }
0x289: {  	s10 =	simm.s32 $0x2A00;
	[sflag:s16] =	ssyncset.done $0x0  }
0x28a: {  	s10 =	simm.s32 @!p2 $0xA00;
	[sflag:s16] =	ssyncadd.s32 $0xFFFFE000  }
0x28b: {  	v5 =	vld.idx.msk [tilespmem:v5+s10+$0x0], $0xffff  }
0x28c: {  	v42 =	vor.u32 s5, v1;
	_ =	sdelay $0x1  }
0x28d: {  	p2 =	seq.s32 s4, $0x1F  }
0x28e: {  	(v2sf) =	vpush @!p2 v4, $0x0  }
0x28f: {  	[tilespmem:$0x800] =	vst v5  }
0x290: {  	v5 =	vld.idx.msk [tilespmem:v42+s10+$0x0], $0xffff  }
0x291: {  	v43 =	vor.u32 s5, v2;
	_ =	sdelay $0x3  }
0x292: {  	[tilespmem:$0x810] =	vst v5  }
0x293: {  	v5 =	vld.idx.msk [tilespmem:v43+s10+$0x0], $0xffff  }
0x294: {  	v44 =	vor.u32 s5, v3;
	_ =	sdelay $0x3  }
0x295: {  	[tilespmem:$0x820] =	vst v5  }
0x296: {  	v5 =	vld.idx.msk [tilespmem:v44+s10+$0x0], $0xffff  }
0x297: {  	s5 =	spop @!p2 (v2sf)  }
0x298: {  	p0 =	slt.s32 @!p2 s5, $0xF4200  }
0x299: {  	s5 =	sand.u32 @!p2 $0xFFFFF80, s5;
	p0 =	por !p0, p2  }
0x29a: {  	s15 =	sand.u32 $0x7F, s0;
	s0 =	simm.s32 @!p2 $0x400;
	s5 =	simm.s32 @p0 $0x0  }
0x29b: {  	s14 =	simm.s32 @!p2 $0x2A00;
	s10 =	sadd.s32 @!p2 s1, s5;
	s5 =	simm.s32 @!p2 $0x7A1400;
	[tilespmem:$0x830] =	vst v5  }
0x29c: {  	[tilespmem:s14], [sflag:$0x1] =	stream.strided.gather @!p2 [hbm4b:s10+s0], $0x2000, s5, s0, $0x38;
	[tilespmem:$0x12A00] =	vst v63  }
0x29d: {  	_ =	swait.ge [sflag:s17], $0x2000  }
0x29e: {  	v5 =	vor.u32 s15, v0;
	s16 =	sld [smem:$0x7F9];
	_ =	sdelay $0x2  }
0x29f: {  	s10 =	simm.s32 $0x4A00;
	[sflag:s17] =	ssyncset.done $0x0;
	p0 =	seq.s32 s16, $0x1  }
0x2a0: {  	[sflag:s17] =	ssyncadd.s32 $0xFFFFE000;
	s10 =	simm.s32 @!p0 $0xA00  }
0x2a1: {  	v5 =	vld.idx.msk [tilespmem:v5+s10+$0x0], $0xffff  }
0x2a2: {  	v45 =	vor.u32 s15, v1;
	_ =	sdelay $0x2  }
0x2a3: {  	(v2sf) =	vpush @!p2 v4, $0x1  }
0x2a4: {  	[tilespmem:$0x840] =	vst v5  }
0x2a5: {  	v5 =	vld.idx.msk [tilespmem:v45+s10+$0x0], $0xffff  }
0x2a6: {  	v46 =	vor.u32 s15, v2;
	_ =	sdelay $0x3  }
0x2a7: {  	[tilespmem:$0x850] =	vst v5  }
0x2a8: {  	v5 =	vld.idx.msk [tilespmem:v46+s10+$0x0], $0xffff  }
0x2a9: {  	v47 =	vor.u32 s15, v3;
	_ =	sdelay $0x3  }
0x2aa: {  	[tilespmem:$0x860] =	vst v5  }
0x2ab: {  	v5 =	vld.idx.msk [tilespmem:v47+s10+$0x0], $0xffff  }
0x2ac: {  	s10 =	spop @!p2 (v2sf)  }
0x2ad: {  	p0 =	slt.s32 @!p2 s10, $0xF4200  }
0x2ae: {  	s10 =	sand.u32 @!p2 $0xFFFFF80, s10;
	p0 =	por !p0, p2  }
0x2af: {  	s10 =	simm.s32 @p0 $0x0  }
0x2b0: {  	s11 =	simm.s32 @!p2 $0x4A00;
	s10 =	sadd.s32 @!p2 s1, s10;
	[tilespmem:$0x870] =	vst v5  }
0x2b1: {  	[tilespmem:s11], [sflag:$0x2] =	stream.strided.gather @!p2 [hbm4b:s10+s0], $0x2000, s5, s0, $0x38;
	[tilespmem:$0x12A00] =	vst v63  }
0x2b2: {  	s2 =	sand.u32 $0x7F, s2;
	_ =	swait.ge [sflag:s18], $0x2000  }
0x2b3: {  	v5 =	vor.u32 s2, v0;
	s24 =	sld [smem:$0x7FA];
	_ =	sdelay $0x2  }
0x2b4: {  	s10 =	simm.s32 $0x6A00;
	[sflag:s18] =	ssyncset.done $0x0;
	p0 =	seq.s32 s24, $0x1  }
0x2b5: {  	[sflag:s18] =	ssyncadd.s32 $0xFFFFE000;
	s10 =	simm.s32 @!p0 $0xA00  }
0x2b6: {  	v5 =	vld.idx.msk [tilespmem:v5+s10+$0x0], $0xffff  }
0x2b7: {  	v48 =	vor.u32 s2, v1;
	_ =	sdelay $0x2  }
0x2b8: {  	(v2sf) =	vpush @!p2 v4, $0x2  }
0x2b9: {  	[tilespmem:$0x880] =	vst v5  }
0x2ba: {  	v5 =	vld.idx.msk [tilespmem:v48+s10+$0x0], $0xffff  }
0x2bb: {  	v49 =	vor.u32 s2, v2;
	_ =	sdelay $0x3  }
0x2bc: {  	[tilespmem:$0x890] =	vst v5  }
0x2bd: {  	v5 =	vld.idx.msk [tilespmem:v49+s10+$0x0], $0xffff  }
0x2be: {  	v50 =	vor.u32 s2, v3;
	_ =	sdelay $0x3  }
0x2bf: {  	[tilespmem:$0x8A0] =	vst v5  }
0x2c0: {  	v5 =	vld.idx.msk [tilespmem:v50+s10+$0x0], $0xffff  }
0x2c1: {  	s2 =	spop @!p2 (v2sf)  }
0x2c2: {  	p0 =	slt.s32 @!p2 s2, $0xF4200  }
0x2c3: {  	s2 =	sand.u32 @!p2 $0xFFFFF80, s2;
	p0 =	por !p0, p2  }
0x2c4: {  	s6 =	sand.u32 $0x7F, s6;
	s2 =	simm.s32 @p0 $0x0  }
0x2c5: {  	s2 =	sadd.s32 @!p2 s1, s2;
	s10 =	simm.s32 @!p2 $0x6A00;
	[tilespmem:$0x8B0] =	vst v5;
	v5 =	vor.u32 s6, v0  }
0x2c6: {  	[tilespmem:s10], [sflag:$0x3] =	stream.strided.gather @!p2 [hbm4b:s2+s0], $0x2000, s5, s0, $0x38;
	[tilespmem:$0x12A00] =	vst v63  }
0x2c7: {  	_ =	swait.ge [sflag:s19], $0x2000  }
0x2c8: {  	s2 =	simm.s32 $0x8A00;
	[sflag:s19] =	ssyncset.done $0x0  }
0x2c9: {  	s2 =	simm.s32 @!p3 $0xA00;
	[sflag:s19] =	ssyncadd.s32 $0xFFFFE000  }
0x2ca: {  	v5 =	vld.idx.msk [tilespmem:v5+s2+$0x0], $0xffff  }
0x2cb: {  	v51 =	vor.u32 s6, v1;
	_ =	sdelay $0x2  }
0x2cc: {  	(v2sf) =	vpush @!p2 v4, $0x3  }
0x2cd: {  	[tilespmem:$0x8C0] =	vst v5  }
0x2ce: {  	v5 =	vld.idx.msk [tilespmem:v51+s2+$0x0], $0xffff  }
0x2cf: {  	v52 =	vor.u32 s6, v2;
	_ =	sdelay $0x3  }
0x2d0: {  	[tilespmem:$0x8D0] =	vst v5  }
0x2d1: {  	v5 =	vld.idx.msk [tilespmem:v52+s2+$0x0], $0xffff  }
0x2d2: {  	v53 =	vor.u32 s6, v3;
	_ =	sdelay $0x3  }
0x2d3: {  	[tilespmem:$0x8E0] =	vst v5  }
0x2d4: {  	v5 =	vld.idx.msk [tilespmem:v53+s2+$0x0], $0xffff  }
0x2d5: {  	s2 =	spop @!p2 (v2sf)  }
0x2d6: {  	p0 =	slt.s32 @!p2 s2, $0xF4200  }
0x2d7: {  	s2 =	sand.u32 @!p2 $0xFFFFF80, s2;
	p0 =	por !p0, p2  }
0x2d8: {  	s25 =	sand.u32 $0x7F, s8;
	s2 =	simm.s32 @p0 $0x0  }
0x2d9: {  	s8 =	simm.s32 @!p2 $0x8A00;
	s2 =	sadd.s32 @!p2 s1, s2;
	[tilespmem:$0x8F0] =	vst v5;
	v5 =	vor.u32 s25, v0  }
0x2da: {  	[tilespmem:s8], [sflag:$0x4] =	stream.strided.gather @!p2 [hbm4b:s2+s0], $0x2000, s5, s0, $0x38;
	[tilespmem:$0x12A00] =	vst v63  }
0x2db: {  	_ =	swait.ge [sflag:s20], $0x2000  }
0x2dc: {  	s2 =	simm.s32 $0xAA00;
	[sflag:s20] =	ssyncset.done $0x0  }
0x2dd: {  	s2 =	simm.s32 @!p4 $0xA00;
	[sflag:s20] =	ssyncadd.s32 $0xFFFFE000  }
0x2de: {  	v5 =	vld.idx.msk [tilespmem:v5+s2+$0x0], $0xffff  }
0x2df: {  	v54 =	vor.u32 s25, v1;
	_ =	sdelay $0x2  }
0x2e0: {  	(v2sf) =	vpush @!p2 v4, $0x4  }
0x2e1: {  	[tilespmem:$0x900] =	vst v5  }
0x2e2: {  	v5 =	vld.idx.msk [tilespmem:v54+s2+$0x0], $0xffff  }
0x2e3: {  	v55 =	vor.u32 s25, v2;
	_ =	sdelay $0x3  }
0x2e4: {  	[tilespmem:$0x910] =	vst v5  }
0x2e5: {  	v5 =	vld.idx.msk [tilespmem:v55+s2+$0x0], $0xffff  }
0x2e6: {  	v56 =	vor.u32 s25, v3;
	_ =	sdelay $0x3  }
0x2e7: {  	[tilespmem:$0x920] =	vst v5  }
0x2e8: {  	v5 =	vld.idx.msk [tilespmem:v56+s2+$0x0], $0xffff  }
0x2e9: {  	s2 =	spop @!p2 (v2sf)  }
0x2ea: {  	p0 =	slt.s32 @!p2 s2, $0xF4200  }
0x2eb: {  	s2 =	sand.u32 @!p2 $0xFFFFF80, s2;
	p0 =	por !p0, p2  }
0x2ec: {  	s26 =	sand.u32 $0x7F, s9;
	s2 =	simm.s32 @p0 $0x0  }
0x2ed: {  	s8 =	simm.s32 @!p2 $0xAA00;
	s2 =	sadd.s32 @!p2 s1, s2;
	[tilespmem:$0x930] =	vst v5;
	v5 =	vor.u32 s26, v0  }
0x2ee: {  	[tilespmem:s8], [sflag:$0x5] =	stream.strided.gather @!p2 [hbm4b:s2+s0], $0x2000, s5, s0, $0x38;
	[tilespmem:$0x12A00] =	vst v63  }
0x2ef: {  	_ =	swait.ge [sflag:s21], $0x2000  }
0x2f0: {  	s2 =	simm.s32 $0xCA00;
	[sflag:s21] =	ssyncset.done $0x0  }
0x2f1: {  	s2 =	simm.s32 @!p5 $0xA00;
	[sflag:s21] =	ssyncadd.s32 $0xFFFFE000  }
0x2f2: {  	v5 =	vld.idx.msk [tilespmem:v5+s2+$0x0], $0xffff  }
0x2f3: {  	v57 =	vor.u32 s26, v1;
	_ =	sdelay $0x2  }
0x2f4: {  	(v2sf) =	vpush @!p2 v4, $0x5  }
0x2f5: {  	[tilespmem:$0x940] =	vst v5  }
0x2f6: {  	v5 =	vld.idx.msk [tilespmem:v57+s2+$0x0], $0xffff  }
0x2f7: {  	v58 =	vor.u32 s26, v2;
	_ =	sdelay $0x3  }
0x2f8: {  	[tilespmem:$0x950] =	vst v5  }
0x2f9: {  	v5 =	vld.idx.msk [tilespmem:v58+s2+$0x0], $0xffff  }
0x2fa: {  	v59 =	vor.u32 s26, v3;
	_ =	sdelay $0x3  }
0x2fb: {  	[tilespmem:$0x960] =	vst v5  }
0x2fc: {  	v5 =	vld.idx.msk [tilespmem:v59+s2+$0x0], $0xffff  }
0x2fd: {  	s2 =	spop @!p2 (v2sf)  }
0x2fe: {  	p0 =	slt.s32 @!p2 s2, $0xF4200  }
0x2ff: {  	s2 =	sand.u32 @!p2 $0xFFFFF80, s2;
	p0 =	por !p0, p2  }
0x300: {  	s28 =	sand.u32 $0x7F, s12;
	s2 =	simm.s32 @p0 $0x0  }
0x301: {  	s8 =	simm.s32 @!p2 $0xCA00;
	s2 =	sadd.s32 @!p2 s1, s2;
	[tilespmem:$0x970] =	vst v5;
	v5 =	vor.u32 s28, v0  }
0x302: {  	[tilespmem:s8], [sflag:$0x6] =	stream.strided.gather @!p2 [hbm4b:s2+s0], $0x2000, s5, s0, $0x38;
	[tilespmem:$0x12A00] =	vst v63  }
0x303: {  	_ =	swait.ge [sflag:s22], $0x2000  }
0x304: {  	s2 =	simm.s32 $0xEA00;
	[sflag:s22] =	ssyncset.done $0x0  }
0x305: {  	s2 =	simm.s32 @!p6 $0xA00;
	[sflag:s22] =	ssyncadd.s32 $0xFFFFE000  }
0x306: {  	v5 =	vld.idx.msk [tilespmem:v5+s2+$0x0], $0xffff  }
0x307: {  	v60 =	vor.u32 s28, v1;
	_ =	sdelay $0x2  }
0x308: {  	(v2sf) =	vpush @!p2 v4, $0x6  }
0x309: {  	[tilespmem:$0x980] =	vst v5  }
0x30a: {  	v5 =	vld.idx.msk [tilespmem:v60+s2+$0x0], $0xffff  }
0x30b: {  	v61 =	vor.u32 s28, v2;
	_ =	sdelay $0x3  }
0x30c: {  	[tilespmem:$0x990] =	vst v5  }
0x30d: {  	v5 =	vld.idx.msk [tilespmem:v61+s2+$0x0], $0xffff  }
0x30e: {  	v62 =	vor.u32 s28, v3;
	_ =	sdelay $0x3  }
0x30f: {  	[tilespmem:$0x9A0] =	vst v5  }
0x310: {  	v5 =	vld.idx.msk [tilespmem:v62+s2+$0x0], $0xffff  }
0x311: {  	s2 =	spop @!p2 (v2sf)  }
0x312: {  	p0 =	slt.s32 @!p2 s2, $0xF4200  }
0x313: {  	s2 =	sand.u32 @!p2 $0xFFFFF80, s2;
	p0 =	por !p0, p2  }
0x314: {  	s29 =	sand.u32 $0x7F, s30;
	s2 =	simm.s32 @p0 $0x0  }
0x315: {  	s8 =	simm.s32 @!p2 $0xEA00;
	s2 =	sadd.s32 @!p2 s1, s2;
	[tilespmem:$0x9B0] =	vst v5;
	v5 =	vor.u32 s29, v0  }
0x316: {  	[tilespmem:s8], [sflag:$0x7] =	stream.strided.gather @!p2 [hbm4b:s2+s0], $0x2000, s5, s0, $0x38;
	[tilespmem:$0x12A00] =	vst v63  }
0x317: {  	_ =	swait.ge [sflag:s23], $0x2000  }
0x318: {  	s2 =	simm.s32 $0x10A00;
	[sflag:s23] =	ssyncset.done $0x0  }
0x319: {  	s2 =	simm.s32 @!p1 $0xA00;
	[sflag:s23] =	ssyncadd.s32 $0xFFFFE000  }
0x31a: {  	v5 =	vld.idx.msk [tilespmem:v5+s2+$0x0], $0xffff  }
0x31b: {  	v63 =	vor.u32 s29, v1;
	_ =	sdelay $0x2  }
0x31c: {  	(v2sf) =	vpush @!p2 v4, $0x7  }
0x31d: {  	[tilespmem:$0x9C0] =	vst v5  }
0x31e: {  	v4 =	vld.idx.msk [tilespmem:v63+s2+$0x0], $0xffff  }
0x31f: {  	v5 =	vor.u32 s29, v2;
	_ =	sdelay $0x3  }
0x320: {  	[tilespmem:$0x9D0] =	vst v4  }
0x321: {  	v4 =	vld.idx.msk [tilespmem:v5+s2+$0x0], $0xffff  }
0x322: {  	v5 =	vor.u32 s29, v3;
	_ =	sdelay $0x3  }
0x323: {  	[tilespmem:$0x9E0] =	vst v4  }
0x324: {  	v4 =	vld.idx.msk [tilespmem:v5+s2+$0x0], $0xffff  }
0x325: {  	s2 =	spop @!p2 (v2sf)  }
0x326: {  	p0 =	slt.s32 @!p2 s2, $0xF4200  }
0x327: {  	s2 =	sand.u32 @!p2 $0xFFFFF80, s2;
	p0 =	por !p0, p2  }
.Ltmp5:
0x328: {  	s2 =	simm.s32 @p0 $0x0;
	(pc) =	sbr.rel .LBB2_4-.Ltmp5, $4  }
0x329: {  	s6 =	simm.s32 @!p2 $0x10A00;
	s2 =	sadd.s32 @!p2 s1, s2;
	[tilespmem:$0x9F0] =	vst v4  }
0x32a: {  	[tilespmem:s6], [sflag:$0x8] =	stream.strided.gather @!p2 [hbm4b:s2+s0], $0x2000, s5, s0, $0x38;
	[tilespmem:$0x12A00] =	vst v63  }
0x32b: {  	s30 =	simm.s32 $0x0;
	s31 =	simm.s32 $0x600  }
0x32c: {  	[hbm4b:s7+s30] =	stream.linear.scatter [tilespmem:s31], [sflag:$0xA], $0x400, $0x38;
	[tilespmem:$0x12A00] =	vst v63  }
.LBB2_6:
0x32d: {  	_ =	sfence.sel $0x180000  }
0x32e: {  	[bflag:$0x0] =	sbarrier.arrive $0xFFFF  }
0x32f: {  	_ =	strace $0x90000047  }
0x330: {  	s0 =	stileid.u32;
	[bflag:$0x2] =	sbarrier.arrive $0xFFFF  }
0x331: {  	p0 =	sne.s32 s0, $0x0;
	s0 =	rddreg [dreg:$0x4]  }
0x332: {  	s0 =	sadd.s32 @!p0 $0x100000, s0  }
0x333: {  	[sflag:s0] =	ssyncadd.tile.s32 @!p0 $0x1;
	_ =	shalt  }
.Lfunc_end2:
_tile_overlayer_lowered:
.L_overlay_start_2:
0x334: {  	(tag) =	ssettag $0x2  }
0x335: {  	s0 =	rddreg [dreg:$0x0];
	s2 =	stileid.u32  }
0x336: {  	s1 =	rddreg [dreg:$0x1];
	p0 =	sne.s32 s2, $0x0  }
0x337: {  	s3 =	rddreg [dreg:$0x2];
	[bflag:$0x3] =	sbarrier.arrive $0xFFFF;
	s2 =	simm.s32 @!p0 $0x1C0B  }
0x338: {  	[timem:s3], [sflag:s2] =	dma.local @!p0 [hbm:s0], s1  }
0x339: {  	s0 =	simm.s32 @!p0 $0xB  }
0x33a: {  	_ =	swait.ge @!p0 [sflag:s0], s1  }
0x33b: {  	s1 =	ssub.s32 @!p0 $0x0, s1;
	[sflag:s0] =	ssyncset.done @!p0 $0x0  }
0x33c: {  	[sflag:s0] =	ssyncadd.s32 @!p0 s1  }
0x33d: {  	[bflag:$0x3] =	sbarrier.arrive $0xFFFF  }
0x33e: {  	_ =	shalt  }

</sc_bundles>
